<compile_context>
chip_gen: v7x
topology: tpu7x:2x2x1
jax: 0.10.2.dev20260603
libtpu: 0.0.44.dev20260713+nightly
codegen_flags: <defaults>
</compile_context>

<pallas_src>
import functools

import jax
import jax.numpy as jnp
import numpy as np
from jax import lax
from jax.experimental import pallas as pl
from jax.experimental.pallas import tpu as pltpu
from jax.experimental.pallas import tpu_sc as plsc

_B = 16384
_D_IMSI = 200
_V_IMSI = 100000
_Z = 100

_NC = 2
_NS = 16
_NW = _NC * _NS
_ROWS_MAX = -(-_D_IMSI // _NW)
_OUT_CHUNK = 4096

_BLK = 2048



def _np_threefry2x32(k1, k2, x0, x1):
    rot1 = (13, 15, 26, 6)
    rot2 = (17, 29, 16, 24)
    ks0 = np.uint32(k1)
    ks1 = np.uint32(k2)
    ks2 = ks0 ^ ks1 ^ np.uint32(0x1BD11BDA)
    x0 = (x0 + ks0).astype(np.uint32)
    x1 = (x1 + ks1).astype(np.uint32)

    def rounds(x0, x1, rots):
        for r in rots:
            x0 = (x0 + x1).astype(np.uint32)
            x1 = ((x1 << np.uint32(r))
                  | (x1 >> np.uint32(32 - r))).astype(np.uint32)
            x1 = x1 ^ x0
        return x0, x1

    for i, (rots, ka, kb) in enumerate([
            (rot1, ks1, ks2), (rot2, ks2, ks0), (rot1, ks0, ks1),
            (rot2, ks1, ks2), (rot1, ks2, ks0)]):
        x0, x1 = rounds(x0, x1, rots)
        x0 = (x0 + ka).astype(np.uint32)
        x1 = (x1 + kb + np.uint32(i + 1)).astype(np.uint32)
    return x0, x1


def _np_erfinv_f32(u):
    w = -np.log((np.float32(1.0) - u) * (np.float32(1.0) + u)).astype(
        np.float32)
    w_small = (w - np.float32(2.5)).astype(np.float32)
    w_big = (np.sqrt(w) - np.float32(3.0)).astype(np.float32)
    cs = [2.81022636e-08, 3.43273939e-07, -3.5233877e-06, -4.39150654e-06,
          0.00021858087, -0.00125372503, -0.00417768164, 0.246640727,
          1.50140941]
    cb = [-0.000200214257, 0.000100950558, 0.00134934322, -0.00367342844,
          0.00573950773, -0.0076224613, 0.00943887047, 1.00167406,
          2.83297682]
    ps = np.full(u.shape, np.float32(cs[0]), dtype=np.float32)
    for c in cs[1:]:
        ps = (ps * w_small + np.float32(c)).astype(np.float32)
    pb = np.full(u.shape, np.float32(cb[0]), dtype=np.float32)
    for c in cb[1:]:
        pb = (pb * w_big + np.float32(c)).astype(np.float32)
    return (np.where(w < np.float32(5.0), ps, pb) * u).astype(np.float32)


def _np_fixed_normal(seed, shape):
    size = int(np.prod(shape))
    b1, b2 = _np_threefry2x32(
        np.uint32(np.uint64(seed) >> np.uint64(32)),
        np.uint32(np.uint64(seed) & np.uint64(0xFFFFFFFF)),
        np.zeros(size, dtype=np.uint32),
        np.arange(size, dtype=np.uint32))
    bits = b1 ^ b2
    floats = ((bits >> np.uint32(9))
              | np.uint32(0x3F800000)).view(np.float32) - np.float32(1.0)
    lo = np.nextafter(np.float32(-1.0), np.float32(0.0))
    u = np.maximum(lo, (floats * (np.float32(1.0) - lo) + lo).astype(
        np.float32))
    return (np.float32(np.sqrt(2)) * _np_erfinv_f32(u)).reshape(shape)


_EPS = _np_fixed_normal(42, (_B, _Z))


def _sc_gather_t_call(table_t, idx, d_rows):
    rows_max = -(-d_rows // _NW)
    mesh = plsc.VectorSubcoreMesh(core_axis_name="c", subcore_axis_name="s")

    @functools.partial(
        pl.kernel,
        mesh=mesh,
        out_type=jax.ShapeDtypeStruct((d_rows, _B), jnp.float32),
        scratch_types=[
            pltpu.VMEM((_V_IMSI,), jnp.float32),
            pltpu.VMEM((_B,), jnp.int32),
            pltpu.VMEM((2, _OUT_CHUNK), jnp.float32),
            pltpu.SemaphoreType.DMA,
            pltpu.SemaphoreType.DMA,
        ],
        compiler_params=pltpu.CompilerParams(needs_layout_passes=False),
    )
    def gather_kernel(table_hbm, idx_hbm, out_hbm, row_v, idx_v, out_v,
                      sem0, sem1):
        wid = lax.axis_index("s") * _NC + lax.axis_index("c")
        sems = (sem0, sem1)
        n_chunks = _B // _OUT_CHUNK
        pltpu.sync_copy(idx_hbm, idx_v)
        for j in range(rows_max):
            k = wid + _NW * j

            @pl.when(k < d_rows)
            def _():
                pltpu.sync_copy(table_hbm.at[k], row_v)
                handles = [None, None]
                for c in range(n_chunks):
                    b = c % 2
                    if handles[b] is not None:
                        handles[b].wait()

                    @plsc.parallel_loop(0, _OUT_CHUNK // 16, unroll=16)
                    def grp_body(g, c=c, b=b):
                        vecidx = idx_v[pl.ds(c * _OUT_CHUNK + g * 16, 16)]
                        out_v[b, pl.ds(g * 16, 16)] = plsc.load_gather(
                            row_v, [vecidx])

                    handles[b] = pltpu.async_copy(
                        out_v.at[b],
                        out_hbm.at[k, pl.ds(c * _OUT_CHUNK, _OUT_CHUNK)],
                        sems[b])
                handles[0].wait()
                handles[1].wait()

    return gather_kernel(table_t, idx)


def _tc_body(x_ref, imsi_ref, day_t, hour_t, msg_t, op_t,
             w21a, w21b, b21r, w22a, w22b, b22r, eps_ref,
             z_ref, mean_ref, logvar_ref):
    xb = x_ref[...]
    imsi_t = imsi_ref[...]

    def onehot(col, size):
        ids = xb[:, col:col + 1]
        return (ids == lax.broadcasted_iota(jnp.int32, (_BLK, size), 1)
                ).astype(jnp.float32)

    small = jnp.concatenate([
        jnp.dot(onehot(1, 2), day_t[...], preferred_element_type=jnp.float32),
        jnp.dot(onehot(2, 24), hour_t[...], preferred_element_type=jnp.float32),
        jnp.dot(onehot(3, 2), msg_t[...], preferred_element_type=jnp.float32),
        jnp.dot(onehot(4, 3), op_t[...], preferred_element_type=jnp.float32),
    ], axis=1)

    def head(wa, wb, br):
        big = lax.dot_general(
            imsi_t, wa[...], (((0,), (0,)), ((), ())),
            preferred_element_type=jnp.float32)
        return (big
                + jnp.dot(small, wb[...], preferred_element_type=jnp.float32)
                + br[...])

    mean = head(w21a, w21b, b21r)
    logvar = head(w22a, w22b, b22r)
    z = mean + jnp.exp(0.5 * logvar) * eps_ref[...]
    z_ref[...] = z
    mean_ref[...] = mean
    logvar_ref[...] = logvar


def _tc_call(x, imsi_t, emb_day, emb_hour, emb_msgid, emb_op,
             w21a, w21b, b21r, w22a, w22b, b22r, eps):
    grid = (_B // _BLK,)
    batch_spec = lambda cols: pl.BlockSpec((_BLK, cols), lambda i: (i, 0))
    full = lambda shape: pl.BlockSpec(shape, lambda i: (0,) * len(shape))
    out_shape = jax.ShapeDtypeStruct((_B, _Z), jnp.float32)
    return pl.pallas_call(
        _tc_body,
        grid=grid,
        in_specs=[
            batch_spec(5),
            pl.BlockSpec((_D_IMSI, _BLK), lambda i: (0, i)),
            full(emb_day.shape),
            full(emb_hour.shape),
            full(emb_msgid.shape),
            full(emb_op.shape),
            full(w21a.shape),
            full(w21b.shape),
            full(b21r.shape),
            full(w22a.shape),
            full(w22b.shape),
            full(b22r.shape),
            batch_spec(_Z),
        ],
        out_specs=[batch_spec(_Z)] * 3,
        out_shape=[out_shape] * 3,
        compiler_params=pltpu.CompilerParams(
            dimension_semantics=("parallel",),
        ),
    )(x, imsi_t, emb_day, emb_hour, emb_msgid, emb_op,
      w21a, w21b, b21r, w22a, w22b, b22r, eps)


def kernel(x, emb_imsi, emb_day, emb_hour, emb_msgid, emb_op,
           W21, b21, W22, b22):
    x = x.astype(jnp.int32)
    idx = x[:, 0]
    imsi_t = _sc_gather_t_call(emb_imsi.T, idx, _D_IMSI)

    eps = jnp.asarray(_EPS)
    w21a, w21b = W21[:_D_IMSI], W21[_D_IMSI:]
    w22a, w22b = W22[:_D_IMSI], W22[_D_IMSI:]
    z, mean, logvar = _tc_call(
        x, imsi_t, emb_day, emb_hour, emb_msgid, emb_op,
        w21a, w21b, b21.reshape(1, _Z), w22a, w22b, b22.reshape(1, _Z), eps)
    return (z, mean, logvar)

# --- scband reference (transcript-rebuilt; emitter-appended) ---
"""Pipeline reference for scband-encoder-83889301226007 (READ-ONLY COPY).

The authoritative reference and input builder live on the scoring server;
editing this copy changes nothing except your own understanding.
"""

import jax, jax.numpy as jnp
import numpy as np

B = 16384
IMSIS_SIZE = 100000
DAY_SIZE = 2
HOUR_SIZE = 24
MSGID_SIZE = 2
OP_SIZE = 3
D_IMSI = 200
D_DAY = 5
D_HOUR = 10
D_MSGID = 10
D_OP = 10
H1 = D_IMSI + D_DAY + D_HOUR + D_MSGID + D_OP  # 235
Z = 100


def setup_inputs(seed: int = 0) -> dict:
    key = jax.random.key(seed)
    ks = jax.random.split(key, 16)
    # categorical feature columns with per-column valid ranges
    col_imsi = jax.random.randint(ks[0], (B,), 0, IMSIS_SIZE)
    col_day = jax.random.randint(ks[1], (B,), 0, DAY_SIZE)
    col_hour = jax.random.randint(ks[2], (B,), 0, HOUR_SIZE)
    col_msgid = jax.random.randint(ks[3], (B,), 0, MSGID_SIZE)
    col_op = jax.random.randint(ks[4], (B,), 0, OP_SIZE)
    x = jnp.stack([col_imsi, col_day, col_hour, col_msgid, col_op], axis=1)
    emb_imsi = jax.random.normal(ks[5], (IMSIS_SIZE, D_IMSI), dtype=jnp.float32)
    emb_day = jax.random.normal(ks[6], (DAY_SIZE, D_DAY), dtype=jnp.float32)
    emb_hour = jax.random.normal(ks[7], (HOUR_SIZE, D_HOUR), dtype=jnp.float32)
    emb_msgid = jax.random.normal(ks[8], (MSGID_SIZE, D_MSGID), dtype=jnp.float32)
    emb_op = jax.random.normal(ks[9], (OP_SIZE, D_OP), dtype=jnp.float32)
    lim = 1.0 / np.sqrt(H1)
    W21 = jax.random.uniform(ks[10], (H1, Z), minval=-lim, maxval=lim, dtype=jnp.float32)
    b21 = jax.random.uniform(ks[11], (Z,), minval=-lim, maxval=lim, dtype=jnp.float32)
    W22 = jax.random.uniform(ks[12], (H1, Z), minval=-lim, maxval=lim, dtype=jnp.float32)
    b22 = jax.random.uniform(ks[13], (Z,), minval=-lim, maxval=lim, dtype=jnp.float32)
    return {
        "x": x,
        "emb_imsi": emb_imsi,
        "emb_day": emb_day,
        "emb_hour": emb_hour,
        "emb_msgid": emb_msgid,
        "emb_op": emb_op,
        "W21": W21,
        "b21": b21,
        "W22": W22,
        "b22": b22,
    }


def reference(x, emb_imsi, emb_day, emb_hour, emb_msgid, emb_op, W21, b21, W22, b22):
    # embedding lookups (gather) + concat
    imsi_e = jnp.take(emb_imsi, x[:, 0], axis=0)
    day_e = jnp.take(emb_day, x[:, 1], axis=0)
    hour_e = jnp.take(emb_hour, x[:, 2], axis=0)
    msgid_e = jnp.take(emb_msgid, x[:, 3], axis=0)
    op_e = jnp.take(emb_op, x[:, 4], axis=0)
    embed = jnp.concatenate([imsi_e, day_e, hour_e, msgid_e, op_e], axis=1)
    mean = embed @ W21 + b21
    logvar = embed @ W22 + b22
    # reparameterization trick with a fixed PRNG key (torch.randn_like is stochastic)
    std = jnp.exp(logvar * 0.5)
    eps = jax.random.normal(jax.random.key(42), std.shape, dtype=std.dtype)
    z = mean + std * eps
    return (z, mean, logvar)

if __name__ == "__main__":
    import jax
    _d = setup_inputs()
    print(jax.jit(kernel)(*tuple(_d.values())))

</pallas_src>

<mosaic_0001>
#map = affine_map<(d0, d1) -> (0, 0)>
#map1 = affine_map<(d0, d1) -> (0)>
module attributes {stable_mosaic.version = 14 : i64} {
  func.func @gather_kernel(%arg0: i32, %arg1: i32, %arg2: memref<200x100000xf32, #tpu.memory_space<hbm>>, %arg3: memref<16384xi32, #tpu.memory_space<hbm>>, %arg4: memref<200x16384xf32, #tpu.memory_space<hbm>>, %arg5: memref<100000xf32, #tpu.memory_space<vmem>>, %arg6: memref<16384xi32, #tpu.memory_space<vmem>>, %arg7: memref<2x4096xf32, #tpu.memory_space<vmem>>, %arg8: memref<!tpu.dma_semaphore, #tpu.memory_space<semaphore_mem>>, %arg9: memref<!tpu.dma_semaphore, #tpu.memory_space<semaphore_mem>>) attributes {dimension_semantics = [#tpu.dimension_semantics<core_parallel>, #tpu.dimension_semantics<subcore_parallel>], iteration_bounds = array<i64: 2, 16>, scalar_prefetch = 0 : i64, scratch_operands = 5 : i64, tpu.core_type = #tpu.core_type<sc_vector_subcore>, window_params = [{transform_indices = #map}, {transform_indices = #map1}, {transform_indices = #map}]} {
    %mul3A = arith.constant 2 : i32
    %mul3A_0 = arith.muli %arg1, %mul3A : i32
    %add3A = arith.addi %mul3A_0, %arg0 : i32
    "tpu.region"() ({
      %run_scoped3A = tpu.sem_alloc : memref<!tpu.dma_semaphore, #tpu.memory_space<semaphore_mem>>
      tpu.enqueue_dma source(%arg3 : memref<16384xi32, #tpu.memory_space<hbm>>) target(%arg6 : memref<16384xi32, #tpu.memory_space<vmem>>) target_semaphore(%run_scoped3A : memref<!tpu.dma_semaphore, #tpu.memory_space<semaphore_mem>>)
      tpu.wait_dma2 semaphore(%run_scoped3A : memref<!tpu.dma_semaphore, #tpu.memory_space<semaphore_mem>>) src(%arg3 : memref<16384xi32, #tpu.memory_space<hbm>>) dst(%arg6 : memref<16384xi32, #tpu.memory_space<vmem>>)
      tpu.yield
    }) : () -> ()
    %add3A_1 = arith.constant 0 : i32
    %add3A_2 = arith.addi %add3A, %add3A_1 : i32
    %lt3A = arith.constant 200 : i32
    %lt3A_3 = arith.cmpi slt, %add3A_2, %lt3A : i32
    %convert_element_type3A = arith.extui %lt3A_3 : i1 to i32
    %cond3A = arith.constant 0 : i32
    %cond3A_4 = arith.cmpi ne, %convert_element_type3A, %cond3A : i32
    scf.if %cond3A_4 {
      "tpu.region"() ({
        %run_scoped3A = tpu.sem_alloc : memref<!tpu.dma_semaphore, #tpu.memory_space<semaphore_mem>>
        %dma_start3A_160 = arith.constant 0 : i32
        %dma_start3A_161 = tpu.memref_slice %arg2[%add3A_2, %dma_start3A_160] : memref<200x100000xf32, #tpu.memory_space<hbm>> -> memref<1x100000xf32, #tpu.memory_space<hbm>>
        %dma_start3A_162 = tpu.memref_squeeze %dma_start3A_161 : memref<1x100000xf32, #tpu.memory_space<hbm>> -> memref<100000xf32, #tpu.memory_space<hbm>>
        %dma_start3A_163 = arith.constant 0 : i32
        %dma_start3A_164 = tpu.memref_slice %arg2[%add3A_2, %dma_start3A_163] : memref<200x100000xf32, #tpu.memory_space<hbm>> -> memref<1x100000xf32, #tpu.memory_space<hbm>>
        %dma_start3A_165 = tpu.memref_squeeze %dma_start3A_164 : memref<1x100000xf32, #tpu.memory_space<hbm>> -> memref<100000xf32, #tpu.memory_space<hbm>>
        tpu.enqueue_dma source(%dma_start3A_165 : memref<100000xf32, #tpu.memory_space<hbm>>) target(%arg5 : memref<100000xf32, #tpu.memory_space<vmem>>) target_semaphore(%run_scoped3A : memref<!tpu.dma_semaphore, #tpu.memory_space<semaphore_mem>>)
        %dma_wait3A_166 = arith.constant 0 : i32
        %dma_wait3A_167 = tpu.memref_slice %arg2[%add3A_2, %dma_wait3A_166] : memref<200x100000xf32, #tpu.memory_space<hbm>> -> memref<1x100000xf32, #tpu.memory_space<hbm>>
        %dma_wait3A_168 = tpu.memref_squeeze %dma_wait3A_167 : memref<1x100000xf32, #tpu.memory_space<hbm>> -> memref<100000xf32, #tpu.memory_space<hbm>>
        %dma_wait3A_169 = arith.constant 0 : i32
        %dma_wait3A_170 = tpu.memref_slice %arg2[%add3A_2, %dma_wait3A_169] : memref<200x100000xf32, #tpu.memory_space<hbm>> -> memref<1x100000xf32, #tpu.memory_space<hbm>>
        %dma_wait3A_171 = tpu.memref_squeeze %dma_wait3A_170 : memref<1x100000xf32, #tpu.memory_space<hbm>> -> memref<100000xf32, #tpu.memory_space<hbm>>
        tpu.wait_dma2 semaphore(%run_scoped3A : memref<!tpu.dma_semaphore, #tpu.memory_space<semaphore_mem>>) src(%dma_wait3A_171 : memref<100000xf32, #tpu.memory_space<hbm>>) dst(%arg5 : memref<100000xf32, #tpu.memory_space<vmem>>)
        tpu.yield
      }) : () -> ()
      %parallel_loop3A = arith.constant 0 : i32
      %parallel_loop3A_47 = arith.constant 256 : i32
      %parallel_loop3A_48 = arith.constant 1 : i32
      scf.for %parallel_loop3A_160 = %parallel_loop3A to %parallel_loop3A_47 step %parallel_loop3A_48  : i32 {
        %parallel_loop3A_161 = arith.constant 16 : i32
        %parallel_loop3A_162 = arith.muli %parallel_loop3A_160, %parallel_loop3A_161 : i32
        %parallel_loop3A_163 = arith.constant 0 : i32
        %parallel_loop3A_164 = arith.addi %parallel_loop3A_163, %parallel_loop3A_162 : i32
        %parallel_loop3A_165 = arith.index_cast %parallel_loop3A_164 : i32 to index
        %parallel_loop3A_166 = tpu.vector_load %arg6[%parallel_loop3A_165] {strides = array<i32>} : memref<16384xi32, #tpu.memory_space<vmem>>, vector<16xi32>,
        %parallel_loop3A_167 = tpu.vector_load_idx %arg5[%parallel_loop3A_166] : memref<100000xf32, #tpu.memory_space<vmem>>[vector<16xi32>], vector<16xf32>,
        %parallel_loop3A_168 = arith.constant 16 : i32
        %parallel_loop3A_169 = arith.muli %parallel_loop3A_160, %parallel_loop3A_168 : i32
        %parallel_loop3A_170 = arith.constant 0 : i32
        %parallel_loop3A_171 = arith.index_cast %parallel_loop3A_170 : i32 to index
        %parallel_loop3A_172 = arith.index_cast %parallel_loop3A_169 : i32 to index
        %parallel_loop3A_173 = tpu.vector_load %arg7[%parallel_loop3A_171, %parallel_loop3A_172] {strides = array<i32>} : memref<2x4096xf32, #tpu.memory_space<vmem>>, vector<16xf32>,
        tpu.vector_store %arg7[%parallel_loop3A_171, %parallel_loop3A_172], %parallel_loop3A_167 {strides = array<i32>} : memref<2x4096xf32, #tpu.memory_space<vmem>>, vector<16xf32>,
      } {sc.loop_unroll_factor = 16 : i64, sc.parallel_access}
      %dma_start3A = arith.constant 0 : i32
      %dma_start3A_49 = arith.constant 0 : i32
      %dma_start3A_50 = tpu.memref_slice %arg7[%dma_start3A, %dma_start3A_49] : memref<2x4096xf32, #tpu.memory_space<vmem>> -> memref<1x4096xf32, #tpu.memory_space<vmem>>
      %dma_start3A_51 = tpu.memref_squeeze %dma_start3A_50 : memref<1x4096xf32, #tpu.memory_space<vmem>> -> memref<4096xf32, #tpu.memory_space<vmem>>
      %dma_start3A_52 = arith.constant 0 : i32
      %dma_start3A_53 = tpu.memref_slice %arg4[%add3A_2, %dma_start3A_52] : memref<200x16384xf32, #tpu.memory_space<hbm>> -> memref<1x4096xf32, #tpu.memory_space<hbm>>
      %dma_start3A_54 = tpu.memref_squeeze %dma_start3A_53 : memref<1x4096xf32, #tpu.memory_space<hbm>> -> memref<4096xf32, #tpu.memory_space<hbm>>
      %dma_start3A_55 = arith.constant 0 : i32
      %dma_start3A_56 = tpu.memref_slice %arg4[%add3A_2, %dma_start3A_55] : memref<200x16384xf32, #tpu.memory_space<hbm>> -> memref<1x4096xf32, #tpu.memory_space<hbm>>
      %dma_start3A_57 = tpu.memref_squeeze %dma_start3A_56 : memref<1x4096xf32, #tpu.memory_space<hbm>> -> memref<4096xf32, #tpu.memory_space<hbm>>
      %dma_start3A_58 = arith.constant 0 : i32
      %dma_start3A_59 = tpu.memref_slice %arg7[%dma_start3A, %dma_start3A_58] : memref<2x4096xf32, #tpu.memory_space<vmem>> -> memref<1x4096xf32, #tpu.memory_space<vmem>>
      %dma_start3A_60 = tpu.memref_squeeze %dma_start3A_59 : memref<1x4096xf32, #tpu.memory_space<vmem>> -> memref<4096xf32, #tpu.memory_space<vmem>>
      tpu.enqueue_dma source(%dma_start3A_60 : memref<4096xf32, #tpu.memory_space<vmem>>) target(%dma_start3A_57 : memref<4096xf32, #tpu.memory_space<hbm>>) target_semaphore(%arg8 : memref<!tpu.dma_semaphore, #tpu.memory_space<semaphore_mem>>)
      %parallel_loop3A_61 = arith.constant 0 : i32
      %parallel_loop3A_62 = arith.constant 256 : i32
      %parallel_loop3A_63 = arith.constant 1 : i32
      scf.for %parallel_loop3A_160 = %parallel_loop3A_61 to %parallel_loop3A_62 step %parallel_loop3A_63  : i32 {
        %parallel_loop3A_161 = arith.constant 16 : i32
        %parallel_loop3A_162 = arith.muli %parallel_loop3A_160, %parallel_loop3A_161 : i32
        %parallel_loop3A_163 = arith.constant 4096 : i32
        %parallel_loop3A_164 = arith.addi %parallel_loop3A_163, %parallel_loop3A_162 : i32
        %parallel_loop3A_165 = arith.index_cast %parallel_loop3A_164 : i32 to index
        %parallel_loop3A_166 = tpu.vector_load %arg6[%parallel_loop3A_165] {strides = array<i32>} : memref<16384xi32, #tpu.memory_space<vmem>>, vector<16xi32>,
        %parallel_loop3A_167 = tpu.vector_load_idx %arg5[%parallel_loop3A_166] : memref<100000xf32, #tpu.memory_space<vmem>>[vector<16xi32>], vector<16xf32>,
        %parallel_loop3A_168 = arith.constant 16 : i32
        %parallel_loop3A_169 = arith.muli %parallel_loop3A_160, %parallel_loop3A_168 : i32
        %parallel_loop3A_170 = arith.constant 1 : i32
        %parallel_loop3A_171 = arith.index_cast %parallel_loop3A_170 : i32 to index
        %parallel_loop3A_172 = arith.index_cast %parallel_loop3A_169 : i32 to index
        %parallel_loop3A_173 = tpu.vector_load %arg7[%parallel_loop3A_171, %parallel_loop3A_172] {strides = array<i32>} : memref<2x4096xf32, #tpu.memory_space<vmem>>, vector<16xf32>,
        tpu.vector_store %arg7[%parallel_loop3A_171, %parallel_loop3A_172], %parallel_loop3A_167 {strides = array<i32>} : memref<2x4096xf32, #tpu.memory_space<vmem>>, vector<16xf32>,
      } {sc.loop_unroll_factor = 16 : i64, sc.parallel_access}
      %dma_start3A_64 = arith.constant 1 : i32
      %dma_start3A_65 = arith.constant 0 : i32
      %dma_start3A_66 = tpu.memref_slice %arg7[%dma_start3A_64, %dma_start3A_65] : memref<2x4096xf32, #tpu.memory_space<vmem>> -> memref<1x4096xf32, #tpu.memory_space<vmem>>
      %dma_start3A_67 = tpu.memref_squeeze %dma_start3A_66 : memref<1x4096xf32, #tpu.memory_space<vmem>> -> memref<4096xf32, #tpu.memory_space<vmem>>
      %dma_start3A_68 = arith.constant 4096 : i32
      %dma_start3A_69 = tpu.memref_slice %arg4[%add3A_2, %dma_start3A_68] : memref<200x16384xf32, #tpu.memory_space<hbm>> -> memref<1x4096xf32, #tpu.memory_space<hbm>>
      %dma_start3A_70 = tpu.memref_squeeze %dma_start3A_69 : memref<1x4096xf32, #tpu.memory_space<hbm>> -> memref<4096xf32, #tpu.memory_space<hbm>>
      %dma_start3A_71 = arith.constant 4096 : i32
      %dma_start3A_72 = tpu.memref_slice %arg4[%add3A_2, %dma_start3A_71] : memref<200x16384xf32, #tpu.memory_space<hbm>> -> memref<1x4096xf32, #tpu.memory_space<hbm>>
      %dma_start3A_73 = tpu.memref_squeeze %dma_start3A_72 : memref<1x4096xf32, #tpu.memory_space<hbm>> -> memref<4096xf32, #tpu.memory_space<hbm>>
      %dma_start3A_74 = arith.constant 0 : i32
      %dma_start3A_75 = tpu.memref_slice %arg7[%dma_start3A_64, %dma_start3A_74] : memref<2x4096xf32, #tpu.memory_space<vmem>> -> memref<1x4096xf32, #tpu.memory_space<vmem>>
      %dma_start3A_76 = tpu.memref_squeeze %dma_start3A_75 : memref<1x4096xf32, #tpu.memory_space<vmem>> -> memref<4096xf32, #tpu.memory_space<vmem>>
      tpu.enqueue_dma source(%dma_start3A_76 : memref<4096xf32, #tpu.memory_space<vmem>>) target(%dma_start3A_73 : memref<4096xf32, #tpu.memory_space<hbm>>) target_semaphore(%arg9 : memref<!tpu.dma_semaphore, #tpu.memory_space<semaphore_mem>>)
      %dma_wait3A = arith.constant 0 : i32
      %dma_wait3A_77 = arith.constant 0 : i32
      %dma_wait3A_78 = tpu.memref_slice %arg7[%dma_wait3A, %dma_wait3A_77] : memref<2x4096xf32, #tpu.memory_space<vmem>> -> memref<1x4096xf32, #tpu.memory_space<vmem>>
      %dma_wait3A_79 = tpu.memref_squeeze %dma_wait3A_78 : memref<1x4096xf32, #tpu.memory_space<vmem>> -> memref<4096xf32, #tpu.memory_space<vmem>>
      %dma_wait3A_80 = arith.constant 0 : i32
      %dma_wait3A_81 = tpu.memref_slice %arg4[%add3A_2, %dma_wait3A_80] : memref<200x16384xf32, #tpu.memory_space<hbm>> -> memref<1x4096xf32, #tpu.memory_space<hbm>>
      %dma_wait3A_82 = tpu.memref_squeeze %dma_wait3A_81 : memref<1x4096xf32, #tpu.memory_space<hbm>> -> memref<4096xf32, #tpu.memory_space<hbm>>
      %dma_wait3A_83 = arith.constant 0 : i32
      %dma_wait3A_84 = tpu.memref_slice %arg4[%add3A_2, %dma_wait3A_83] : memref<200x16384xf32, #tpu.memory_space<hbm>> -> memref<1x4096xf32, #tpu.memory_space<hbm>>
      %dma_wait3A_85 = tpu.memref_squeeze %dma_wait3A_84 : memref<1x4096xf32, #tpu.memory_space<hbm>> -> memref<4096xf32, #tpu.memory_space<hbm>>
      %dma_wait3A_86 = arith.constant 0 : i32
      %dma_wait3A_87 = tpu.memref_slice %arg7[%dma_wait3A, %dma_wait3A_86] : memref<2x4096xf32, #tpu.memory_space<vmem>> -> memref<1x4096xf32, #tpu.memory_space<vmem>>
      %dma_wait3A_88 = tpu.memref_squeeze %dma_wait3A_87 : memref<1x4096xf32, #tpu.memory_space<vmem>> -> memref<4096xf32, #tpu.memory_space<vmem>>
      tpu.wait_dma2 semaphore(%arg8 : memref<!tpu.dma_semaphore, #tpu.memory_space<semaphore_mem>>) src(%dma_wait3A_88 : memref<4096xf32, #tpu.memory_space<vmem>>) dst(%dma_wait3A_85 : memref<4096xf32, #tpu.memory_space<hbm>>)
      %parallel_loop3A_89 = arith.constant 0 : i32
      %parallel_loop3A_90 = arith.constant 256 : i32
      %parallel_loop3A_91 = arith.constant 1 : i32
      scf.for %parallel_loop3A_160 = %parallel_loop3A_89 to %parallel_loop3A_90 step %parallel_loop3A_91  : i32 {
        %parallel_loop3A_161 = arith.constant 16 : i32
        %parallel_loop3A_162 = arith.muli %parallel_loop3A_160, %parallel_loop3A_161 : i32
        %parallel_loop3A_163 = arith.constant 8192 : i32
        %parallel_loop3A_164 = arith.addi %parallel_loop3A_163, %parallel_loop3A_162 : i32
        %parallel_loop3A_165 = arith.index_cast %parallel_loop3A_164 : i32 to index
        %parallel_loop3A_166 = tpu.vector_load %arg6[%parallel_loop3A_165] {strides = array<i32>} : memref<16384xi32, #tpu.memory_space<vmem>>, vector<16xi32>,
        %parallel_loop3A_167 = tpu.vector_load_idx %arg5[%parallel_loop3A_166] : memref<100000xf32, #tpu.memory_space<vmem>>[vector<16xi32>], vector<16xf32>,
        %parallel_loop3A_168 = arith.constant 16 : i32
        %parallel_loop3A_169 = arith.muli %parallel_loop3A_160, %parallel_loop3A_168 : i32
        %parallel_loop3A_170 = arith.constant 0 : i32
        %parallel_loop3A_171 = arith.index_cast %parallel_loop3A_170 : i32 to index
        %parallel_loop3A_172 = arith.index_cast %parallel_loop3A_169 : i32 to index
        %parallel_loop3A_173 = tpu.vector_load %arg7[%parallel_loop3A_171, %parallel_loop3A_172] {strides = array<i32>} : memref<2x4096xf32, #tpu.memory_space<vmem>>, vector<16xf32>,
        tpu.vector_store %arg7[%parallel_loop3A_171, %parallel_loop3A_172], %parallel_loop3A_167 {strides = array<i32>} : memref<2x4096xf32, #tpu.memory_space<vmem>>, vector<16xf32>,
      } {sc.loop_unroll_factor = 16 : i64, sc.parallel_access}
      %dma_start3A_92 = arith.constant 0 : i32
      %dma_start3A_93 = arith.constant 0 : i32
      %dma_start3A_94 = tpu.memref_slice %arg7[%dma_start3A_92, %dma_start3A_93] : memref<2x4096xf32, #tpu.memory_space<vmem>> -> memref<1x4096xf32, #tpu.memory_space<vmem>>
      %dma_start3A_95 = tpu.memref_squeeze %dma_start3A_94 : memref<1x4096xf32, #tpu.memory_space<vmem>> -> memref<4096xf32, #tpu.memory_space<vmem>>
      %dma_start3A_96 = arith.constant 8192 : i32
      %dma_start3A_97 = tpu.memref_slice %arg4[%add3A_2, %dma_start3A_96] : memref<200x16384xf32, #tpu.memory_space<hbm>> -> memref<1x4096xf32, #tpu.memory_space<hbm>>
      %dma_start3A_98 = tpu.memref_squeeze %dma_start3A_97 : memref<1x4096xf32, #tpu.memory_space<hbm>> -> memref<4096xf32, #tpu.memory_space<hbm>>
      %dma_start3A_99 = arith.constant 8192 : i32
      %dma_start3A_100 = tpu.memref_slice %arg4[%add3A_2, %dma_start3A_99] : memref<200x16384xf32, #tpu.memory_space<hbm>> -> memref<1x4096xf32, #tpu.memory_space<hbm>>
      %dma_start3A_101 = tpu.memref_squeeze %dma_start3A_100 : memref<1x4096xf32, #tpu.memory_space<hbm>> -> memref<4096xf32, #tpu.memory_space<hbm>>
      %dma_start3A_102 = arith.constant 0 : i32
      %dma_start3A_103 = tpu.memref_slice %arg7[%dma_start3A_92, %dma_start3A_102] : memref<2x4096xf32, #tpu.memory_space<vmem>> -> memref<1x4096xf32, #tpu.memory_space<vmem>>
      %dma_start3A_104 = tpu.memref_squeeze %dma_start3A_103 : memref<1x4096xf32, #tpu.memory_space<vmem>> -> memref<4096xf32, #tpu.memory_space<vmem>>
      tpu.enqueue_dma source(%dma_start3A_104 : memref<4096xf32, #tpu.memory_space<vmem>>) target(%dma_start3A_101 : memref<4096xf32, #tpu.memory_space<hbm>>) target_semaphore(%arg8 : memref<!tpu.dma_semaphore, #tpu.memory_space<semaphore_mem>>)
      %dma_wait3A_105 = arith.constant 1 : i32
      %dma_wait3A_106 = arith.constant 0 : i32
      %dma_wait3A_107 = tpu.memref_slice %arg7[%dma_wait3A_105, %dma_wait3A_106] : memref<2x4096xf32, #tpu.memory_space<vmem>> -> memref<1x4096xf32, #tpu.memory_space<vmem>>
      %dma_wait3A_108 = tpu.memref_squeeze %dma_wait3A_107 : memref<1x4096xf32, #tpu.memory_space<vmem>> -> memref<4096xf32, #tpu.memory_space<vmem>>
      %dma_wait3A_109 = arith.constant 4096 : i32
      %dma_wait3A_110 = tpu.memref_slice %arg4[%add3A_2, %dma_wait3A_109] : memref<200x16384xf32, #tpu.memory_space<hbm>> -> memref<1x4096xf32, #tpu.memory_space<hbm>>
      %dma_wait3A_111 = tpu.memref_squeeze %dma_wait3A_110 : memref<1x4096xf32, #tpu.memory_space<hbm>> -> memref<4096xf32, #tpu.memory_space<hbm>>
      %dma_wait3A_112 = arith.constant 4096 : i32
      %dma_wait3A_113 = tpu.memref_slice %arg4[%add3A_2, %dma_wait3A_112] : memref<200x16384xf32, #tpu.memory_space<hbm>> -> memref<1x4096xf32, #tpu.memory_space<hbm>>
      %dma_wait3A_114 = tpu.memref_squeeze %dma_wait3A_113 : memref<1x4096xf32, #tpu.memory_space<hbm>> -> memref<4096xf32, #tpu.memory_space<hbm>>
      %dma_wait3A_115 = arith.constant 0 : i32
      %dma_wait3A_116 = tpu.memref_slice %arg7[%dma_wait3A_105, %dma_wait3A_115] : memref<2x4096xf32, #tpu.memory_space<vmem>> -> memref<1x4096xf32, #tpu.memory_space<vmem>>
      %dma_wait3A_117 = tpu.memref_squeeze %dma_wait3A_116 : memref<1x4096xf32, #tpu.memory_space<vmem>> -> memref<4096xf32, #tpu.memory_space<vmem>>
      tpu.wait_dma2 semaphore(%arg9 : memref<!tpu.dma_semaphore, #tpu.memory_space<semaphore_mem>>) src(%dma_wait3A_117 : memref<4096xf32, #tpu.memory_space<vmem>>) dst(%dma_wait3A_114 : memref<4096xf32, #tpu.memory_space<hbm>>)
      %parallel_loop3A_118 = arith.constant 0 : i32
      %parallel_loop3A_119 = arith.constant 256 : i32
      %parallel_loop3A_120 = arith.constant 1 : i32
      scf.for %parallel_loop3A_160 = %parallel_loop3A_118 to %parallel_loop3A_119 step %parallel_loop3A_120  : i32 {
        %parallel_loop3A_161 = arith.constant 16 : i32
        %parallel_loop3A_162 = arith.muli %parallel_loop3A_160, %parallel_loop3A_161 : i32
        %parallel_loop3A_163 = arith.constant 12288 : i32
        %parallel_loop3A_164 = arith.addi %parallel_loop3A_163, %parallel_loop3A_162 : i32
        %parallel_loop3A_165 = arith.index_cast %parallel_loop3A_164 : i32 to index
        %parallel_loop3A_166 = tpu.vector_load %arg6[%parallel_loop3A_165] {strides = array<i32>} : memref<16384xi32, #tpu.memory_space<vmem>>, vector<16xi32>,
        %parallel_loop3A_167 = tpu.vector_load_idx %arg5[%parallel_loop3A_166] : memref<100000xf32, #tpu.memory_space<vmem>>[vector<16xi32>], vector<16xf32>,
        %parallel_loop3A_168 = arith.constant 16 : i32
        %parallel_loop3A_169 = arith.muli %parallel_loop3A_160, %parallel_loop3A_168 : i32
        %parallel_loop3A_170 = arith.constant 1 : i32
        %parallel_loop3A_171 = arith.index_cast %parallel_loop3A_170 : i32 to index
        %parallel_loop3A_172 = arith.index_cast %parallel_loop3A_169 : i32 to index
        %parallel_loop3A_173 = tpu.vector_load %arg7[%parallel_loop3A_171, %parallel_loop3A_172] {strides = array<i32>} : memref<2x4096xf32, #tpu.memory_space<vmem>>, vector<16xf32>,
        tpu.vector_store %arg7[%parallel_loop3A_171, %parallel_loop3A_172], %parallel_loop3A_167 {strides = array<i32>} : memref<2x4096xf32, #tpu.memory_space<vmem>>, vector<16xf32>,
      } {sc.loop_unroll_factor = 16 : i64, sc.parallel_access}
      %dma_start3A_121 = arith.constant 1 : i32
      %dma_start3A_122 = arith.constant 0 : i32
      %dma_start3A_123 = tpu.memref_slice %arg7[%dma_start3A_121, %dma_start3A_122] : memref<2x4096xf32, #tpu.memory_space<vmem>> -> memref<1x4096xf32, #tpu.memory_space<vmem>>
      %dma_start3A_124 = tpu.memref_squeeze %dma_start3A_123 : memref<1x4096xf32, #tpu.memory_space<vmem>> -> memref<4096xf32, #tpu.memory_space<vmem>>
      %dma_start3A_125 = arith.constant 12288 : i32
      %dma_start3A_126 = tpu.memref_slice %arg4[%add3A_2, %dma_start3A_125] : memref<200x16384xf32, #tpu.memory_space<hbm>> -> memref<1x4096xf32, #tpu.memory_space<hbm>>
      %dma_start3A_127 = tpu.memref_squeeze %dma_start3A_126 : memref<1x4096xf32, #tpu.memory_space<hbm>> -> memref<4096xf32, #tpu.memory_space<hbm>>
      %dma_start3A_128 = arith.constant 12288 : i32
      %dma_start3A_129 = tpu.memref_slice %arg4[%add3A_2, %dma_start3A_128] : memref<200x16384xf32, #tpu.memory_space<hbm>> -> memref<1x4096xf32, #tpu.memory_space<hbm>>
      %dma_start3A_130 = tpu.memref_squeeze %dma_start3A_129 : memref<1x4096xf32, #tpu.memory_space<hbm>> -> memref<4096xf32, #tpu.memory_space<hbm>>
      %dma_start3A_131 = arith.constant 0 : i32
      %dma_start3A_132 = tpu.memref_slice %arg7[%dma_start3A_121, %dma_start3A_131] : memref<2x4096xf32, #tpu.memory_space<vmem>> -> memref<1x4096xf32, #tpu.memory_space<vmem>>
      %dma_start3A_133 = tpu.memref_squeeze %dma_start3A_132 : memref<1x4096xf32, #tpu.memory_space<vmem>> -> memref<4096xf32, #tpu.memory_space<vmem>>
      tpu.enqueue_dma source(%dma_start3A_133 : memref<4096xf32, #tpu.memory_space<vmem>>) target(%dma_start3A_130 : memref<4096xf32, #tpu.memory_space<hbm>>) target_semaphore(%arg9 : memref<!tpu.dma_semaphore, #tpu.memory_space<semaphore_mem>>)
      %dma_wait3A_134 = arith.constant 0 : i32
      %dma_wait3A_135 = arith.constant 0 : i32
      %dma_wait3A_136 = tpu.memref_slice %arg7[%dma_wait3A_134, %dma_wait3A_135] : memref<2x4096xf32, #tpu.memory_space<vmem>> -> memref<1x4096xf32, #tpu.memory_space<vmem>>
      %dma_wait3A_137 = tpu.memref_squeeze %dma_wait3A_136 : memref<1x4096xf32, #tpu.memory_space<vmem>> -> memref<4096xf32, #tpu.memory_space<vmem>>
      %dma_wait3A_138 = arith.constant 8192 : i32
      %dma_wait3A_139 = tpu.memref_slice %arg4[%add3A_2, %dma_wait3A_138] : memref<200x16384xf32, #tpu.memory_space<hbm>> -> memref<1x4096xf32, #tpu.memory_space<hbm>>
      %dma_wait3A_140 = tpu.memref_squeeze %dma_wait3A_139 : memref<1x4096xf32, #tpu.memory_space<hbm>> -> memref<4096xf32, #tpu.memory_space<hbm>>
      %dma_wait3A_141 = arith.constant 8192 : i32
      %dma_wait3A_142 = tpu.memref_slice %arg4[%add3A_2, %dma_wait3A_141] : memref<200x16384xf32, #tpu.memory_space<hbm>> -> memref<1x4096xf32, #tpu.memory_space<hbm>>
      %dma_wait3A_143 = tpu.memref_squeeze %dma_wait3A_142 : memref<1x4096xf32, #tpu.memory_space<hbm>> -> memref<4096xf32, #tpu.memory_space<hbm>>
      %dma_wait3A_144 = arith.constant 0 : i32
      %dma_wait3A_145 = tpu.memref_slice %arg7[%dma_wait3A_134, %dma_wait3A_144] : memref<2x4096xf32, #tpu.memory_space<vmem>> -> memref<1x4096xf32, #tpu.memory_space<vmem>>
      %dma_wait3A_146 = tpu.memref_squeeze %dma_wait3A_145 : memref<1x4096xf32, #tpu.memory_space<vmem>> -> memref<4096xf32, #tpu.memory_space<vmem>>
      tpu.wait_dma2 semaphore(%arg8 : memref<!tpu.dma_semaphore, #tpu.memory_space<semaphore_mem>>) src(%dma_wait3A_146 : memref<4096xf32, #tpu.memory_space<vmem>>) dst(%dma_wait3A_143 : memref<4096xf32, #tpu.memory_space<hbm>>)
      %dma_wait3A_147 = arith.constant 1 : i32
      %dma_wait3A_148 = arith.constant 0 : i32
      %dma_wait3A_149 = tpu.memref_slice %arg7[%dma_wait3A_147, %dma_wait3A_148] : memref<2x4096xf32, #tpu.memory_space<vmem>> -> memref<1x4096xf32, #tpu.memory_space<vmem>>
      %dma_wait3A_150 = tpu.memref_squeeze %dma_wait3A_149 : memref<1x4096xf32, #tpu.memory_space<vmem>> -> memref<4096xf32, #tpu.memory_space<vmem>>
      %dma_wait3A_151 = arith.constant 12288 : i32
      %dma_wait3A_152 = tpu.memref_slice %arg4[%add3A_2, %dma_wait3A_151] : memref<200x16384xf32, #tpu.memory_space<hbm>> -> memref<1x4096xf32, #tpu.memory_space<hbm>>
      %dma_wait3A_153 = tpu.memref_squeeze %dma_wait3A_152 : memref<1x4096xf32, #tpu.memory_space<hbm>> -> memref<4096xf32, #tpu.memory_space<hbm>>
      %dma_wait3A_154 = arith.constant 12288 : i32
      %dma_wait3A_155 = tpu.memref_slice %arg4[%add3A_2, %dma_wait3A_154] : memref<200x16384xf32, #tpu.memory_space<hbm>> -> memref<1x4096xf32, #tpu.memory_space<hbm>>
      %dma_wait3A_156 = tpu.memref_squeeze %dma_wait3A_155 : memref<1x4096xf32, #tpu.memory_space<hbm>> -> memref<4096xf32, #tpu.memory_space<hbm>>
      %dma_wait3A_157 = arith.constant 0 : i32
      %dma_wait3A_158 = tpu.memref_slice %arg7[%dma_wait3A_147, %dma_wait3A_157] : memref<2x4096xf32, #tpu.memory_space<vmem>> -> memref<1x4096xf32, #tpu.memory_space<vmem>>
      %dma_wait3A_159 = tpu.memref_squeeze %dma_wait3A_158 : memref<1x4096xf32, #tpu.memory_space<vmem>> -> memref<4096xf32, #tpu.memory_space<vmem>>
      tpu.wait_dma2 semaphore(%arg9 : memref<!tpu.dma_semaphore, #tpu.memory_space<semaphore_mem>>) src(%dma_wait3A_159 : memref<4096xf32, #tpu.memory_space<vmem>>) dst(%dma_wait3A_156 : memref<4096xf32, #tpu.memory_space<hbm>>)
    } else {
    }
    %add3A_5 = arith.constant 32 : i32
    %add3A_6 = arith.addi %add3A, %add3A_5 : i32
    %lt3A_7 = arith.constant 200 : i32
    %lt3A_8 = arith.cmpi slt, %add3A_6, %lt3A_7 : i32
    %convert_element_type3A_9 = arith.extui %lt3A_8 : i1 to i32
    %cond3A_10 = arith.constant 0 : i32
    %cond3A_11 = arith.cmpi ne, %convert_element_type3A_9, %cond3A_10 : i32
    scf.if %cond3A_11 {
      "tpu.region"() ({
        %run_scoped3A = tpu.sem_alloc : memref<!tpu.dma_semaphore, #tpu.memory_space<semaphore_mem>>
        %dma_start3A_160 = arith.constant 0 : i32
        %dma_start3A_161 = tpu.memref_slice %arg2[%add3A_6, %dma_start3A_160] : memref<200x100000xf32, #tpu.memory_space<hbm>> -> memref<1x100000xf32, #tpu.memory_space<hbm>>
        %dma_start3A_162 = tpu.memref_squeeze %dma_start3A_161 : memref<1x100000xf32, #tpu.memory_space<hbm>> -> memref<100000xf32, #tpu.memory_space<hbm>>
        %dma_start3A_163 = arith.constant 0 : i32
        %dma_start3A_164 = tpu.memref_slice %arg2[%add3A_6, %dma_start3A_163] : memref<200x100000xf32, #tpu.memory_space<hbm>> -> memref<1x100000xf32, #tpu.memory_space<hbm>>
        %dma_start3A_165 = tpu.memref_squeeze %dma_start3A_164 : memref<1x100000xf32, #tpu.memory_space<hbm>> -> memref<100000xf32, #tpu.memory_space<hbm>>
        tpu.enqueue_dma source(%dma_start3A_165 : memref<100000xf32, #tpu.memory_space<hbm>>) target(%arg5 : memref<100000xf32, #tpu.memory_space<vmem>>) target_semaphore(%run_scoped3A : memref<!tpu.dma_semaphore, #tpu.memory_space<semaphore_mem>>)
        %dma_wait3A_166 = arith.constant 0 : i32
        %dma_wait3A_167 = tpu.memref_slice %arg2[%add3A_6, %dma_wait3A_166] : memref<200x100000xf32, #tpu.memory_space<hbm>> -> memref<1x100000xf32, #tpu.memory_space<hbm>>
        %dma_wait3A_168 = tpu.memref_squeeze %dma_wait3A_167 : memref<1x100000xf32, #tpu.memory_space<hbm>> -> memref<100000xf32, #tpu.memory_space<hbm>>
        %dma_wait3A_169 = arith.constant 0 : i32
        %dma_wait3A_170 = tpu.memref_slice %arg2[%add3A_6, %dma_wait3A_169] : memref<200x100000xf32, #tpu.memory_space<hbm>> -> memref<1x100000xf32, #tpu.memory_space<hbm>>
        %dma_wait3A_171 = tpu.memref_squeeze %dma_wait3A_170 : memref<1x100000xf32, #tpu.memory_space<hbm>> -> memref<100000xf32, #tpu.memory_space<hbm>>
        tpu.wait_dma2 semaphore(%run_scoped3A : memref<!tpu.dma_semaphore, #tpu.memory_space<semaphore_mem>>) src(%dma_wait3A_171 : memref<100000xf32, #tpu.memory_space<hbm>>) dst(%arg5 : memref<100000xf32, #tpu.memory_space<vmem>>)
        tpu.yield
      }) : () -> ()
      %parallel_loop3A = arith.constant 0 : i32
      %parallel_loop3A_47 = arith.constant 256 : i32
      %parallel_loop3A_48 = arith.constant 1 : i32
      scf.for %parallel_loop3A_160 = %parallel_loop3A to %parallel_loop3A_47 step %parallel_loop3A_48  : i32 {
        %parallel_loop3A_161 = arith.constant 16 : i32
        %parallel_loop3A_162 = arith.muli %parallel_loop3A_160, %parallel_loop3A_161 : i32
        %parallel_loop3A_163 = arith.constant 0 : i32
        %parallel_loop3A_164 = arith.addi %parallel_loop3A_163, %parallel_loop3A_162 : i32
        %parallel_loop3A_165 = arith.index_cast %parallel_loop3A_164 : i32 to index
        %parallel_loop3A_166 = tpu.vector_load %arg6[%parallel_loop3A_165] {strides = array<i32>} : memref<16384xi32, #tpu.memory_space<vmem>>, vector<16xi32>,
        %parallel_loop3A_167 = tpu.vector_load_idx %arg5[%parallel_loop3A_166] : memref<100000xf32, #tpu.memory_space<vmem>>[vector<16xi32>], vector<16xf32>,
        %parallel_loop3A_168 = arith.constant 16 : i32
        %parallel_loop3A_169 = arith.muli %parallel_loop3A_160, %parallel_loop3A_168 : i32
        %parallel_loop3A_170 = arith.constant 0 : i32
        %parallel_loop3A_171 = arith.index_cast %parallel_loop3A_170 : i32 to index
        %parallel_loop3A_172 = arith.index_cast %parallel_loop3A_169 : i32 to index
        %parallel_loop3A_173 = tpu.vector_load %arg7[%parallel_loop3A_171, %parallel_loop3A_172] {strides = array<i32>} : memref<2x4096xf32, #tpu.memory_space<vmem>>, vector<16xf32>,
        tpu.vector_store %arg7[%parallel_loop3A_171, %parallel_loop3A_172], %parallel_loop3A_167 {strides = array<i32>} : memref<2x4096xf32, #tpu.memory_space<vmem>>, vector<16xf32>,
      } {sc.loop_unroll_factor = 16 : i64, sc.parallel_access}
      %dma_start3A = arith.constant 0 : i32
      %dma_start3A_49 = arith.constant 0 : i32
      %dma_start3A_50 = tpu.memref_slice %arg7[%dma_start3A, %dma_start3A_49] : memref<2x4096xf32, #tpu.memory_space<vmem>> -> memref<1x4096xf32, #tpu.memory_space<vmem>>
      %dma_start3A_51 = tpu.memref_squeeze %dma_start3A_50 : memref<1x4096xf32, #tpu.memory_space<vmem>> -> memref<4096xf32, #tpu.memory_space<vmem>>
      %dma_start3A_52 = arith.constant 0 : i32
      %dma_start3A_53 = tpu.memref_slice %arg4[%add3A_6, %dma_start3A_52] : memref<200x16384xf32, #tpu.memory_space<hbm>> -> memref<1x4096xf32, #tpu.memory_space<hbm>>
      %dma_start3A_54 = tpu.memref_squeeze %dma_start3A_53 : memref<1x4096xf32, #tpu.memory_space<hbm>> -> memref<4096xf32, #tpu.memory_space<hbm>>
      %dma_start3A_55 = arith.constant 0 : i32
      %dma_start3A_56 = tpu.memref_slice %arg4[%add3A_6, %dma_start3A_55] : memref<200x16384xf32, #tpu.memory_space<hbm>> -> memref<1x4096xf32, #tpu.memory_space<hbm>>
      %dma_start3A_57 = tpu.memref_squeeze %dma_start3A_56 : memref<1x4096xf32, #tpu.memory_space<hbm>> -> memref<4096xf32, #tpu.memory_space<hbm>>
      %dma_start3A_58 = arith.constant 0 : i32
      %dma_start3A_59 = tpu.memref_slice %arg7[%dma_start3A, %dma_start3A_58] : memref<2x4096xf32, #tpu.memory_space<vmem>> -> memref<1x4096xf32, #tpu.memory_space<vmem>>
      %dma_start3A_60 = tpu.memref_squeeze %dma_start3A_59 : memref<1x4096xf32, #tpu.memory_space<vmem>> -> memref<4096xf32, #tpu.memory_space<vmem>>
      tpu.enqueue_dma source(%dma_start3A_60 : memref<4096xf32, #tpu.memory_space<vmem>>) target(%dma_start3A_57 : memref<4096xf32, #tpu.memory_space<hbm>>) target_semaphore(%arg8 : memref<!tpu.dma_semaphore, #tpu.memory_space<semaphore_mem>>)
      %parallel_loop3A_61 = arith.constant 0 : i32
      %parallel_loop3A_62 = arith.constant 256 : i32
      %parallel_loop3A_63 = arith.constant 1 : i32
      scf.for %parallel_loop3A_160 = %parallel_loop3A_61 to %parallel_loop3A_62 step %parallel_loop3A_63  : i32 {
        %parallel_loop3A_161 = arith.constant 16 : i32
        %parallel_loop3A_162 = arith.muli %parallel_loop3A_160, %parallel_loop3A_161 : i32
        %parallel_loop3A_163 = arith.constant 4096 : i32
        %parallel_loop3A_164 = arith.addi %parallel_loop3A_163, %parallel_loop3A_162 : i32
        %parallel_loop3A_165 = arith.index_cast %parallel_loop3A_164 : i32 to index
        %parallel_loop3A_166 = tpu.vector_load %arg6[%parallel_loop3A_165] {strides = array<i32>} : memref<16384xi32, #tpu.memory_space<vmem>>, vector<16xi32>,
        %parallel_loop3A_167 = tpu.vector_load_idx %arg5[%parallel_loop3A_166] : memref<100000xf32, #tpu.memory_space<vmem>>[vector<16xi32>], vector<16xf32>,
        %parallel_loop3A_168 = arith.constant 16 : i32
        %parallel_loop3A_169 = arith.muli %parallel_loop3A_160, %parallel_loop3A_168 : i32
        %parallel_loop3A_170 = arith.constant 1 : i32
        %parallel_loop3A_171 = arith.index_cast %parallel_loop3A_170 : i32 to index
        %parallel_loop3A_172 = arith.index_cast %parallel_loop3A_169 : i32 to index
        %parallel_loop3A_173 = tpu.vector_load %arg7[%parallel_loop3A_171, %parallel_loop3A_172] {strides = array<i32>} : memref<2x4096xf32, #tpu.memory_space<vmem>>, vector<16xf32>,
        tpu.vector_store %arg7[%parallel_loop3A_171, %parallel_loop3A_172], %parallel_loop3A_167 {strides = array<i32>} : memref<2x4096xf32, #tpu.memory_space<vmem>>, vector<16xf32>,
      } {sc.loop_unroll_factor = 16 : i64, sc.parallel_access}
      %dma_start3A_64 = arith.constant 1 : i32
      %dma_start3A_65 = arith.constant 0 : i32
      %dma_start3A_66 = tpu.memref_slice %arg7[%dma_start3A_64, %dma_start3A_65] : memref<2x4096xf32, #tpu.memory_space<vmem>> -> memref<1x4096xf32, #tpu.memory_space<vmem>>
      %dma_start3A_67 = tpu.memref_squeeze %dma_start3A_66 : memref<1x4096xf32, #tpu.memory_space<vmem>> -> memref<4096xf32, #tpu.memory_space<vmem>>
      %dma_start3A_68 = arith.constant 4096 : i32
      %dma_start3A_69 = tpu.memref_slice %arg4[%add3A_6, %dma_start3A_68] : memref<200x16384xf32, #tpu.memory_space<hbm>> -> memref<1x4096xf32, #tpu.memory_space<hbm>>
      %dma_start3A_70 = tpu.memref_squeeze %dma_start3A_69 : memref<1x4096xf32, #tpu.memory_space<hbm>> -> memref<4096xf32, #tpu.memory_space<hbm>>
      %dma_start3A_71 = arith.constant 4096 : i32
      %dma_start3A_72 = tpu.memref_slice %arg4[%add3A_6, %dma_start3A_71] : memref<200x16384xf32, #tpu.memory_space<hbm>> -> memref<1x4096xf32, #tpu.memory_space<hbm>>
      %dma_start3A_73 = tpu.memref_squeeze %dma_start3A_72 : memref<1x4096xf32, #tpu.memory_space<hbm>> -> memref<4096xf32, #tpu.memory_space<hbm>>
      %dma_start3A_74 = arith.constant 0 : i32
      %dma_start3A_75 = tpu.memref_slice %arg7[%dma_start3A_64, %dma_start3A_74] : memref<2x4096xf32, #tpu.memory_space<vmem>> -> memref<1x4096xf32, #tpu.memory_space<vmem>>
      %dma_start3A_76 = tpu.memref_squeeze %dma_start3A_75 : memref<1x4096xf32, #tpu.memory_space<vmem>> -> memref<4096xf32, #tpu.memory_space<vmem>>
      tpu.enqueue_dma source(%dma_start3A_76 : memref<4096xf32, #tpu.memory_space<vmem>>) target(%dma_start3A_73 : memref<4096xf32, #tpu.memory_space<hbm>>) target_semaphore(%arg9 : memref<!tpu.dma_semaphore, #tpu.memory_space<semaphore_mem>>)
      %dma_wait3A = arith.constant 0 : i32
      %dma_wait3A_77 = arith.constant 0 : i32
      %dma_wait3A_78 = tpu.memref_slice %arg7[%dma_wait3A, %dma_wait3A_77] : memref<2x4096xf32, #tpu.memory_space<vmem>> -> memref<1x4096xf32, #tpu.memory_space<vmem>>
      %dma_wait3A_79 = tpu.memref_squeeze %dma_wait3A_78 : memref<1x4096xf32, #tpu.memory_space<vmem>> -> memref<4096xf32, #tpu.memory_space<vmem>>
      %dma_wait3A_80 = arith.constant 0 : i32
      %dma_wait3A_81 = tpu.memref_slice %arg4[%add3A_6, %dma_wait3A_80] : memref<200x16384xf32, #tpu.memory_space<hbm>> -> memref<1x4096xf32, #tpu.memory_space<hbm>>
      %dma_wait3A_82 = tpu.memref_squeeze %dma_wait3A_81 : memref<1x4096xf32, #tpu.memory_space<hbm>> -> memref<4096xf32, #tpu.memory_space<hbm>>
      %dma_wait3A_83 = arith.constant 0 : i32
      %dma_wait3A_84 = tpu.memref_slice %arg4[%add3A_6, %dma_wait3A_83] : memref<200x16384xf32, #tpu.memory_space<hbm>> -> memref<1x4096xf32, #tpu.memory_space<hbm>>
      %dma_wait3A_85 = tpu.memref_squeeze %dma_wait3A_84 : memref<1x4096xf32, #tpu.memory_space<hbm>> -> memref<4096xf32, #tpu.memory_space<hbm>>
      %dma_wait3A_86 = arith.constant 0 : i32
      %dma_wait3A_87 = tpu.memref_slice %arg7[%dma_wait3A, %dma_wait3A_86] : memref<2x4096xf32, #tpu.memory_space<vmem>> -> memref<1x4096xf32, #tpu.memory_space<vmem>>
      %dma_wait3A_88 = tpu.memref_squeeze %dma_wait3A_87 : memref<1x4096xf32, #tpu.memory_space<vmem>> -> memref<4096xf32, #tpu.memory_space<vmem>>
      tpu.wait_dma2 semaphore(%arg8 : memref<!tpu.dma_semaphore, #tpu.memory_space<semaphore_mem>>) src(%dma_wait3A_88 : memref<4096xf32, #tpu.memory_space<vmem>>) dst(%dma_wait3A_85 : memref<4096xf32, #tpu.memory_space<hbm>>)
      %parallel_loop3A_89 = arith.constant 0 : i32
      %parallel_loop3A_90 = arith.constant 256 : i32
      %parallel_loop3A_91 = arith.constant 1 : i32
      scf.for %parallel_loop3A_160 = %parallel_loop3A_89 to %parallel_loop3A_90 step %parallel_loop3A_91  : i32 {
        %parallel_loop3A_161 = arith.constant 16 : i32
        %parallel_loop3A_162 = arith.muli %parallel_loop3A_160, %parallel_loop3A_161 : i32
        %parallel_loop3A_163 = arith.constant 8192 : i32
        %parallel_loop3A_164 = arith.addi %parallel_loop3A_163, %parallel_loop3A_162 : i32
        %parallel_loop3A_165 = arith.index_cast %parallel_loop3A_164 : i32 to index
        %parallel_loop3A_166 = tpu.vector_load %arg6[%parallel_loop3A_165] {strides = array<i32>} : memref<16384xi32, #tpu.memory_space<vmem>>, vector<16xi32>,
        %parallel_loop3A_167 = tpu.vector_load_idx %arg5[%parallel_loop3A_166] : memref<100000xf32, #tpu.memory_space<vmem>>[vector<16xi32>], vector<16xf32>,
        %parallel_loop3A_168 = arith.constant 16 : i32
        %parallel_loop3A_169 = arith.muli %parallel_loop3A_160, %parallel_loop3A_168 : i32
        %parallel_loop3A_170 = arith.constant 0 : i32
        %parallel_loop3A_171 = arith.index_cast %parallel_loop3A_170 : i32 to index
        %parallel_loop3A_172 = arith.index_cast %parallel_loop3A_169 : i32 to index
        %parallel_loop3A_173 = tpu.vector_load %arg7[%parallel_loop3A_171, %parallel_loop3A_172] {strides = array<i32>} : memref<2x4096xf32, #tpu.memory_space<vmem>>, vector<16xf32>,
        tpu.vector_store %arg7[%parallel_loop3A_171, %parallel_loop3A_172], %parallel_loop3A_167 {strides = array<i32>} : memref<2x4096xf32, #tpu.memory_space<vmem>>, vector<16xf32>,
      } {sc.loop_unroll_factor = 16 : i64, sc.parallel_access}
      %dma_start3A_92 = arith.constant 0 : i32
      %dma_start3A_93 = arith.constant 0 : i32
      %dma_start3A_94 = tpu.memref_slice %arg7[%dma_start3A_92, %dma_start3A_93] : memref<2x4096xf32, #tpu.memory_space<vmem>> -> memref<1x4096xf32, #tpu.memory_space<vmem>>
      %dma_start3A_95 = tpu.memref_squeeze %dma_start3A_94 : memref<1x4096xf32, #tpu.memory_space<vmem>> -> memref<4096xf32, #tpu.memory_space<vmem>>
      %dma_start3A_96 = arith.constant 8192 : i32
      %dma_start3A_97 = tpu.memref_slice %arg4[%add3A_6, %dma_start3A_96] : memref<200x16384xf32, #tpu.memory_space<hbm>> -> memref<1x4096xf32, #tpu.memory_space<hbm>>
      %dma_start3A_98 = tpu.memref_squeeze %dma_start3A_97 : memref<1x4096xf32, #tpu.memory_space<hbm>> -> memref<4096xf32, #tpu.memory_space<hbm>>
      %dma_start3A_99 = arith.constant 8192 : i32
      %dma_start3A_100 = tpu.memref_slice %arg4[%add3A_6, %dma_start3A_99] : memref<200x16384xf32, #tpu.memory_space<hbm>> -> memref<1x4096xf32, #tpu.memory_space<hbm>>
      %dma_start3A_101 = tpu.memref_squeeze %dma_start3A_100 : memref<1x4096xf32, #tpu.memory_space<hbm>> -> memref<4096xf32, #tpu.memory_space<hbm>>
      %dma_start3A_102 = arith.constant 0 : i32
      %dma_start3A_103 = tpu.memref_slice %arg7[%dma_start3A_92, %dma_start3A_102] : memref<2x4096xf32, #tpu.memory_space<vmem>> -> memref<1x4096xf32, #tpu.memory_space<vmem>>
      %dma_start3A_104 = tpu.memref_squeeze %dma_start3A_103 : memref<1x4096xf32, #tpu.memory_space<vmem>> -> memref<4096xf32, #tpu.memory_space<vmem>>
      tpu.enqueue_dma source(%dma_start3A_104 : memref<4096xf32, #tpu.memory_space<vmem>>) target(%dma_start3A_101 : memref<4096xf32, #tpu.memory_space<hbm>>) target_semaphore(%arg8 : memref<!tpu.dma_semaphore, #tpu.memory_space<semaphore_mem>>)
      %dma_wait3A_105 = arith.constant 1 : i32
      %dma_wait3A_106 = arith.constant 0 : i32
      %dma_wait3A_107 = tpu.memref_slice %arg7[%dma_wait3A_105, %dma_wait3A_106] : memref<2x4096xf32, #tpu.memory_space<vmem>> -> memref<1x4096xf32, #tpu.memory_space<vmem>>
      %dma_wait3A_108 = tpu.memref_squeeze %dma_wait3A_107 : memref<1x4096xf32, #tpu.memory_space<vmem>> -> memref<4096xf32, #tpu.memory_space<vmem>>
      %dma_wait3A_109 = arith.constant 4096 : i32
      %dma_wait3A_110 = tpu.memref_slice %arg4[%add3A_6, %dma_wait3A_109] : memref<200x16384xf32, #tpu.memory_space<hbm>> -> memref<1x4096xf32, #tpu.memory_space<hbm>>
      %dma_wait3A_111 = tpu.memref_squeeze %dma_wait3A_110 : memref<1x4096xf32, #tpu.memory_space<hbm>> -> memref<4096xf32, #tpu.memory_space<hbm>>
      %dma_wait3A_112 = arith.constant 4096 : i32
      %dma_wait3A_113 = tpu.memref_slice %arg4[%add3A_6, %dma_wait3A_112] : memref<200x16384xf32, #tpu.memory_space<hbm>> -> memref<1x4096xf32, #tpu.memory_space<hbm>>
      %dma_wait3A_114 = tpu.memref_squeeze %dma_wait3A_113 : memref<1x4096xf32, #tpu.memory_space<hbm>> -> memref<4096xf32, #tpu.memory_space<hbm>>
      %dma_wait3A_115 = arith.constant 0 : i32
      %dma_wait3A_116 = tpu.memref_slice %arg7[%dma_wait3A_105, %dma_wait3A_115] : memref<2x4096xf32, #tpu.memory_space<vmem>> -> memref<1x4096xf32, #tpu.memory_space<vmem>>
      %dma_wait3A_117 = tpu.memref_squeeze %dma_wait3A_116 : memref<1x4096xf32, #tpu.memory_space<vmem>> -> memref<4096xf32, #tpu.memory_space<vmem>>
      tpu.wait_dma2 semaphore(%arg9 : memref<!tpu.dma_semaphore, #tpu.memory_space<semaphore_mem>>) src(%dma_wait3A_117 : memref<4096xf32, #tpu.memory_space<vmem>>) dst(%dma_wait3A_114 : memref<4096xf32, #tpu.memory_space<hbm>>)
      %parallel_loop3A_118 = arith.constant 0 : i32
      %parallel_loop3A_119 = arith.constant 256 : i32
      %parallel_loop3A_120 = arith.constant 1 : i32
      scf.for %parallel_loop3A_160 = %parallel_loop3A_118 to %parallel_loop3A_119 step %parallel_loop3A_120  : i32 {
        %parallel_loop3A_161 = arith.constant 16 : i32
        %parallel_loop3A_162 = arith.muli %parallel_loop3A_160, %parallel_loop3A_161 : i32
        %parallel_loop3A_163 = arith.constant 12288 : i32
        %parallel_loop3A_164 = arith.addi %parallel_loop3A_163, %parallel_loop3A_162 : i32
        %parallel_loop3A_165 = arith.index_cast %parallel_loop3A_164 : i32 to index
        %parallel_loop3A_166 = tpu.vector_load %arg6[%parallel_loop3A_165] {strides = array<i32>} : memref<16384xi32, #tpu.memory_space<vmem>>, vector<16xi32>,
        %parallel_loop3A_167 = tpu.vector_load_idx %arg5[%parallel_loop3A_166] : memref<100000xf32, #tpu.memory_space<vmem>>[vector<16xi32>], vector<16xf32>,
        %parallel_loop3A_168 = arith.constant 16 : i32
        %parallel_loop3A_169 = arith.muli %parallel_loop3A_160, %parallel_loop3A_168 : i32
        %parallel_loop3A_170 = arith.constant 1 : i32
        %parallel_loop3A_171 = arith.index_cast %parallel_loop3A_170 : i32 to index
        %parallel_loop3A_172 = arith.index_cast %parallel_loop3A_169 : i32 to index
        %parallel_loop3A_173 = tpu.vector_load %arg7[%parallel_loop3A_171, %parallel_loop3A_172] {strides = array<i32>} : memref<2x4096xf32, #tpu.memory_space<vmem>>, vector<16xf32>,
        tpu.vector_store %arg7[%parallel_loop3A_171, %parallel_loop3A_172], %parallel_loop3A_167 {strides = array<i32>} : memref<2x4096xf32, #tpu.memory_space<vmem>>, vector<16xf32>,
      } {sc.loop_unroll_factor = 16 : i64, sc.parallel_access}
      %dma_start3A_121 = arith.constant 1 : i32
      %dma_start3A_122 = arith.constant 0 : i32
      %dma_start3A_123 = tpu.memref_slice %arg7[%dma_start3A_121, %dma_start3A_122] : memref<2x4096xf32, #tpu.memory_space<vmem>> -> memref<1x4096xf32, #tpu.memory_space<vmem>>
      %dma_start3A_124 = tpu.memref_squeeze %dma_start3A_123 : memref<1x4096xf32, #tpu.memory_space<vmem>> -> memref<4096xf32, #tpu.memory_space<vmem>>
      %dma_start3A_125 = arith.constant 12288 : i32
      %dma_start3A_126 = tpu.memref_slice %arg4[%add3A_6, %dma_start3A_125] : memref<200x16384xf32, #tpu.memory_space<hbm>> -> memref<1x4096xf32, #tpu.memory_space<hbm>>
      %dma_start3A_127 = tpu.memref_squeeze %dma_start3A_126 : memref<1x4096xf32, #tpu.memory_space<hbm>> -> memref<4096xf32, #tpu.memory_space<hbm>>
      %dma_start3A_128 = arith.constant 12288 : i32
      %dma_start3A_129 = tpu.memref_slice %arg4[%add3A_6, %dma_start3A_128] : memref<200x16384xf32, #tpu.memory_space<hbm>> -> memref<1x4096xf32, #tpu.memory_space<hbm>>
      %dma_start3A_130 = tpu.memref_squeeze %dma_start3A_129 : memref<1x4096xf32, #tpu.memory_space<hbm>> -> memref<4096xf32, #tpu.memory_space<hbm>>
      %dma_start3A_131 = arith.constant 0 : i32
      %dma_start3A_132 = tpu.memref_slice %arg7[%dma_start3A_121, %dma_start3A_131] : memref<2x4096xf32, #tpu.memory_space<vmem>> -> memref<1x4096xf32, #tpu.memory_space<vmem>>
      %dma_start3A_133 = tpu.memref_squeeze %dma_start3A_132 : memref<1x4096xf32, #tpu.memory_space<vmem>> -> memref<4096xf32, #tpu.memory_space<vmem>>
      tpu.enqueue_dma source(%dma_start3A_133 : memref<4096xf32, #tpu.memory_space<vmem>>) target(%dma_start3A_130 : memref<4096xf32, #tpu.memory_space<hbm>>) target_semaphore(%arg9 : memref<!tpu.dma_semaphore, #tpu.memory_space<semaphore_mem>>)
      %dma_wait3A_134 = arith.constant 0 : i32
      %dma_wait3A_135 = arith.constant 0 : i32
      %dma_wait3A_136 = tpu.memref_slice %arg7[%dma_wait3A_134, %dma_wait3A_135] : memref<2x4096xf32, #tpu.memory_space<vmem>> -> memref<1x4096xf32, #tpu.memory_space<vmem>>
      %dma_wait3A_137 = tpu.memref_squeeze %dma_wait3A_136 : memref<1x4096xf32, #tpu.memory_space<vmem>> -> memref<4096xf32, #tpu.memory_space<vmem>>
      %dma_wait3A_138 = arith.constant 8192 : i32
      %dma_wait3A_139 = tpu.memref_slice %arg4[%add3A_6, %dma_wait3A_138] : memref<200x16384xf32, #tpu.memory_space<hbm>> -> memref<1x4096xf32, #tpu.memory_space<hbm>>
      %dma_wait3A_140 = tpu.memref_squeeze %dma_wait3A_139 : memref<1x4096xf32, #tpu.memory_space<hbm>> -> memref<4096xf32, #tpu.memory_space<hbm>>
      %dma_wait3A_141 = arith.constant 8192 : i32
      %dma_wait3A_142 = tpu.memref_slice %arg4[%add3A_6, %dma_wait3A_141] : memref<200x16384xf32, #tpu.memory_space<hbm>> -> memref<1x4096xf32, #tpu.memory_space<hbm>>
      %dma_wait3A_143 = tpu.memref_squeeze %dma_wait3A_142 : memref<1x4096xf32, #tpu.memory_space<hbm>> -> memref<4096xf32, #tpu.memory_space<hbm>>
      %dma_wait3A_144 = arith.constant 0 : i32
      %dma_wait3A_145 = tpu.memref_slice %arg7[%dma_wait3A_134, %dma_wait3A_144] : memref<2x4096xf32, #tpu.memory_space<vmem>> -> memref<1x4096xf32, #tpu.memory_space<vmem>>
      %dma_wait3A_146 = tpu.memref_squeeze %dma_wait3A_145 : memref<1x4096xf32, #tpu.memory_space<vmem>> -> memref<4096xf32, #tpu.memory_space<vmem>>
      tpu.wait_dma2 semaphore(%arg8 : memref<!tpu.dma_semaphore, #tpu.memory_space<semaphore_mem>>) src(%dma_wait3A_146 : memref<4096xf32, #tpu.memory_space<vmem>>) dst(%dma_wait3A_143 : memref<4096xf32, #tpu.memory_space<hbm>>)
      %dma_wait3A_147 = arith.constant 1 : i32
      %dma_wait3A_148 = arith.constant 0 : i32
      %dma_wait3A_149 = tpu.memref_slice %arg7[%dma_wait3A_147, %dma_wait3A_148] : memref<2x4096xf32, #tpu.memory_space<vmem>> -> memref<1x4096xf32, #tpu.memory_space<vmem>>
      %dma_wait3A_150 = tpu.memref_squeeze %dma_wait3A_149 : memref<1x4096xf32, #tpu.memory_space<vmem>> -> memref<4096xf32, #tpu.memory_space<vmem>>
      %dma_wait3A_151 = arith.constant 12288 : i32
      %dma_wait3A_152 = tpu.memref_slice %arg4[%add3A_6, %dma_wait3A_151] : memref<200x16384xf32, #tpu.memory_space<hbm>> -> memref<1x4096xf32, #tpu.memory_space<hbm>>
      %dma_wait3A_153 = tpu.memref_squeeze %dma_wait3A_152 : memref<1x4096xf32, #tpu.memory_space<hbm>> -> memref<4096xf32, #tpu.memory_space<hbm>>
      %dma_wait3A_154 = arith.constant 12288 : i32
      %dma_wait3A_155 = tpu.memref_slice %arg4[%add3A_6, %dma_wait3A_154] : memref<200x16384xf32, #tpu.memory_space<hbm>> -> memref<1x4096xf32, #tpu.memory_space<hbm>>
      %dma_wait3A_156 = tpu.memref_squeeze %dma_wait3A_155 : memref<1x4096xf32, #tpu.memory_space<hbm>> -> memref<4096xf32, #tpu.memory_space<hbm>>
      %dma_wait3A_157 = arith.constant 0 : i32
      %dma_wait3A_158 = tpu.memref_slice %arg7[%dma_wait3A_147, %dma_wait3A_157] : memref<2x4096xf32, #tpu.memory_space<vmem>> -> memref<1x4096xf32, #tpu.memory_space<vmem>>
      %dma_wait3A_159 = tpu.memref_squeeze %dma_wait3A_158 : memref<1x4096xf32, #tpu.memory_space<vmem>> -> memref<4096xf32, #tpu.memory_space<vmem>>
      tpu.wait_dma2 semaphore(%arg9 : memref<!tpu.dma_semaphore, #tpu.memory_space<semaphore_mem>>) src(%dma_wait3A_159 : memref<4096xf32, #tpu.memory_space<vmem>>) dst(%dma_wait3A_156 : memref<4096xf32, #tpu.memory_space<hbm>>)
    } else {
    }
    %add3A_12 = arith.constant 64 : i32
    %add3A_13 = arith.addi %add3A, %add3A_12 : i32
    %lt3A_14 = arith.constant 200 : i32
    %lt3A_15 = arith.cmpi slt, %add3A_13, %lt3A_14 : i32
    %convert_element_type3A_16 = arith.extui %lt3A_15 : i1 to i32
    %cond3A_17 = arith.constant 0 : i32
    %cond3A_18 = arith.cmpi ne, %convert_element_type3A_16, %cond3A_17 : i32
    scf.if %cond3A_18 {
      "tpu.region"() ({
        %run_scoped3A = tpu.sem_alloc : memref<!tpu.dma_semaphore, #tpu.memory_space<semaphore_mem>>
        %dma_start3A_160 = arith.constant 0 : i32
        %dma_start3A_161 = tpu.memref_slice %arg2[%add3A_13, %dma_start3A_160] : memref<200x100000xf32, #tpu.memory_space<hbm>> -> memref<1x100000xf32, #tpu.memory_space<hbm>>
        %dma_start3A_162 = tpu.memref_squeeze %dma_start3A_161 : memref<1x100000xf32, #tpu.memory_space<hbm>> -> memref<100000xf32, #tpu.memory_space<hbm>>
        %dma_start3A_163 = arith.constant 0 : i32
        %dma_start3A_164 = tpu.memref_slice %arg2[%add3A_13, %dma_start3A_163] : memref<200x100000xf32, #tpu.memory_space<hbm>> -> memref<1x100000xf32, #tpu.memory_space<hbm>>
        %dma_start3A_165 = tpu.memref_squeeze %dma_start3A_164 : memref<1x100000xf32, #tpu.memory_space<hbm>> -> memref<100000xf32, #tpu.memory_space<hbm>>
        tpu.enqueue_dma source(%dma_start3A_165 : memref<100000xf32, #tpu.memory_space<hbm>>) target(%arg5 : memref<100000xf32, #tpu.memory_space<vmem>>) target_semaphore(%run_scoped3A : memref<!tpu.dma_semaphore, #tpu.memory_space<semaphore_mem>>)
        %dma_wait3A_166 = arith.constant 0 : i32
        %dma_wait3A_167 = tpu.memref_slice %arg2[%add3A_13, %dma_wait3A_166] : memref<200x100000xf32, #tpu.memory_space<hbm>> -> memref<1x100000xf32, #tpu.memory_space<hbm>>
        %dma_wait3A_168 = tpu.memref_squeeze %dma_wait3A_167 : memref<1x100000xf32, #tpu.memory_space<hbm>> -> memref<100000xf32, #tpu.memory_space<hbm>>
        %dma_wait3A_169 = arith.constant 0 : i32
        %dma_wait3A_170 = tpu.memref_slice %arg2[%add3A_13, %dma_wait3A_169] : memref<200x100000xf32, #tpu.memory_space<hbm>> -> memref<1x100000xf32, #tpu.memory_space<hbm>>
        %dma_wait3A_171 = tpu.memref_squeeze %dma_wait3A_170 : memref<1x100000xf32, #tpu.memory_space<hbm>> -> memref<100000xf32, #tpu.memory_space<hbm>>
        tpu.wait_dma2 semaphore(%run_scoped3A : memref<!tpu.dma_semaphore, #tpu.memory_space<semaphore_mem>>) src(%dma_wait3A_171 : memref<100000xf32, #tpu.memory_space<hbm>>) dst(%arg5 : memref<100000xf32, #tpu.memory_space<vmem>>)
        tpu.yield
      }) : () -> ()
      %parallel_loop3A = arith.constant 0 : i32
      %parallel_loop3A_47 = arith.constant 256 : i32
      %parallel_loop3A_48 = arith.constant 1 : i32
      scf.for %parallel_loop3A_160 = %parallel_loop3A to %parallel_loop3A_47 step %parallel_loop3A_48  : i32 {
        %parallel_loop3A_161 = arith.constant 16 : i32
        %parallel_loop3A_162 = arith.muli %parallel_loop3A_160, %parallel_loop3A_161 : i32
        %parallel_loop3A_163 = arith.constant 0 : i32
        %parallel_loop3A_164 = arith.addi %parallel_loop3A_163, %parallel_loop3A_162 : i32
        %parallel_loop3A_165 = arith.index_cast %parallel_loop3A_164 : i32 to index
        %parallel_loop3A_166 = tpu.vector_load %arg6[%parallel_loop3A_165] {strides = array<i32>} : memref<16384xi32, #tpu.memory_space<vmem>>, vector<16xi32>,
        %parallel_loop3A_167 = tpu.vector_load_idx %arg5[%parallel_loop3A_166] : memref<100000xf32, #tpu.memory_space<vmem>>[vector<16xi32>], vector<16xf32>,
        %parallel_loop3A_168 = arith.constant 16 : i32
        %parallel_loop3A_169 = arith.muli %parallel_loop3A_160, %parallel_loop3A_168 : i32
        %parallel_loop3A_170 = arith.constant 0 : i32
        %parallel_loop3A_171 = arith.index_cast %parallel_loop3A_170 : i32 to index
        %parallel_loop3A_172 = arith.index_cast %parallel_loop3A_169 : i32 to index
        %parallel_loop3A_173 = tpu.vector_load %arg7[%parallel_loop3A_171, %parallel_loop3A_172] {strides = array<i32>} : memref<2x4096xf32, #tpu.memory_space<vmem>>, vector<16xf32>,
        tpu.vector_store %arg7[%parallel_loop3A_171, %parallel_loop3A_172], %parallel_loop3A_167 {strides = array<i32>} : memref<2x4096xf32, #tpu.memory_space<vmem>>, vector<16xf32>,
      } {sc.loop_unroll_factor = 16 : i64, sc.parallel_access}
      %dma_start3A = arith.constant 0 : i32
      %dma_start3A_49 = arith.constant 0 : i32
      %dma_start3A_50 = tpu.memref_slice %arg7[%dma_start3A, %dma_start3A_49] : memref<2x4096xf32, #tpu.memory_space<vmem>> -> memref<1x4096xf32, #tpu.memory_space<vmem>>
      %dma_start3A_51 = tpu.memref_squeeze %dma_start3A_50 : memref<1x4096xf32, #tpu.memory_space<vmem>> -> memref<4096xf32, #tpu.memory_space<vmem>>
      %dma_start3A_52 = arith.constant 0 : i32
      %dma_start3A_53 = tpu.memref_slice %arg4[%add3A_13, %dma_start3A_52] : memref<200x16384xf32, #tpu.memory_space<hbm>> -> memref<1x4096xf32, #tpu.memory_space<hbm>>
      %dma_start3A_54 = tpu.memref_squeeze %dma_start3A_53 : memref<1x4096xf32, #tpu.memory_space<hbm>> -> memref<4096xf32, #tpu.memory_space<hbm>>
      %dma_start3A_55 = arith.constant 0 : i32
      %dma_start3A_56 = tpu.memref_slice %arg4[%add3A_13, %dma_start3A_55] : memref<200x16384xf32, #tpu.memory_space<hbm>> -> memref<1x4096xf32, #tpu.memory_space<hbm>>
      %dma_start3A_57 = tpu.memref_squeeze %dma_start3A_56 : memref<1x4096xf32, #tpu.memory_space<hbm>> -> memref<4096xf32, #tpu.memory_space<hbm>>
      %dma_start3A_58 = arith.constant 0 : i32
      %dma_start3A_59 = tpu.memref_slice %arg7[%dma_start3A, %dma_start3A_58] : memref<2x4096xf32, #tpu.memory_space<vmem>> -> memref<1x4096xf32, #tpu.memory_space<vmem>>
      %dma_start3A_60 = tpu.memref_squeeze %dma_start3A_59 : memref<1x4096xf32, #tpu.memory_space<vmem>> -> memref<4096xf32, #tpu.memory_space<vmem>>
      tpu.enqueue_dma source(%dma_start3A_60 : memref<4096xf32, #tpu.memory_space<vmem>>) target(%dma_start3A_57 : memref<4096xf32, #tpu.memory_space<hbm>>) target_semaphore(%arg8 : memref<!tpu.dma_semaphore, #tpu.memory_space<semaphore_mem>>)
      %parallel_loop3A_61 = arith.constant 0 : i32
      %parallel_loop3A_62 = arith.constant 256 : i32
      %parallel_loop3A_63 = arith.constant 1 : i32
      scf.for %parallel_loop3A_160 = %parallel_loop3A_61 to %parallel_loop3A_62 step %parallel_loop3A_63  : i32 {
        %parallel_loop3A_161 = arith.constant 16 : i32
        %parallel_loop3A_162 = arith.muli %parallel_loop3A_160, %parallel_loop3A_161 : i32
        %parallel_loop3A_163 = arith.constant 4096 : i32
        %parallel_loop3A_164 = arith.addi %parallel_loop3A_163, %parallel_loop3A_162 : i32
        %parallel_loop3A_165 = arith.index_cast %parallel_loop3A_164 : i32 to index
        %parallel_loop3A_166 = tpu.vector_load %arg6[%parallel_loop3A_165] {strides = array<i32>} : memref<16384xi32, #tpu.memory_space<vmem>>, vector<16xi32>,
        %parallel_loop3A_167 = tpu.vector_load_idx %arg5[%parallel_loop3A_166] : memref<100000xf32, #tpu.memory_space<vmem>>[vector<16xi32>], vector<16xf32>,
        %parallel_loop3A_168 = arith.constant 16 : i32
        %parallel_loop3A_169 = arith.muli %parallel_loop3A_160, %parallel_loop3A_168 : i32
        %parallel_loop3A_170 = arith.constant 1 : i32
        %parallel_loop3A_171 = arith.index_cast %parallel_loop3A_170 : i32 to index
        %parallel_loop3A_172 = arith.index_cast %parallel_loop3A_169 : i32 to index
        %parallel_loop3A_173 = tpu.vector_load %arg7[%parallel_loop3A_171, %parallel_loop3A_172] {strides = array<i32>} : memref<2x4096xf32, #tpu.memory_space<vmem>>, vector<16xf32>,
        tpu.vector_store %arg7[%parallel_loop3A_171, %parallel_loop3A_172], %parallel_loop3A_167 {strides = array<i32>} : memref<2x4096xf32, #tpu.memory_space<vmem>>, vector<16xf32>,
      } {sc.loop_unroll_factor = 16 : i64, sc.parallel_access}
      %dma_start3A_64 = arith.constant 1 : i32
      %dma_start3A_65 = arith.constant 0 : i32
      %dma_start3A_66 = tpu.memref_slice %arg7[%dma_start3A_64, %dma_start3A_65] : memref<2x4096xf32, #tpu.memory_space<vmem>> -> memref<1x4096xf32, #tpu.memory_space<vmem>>
      %dma_start3A_67 = tpu.memref_squeeze %dma_start3A_66 : memref<1x4096xf32, #tpu.memory_space<vmem>> -> memref<4096xf32, #tpu.memory_space<vmem>>
      %dma_start3A_68 = arith.constant 4096 : i32
      %dma_start3A_69 = tpu.memref_slice %arg4[%add3A_13, %dma_start3A_68] : memref<200x16384xf32, #tpu.memory_space<hbm>> -> memref<1x4096xf32, #tpu.memory_space<hbm>>
      %dma_start3A_70 = tpu.memref_squeeze %dma_start3A_69 : memref<1x4096xf32, #tpu.memory_space<hbm>> -> memref<4096xf32, #tpu.memory_space<hbm>>
      %dma_start3A_71 = arith.constant 4096 : i32
      %dma_start3A_72 = tpu.memref_slice %arg4[%add3A_13, %dma_start3A_71] : memref<200x16384xf32, #tpu.memory_space<hbm>> -> memref<1x4096xf32, #tpu.memory_space<hbm>>
      %dma_start3A_73 = tpu.memref_squeeze %dma_start3A_72 : memref<1x4096xf32, #tpu.memory_space<hbm>> -> memref<4096xf32, #tpu.memory_space<hbm>>
      %dma_start3A_74 = arith.constant 0 : i32
      %dma_start3A_75 = tpu.memref_slice %arg7[%dma_start3A_64, %dma_start3A_74] : memref<2x4096xf32, #tpu.memory_space<vmem>> -> memref<1x4096xf32, #tpu.memory_space<vmem>>
      %dma_start3A_76 = tpu.memref_squeeze %dma_start3A_75 : memref<1x4096xf32, #tpu.memory_space<vmem>> -> memref<4096xf32, #tpu.memory_space<vmem>>
      tpu.enqueue_dma source(%dma_start3A_76 : memref<4096xf32, #tpu.memory_space<vmem>>) target(%dma_start3A_73 : memref<4096xf32, #tpu.memory_space<hbm>>) target_semaphore(%arg9 : memref<!tpu.dma_semaphore, #tpu.memory_space<semaphore_mem>>)
      %dma_wait3A = arith.constant 0 : i32
      %dma_wait3A_77 = arith.constant 0 : i32
      %dma_wait3A_78 = tpu.memref_slice %arg7[%dma_wait3A, %dma_wait3A_77] : memref<2x4096xf32, #tpu.memory_space<vmem>> -> memref<1x4096xf32, #tpu.memory_space<vmem>>
      %dma_wait3A_79 = tpu.memref_squeeze %dma_wait3A_78 : memref<1x4096xf32, #tpu.memory_space<vmem>> -> memref<4096xf32, #tpu.memory_space<vmem>>
      %dma_wait3A_80 = arith.constant 0 : i32
      %dma_wait3A_81 = tpu.memref_slice %arg4[%add3A_13, %dma_wait3A_80] : memref<200x16384xf32, #tpu.memory_space<hbm>> -> memref<1x4096xf32, #tpu.memory_space<hbm>>
      %dma_wait3A_82 = tpu.memref_squeeze %dma_wait3A_81 : memref<1x4096xf32, #tpu.memory_space<hbm>> -> memref<4096xf32, #tpu.memory_space<hbm>>
      %dma_wait3A_83 = arith.constant 0 : i32
      %dma_wait3A_84 = tpu.memref_slice %arg4[%add3A_13, %dma_wait3A_83] : memref<200x16384xf32, #tpu.memory_space<hbm>> -> memref<1x4096xf32, #tpu.memory_space<hbm>>
      %dma_wait3A_85 = tpu.memref_squeeze %dma_wait3A_84 : memref<1x4096xf32, #tpu.memory_space<hbm>> -> memref<4096xf32, #tpu.memory_space<hbm>>
      %dma_wait3A_86 = arith.constant 0 : i32
      %dma_wait3A_87 = tpu.memref_slice %arg7[%dma_wait3A, %dma_wait3A_86] : memref<2x4096xf32, #tpu.memory_space<vmem>> -> memref<1x4096xf32, #tpu.memory_space<vmem>>
      %dma_wait3A_88 = tpu.memref_squeeze %dma_wait3A_87 : memref<1x4096xf32, #tpu.memory_space<vmem>> -> memref<4096xf32, #tpu.memory_space<vmem>>
      tpu.wait_dma2 semaphore(%arg8 : memref<!tpu.dma_semaphore, #tpu.memory_space<semaphore_mem>>) src(%dma_wait3A_88 : memref<4096xf32, #tpu.memory_space<vmem>>) dst(%dma_wait3A_85 : memref<4096xf32, #tpu.memory_space<hbm>>)
      %parallel_loop3A_89 = arith.constant 0 : i32
      %parallel_loop3A_90 = arith.constant 256 : i32
      %parallel_loop3A_91 = arith.constant 1 : i32
      scf.for %parallel_loop3A_160 = %parallel_loop3A_89 to %parallel_loop3A_90 step %parallel_loop3A_91  : i32 {
        %parallel_loop3A_161 = arith.constant 16 : i32
        %parallel_loop3A_162 = arith.muli %parallel_loop3A_160, %parallel_loop3A_161 : i32
        %parallel_loop3A_163 = arith.constant 8192 : i32
        %parallel_loop3A_164 = arith.addi %parallel_loop3A_163, %parallel_loop3A_162 : i32
        %parallel_loop3A_165 = arith.index_cast %parallel_loop3A_164 : i32 to index
        %parallel_loop3A_166 = tpu.vector_load %arg6[%parallel_loop3A_165] {strides = array<i32>} : memref<16384xi32, #tpu.memory_space<vmem>>, vector<16xi32>,
        %parallel_loop3A_167 = tpu.vector_load_idx %arg5[%parallel_loop3A_166] : memref<100000xf32, #tpu.memory_space<vmem>>[vector<16xi32>], vector<16xf32>,
        %parallel_loop3A_168 = arith.constant 16 : i32
        %parallel_loop3A_169 = arith.muli %parallel_loop3A_160, %parallel_loop3A_168 : i32
        %parallel_loop3A_170 = arith.constant 0 : i32
        %parallel_loop3A_171 = arith.index_cast %parallel_loop3A_170 : i32 to index
        %parallel_loop3A_172 = arith.index_cast %parallel_loop3A_169 : i32 to index
        %parallel_loop3A_173 = tpu.vector_load %arg7[%parallel_loop3A_171, %parallel_loop3A_172] {strides = array<i32>} : memref<2x4096xf32, #tpu.memory_space<vmem>>, vector<16xf32>,
        tpu.vector_store %arg7[%parallel_loop3A_171, %parallel_loop3A_172], %parallel_loop3A_167 {strides = array<i32>} : memref<2x4096xf32, #tpu.memory_space<vmem>>, vector<16xf32>,
      } {sc.loop_unroll_factor = 16 : i64, sc.parallel_access}
      %dma_start3A_92 = arith.constant 0 : i32
      %dma_start3A_93 = arith.constant 0 : i32
      %dma_start3A_94 = tpu.memref_slice %arg7[%dma_start3A_92, %dma_start3A_93] : memref<2x4096xf32, #tpu.memory_space<vmem>> -> memref<1x4096xf32, #tpu.memory_space<vmem>>
      %dma_start3A_95 = tpu.memref_squeeze %dma_start3A_94 : memref<1x4096xf32, #tpu.memory_space<vmem>> -> memref<4096xf32, #tpu.memory_space<vmem>>
      %dma_start3A_96 = arith.constant 8192 : i32
      %dma_start3A_97 = tpu.memref_slice %arg4[%add3A_13, %dma_start3A_96] : memref<200x16384xf32, #tpu.memory_space<hbm>> -> memref<1x4096xf32, #tpu.memory_space<hbm>>
      %dma_start3A_98 = tpu.memref_squeeze %dma_start3A_97 : memref<1x4096xf32, #tpu.memory_space<hbm>> -> memref<4096xf32, #tpu.memory_space<hbm>>
      %dma_start3A_99 = arith.constant 8192 : i32
      %dma_start3A_100 = tpu.memref_slice %arg4[%add3A_13, %dma_start3A_99] : memref<200x16384xf32, #tpu.memory_space<hbm>> -> memref<1x4096xf32, #tpu.memory_space<hbm>>
      %dma_start3A_101 = tpu.memref_squeeze %dma_start3A_100 : memref<1x4096xf32, #tpu.memory_space<hbm>> -> memref<4096xf32, #tpu.memory_space<hbm>>
      %dma_start3A_102 = arith.constant 0 : i32
      %dma_start3A_103 = tpu.memref_slice %arg7[%dma_start3A_92, %dma_start3A_102] : memref<2x4096xf32, #tpu.memory_space<vmem>> -> memref<1x4096xf32, #tpu.memory_space<vmem>>
      %dma_start3A_104 = tpu.memref_squeeze %dma_start3A_103 : memref<1x4096xf32, #tpu.memory_space<vmem>> -> memref<4096xf32, #tpu.memory_space<vmem>>
      tpu.enqueue_dma source(%dma_start3A_104 : memref<4096xf32, #tpu.memory_space<vmem>>) target(%dma_start3A_101 : memref<4096xf32, #tpu.memory_space<hbm>>) target_semaphore(%arg8 : memref<!tpu.dma_semaphore, #tpu.memory_space<semaphore_mem>>)
      %dma_wait3A_105 = arith.constant 1 : i32
      %dma_wait3A_106 = arith.constant 0 : i32
      %dma_wait3A_107 = tpu.memref_slice %arg7[%dma_wait3A_105, %dma_wait3A_106] : memref<2x4096xf32, #tpu.memory_space<vmem>> -> memref<1x4096xf32, #tpu.memory_space<vmem>>
      %dma_wait3A_108 = tpu.memref_squeeze %dma_wait3A_107 : memref<1x4096xf32, #tpu.memory_space<vmem>> -> memref<4096xf32, #tpu.memory_space<vmem>>
      %dma_wait3A_109 = arith.constant 4096 : i32
      %dma_wait3A_110 = tpu.memref_slice %arg4[%add3A_13, %dma_wait3A_109] : memref<200x16384xf32, #tpu.memory_space<hbm>> -> memref<1x4096xf32, #tpu.memory_space<hbm>>
      %dma_wait3A_111 = tpu.memref_squeeze %dma_wait3A_110 : memref<1x4096xf32, #tpu.memory_space<hbm>> -> memref<4096xf32, #tpu.memory_space<hbm>>
      %dma_wait3A_112 = arith.constant 4096 : i32
      %dma_wait3A_113 = tpu.memref_slice %arg4[%add3A_13, %dma_wait3A_112] : memref<200x16384xf32, #tpu.memory_space<hbm>> -> memref<1x4096xf32, #tpu.memory_space<hbm>>
      %dma_wait3A_114 = tpu.memref_squeeze %dma_wait3A_113 : memref<1x4096xf32, #tpu.memory_space<hbm>> -> memref<4096xf32, #tpu.memory_space<hbm>>
      %dma_wait3A_115 = arith.constant 0 : i32
      %dma_wait3A_116 = tpu.memref_slice %arg7[%dma_wait3A_105, %dma_wait3A_115] : memref<2x4096xf32, #tpu.memory_space<vmem>> -> memref<1x4096xf32, #tpu.memory_space<vmem>>
      %dma_wait3A_117 = tpu.memref_squeeze %dma_wait3A_116 : memref<1x4096xf32, #tpu.memory_space<vmem>> -> memref<4096xf32, #tpu.memory_space<vmem>>
      tpu.wait_dma2 semaphore(%arg9 : memref<!tpu.dma_semaphore, #tpu.memory_space<semaphore_mem>>) src(%dma_wait3A_117 : memref<4096xf32, #tpu.memory_space<vmem>>) dst(%dma_wait3A_114 : memref<4096xf32, #tpu.memory_space<hbm>>)
      %parallel_loop3A_118 = arith.constant 0 : i32
      %parallel_loop3A_119 = arith.constant 256 : i32
      %parallel_loop3A_120 = arith.constant 1 : i32
      scf.for %parallel_loop3A_160 = %parallel_loop3A_118 to %parallel_loop3A_119 step %parallel_loop3A_120  : i32 {
        %parallel_loop3A_161 = arith.constant 16 : i32
        %parallel_loop3A_162 = arith.muli %parallel_loop3A_160, %parallel_loop3A_161 : i32
        %parallel_loop3A_163 = arith.constant 12288 : i32
        %parallel_loop3A_164 = arith.addi %parallel_loop3A_163, %parallel_loop3A_162 : i32
        %parallel_loop3A_165 = arith.index_cast %parallel_loop3A_164 : i32 to index
        %parallel_loop3A_166 = tpu.vector_load %arg6[%parallel_loop3A_165] {strides = array<i32>} : memref<16384xi32, #tpu.memory_space<vmem>>, vector<16xi32>,
        %parallel_loop3A_167 = tpu.vector_load_idx %arg5[%parallel_loop3A_166] : memref<100000xf32, #tpu.memory_space<vmem>>[vector<16xi32>], vector<16xf32>,
        %parallel_loop3A_168 = arith.constant 16 : i32
        %parallel_loop3A_169 = arith.muli %parallel_loop3A_160, %parallel_loop3A_168 : i32
        %parallel_loop3A_170 = arith.constant 1 : i32
        %parallel_loop3A_171 = arith.index_cast %parallel_loop3A_170 : i32 to index
        %parallel_loop3A_172 = arith.index_cast %parallel_loop3A_169 : i32 to index
        %parallel_loop3A_173 = tpu.vector_load %arg7[%parallel_loop3A_171, %parallel_loop3A_172] {strides = array<i32>} : memref<2x4096xf32, #tpu.memory_space<vmem>>, vector<16xf32>,
        tpu.vector_store %arg7[%parallel_loop3A_171, %parallel_loop3A_172], %parallel_loop3A_167 {strides = array<i32>} : memref<2x4096xf32, #tpu.memory_space<vmem>>, vector<16xf32>,
      } {sc.loop_unroll_factor = 16 : i64, sc.parallel_access}
      %dma_start3A_121 = arith.constant 1 : i32
      %dma_start3A_122 = arith.constant 0 : i32
      %dma_start3A_123 = tpu.memref_slice %arg7[%dma_start3A_121, %dma_start3A_122] : memref<2x4096xf32, #tpu.memory_space<vmem>> -> memref<1x4096xf32, #tpu.memory_space<vmem>>
      %dma_start3A_124 = tpu.memref_squeeze %dma_start3A_123 : memref<1x4096xf32, #tpu.memory_space<vmem>> -> memref<4096xf32, #tpu.memory_space<vmem>>
      %dma_start3A_125 = arith.constant 12288 : i32
      %dma_start3A_126 = tpu.memref_slice %arg4[%add3A_13, %dma_start3A_125] : memref<200x16384xf32, #tpu.memory_space<hbm>> -> memref<1x4096xf32, #tpu.memory_space<hbm>>
      %dma_start3A_127 = tpu.memref_squeeze %dma_start3A_126 : memref<1x4096xf32, #tpu.memory_space<hbm>> -> memref<4096xf32, #tpu.memory_space<hbm>>
      %dma_start3A_128 = arith.constant 12288 : i32
      %dma_start3A_129 = tpu.memref_slice %arg4[%add3A_13, %dma_start3A_128] : memref<200x16384xf32, #tpu.memory_space<hbm>> -> memref<1x4096xf32, #tpu.memory_space<hbm>>
      %dma_start3A_130 = tpu.memref_squeeze %dma_start3A_129 : memref<1x4096xf32, #tpu.memory_space<hbm>> -> memref<4096xf32, #tpu.memory_space<hbm>>
      %dma_start3A_131 = arith.constant 0 : i32
      %dma_start3A_132 = tpu.memref_slice %arg7[%dma_start3A_121, %dma_start3A_131] : memref<2x4096xf32, #tpu.memory_space<vmem>> -> memref<1x4096xf32, #tpu.memory_space<vmem>>
      %dma_start3A_133 = tpu.memref_squeeze %dma_start3A_132 : memref<1x4096xf32, #tpu.memory_space<vmem>> -> memref<4096xf32, #tpu.memory_space<vmem>>
      tpu.enqueue_dma source(%dma_start3A_133 : memref<4096xf32, #tpu.memory_space<vmem>>) target(%dma_start3A_130 : memref<4096xf32, #tpu.memory_space<hbm>>) target_semaphore(%arg9 : memref<!tpu.dma_semaphore, #tpu.memory_space<semaphore_mem>>)
      %dma_wait3A_134 = arith.constant 0 : i32
      %dma_wait3A_135 = arith.constant 0 : i32
      %dma_wait3A_136 = tpu.memref_slice %arg7[%dma_wait3A_134, %dma_wait3A_135] : memref<2x4096xf32, #tpu.memory_space<vmem>> -> memref<1x4096xf32, #tpu.memory_space<vmem>>
      %dma_wait3A_137 = tpu.memref_squeeze %dma_wait3A_136 : memref<1x4096xf32, #tpu.memory_space<vmem>> -> memref<4096xf32, #tpu.memory_space<vmem>>
      %dma_wait3A_138 = arith.constant 8192 : i32
      %dma_wait3A_139 = tpu.memref_slice %arg4[%add3A_13, %dma_wait3A_138] : memref<200x16384xf32, #tpu.memory_space<hbm>> -> memref<1x4096xf32, #tpu.memory_space<hbm>>
      %dma_wait3A_140 = tpu.memref_squeeze %dma_wait3A_139 : memref<1x4096xf32, #tpu.memory_space<hbm>> -> memref<4096xf32, #tpu.memory_space<hbm>>
      %dma_wait3A_141 = arith.constant 8192 : i32
      %dma_wait3A_142 = tpu.memref_slice %arg4[%add3A_13, %dma_wait3A_141] : memref<200x16384xf32, #tpu.memory_space<hbm>> -> memref<1x4096xf32, #tpu.memory_space<hbm>>
      %dma_wait3A_143 = tpu.memref_squeeze %dma_wait3A_142 : memref<1x4096xf32, #tpu.memory_space<hbm>> -> memref<4096xf32, #tpu.memory_space<hbm>>
      %dma_wait3A_144 = arith.constant 0 : i32
      %dma_wait3A_145 = tpu.memref_slice %arg7[%dma_wait3A_134, %dma_wait3A_144] : memref<2x4096xf32, #tpu.memory_space<vmem>> -> memref<1x4096xf32, #tpu.memory_space<vmem>>
      %dma_wait3A_146 = tpu.memref_squeeze %dma_wait3A_145 : memref<1x4096xf32, #tpu.memory_space<vmem>> -> memref<4096xf32, #tpu.memory_space<vmem>>
      tpu.wait_dma2 semaphore(%arg8 : memref<!tpu.dma_semaphore, #tpu.memory_space<semaphore_mem>>) src(%dma_wait3A_146 : memref<4096xf32, #tpu.memory_space<vmem>>) dst(%dma_wait3A_143 : memref<4096xf32, #tpu.memory_space<hbm>>)
      %dma_wait3A_147 = arith.constant 1 : i32
      %dma_wait3A_148 = arith.constant 0 : i32
      %dma_wait3A_149 = tpu.memref_slice %arg7[%dma_wait3A_147, %dma_wait3A_148] : memref<2x4096xf32, #tpu.memory_space<vmem>> -> memref<1x4096xf32, #tpu.memory_space<vmem>>
      %dma_wait3A_150 = tpu.memref_squeeze %dma_wait3A_149 : memref<1x4096xf32, #tpu.memory_space<vmem>> -> memref<4096xf32, #tpu.memory_space<vmem>>
      %dma_wait3A_151 = arith.constant 12288 : i32
      %dma_wait3A_152 = tpu.memref_slice %arg4[%add3A_13, %dma_wait3A_151] : memref<200x16384xf32, #tpu.memory_space<hbm>> -> memref<1x4096xf32, #tpu.memory_space<hbm>>
      %dma_wait3A_153 = tpu.memref_squeeze %dma_wait3A_152 : memref<1x4096xf32, #tpu.memory_space<hbm>> -> memref<4096xf32, #tpu.memory_space<hbm>>
      %dma_wait3A_154 = arith.constant 12288 : i32
      %dma_wait3A_155 = tpu.memref_slice %arg4[%add3A_13, %dma_wait3A_154] : memref<200x16384xf32, #tpu.memory_space<hbm>> -> memref<1x4096xf32, #tpu.memory_space<hbm>>
      %dma_wait3A_156 = tpu.memref_squeeze %dma_wait3A_155 : memref<1x4096xf32, #tpu.memory_space<hbm>> -> memref<4096xf32, #tpu.memory_space<hbm>>
      %dma_wait3A_157 = arith.constant 0 : i32
      %dma_wait3A_158 = tpu.memref_slice %arg7[%dma_wait3A_147, %dma_wait3A_157] : memref<2x4096xf32, #tpu.memory_space<vmem>> -> memref<1x4096xf32, #tpu.memory_space<vmem>>
      %dma_wait3A_159 = tpu.memref_squeeze %dma_wait3A_158 : memref<1x4096xf32, #tpu.memory_space<vmem>> -> memref<4096xf32, #tpu.memory_space<vmem>>
      tpu.wait_dma2 semaphore(%arg9 : memref<!tpu.dma_semaphore, #tpu.memory_space<semaphore_mem>>) src(%dma_wait3A_159 : memref<4096xf32, #tpu.memory_space<vmem>>) dst(%dma_wait3A_156 : memref<4096xf32, #tpu.memory_space<hbm>>)
    } else {
    }
    %add3A_19 = arith.constant 96 : i32
    %add3A_20 = arith.addi %add3A, %add3A_19 : i32
    %lt3A_21 = arith.constant 200 : i32
    %lt3A_22 = arith.cmpi slt, %add3A_20, %lt3A_21 : i32
    %convert_element_type3A_23 = arith.extui %lt3A_22 : i1 to i32
    %cond3A_24 = arith.constant 0 : i32
    %cond3A_25 = arith.cmpi ne, %convert_element_type3A_23, %cond3A_24 : i32
    scf.if %cond3A_25 {
      "tpu.region"() ({
        %run_scoped3A = tpu.sem_alloc : memref<!tpu.dma_semaphore, #tpu.memory_space<semaphore_mem>>
        %dma_start3A_160 = arith.constant 0 : i32
        %dma_start3A_161 = tpu.memref_slice %arg2[%add3A_20, %dma_start3A_160] : memref<200x100000xf32, #tpu.memory_space<hbm>> -> memref<1x100000xf32, #tpu.memory_space<hbm>>
        %dma_start3A_162 = tpu.memref_squeeze %dma_start3A_161 : memref<1x100000xf32, #tpu.memory_space<hbm>> -> memref<100000xf32, #tpu.memory_space<hbm>>
        %dma_start3A_163 = arith.constant 0 : i32
        %dma_start3A_164 = tpu.memref_slice %arg2[%add3A_20, %dma_start3A_163] : memref<200x100000xf32, #tpu.memory_space<hbm>> -> memref<1x100000xf32, #tpu.memory_space<hbm>>
        %dma_start3A_165 = tpu.memref_squeeze %dma_start3A_164 : memref<1x100000xf32, #tpu.memory_space<hbm>> -> memref<100000xf32, #tpu.memory_space<hbm>>
        tpu.enqueue_dma source(%dma_start3A_165 : memref<100000xf32, #tpu.memory_space<hbm>>) target(%arg5 : memref<100000xf32, #tpu.memory_space<vmem>>) target_semaphore(%run_scoped3A : memref<!tpu.dma_semaphore, #tpu.memory_space<semaphore_mem>>)
        %dma_wait3A_166 = arith.constant 0 : i32
        %dma_wait3A_167 = tpu.memref_slice %arg2[%add3A_20, %dma_wait3A_166] : memref<200x100000xf32, #tpu.memory_space<hbm>> -> memref<1x100000xf32, #tpu.memory_space<hbm>>
        %dma_wait3A_168 = tpu.memref_squeeze %dma_wait3A_167 : memref<1x100000xf32, #tpu.memory_space<hbm>> -> memref<100000xf32, #tpu.memory_space<hbm>>
        %dma_wait3A_169 = arith.constant 0 : i32
        %dma_wait3A_170 = tpu.memref_slice %arg2[%add3A_20, %dma_wait3A_169] : memref<200x100000xf32, #tpu.memory_space<hbm>> -> memref<1x100000xf32, #tpu.memory_space<hbm>>
        %dma_wait3A_171 = tpu.memref_squeeze %dma_wait3A_170 : memref<1x100000xf32, #tpu.memory_space<hbm>> -> memref<100000xf32, #tpu.memory_space<hbm>>
        tpu.wait_dma2 semaphore(%run_scoped3A : memref<!tpu.dma_semaphore, #tpu.memory_space<semaphore_mem>>) src(%dma_wait3A_171 : memref<100000xf32, #tpu.memory_space<hbm>>) dst(%arg5 : memref<100000xf32, #tpu.memory_space<vmem>>)
        tpu.yield
      }) : () -> ()
      %parallel_loop3A = arith.constant 0 : i32
      %parallel_loop3A_47 = arith.constant 256 : i32
      %parallel_loop3A_48 = arith.constant 1 : i32
      scf.for %parallel_loop3A_160 = %parallel_loop3A to %parallel_loop3A_47 step %parallel_loop3A_48  : i32 {
        %parallel_loop3A_161 = arith.constant 16 : i32
        %parallel_loop3A_162 = arith.muli %parallel_loop3A_160, %parallel_loop3A_161 : i32
        %parallel_loop3A_163 = arith.constant 0 : i32
        %parallel_loop3A_164 = arith.addi %parallel_loop3A_163, %parallel_loop3A_162 : i32
        %parallel_loop3A_165 = arith.index_cast %parallel_loop3A_164 : i32 to index
        %parallel_loop3A_166 = tpu.vector_load %arg6[%parallel_loop3A_165] {strides = array<i32>} : memref<16384xi32, #tpu.memory_space<vmem>>, vector<16xi32>,
        %parallel_loop3A_167 = tpu.vector_load_idx %arg5[%parallel_loop3A_166] : memref<100000xf32, #tpu.memory_space<vmem>>[vector<16xi32>], vector<16xf32>,
        %parallel_loop3A_168 = arith.constant 16 : i32
        %parallel_loop3A_169 = arith.muli %parallel_loop3A_160, %parallel_loop3A_168 : i32
        %parallel_loop3A_170 = arith.constant 0 : i32
        %parallel_loop3A_171 = arith.index_cast %parallel_loop3A_170 : i32 to index
        %parallel_loop3A_172 = arith.index_cast %parallel_loop3A_169 : i32 to index
        %parallel_loop3A_173 = tpu.vector_load %arg7[%parallel_loop3A_171, %parallel_loop3A_172] {strides = array<i32>} : memref<2x4096xf32, #tpu.memory_space<vmem>>, vector<16xf32>,
        tpu.vector_store %arg7[%parallel_loop3A_171, %parallel_loop3A_172], %parallel_loop3A_167 {strides = array<i32>} : memref<2x4096xf32, #tpu.memory_space<vmem>>, vector<16xf32>,
      } {sc.loop_unroll_factor = 16 : i64, sc.parallel_access}
      %dma_start3A = arith.constant 0 : i32
      %dma_start3A_49 = arith.constant 0 : i32
      %dma_start3A_50 = tpu.memref_slice %arg7[%dma_start3A, %dma_start3A_49] : memref<2x4096xf32, #tpu.memory_space<vmem>> -> memref<1x4096xf32, #tpu.memory_space<vmem>>
      %dma_start3A_51 = tpu.memref_squeeze %dma_start3A_50 : memref<1x4096xf32, #tpu.memory_space<vmem>> -> memref<4096xf32, #tpu.memory_space<vmem>>
      %dma_start3A_52 = arith.constant 0 : i32
      %dma_start3A_53 = tpu.memref_slice %arg4[%add3A_20, %dma_start3A_52] : memref<200x16384xf32, #tpu.memory_space<hbm>> -> memref<1x4096xf32, #tpu.memory_space<hbm>>
      %dma_start3A_54 = tpu.memref_squeeze %dma_start3A_53 : memref<1x4096xf32, #tpu.memory_space<hbm>> -> memref<4096xf32, #tpu.memory_space<hbm>>
      %dma_start3A_55 = arith.constant 0 : i32
      %dma_start3A_56 = tpu.memref_slice %arg4[%add3A_20, %dma_start3A_55] : memref<200x16384xf32, #tpu.memory_space<hbm>> -> memref<1x4096xf32, #tpu.memory_space<hbm>>
      %dma_start3A_57 = tpu.memref_squeeze %dma_start3A_56 : memref<1x4096xf32, #tpu.memory_space<hbm>> -> memref<4096xf32, #tpu.memory_space<hbm>>
      %dma_start3A_58 = arith.constant 0 : i32
      %dma_start3A_59 = tpu.memref_slice %arg7[%dma_start3A, %dma_start3A_58] : memref<2x4096xf32, #tpu.memory_space<vmem>> -> memref<1x4096xf32, #tpu.memory_space<vmem>>
      %dma_start3A_60 = tpu.memref_squeeze %dma_start3A_59 : memref<1x4096xf32, #tpu.memory_space<vmem>> -> memref<4096xf32, #tpu.memory_space<vmem>>
      tpu.enqueue_dma source(%dma_start3A_60 : memref<4096xf32, #tpu.memory_space<vmem>>) target(%dma_start3A_57 : memref<4096xf32, #tpu.memory_space<hbm>>) target_semaphore(%arg8 : memref<!tpu.dma_semaphore, #tpu.memory_space<semaphore_mem>>)
      %parallel_loop3A_61 = arith.constant 0 : i32
      %parallel_loop3A_62 = arith.constant 256 : i32
      %parallel_loop3A_63 = arith.constant 1 : i32
      scf.for %parallel_loop3A_160 = %parallel_loop3A_61 to %parallel_loop3A_62 step %parallel_loop3A_63  : i32 {
        %parallel_loop3A_161 = arith.constant 16 : i32
        %parallel_loop3A_162 = arith.muli %parallel_loop3A_160, %parallel_loop3A_161 : i32
        %parallel_loop3A_163 = arith.constant 4096 : i32
        %parallel_loop3A_164 = arith.addi %parallel_loop3A_163, %parallel_loop3A_162 : i32
        %parallel_loop3A_165 = arith.index_cast %parallel_loop3A_164 : i32 to index
        %parallel_loop3A_166 = tpu.vector_load %arg6[%parallel_loop3A_165] {strides = array<i32>} : memref<16384xi32, #tpu.memory_space<vmem>>, vector<16xi32>,
        %parallel_loop3A_167 = tpu.vector_load_idx %arg5[%parallel_loop3A_166] : memref<100000xf32, #tpu.memory_space<vmem>>[vector<16xi32>], vector<16xf32>,
        %parallel_loop3A_168 = arith.constant 16 : i32
        %parallel_loop3A_169 = arith.muli %parallel_loop3A_160, %parallel_loop3A_168 : i32
        %parallel_loop3A_170 = arith.constant 1 : i32
        %parallel_loop3A_171 = arith.index_cast %parallel_loop3A_170 : i32 to index
        %parallel_loop3A_172 = arith.index_cast %parallel_loop3A_169 : i32 to index
        %parallel_loop3A_173 = tpu.vector_load %arg7[%parallel_loop3A_171, %parallel_loop3A_172] {strides = array<i32>} : memref<2x4096xf32, #tpu.memory_space<vmem>>, vector<16xf32>,
        tpu.vector_store %arg7[%parallel_loop3A_171, %parallel_loop3A_172], %parallel_loop3A_167 {strides = array<i32>} : memref<2x4096xf32, #tpu.memory_space<vmem>>, vector<16xf32>,
      } {sc.loop_unroll_factor = 16 : i64, sc.parallel_access}
      %dma_start3A_64 = arith.constant 1 : i32
      %dma_start3A_65 = arith.constant 0 : i32
      %dma_start3A_66 = tpu.memref_slice %arg7[%dma_start3A_64, %dma_start3A_65] : memref<2x4096xf32, #tpu.memory_space<vmem>> -> memref<1x4096xf32, #tpu.memory_space<vmem>>
      %dma_start3A_67 = tpu.memref_squeeze %dma_start3A_66 : memref<1x4096xf32, #tpu.memory_space<vmem>> -> memref<4096xf32, #tpu.memory_space<vmem>>
      %dma_start3A_68 = arith.constant 4096 : i32
      %dma_start3A_69 = tpu.memref_slice %arg4[%add3A_20, %dma_start3A_68] : memref<200x16384xf32, #tpu.memory_space<hbm>> -> memref<1x4096xf32, #tpu.memory_space<hbm>>
      %dma_start3A_70 = tpu.memref_squeeze %dma_start3A_69 : memref<1x4096xf32, #tpu.memory_space<hbm>> -> memref<4096xf32, #tpu.memory_space<hbm>>
      %dma_start3A_71 = arith.constant 4096 : i32
      %dma_start3A_72 = tpu.memref_slice %arg4[%add3A_20, %dma_start3A_71] : memref<200x16384xf32, #tpu.memory_space<hbm>> -> memref<1x4096xf32, #tpu.memory_space<hbm>>
      %dma_start3A_73 = tpu.memref_squeeze %dma_start3A_72 : memref<1x4096xf32, #tpu.memory_space<hbm>> -> memref<4096xf32, #tpu.memory_space<hbm>>
      %dma_start3A_74 = arith.constant 0 : i32
      %dma_start3A_75 = tpu.memref_slice %arg7[%dma_start3A_64, %dma_start3A_74] : memref<2x4096xf32, #tpu.memory_space<vmem>> -> memref<1x4096xf32, #tpu.memory_space<vmem>>
      %dma_start3A_76 = tpu.memref_squeeze %dma_start3A_75 : memref<1x4096xf32, #tpu.memory_space<vmem>> -> memref<4096xf32, #tpu.memory_space<vmem>>
      tpu.enqueue_dma source(%dma_start3A_76 : memref<4096xf32, #tpu.memory_space<vmem>>) target(%dma_start3A_73 : memref<4096xf32, #tpu.memory_space<hbm>>) target_semaphore(%arg9 : memref<!tpu.dma_semaphore, #tpu.memory_space<semaphore_mem>>)
      %dma_wait3A = arith.constant 0 : i32
      %dma_wait3A_77 = arith.constant 0 : i32
      %dma_wait3A_78 = tpu.memref_slice %arg7[%dma_wait3A, %dma_wait3A_77] : memref<2x4096xf32, #tpu.memory_space<vmem>> -> memref<1x4096xf32, #tpu.memory_space<vmem>>
      %dma_wait3A_79 = tpu.memref_squeeze %dma_wait3A_78 : memref<1x4096xf32, #tpu.memory_space<vmem>> -> memref<4096xf32, #tpu.memory_space<vmem>>
      %dma_wait3A_80 = arith.constant 0 : i32
      %dma_wait3A_81 = tpu.memref_slice %arg4[%add3A_20, %dma_wait3A_80] : memref<200x16384xf32, #tpu.memory_space<hbm>> -> memref<1x4096xf32, #tpu.memory_space<hbm>>
      %dma_wait3A_82 = tpu.memref_squeeze %dma_wait3A_81 : memref<1x4096xf32, #tpu.memory_space<hbm>> -> memref<4096xf32, #tpu.memory_space<hbm>>
      %dma_wait3A_83 = arith.constant 0 : i32
      %dma_wait3A_84 = tpu.memref_slice %arg4[%add3A_20, %dma_wait3A_83] : memref<200x16384xf32, #tpu.memory_space<hbm>> -> memref<1x4096xf32, #tpu.memory_space<hbm>>
      %dma_wait3A_85 = tpu.memref_squeeze %dma_wait3A_84 : memref<1x4096xf32, #tpu.memory_space<hbm>> -> memref<4096xf32, #tpu.memory_space<hbm>>
      %dma_wait3A_86 = arith.constant 0 : i32
      %dma_wait3A_87 = tpu.memref_slice %arg7[%dma_wait3A, %dma_wait3A_86] : memref<2x4096xf32, #tpu.memory_space<vmem>> -> memref<1x4096xf32, #tpu.memory_space<vmem>>
      %dma_wait3A_88 = tpu.memref_squeeze %dma_wait3A_87 : memref<1x4096xf32, #tpu.memory_space<vmem>> -> memref<4096xf32, #tpu.memory_space<vmem>>
      tpu.wait_dma2 semaphore(%arg8 : memref<!tpu.dma_semaphore, #tpu.memory_space<semaphore_mem>>) src(%dma_wait3A_88 : memref<4096xf32, #tpu.memory_space<vmem>>) dst(%dma_wait3A_85 : memref<4096xf32, #tpu.memory_space<hbm>>)
      %parallel_loop3A_89 = arith.constant 0 : i32
      %parallel_loop3A_90 = arith.constant 256 : i32
      %parallel_loop3A_91 = arith.constant 1 : i32
      scf.for %parallel_loop3A_160 = %parallel_loop3A_89 to %parallel_loop3A_90 step %parallel_loop3A_91  : i32 {
        %parallel_loop3A_161 = arith.constant 16 : i32
        %parallel_loop3A_162 = arith.muli %parallel_loop3A_160, %parallel_loop3A_161 : i32
        %parallel_loop3A_163 = arith.constant 8192 : i32
        %parallel_loop3A_164 = arith.addi %parallel_loop3A_163, %parallel_loop3A_162 : i32
        %parallel_loop3A_165 = arith.index_cast %parallel_loop3A_164 : i32 to index
        %parallel_loop3A_166 = tpu.vector_load %arg6[%parallel_loop3A_165] {strides = array<i32>} : memref<16384xi32, #tpu.memory_space<vmem>>, vector<16xi32>,
        %parallel_loop3A_167 = tpu.vector_load_idx %arg5[%parallel_loop3A_166] : memref<100000xf32, #tpu.memory_space<vmem>>[vector<16xi32>], vector<16xf32>,
        %parallel_loop3A_168 = arith.constant 16 : i32
        %parallel_loop3A_169 = arith.muli %parallel_loop3A_160, %parallel_loop3A_168 : i32
        %parallel_loop3A_170 = arith.constant 0 : i32
        %parallel_loop3A_171 = arith.index_cast %parallel_loop3A_170 : i32 to index
        %parallel_loop3A_172 = arith.index_cast %parallel_loop3A_169 : i32 to index
        %parallel_loop3A_173 = tpu.vector_load %arg7[%parallel_loop3A_171, %parallel_loop3A_172] {strides = array<i32>} : memref<2x4096xf32, #tpu.memory_space<vmem>>, vector<16xf32>,
        tpu.vector_store %arg7[%parallel_loop3A_171, %parallel_loop3A_172], %parallel_loop3A_167 {strides = array<i32>} : memref<2x4096xf32, #tpu.memory_space<vmem>>, vector<16xf32>,
      } {sc.loop_unroll_factor = 16 : i64, sc.parallel_access}
      %dma_start3A_92 = arith.constant 0 : i32
      %dma_start3A_93 = arith.constant 0 : i32
      %dma_start3A_94 = tpu.memref_slice %arg7[%dma_start3A_92, %dma_start3A_93] : memref<2x4096xf32, #tpu.memory_space<vmem>> -> memref<1x4096xf32, #tpu.memory_space<vmem>>
      %dma_start3A_95 = tpu.memref_squeeze %dma_start3A_94 : memref<1x4096xf32, #tpu.memory_space<vmem>> -> memref<4096xf32, #tpu.memory_space<vmem>>
      %dma_start3A_96 = arith.constant 8192 : i32
      %dma_start3A_97 = tpu.memref_slice %arg4[%add3A_20, %dma_start3A_96] : memref<200x16384xf32, #tpu.memory_space<hbm>> -> memref<1x4096xf32, #tpu.memory_space<hbm>>
      %dma_start3A_98 = tpu.memref_squeeze %dma_start3A_97 : memref<1x4096xf32, #tpu.memory_space<hbm>> -> memref<4096xf32, #tpu.memory_space<hbm>>
      %dma_start3A_99 = arith.constant 8192 : i32
      %dma_start3A_100 = tpu.memref_slice %arg4[%add3A_20, %dma_start3A_99] : memref<200x16384xf32, #tpu.memory_space<hbm>> -> memref<1x4096xf32, #tpu.memory_space<hbm>>
      %dma_start3A_101 = tpu.memref_squeeze %dma_start3A_100 : memref<1x4096xf32, #tpu.memory_space<hbm>> -> memref<4096xf32, #tpu.memory_space<hbm>>
      %dma_start3A_102 = arith.constant 0 : i32
      %dma_start3A_103 = tpu.memref_slice %arg7[%dma_start3A_92, %dma_start3A_102] : memref<2x4096xf32, #tpu.memory_space<vmem>> -> memref<1x4096xf32, #tpu.memory_space<vmem>>
      %dma_start3A_104 = tpu.memref_squeeze %dma_start3A_103 : memref<1x4096xf32, #tpu.memory_space<vmem>> -> memref<4096xf32, #tpu.memory_space<vmem>>
      tpu.enqueue_dma source(%dma_start3A_104 : memref<4096xf32, #tpu.memory_space<vmem>>) target(%dma_start3A_101 : memref<4096xf32, #tpu.memory_space<hbm>>) target_semaphore(%arg8 : memref<!tpu.dma_semaphore, #tpu.memory_space<semaphore_mem>>)
      %dma_wait3A_105 = arith.constant 1 : i32
      %dma_wait3A_106 = arith.constant 0 : i32
      %dma_wait3A_107 = tpu.memref_slice %arg7[%dma_wait3A_105, %dma_wait3A_106] : memref<2x4096xf32, #tpu.memory_space<vmem>> -> memref<1x4096xf32, #tpu.memory_space<vmem>>
      %dma_wait3A_108 = tpu.memref_squeeze %dma_wait3A_107 : memref<1x4096xf32, #tpu.memory_space<vmem>> -> memref<4096xf32, #tpu.memory_space<vmem>>
      %dma_wait3A_109 = arith.constant 4096 : i32
      %dma_wait3A_110 = tpu.memref_slice %arg4[%add3A_20, %dma_wait3A_109] : memref<200x16384xf32, #tpu.memory_space<hbm>> -> memref<1x4096xf32, #tpu.memory_space<hbm>>
      %dma_wait3A_111 = tpu.memref_squeeze %dma_wait3A_110 : memref<1x4096xf32, #tpu.memory_space<hbm>> -> memref<4096xf32, #tpu.memory_space<hbm>>
      %dma_wait3A_112 = arith.constant 4096 : i32
      %dma_wait3A_113 = tpu.memref_slice %arg4[%add3A_20, %dma_wait3A_112] : memref<200x16384xf32, #tpu.memory_space<hbm>> -> memref<1x4096xf32, #tpu.memory_space<hbm>>
      %dma_wait3A_114 = tpu.memref_squeeze %dma_wait3A_113 : memref<1x4096xf32, #tpu.memory_space<hbm>> -> memref<4096xf32, #tpu.memory_space<hbm>>
      %dma_wait3A_115 = arith.constant 0 : i32
      %dma_wait3A_116 = tpu.memref_slice %arg7[%dma_wait3A_105, %dma_wait3A_115] : memref<2x4096xf32, #tpu.memory_space<vmem>> -> memref<1x4096xf32, #tpu.memory_space<vmem>>
      %dma_wait3A_117 = tpu.memref_squeeze %dma_wait3A_116 : memref<1x4096xf32, #tpu.memory_space<vmem>> -> memref<4096xf32, #tpu.memory_space<vmem>>
      tpu.wait_dma2 semaphore(%arg9 : memref<!tpu.dma_semaphore, #tpu.memory_space<semaphore_mem>>) src(%dma_wait3A_117 : memref<4096xf32, #tpu.memory_space<vmem>>) dst(%dma_wait3A_114 : memref<4096xf32, #tpu.memory_space<hbm>>)
      %parallel_loop3A_118 = arith.constant 0 : i32
      %parallel_loop3A_119 = arith.constant 256 : i32
      %parallel_loop3A_120 = arith.constant 1 : i32
      scf.for %parallel_loop3A_160 = %parallel_loop3A_118 to %parallel_loop3A_119 step %parallel_loop3A_120  : i32 {
        %parallel_loop3A_161 = arith.constant 16 : i32
        %parallel_loop3A_162 = arith.muli %parallel_loop3A_160, %parallel_loop3A_161 : i32
        %parallel_loop3A_163 = arith.constant 12288 : i32
        %parallel_loop3A_164 = arith.addi %parallel_loop3A_163, %parallel_loop3A_162 : i32
        %parallel_loop3A_165 = arith.index_cast %parallel_loop3A_164 : i32 to index
        %parallel_loop3A_166 = tpu.vector_load %arg6[%parallel_loop3A_165] {strides = array<i32>} : memref<16384xi32, #tpu.memory_space<vmem>>, vector<16xi32>,
        %parallel_loop3A_167 = tpu.vector_load_idx %arg5[%parallel_loop3A_166] : memref<100000xf32, #tpu.memory_space<vmem>>[vector<16xi32>], vector<16xf32>,
        %parallel_loop3A_168 = arith.constant 16 : i32
        %parallel_loop3A_169 = arith.muli %parallel_loop3A_160, %parallel_loop3A_168 : i32
        %parallel_loop3A_170 = arith.constant 1 : i32
        %parallel_loop3A_171 = arith.index_cast %parallel_loop3A_170 : i32 to index
        %parallel_loop3A_172 = arith.index_cast %parallel_loop3A_169 : i32 to index
        %parallel_loop3A_173 = tpu.vector_load %arg7[%parallel_loop3A_171, %parallel_loop3A_172] {strides = array<i32>} : memref<2x4096xf32, #tpu.memory_space<vmem>>, vector<16xf32>,
        tpu.vector_store %arg7[%parallel_loop3A_171, %parallel_loop3A_172], %parallel_loop3A_167 {strides = array<i32>} : memref<2x4096xf32, #tpu.memory_space<vmem>>, vector<16xf32>,
      } {sc.loop_unroll_factor = 16 : i64, sc.parallel_access}
      %dma_start3A_121 = arith.constant 1 : i32
      %dma_start3A_122 = arith.constant 0 : i32
      %dma_start3A_123 = tpu.memref_slice %arg7[%dma_start3A_121, %dma_start3A_122] : memref<2x4096xf32, #tpu.memory_space<vmem>> -> memref<1x4096xf32, #tpu.memory_space<vmem>>
      %dma_start3A_124 = tpu.memref_squeeze %dma_start3A_123 : memref<1x4096xf32, #tpu.memory_space<vmem>> -> memref<4096xf32, #tpu.memory_space<vmem>>
      %dma_start3A_125 = arith.constant 12288 : i32
      %dma_start3A_126 = tpu.memref_slice %arg4[%add3A_20, %dma_start3A_125] : memref<200x16384xf32, #tpu.memory_space<hbm>> -> memref<1x4096xf32, #tpu.memory_space<hbm>>
      %dma_start3A_127 = tpu.memref_squeeze %dma_start3A_126 : memref<1x4096xf32, #tpu.memory_space<hbm>> -> memref<4096xf32, #tpu.memory_space<hbm>>
      %dma_start3A_128 = arith.constant 12288 : i32
      %dma_start3A_129 = tpu.memref_slice %arg4[%add3A_20, %dma_start3A_128] : memref<200x16384xf32, #tpu.memory_space<hbm>> -> memref<1x4096xf32, #tpu.memory_space<hbm>>
      %dma_start3A_130 = tpu.memref_squeeze %dma_start3A_129 : memref<1x4096xf32, #tpu.memory_space<hbm>> -> memref<4096xf32, #tpu.memory_space<hbm>>
      %dma_start3A_131 = arith.constant 0 : i32
      %dma_start3A_132 = tpu.memref_slice %arg7[%dma_start3A_121, %dma_start3A_131] : memref<2x4096xf32, #tpu.memory_space<vmem>> -> memref<1x4096xf32, #tpu.memory_space<vmem>>
      %dma_start3A_133 = tpu.memref_squeeze %dma_start3A_132 : memref<1x4096xf32, #tpu.memory_space<vmem>> -> memref<4096xf32, #tpu.memory_space<vmem>>
      tpu.enqueue_dma source(%dma_start3A_133 : memref<4096xf32, #tpu.memory_space<vmem>>) target(%dma_start3A_130 : memref<4096xf32, #tpu.memory_space<hbm>>) target_semaphore(%arg9 : memref<!tpu.dma_semaphore, #tpu.memory_space<semaphore_mem>>)
      %dma_wait3A_134 = arith.constant 0 : i32
      %dma_wait3A_135 = arith.constant 0 : i32
      %dma_wait3A_136 = tpu.memref_slice %arg7[%dma_wait3A_134, %dma_wait3A_135] : memref<2x4096xf32, #tpu.memory_space<vmem>> -> memref<1x4096xf32, #tpu.memory_space<vmem>>
      %dma_wait3A_137 = tpu.memref_squeeze %dma_wait3A_136 : memref<1x4096xf32, #tpu.memory_space<vmem>> -> memref<4096xf32, #tpu.memory_space<vmem>>
      %dma_wait3A_138 = arith.constant 8192 : i32
      %dma_wait3A_139 = tpu.memref_slice %arg4[%add3A_20, %dma_wait3A_138] : memref<200x16384xf32, #tpu.memory_space<hbm>> -> memref<1x4096xf32, #tpu.memory_space<hbm>>
      %dma_wait3A_140 = tpu.memref_squeeze %dma_wait3A_139 : memref<1x4096xf32, #tpu.memory_space<hbm>> -> memref<4096xf32, #tpu.memory_space<hbm>>
      %dma_wait3A_141 = arith.constant 8192 : i32
      %dma_wait3A_142 = tpu.memref_slice %arg4[%add3A_20, %dma_wait3A_141] : memref<200x16384xf32, #tpu.memory_space<hbm>> -> memref<1x4096xf32, #tpu.memory_space<hbm>>
      %dma_wait3A_143 = tpu.memref_squeeze %dma_wait3A_142 : memref<1x4096xf32, #tpu.memory_space<hbm>> -> memref<4096xf32, #tpu.memory_space<hbm>>
      %dma_wait3A_144 = arith.constant 0 : i32
      %dma_wait3A_145 = tpu.memref_slice %arg7[%dma_wait3A_134, %dma_wait3A_144] : memref<2x4096xf32, #tpu.memory_space<vmem>> -> memref<1x4096xf32, #tpu.memory_space<vmem>>
      %dma_wait3A_146 = tpu.memref_squeeze %dma_wait3A_145 : memref<1x4096xf32, #tpu.memory_space<vmem>> -> memref<4096xf32, #tpu.memory_space<vmem>>
      tpu.wait_dma2 semaphore(%arg8 : memref<!tpu.dma_semaphore, #tpu.memory_space<semaphore_mem>>) src(%dma_wait3A_146 : memref<4096xf32, #tpu.memory_space<vmem>>) dst(%dma_wait3A_143 : memref<4096xf32, #tpu.memory_space<hbm>>)
      %dma_wait3A_147 = arith.constant 1 : i32
      %dma_wait3A_148 = arith.constant 0 : i32
      %dma_wait3A_149 = tpu.memref_slice %arg7[%dma_wait3A_147, %dma_wait3A_148] : memref<2x4096xf32, #tpu.memory_space<vmem>> -> memref<1x4096xf32, #tpu.memory_space<vmem>>
      %dma_wait3A_150 = tpu.memref_squeeze %dma_wait3A_149 : memref<1x4096xf32, #tpu.memory_space<vmem>> -> memref<4096xf32, #tpu.memory_space<vmem>>
      %dma_wait3A_151 = arith.constant 12288 : i32
      %dma_wait3A_152 = tpu.memref_slice %arg4[%add3A_20, %dma_wait3A_151] : memref<200x16384xf32, #tpu.memory_space<hbm>> -> memref<1x4096xf32, #tpu.memory_space<hbm>>
      %dma_wait3A_153 = tpu.memref_squeeze %dma_wait3A_152 : memref<1x4096xf32, #tpu.memory_space<hbm>> -> memref<4096xf32, #tpu.memory_space<hbm>>
      %dma_wait3A_154 = arith.constant 12288 : i32
      %dma_wait3A_155 = tpu.memref_slice %arg4[%add3A_20, %dma_wait3A_154] : memref<200x16384xf32, #tpu.memory_space<hbm>> -> memref<1x4096xf32, #tpu.memory_space<hbm>>
      %dma_wait3A_156 = tpu.memref_squeeze %dma_wait3A_155 : memref<1x4096xf32, #tpu.memory_space<hbm>> -> memref<4096xf32, #tpu.memory_space<hbm>>
      %dma_wait3A_157 = arith.constant 0 : i32
      %dma_wait3A_158 = tpu.memref_slice %arg7[%dma_wait3A_147, %dma_wait3A_157] : memref<2x4096xf32, #tpu.memory_space<vmem>> -> memref<1x4096xf32, #tpu.memory_space<vmem>>
      %dma_wait3A_159 = tpu.memref_squeeze %dma_wait3A_158 : memref<1x4096xf32, #tpu.memory_space<vmem>> -> memref<4096xf32, #tpu.memory_space<vmem>>
      tpu.wait_dma2 semaphore(%arg9 : memref<!tpu.dma_semaphore, #tpu.memory_space<semaphore_mem>>) src(%dma_wait3A_159 : memref<4096xf32, #tpu.memory_space<vmem>>) dst(%dma_wait3A_156 : memref<4096xf32, #tpu.memory_space<hbm>>)
    } else {
    }
    %add3A_26 = arith.constant 128 : i32
    %add3A_27 = arith.addi %add3A, %add3A_26 : i32
    %lt3A_28 = arith.constant 200 : i32
    %lt3A_29 = arith.cmpi slt, %add3A_27, %lt3A_28 : i32
    %convert_element_type3A_30 = arith.extui %lt3A_29 : i1 to i32
    %cond3A_31 = arith.constant 0 : i32
    %cond3A_32 = arith.cmpi ne, %convert_element_type3A_30, %cond3A_31 : i32
    scf.if %cond3A_32 {
      "tpu.region"() ({
        %run_scoped3A = tpu.sem_alloc : memref<!tpu.dma_semaphore, #tpu.memory_space<semaphore_mem>>
        %dma_start3A_160 = arith.constant 0 : i32
        %dma_start3A_161 = tpu.memref_slice %arg2[%add3A_27, %dma_start3A_160] : memref<200x100000xf32, #tpu.memory_space<hbm>> -> memref<1x100000xf32, #tpu.memory_space<hbm>>
        %dma_start3A_162 = tpu.memref_squeeze %dma_start3A_161 : memref<1x100000xf32, #tpu.memory_space<hbm>> -> memref<100000xf32, #tpu.memory_space<hbm>>
        %dma_start3A_163 = arith.constant 0 : i32
        %dma_start3A_164 = tpu.memref_slice %arg2[%add3A_27, %dma_start3A_163] : memref<200x100000xf32, #tpu.memory_space<hbm>> -> memref<1x100000xf32, #tpu.memory_space<hbm>>
        %dma_start3A_165 = tpu.memref_squeeze %dma_start3A_164 : memref<1x100000xf32, #tpu.memory_space<hbm>> -> memref<100000xf32, #tpu.memory_space<hbm>>
        tpu.enqueue_dma source(%dma_start3A_165 : memref<100000xf32, #tpu.memory_space<hbm>>) target(%arg5 : memref<100000xf32, #tpu.memory_space<vmem>>) target_semaphore(%run_scoped3A : memref<!tpu.dma_semaphore, #tpu.memory_space<semaphore_mem>>)
        %dma_wait3A_166 = arith.constant 0 : i32
        %dma_wait3A_167 = tpu.memref_slice %arg2[%add3A_27, %dma_wait3A_166] : memref<200x100000xf32, #tpu.memory_space<hbm>> -> memref<1x100000xf32, #tpu.memory_space<hbm>>
        %dma_wait3A_168 = tpu.memref_squeeze %dma_wait3A_167 : memref<1x100000xf32, #tpu.memory_space<hbm>> -> memref<100000xf32, #tpu.memory_space<hbm>>
        %dma_wait3A_169 = arith.constant 0 : i32
        %dma_wait3A_170 = tpu.memref_slice %arg2[%add3A_27, %dma_wait3A_169] : memref<200x100000xf32, #tpu.memory_space<hbm>> -> memref<1x100000xf32, #tpu.memory_space<hbm>>
        %dma_wait3A_171 = tpu.memref_squeeze %dma_wait3A_170 : memref<1x100000xf32, #tpu.memory_space<hbm>> -> memref<100000xf32, #tpu.memory_space<hbm>>
        tpu.wait_dma2 semaphore(%run_scoped3A : memref<!tpu.dma_semaphore, #tpu.memory_space<semaphore_mem>>) src(%dma_wait3A_171 : memref<100000xf32, #tpu.memory_space<hbm>>) dst(%arg5 : memref<100000xf32, #tpu.memory_space<vmem>>)
        tpu.yield
      }) : () -> ()
      %parallel_loop3A = arith.constant 0 : i32
      %parallel_loop3A_47 = arith.constant 256 : i32
      %parallel_loop3A_48 = arith.constant 1 : i32
      scf.for %parallel_loop3A_160 = %parallel_loop3A to %parallel_loop3A_47 step %parallel_loop3A_48  : i32 {
        %parallel_loop3A_161 = arith.constant 16 : i32
        %parallel_loop3A_162 = arith.muli %parallel_loop3A_160, %parallel_loop3A_161 : i32
        %parallel_loop3A_163 = arith.constant 0 : i32
        %parallel_loop3A_164 = arith.addi %parallel_loop3A_163, %parallel_loop3A_162 : i32
        %parallel_loop3A_165 = arith.index_cast %parallel_loop3A_164 : i32 to index
        %parallel_loop3A_166 = tpu.vector_load %arg6[%parallel_loop3A_165] {strides = array<i32>} : memref<16384xi32, #tpu.memory_space<vmem>>, vector<16xi32>,
        %parallel_loop3A_167 = tpu.vector_load_idx %arg5[%parallel_loop3A_166] : memref<100000xf32, #tpu.memory_space<vmem>>[vector<16xi32>], vector<16xf32>,
        %parallel_loop3A_168 = arith.constant 16 : i32
        %parallel_loop3A_169 = arith.muli %parallel_loop3A_160, %parallel_loop3A_168 : i32
        %parallel_loop3A_170 = arith.constant 0 : i32
        %parallel_loop3A_171 = arith.index_cast %parallel_loop3A_170 : i32 to index
        %parallel_loop3A_172 = arith.index_cast %parallel_loop3A_169 : i32 to index
        %parallel_loop3A_173 = tpu.vector_load %arg7[%parallel_loop3A_171, %parallel_loop3A_172] {strides = array<i32>} : memref<2x4096xf32, #tpu.memory_space<vmem>>, vector<16xf32>,
        tpu.vector_store %arg7[%parallel_loop3A_171, %parallel_loop3A_172], %parallel_loop3A_167 {strides = array<i32>} : memref<2x4096xf32, #tpu.memory_space<vmem>>, vector<16xf32>,
      } {sc.loop_unroll_factor = 16 : i64, sc.parallel_access}
      %dma_start3A = arith.constant 0 : i32
      %dma_start3A_49 = arith.constant 0 : i32
      %dma_start3A_50 = tpu.memref_slice %arg7[%dma_start3A, %dma_start3A_49] : memref<2x4096xf32, #tpu.memory_space<vmem>> -> memref<1x4096xf32, #tpu.memory_space<vmem>>
      %dma_start3A_51 = tpu.memref_squeeze %dma_start3A_50 : memref<1x4096xf32, #tpu.memory_space<vmem>> -> memref<4096xf32, #tpu.memory_space<vmem>>
      %dma_start3A_52 = arith.constant 0 : i32
      %dma_start3A_53 = tpu.memref_slice %arg4[%add3A_27, %dma_start3A_52] : memref<200x16384xf32, #tpu.memory_space<hbm>> -> memref<1x4096xf32, #tpu.memory_space<hbm>>
      %dma_start3A_54 = tpu.memref_squeeze %dma_start3A_53 : memref<1x4096xf32, #tpu.memory_space<hbm>> -> memref<4096xf32, #tpu.memory_space<hbm>>
      %dma_start3A_55 = arith.constant 0 : i32
      %dma_start3A_56 = tpu.memref_slice %arg4[%add3A_27, %dma_start3A_55] : memref<200x16384xf32, #tpu.memory_space<hbm>> -> memref<1x4096xf32, #tpu.memory_space<hbm>>
      %dma_start3A_57 = tpu.memref_squeeze %dma_start3A_56 : memref<1x4096xf32, #tpu.memory_space<hbm>> -> memref<4096xf32, #tpu.memory_space<hbm>>
      %dma_start3A_58 = arith.constant 0 : i32
      %dma_start3A_59 = tpu.memref_slice %arg7[%dma_start3A, %dma_start3A_58] : memref<2x4096xf32, #tpu.memory_space<vmem>> -> memref<1x4096xf32, #tpu.memory_space<vmem>>
      %dma_start3A_60 = tpu.memref_squeeze %dma_start3A_59 : memref<1x4096xf32, #tpu.memory_space<vmem>> -> memref<4096xf32, #tpu.memory_space<vmem>>
      tpu.enqueue_dma source(%dma_start3A_60 : memref<4096xf32, #tpu.memory_space<vmem>>) target(%dma_start3A_57 : memref<4096xf32, #tpu.memory_space<hbm>>) target_semaphore(%arg8 : memref<!tpu.dma_semaphore, #tpu.memory_space<semaphore_mem>>)
      %parallel_loop3A_61 = arith.constant 0 : i32
      %parallel_loop3A_62 = arith.constant 256 : i32
      %parallel_loop3A_63 = arith.constant 1 : i32
      scf.for %parallel_loop3A_160 = %parallel_loop3A_61 to %parallel_loop3A_62 step %parallel_loop3A_63  : i32 {
        %parallel_loop3A_161 = arith.constant 16 : i32
        %parallel_loop3A_162 = arith.muli %parallel_loop3A_160, %parallel_loop3A_161 : i32
        %parallel_loop3A_163 = arith.constant 4096 : i32
        %parallel_loop3A_164 = arith.addi %parallel_loop3A_163, %parallel_loop3A_162 : i32
        %parallel_loop3A_165 = arith.index_cast %parallel_loop3A_164 : i32 to index
        %parallel_loop3A_166 = tpu.vector_load %arg6[%parallel_loop3A_165] {strides = array<i32>} : memref<16384xi32, #tpu.memory_space<vmem>>, vector<16xi32>,
        %parallel_loop3A_167 = tpu.vector_load_idx %arg5[%parallel_loop3A_166] : memref<100000xf32, #tpu.memory_space<vmem>>[vector<16xi32>], vector<16xf32>,
        %parallel_loop3A_168 = arith.constant 16 : i32
        %parallel_loop3A_169 = arith.muli %parallel_loop3A_160, %parallel_loop3A_168 : i32
        %parallel_loop3A_170 = arith.constant 1 : i32
        %parallel_loop3A_171 = arith.index_cast %parallel_loop3A_170 : i32 to index
        %parallel_loop3A_172 = arith.index_cast %parallel_loop3A_169 : i32 to index
        %parallel_loop3A_173 = tpu.vector_load %arg7[%parallel_loop3A_171, %parallel_loop3A_172] {strides = array<i32>} : memref<2x4096xf32, #tpu.memory_space<vmem>>, vector<16xf32>,
        tpu.vector_store %arg7[%parallel_loop3A_171, %parallel_loop3A_172], %parallel_loop3A_167 {strides = array<i32>} : memref<2x4096xf32, #tpu.memory_space<vmem>>, vector<16xf32>,
      } {sc.loop_unroll_factor = 16 : i64, sc.parallel_access}
      %dma_start3A_64 = arith.constant 1 : i32
      %dma_start3A_65 = arith.constant 0 : i32
      %dma_start3A_66 = tpu.memref_slice %arg7[%dma_start3A_64, %dma_start3A_65] : memref<2x4096xf32, #tpu.memory_space<vmem>> -> memref<1x4096xf32, #tpu.memory_space<vmem>>
      %dma_start3A_67 = tpu.memref_squeeze %dma_start3A_66 : memref<1x4096xf32, #tpu.memory_space<vmem>> -> memref<4096xf32, #tpu.memory_space<vmem>>
      %dma_start3A_68 = arith.constant 4096 : i32
      %dma_start3A_69 = tpu.memref_slice %arg4[%add3A_27, %dma_start3A_68] : memref<200x16384xf32, #tpu.memory_space<hbm>> -> memref<1x4096xf32, #tpu.memory_space<hbm>>
      %dma_start3A_70 = tpu.memref_squeeze %dma_start3A_69 : memref<1x4096xf32, #tpu.memory_space<hbm>> -> memref<4096xf32, #tpu.memory_space<hbm>>
      %dma_start3A_71 = arith.constant 4096 : i32
      %dma_start3A_72 = tpu.memref_slice %arg4[%add3A_27, %dma_start3A_71] : memref<200x16384xf32, #tpu.memory_space<hbm>> -> memref<1x4096xf32, #tpu.memory_space<hbm>>
      %dma_start3A_73 = tpu.memref_squeeze %dma_start3A_72 : memref<1x4096xf32, #tpu.memory_space<hbm>> -> memref<4096xf32, #tpu.memory_space<hbm>>
      %dma_start3A_74 = arith.constant 0 : i32
      %dma_start3A_75 = tpu.memref_slice %arg7[%dma_start3A_64, %dma_start3A_74] : memref<2x4096xf32, #tpu.memory_space<vmem>> -> memref<1x4096xf32, #tpu.memory_space<vmem>>
      %dma_start3A_76 = tpu.memref_squeeze %dma_start3A_75 : memref<1x4096xf32, #tpu.memory_space<vmem>> -> memref<4096xf32, #tpu.memory_space<vmem>>
      tpu.enqueue_dma source(%dma_start3A_76 : memref<4096xf32, #tpu.memory_space<vmem>>) target(%dma_start3A_73 : memref<4096xf32, #tpu.memory_space<hbm>>) target_semaphore(%arg9 : memref<!tpu.dma_semaphore, #tpu.memory_space<semaphore_mem>>)
      %dma_wait3A = arith.constant 0 : i32
      %dma_wait3A_77 = arith.constant 0 : i32
      %dma_wait3A_78 = tpu.memref_slice %arg7[%dma_wait3A, %dma_wait3A_77] : memref<2x4096xf32, #tpu.memory_space<vmem>> -> memref<1x4096xf32, #tpu.memory_space<vmem>>
      %dma_wait3A_79 = tpu.memref_squeeze %dma_wait3A_78 : memref<1x4096xf32, #tpu.memory_space<vmem>> -> memref<4096xf32, #tpu.memory_space<vmem>>
      %dma_wait3A_80 = arith.constant 0 : i32
      %dma_wait3A_81 = tpu.memref_slice %arg4[%add3A_27, %dma_wait3A_80] : memref<200x16384xf32, #tpu.memory_space<hbm>> -> memref<1x4096xf32, #tpu.memory_space<hbm>>
      %dma_wait3A_82 = tpu.memref_squeeze %dma_wait3A_81 : memref<1x4096xf32, #tpu.memory_space<hbm>> -> memref<4096xf32, #tpu.memory_space<hbm>>
      %dma_wait3A_83 = arith.constant 0 : i32
      %dma_wait3A_84 = tpu.memref_slice %arg4[%add3A_27, %dma_wait3A_83] : memref<200x16384xf32, #tpu.memory_space<hbm>> -> memref<1x4096xf32, #tpu.memory_space<hbm>>
      %dma_wait3A_85 = tpu.memref_squeeze %dma_wait3A_84 : memref<1x4096xf32, #tpu.memory_space<hbm>> -> memref<4096xf32, #tpu.memory_space<hbm>>
      %dma_wait3A_86 = arith.constant 0 : i32
      %dma_wait3A_87 = tpu.memref_slice %arg7[%dma_wait3A, %dma_wait3A_86] : memref<2x4096xf32, #tpu.memory_space<vmem>> -> memref<1x4096xf32, #tpu.memory_space<vmem>>
      %dma_wait3A_88 = tpu.memref_squeeze %dma_wait3A_87 : memref<1x4096xf32, #tpu.memory_space<vmem>> -> memref<4096xf32, #tpu.memory_space<vmem>>
      tpu.wait_dma2 semaphore(%arg8 : memref<!tpu.dma_semaphore, #tpu.memory_space<semaphore_mem>>) src(%dma_wait3A_88 : memref<4096xf32, #tpu.memory_space<vmem>>) dst(%dma_wait3A_85 : memref<4096xf32, #tpu.memory_space<hbm>>)
      %parallel_loop3A_89 = arith.constant 0 : i32
      %parallel_loop3A_90 = arith.constant 256 : i32
      %parallel_loop3A_91 = arith.constant 1 : i32
      scf.for %parallel_loop3A_160 = %parallel_loop3A_89 to %parallel_loop3A_90 step %parallel_loop3A_91  : i32 {
        %parallel_loop3A_161 = arith.constant 16 : i32
        %parallel_loop3A_162 = arith.muli %parallel_loop3A_160, %parallel_loop3A_161 : i32
        %parallel_loop3A_163 = arith.constant 8192 : i32
        %parallel_loop3A_164 = arith.addi %parallel_loop3A_163, %parallel_loop3A_162 : i32
        %parallel_loop3A_165 = arith.index_cast %parallel_loop3A_164 : i32 to index
        %parallel_loop3A_166 = tpu.vector_load %arg6[%parallel_loop3A_165] {strides = array<i32>} : memref<16384xi32, #tpu.memory_space<vmem>>, vector<16xi32>,
        %parallel_loop3A_167 = tpu.vector_load_idx %arg5[%parallel_loop3A_166] : memref<100000xf32, #tpu.memory_space<vmem>>[vector<16xi32>], vector<16xf32>,
        %parallel_loop3A_168 = arith.constant 16 : i32
        %parallel_loop3A_169 = arith.muli %parallel_loop3A_160, %parallel_loop3A_168 : i32
        %parallel_loop3A_170 = arith.constant 0 : i32
        %parallel_loop3A_171 = arith.index_cast %parallel_loop3A_170 : i32 to index
        %parallel_loop3A_172 = arith.index_cast %parallel_loop3A_169 : i32 to index
        %parallel_loop3A_173 = tpu.vector_load %arg7[%parallel_loop3A_171, %parallel_loop3A_172] {strides = array<i32>} : memref<2x4096xf32, #tpu.memory_space<vmem>>, vector<16xf32>,
        tpu.vector_store %arg7[%parallel_loop3A_171, %parallel_loop3A_172], %parallel_loop3A_167 {strides = array<i32>} : memref<2x4096xf32, #tpu.memory_space<vmem>>, vector<16xf32>,
      } {sc.loop_unroll_factor = 16 : i64, sc.parallel_access}
      %dma_start3A_92 = arith.constant 0 : i32
      %dma_start3A_93 = arith.constant 0 : i32
      %dma_start3A_94 = tpu.memref_slice %arg7[%dma_start3A_92, %dma_start3A_93] : memref<2x4096xf32, #tpu.memory_space<vmem>> -> memref<1x4096xf32, #tpu.memory_space<vmem>>
      %dma_start3A_95 = tpu.memref_squeeze %dma_start3A_94 : memref<1x4096xf32, #tpu.memory_space<vmem>> -> memref<4096xf32, #tpu.memory_space<vmem>>
      %dma_start3A_96 = arith.constant 8192 : i32
      %dma_start3A_97 = tpu.memref_slice %arg4[%add3A_27, %dma_start3A_96] : memref<200x16384xf32, #tpu.memory_space<hbm>> -> memref<1x4096xf32, #tpu.memory_space<hbm>>
      %dma_start3A_98 = tpu.memref_squeeze %dma_start3A_97 : memref<1x4096xf32, #tpu.memory_space<hbm>> -> memref<4096xf32, #tpu.memory_space<hbm>>
      %dma_start3A_99 = arith.constant 8192 : i32
      %dma_start3A_100 = tpu.memref_slice %arg4[%add3A_27, %dma_start3A_99] : memref<200x16384xf32, #tpu.memory_space<hbm>> -> memref<1x4096xf32, #tpu.memory_space<hbm>>
      %dma_start3A_101 = tpu.memref_squeeze %dma_start3A_100 : memref<1x4096xf32, #tpu.memory_space<hbm>> -> memref<4096xf32, #tpu.memory_space<hbm>>
      %dma_start3A_102 = arith.constant 0 : i32
      %dma_start3A_103 = tpu.memref_slice %arg7[%dma_start3A_92, %dma_start3A_102] : memref<2x4096xf32, #tpu.memory_space<vmem>> -> memref<1x4096xf32, #tpu.memory_space<vmem>>
      %dma_start3A_104 = tpu.memref_squeeze %dma_start3A_103 : memref<1x4096xf32, #tpu.memory_space<vmem>> -> memref<4096xf32, #tpu.memory_space<vmem>>
      tpu.enqueue_dma source(%dma_start3A_104 : memref<4096xf32, #tpu.memory_space<vmem>>) target(%dma_start3A_101 : memref<4096xf32, #tpu.memory_space<hbm>>) target_semaphore(%arg8 : memref<!tpu.dma_semaphore, #tpu.memory_space<semaphore_mem>>)
      %dma_wait3A_105 = arith.constant 1 : i32
      %dma_wait3A_106 = arith.constant 0 : i32
      %dma_wait3A_107 = tpu.memref_slice %arg7[%dma_wait3A_105, %dma_wait3A_106] : memref<2x4096xf32, #tpu.memory_space<vmem>> -> memref<1x4096xf32, #tpu.memory_space<vmem>>
      %dma_wait3A_108 = tpu.memref_squeeze %dma_wait3A_107 : memref<1x4096xf32, #tpu.memory_space<vmem>> -> memref<4096xf32, #tpu.memory_space<vmem>>
      %dma_wait3A_109 = arith.constant 4096 : i32
      %dma_wait3A_110 = tpu.memref_slice %arg4[%add3A_27, %dma_wait3A_109] : memref<200x16384xf32, #tpu.memory_space<hbm>> -> memref<1x4096xf32, #tpu.memory_space<hbm>>
      %dma_wait3A_111 = tpu.memref_squeeze %dma_wait3A_110 : memref<1x4096xf32, #tpu.memory_space<hbm>> -> memref<4096xf32, #tpu.memory_space<hbm>>
      %dma_wait3A_112 = arith.constant 4096 : i32
      %dma_wait3A_113 = tpu.memref_slice %arg4[%add3A_27, %dma_wait3A_112] : memref<200x16384xf32, #tpu.memory_space<hbm>> -> memref<1x4096xf32, #tpu.memory_space<hbm>>
      %dma_wait3A_114 = tpu.memref_squeeze %dma_wait3A_113 : memref<1x4096xf32, #tpu.memory_space<hbm>> -> memref<4096xf32, #tpu.memory_space<hbm>>
      %dma_wait3A_115 = arith.constant 0 : i32
      %dma_wait3A_116 = tpu.memref_slice %arg7[%dma_wait3A_105, %dma_wait3A_115] : memref<2x4096xf32, #tpu.memory_space<vmem>> -> memref<1x4096xf32, #tpu.memory_space<vmem>>
      %dma_wait3A_117 = tpu.memref_squeeze %dma_wait3A_116 : memref<1x4096xf32, #tpu.memory_space<vmem>> -> memref<4096xf32, #tpu.memory_space<vmem>>
      tpu.wait_dma2 semaphore(%arg9 : memref<!tpu.dma_semaphore, #tpu.memory_space<semaphore_mem>>) src(%dma_wait3A_117 : memref<4096xf32, #tpu.memory_space<vmem>>) dst(%dma_wait3A_114 : memref<4096xf32, #tpu.memory_space<hbm>>)
      %parallel_loop3A_118 = arith.constant 0 : i32
      %parallel_loop3A_119 = arith.constant 256 : i32
      %parallel_loop3A_120 = arith.constant 1 : i32
      scf.for %parallel_loop3A_160 = %parallel_loop3A_118 to %parallel_loop3A_119 step %parallel_loop3A_120  : i32 {
        %parallel_loop3A_161 = arith.constant 16 : i32
        %parallel_loop3A_162 = arith.muli %parallel_loop3A_160, %parallel_loop3A_161 : i32
        %parallel_loop3A_163 = arith.constant 12288 : i32
        %parallel_loop3A_164 = arith.addi %parallel_loop3A_163, %parallel_loop3A_162 : i32
        %parallel_loop3A_165 = arith.index_cast %parallel_loop3A_164 : i32 to index
        %parallel_loop3A_166 = tpu.vector_load %arg6[%parallel_loop3A_165] {strides = array<i32>} : memref<16384xi32, #tpu.memory_space<vmem>>, vector<16xi32>,
        %parallel_loop3A_167 = tpu.vector_load_idx %arg5[%parallel_loop3A_166] : memref<100000xf32, #tpu.memory_space<vmem>>[vector<16xi32>], vector<16xf32>,
        %parallel_loop3A_168 = arith.constant 16 : i32
        %parallel_loop3A_169 = arith.muli %parallel_loop3A_160, %parallel_loop3A_168 : i32
        %parallel_loop3A_170 = arith.constant 1 : i32
        %parallel_loop3A_171 = arith.index_cast %parallel_loop3A_170 : i32 to index
        %parallel_loop3A_172 = arith.index_cast %parallel_loop3A_169 : i32 to index
        %parallel_loop3A_173 = tpu.vector_load %arg7[%parallel_loop3A_171, %parallel_loop3A_172] {strides = array<i32>} : memref<2x4096xf32, #tpu.memory_space<vmem>>, vector<16xf32>,
        tpu.vector_store %arg7[%parallel_loop3A_171, %parallel_loop3A_172], %parallel_loop3A_167 {strides = array<i32>} : memref<2x4096xf32, #tpu.memory_space<vmem>>, vector<16xf32>,
      } {sc.loop_unroll_factor = 16 : i64, sc.parallel_access}
      %dma_start3A_121 = arith.constant 1 : i32
      %dma_start3A_122 = arith.constant 0 : i32
      %dma_start3A_123 = tpu.memref_slice %arg7[%dma_start3A_121, %dma_start3A_122] : memref<2x4096xf32, #tpu.memory_space<vmem>> -> memref<1x4096xf32, #tpu.memory_space<vmem>>
      %dma_start3A_124 = tpu.memref_squeeze %dma_start3A_123 : memref<1x4096xf32, #tpu.memory_space<vmem>> -> memref<4096xf32, #tpu.memory_space<vmem>>
      %dma_start3A_125 = arith.constant 12288 : i32
      %dma_start3A_126 = tpu.memref_slice %arg4[%add3A_27, %dma_start3A_125] : memref<200x16384xf32, #tpu.memory_space<hbm>> -> memref<1x4096xf32, #tpu.memory_space<hbm>>
      %dma_start3A_127 = tpu.memref_squeeze %dma_start3A_126 : memref<1x4096xf32, #tpu.memory_space<hbm>> -> memref<4096xf32, #tpu.memory_space<hbm>>
      %dma_start3A_128 = arith.constant 12288 : i32
      %dma_start3A_129 = tpu.memref_slice %arg4[%add3A_27, %dma_start3A_128] : memref<200x16384xf32, #tpu.memory_space<hbm>> -> memref<1x4096xf32, #tpu.memory_space<hbm>>
      %dma_start3A_130 = tpu.memref_squeeze %dma_start3A_129 : memref<1x4096xf32, #tpu.memory_space<hbm>> -> memref<4096xf32, #tpu.memory_space<hbm>>
      %dma_start3A_131 = arith.constant 0 : i32
      %dma_start3A_132 = tpu.memref_slice %arg7[%dma_start3A_121, %dma_start3A_131] : memref<2x4096xf32, #tpu.memory_space<vmem>> -> memref<1x4096xf32, #tpu.memory_space<vmem>>
      %dma_start3A_133 = tpu.memref_squeeze %dma_start3A_132 : memref<1x4096xf32, #tpu.memory_space<vmem>> -> memref<4096xf32, #tpu.memory_space<vmem>>
      tpu.enqueue_dma source(%dma_start3A_133 : memref<4096xf32, #tpu.memory_space<vmem>>) target(%dma_start3A_130 : memref<4096xf32, #tpu.memory_space<hbm>>) target_semaphore(%arg9 : memref<!tpu.dma_semaphore, #tpu.memory_space<semaphore_mem>>)
      %dma_wait3A_134 = arith.constant 0 : i32
      %dma_wait3A_135 = arith.constant 0 : i32
      %dma_wait3A_136 = tpu.memref_slice %arg7[%dma_wait3A_134, %dma_wait3A_135] : memref<2x4096xf32, #tpu.memory_space<vmem>> -> memref<1x4096xf32, #tpu.memory_space<vmem>>
      %dma_wait3A_137 = tpu.memref_squeeze %dma_wait3A_136 : memref<1x4096xf32, #tpu.memory_space<vmem>> -> memref<4096xf32, #tpu.memory_space<vmem>>
      %dma_wait3A_138 = arith.constant 8192 : i32
      %dma_wait3A_139 = tpu.memref_slice %arg4[%add3A_27, %dma_wait3A_138] : memref<200x16384xf32, #tpu.memory_space<hbm>> -> memref<1x4096xf32, #tpu.memory_space<hbm>>
      %dma_wait3A_140 = tpu.memref_squeeze %dma_wait3A_139 : memref<1x4096xf32, #tpu.memory_space<hbm>> -> memref<4096xf32, #tpu.memory_space<hbm>>
      %dma_wait3A_141 = arith.constant 8192 : i32
      %dma_wait3A_142 = tpu.memref_slice %arg4[%add3A_27, %dma_wait3A_141] : memref<200x16384xf32, #tpu.memory_space<hbm>> -> memref<1x4096xf32, #tpu.memory_space<hbm>>
      %dma_wait3A_143 = tpu.memref_squeeze %dma_wait3A_142 : memref<1x4096xf32, #tpu.memory_space<hbm>> -> memref<4096xf32, #tpu.memory_space<hbm>>
      %dma_wait3A_144 = arith.constant 0 : i32
      %dma_wait3A_145 = tpu.memref_slice %arg7[%dma_wait3A_134, %dma_wait3A_144] : memref<2x4096xf32, #tpu.memory_space<vmem>> -> memref<1x4096xf32, #tpu.memory_space<vmem>>
      %dma_wait3A_146 = tpu.memref_squeeze %dma_wait3A_145 : memref<1x4096xf32, #tpu.memory_space<vmem>> -> memref<4096xf32, #tpu.memory_space<vmem>>
      tpu.wait_dma2 semaphore(%arg8 : memref<!tpu.dma_semaphore, #tpu.memory_space<semaphore_mem>>) src(%dma_wait3A_146 : memref<4096xf32, #tpu.memory_space<vmem>>) dst(%dma_wait3A_143 : memref<4096xf32, #tpu.memory_space<hbm>>)
      %dma_wait3A_147 = arith.constant 1 : i32
      %dma_wait3A_148 = arith.constant 0 : i32
      %dma_wait3A_149 = tpu.memref_slice %arg7[%dma_wait3A_147, %dma_wait3A_148] : memref<2x4096xf32, #tpu.memory_space<vmem>> -> memref<1x4096xf32, #tpu.memory_space<vmem>>
      %dma_wait3A_150 = tpu.memref_squeeze %dma_wait3A_149 : memref<1x4096xf32, #tpu.memory_space<vmem>> -> memref<4096xf32, #tpu.memory_space<vmem>>
      %dma_wait3A_151 = arith.constant 12288 : i32
      %dma_wait3A_152 = tpu.memref_slice %arg4[%add3A_27, %dma_wait3A_151] : memref<200x16384xf32, #tpu.memory_space<hbm>> -> memref<1x4096xf32, #tpu.memory_space<hbm>>
      %dma_wait3A_153 = tpu.memref_squeeze %dma_wait3A_152 : memref<1x4096xf32, #tpu.memory_space<hbm>> -> memref<4096xf32, #tpu.memory_space<hbm>>
      %dma_wait3A_154 = arith.constant 12288 : i32
      %dma_wait3A_155 = tpu.memref_slice %arg4[%add3A_27, %dma_wait3A_154] : memref<200x16384xf32, #tpu.memory_space<hbm>> -> memref<1x4096xf32, #tpu.memory_space<hbm>>
      %dma_wait3A_156 = tpu.memref_squeeze %dma_wait3A_155 : memref<1x4096xf32, #tpu.memory_space<hbm>> -> memref<4096xf32, #tpu.memory_space<hbm>>
      %dma_wait3A_157 = arith.constant 0 : i32
      %dma_wait3A_158 = tpu.memref_slice %arg7[%dma_wait3A_147, %dma_wait3A_157] : memref<2x4096xf32, #tpu.memory_space<vmem>> -> memref<1x4096xf32, #tpu.memory_space<vmem>>
      %dma_wait3A_159 = tpu.memref_squeeze %dma_wait3A_158 : memref<1x4096xf32, #tpu.memory_space<vmem>> -> memref<4096xf32, #tpu.memory_space<vmem>>
      tpu.wait_dma2 semaphore(%arg9 : memref<!tpu.dma_semaphore, #tpu.memory_space<semaphore_mem>>) src(%dma_wait3A_159 : memref<4096xf32, #tpu.memory_space<vmem>>) dst(%dma_wait3A_156 : memref<4096xf32, #tpu.memory_space<hbm>>)
    } else {
    }
    %add3A_33 = arith.constant 160 : i32
    %add3A_34 = arith.addi %add3A, %add3A_33 : i32
    %lt3A_35 = arith.constant 200 : i32
    %lt3A_36 = arith.cmpi slt, %add3A_34, %lt3A_35 : i32
    %convert_element_type3A_37 = arith.extui %lt3A_36 : i1 to i32
    %cond3A_38 = arith.constant 0 : i32
    %cond3A_39 = arith.cmpi ne, %convert_element_type3A_37, %cond3A_38 : i32
    scf.if %cond3A_39 {
      "tpu.region"() ({
        %run_scoped3A = tpu.sem_alloc : memref<!tpu.dma_semaphore, #tpu.memory_space<semaphore_mem>>
        %dma_start3A_160 = arith.constant 0 : i32
        %dma_start3A_161 = tpu.memref_slice %arg2[%add3A_34, %dma_start3A_160] : memref<200x100000xf32, #tpu.memory_space<hbm>> -> memref<1x100000xf32, #tpu.memory_space<hbm>>
        %dma_start3A_162 = tpu.memref_squeeze %dma_start3A_161 : memref<1x100000xf32, #tpu.memory_space<hbm>> -> memref<100000xf32, #tpu.memory_space<hbm>>
        %dma_start3A_163 = arith.constant 0 : i32
        %dma_start3A_164 = tpu.memref_slice %arg2[%add3A_34, %dma_start3A_163] : memref<200x100000xf32, #tpu.memory_space<hbm>> -> memref<1x100000xf32, #tpu.memory_space<hbm>>
        %dma_start3A_165 = tpu.memref_squeeze %dma_start3A_164 : memref<1x100000xf32, #tpu.memory_space<hbm>> -> memref<100000xf32, #tpu.memory_space<hbm>>
        tpu.enqueue_dma source(%dma_start3A_165 : memref<100000xf32, #tpu.memory_space<hbm>>) target(%arg5 : memref<100000xf32, #tpu.memory_space<vmem>>) target_semaphore(%run_scoped3A : memref<!tpu.dma_semaphore, #tpu.memory_space<semaphore_mem>>)
        %dma_wait3A_166 = arith.constant 0 : i32
        %dma_wait3A_167 = tpu.memref_slice %arg2[%add3A_34, %dma_wait3A_166] : memref<200x100000xf32, #tpu.memory_space<hbm>> -> memref<1x100000xf32, #tpu.memory_space<hbm>>
        %dma_wait3A_168 = tpu.memref_squeeze %dma_wait3A_167 : memref<1x100000xf32, #tpu.memory_space<hbm>> -> memref<100000xf32, #tpu.memory_space<hbm>>
        %dma_wait3A_169 = arith.constant 0 : i32
        %dma_wait3A_170 = tpu.memref_slice %arg2[%add3A_34, %dma_wait3A_169] : memref<200x100000xf32, #tpu.memory_space<hbm>> -> memref<1x100000xf32, #tpu.memory_space<hbm>>
        %dma_wait3A_171 = tpu.memref_squeeze %dma_wait3A_170 : memref<1x100000xf32, #tpu.memory_space<hbm>> -> memref<100000xf32, #tpu.memory_space<hbm>>
        tpu.wait_dma2 semaphore(%run_scoped3A : memref<!tpu.dma_semaphore, #tpu.memory_space<semaphore_mem>>) src(%dma_wait3A_171 : memref<100000xf32, #tpu.memory_space<hbm>>) dst(%arg5 : memref<100000xf32, #tpu.memory_space<vmem>>)
        tpu.yield
      }) : () -> ()
      %parallel_loop3A = arith.constant 0 : i32
      %parallel_loop3A_47 = arith.constant 256 : i32
      %parallel_loop3A_48 = arith.constant 1 : i32
      scf.for %parallel_loop3A_160 = %parallel_loop3A to %parallel_loop3A_47 step %parallel_loop3A_48  : i32 {
        %parallel_loop3A_161 = arith.constant 16 : i32
        %parallel_loop3A_162 = arith.muli %parallel_loop3A_160, %parallel_loop3A_161 : i32
        %parallel_loop3A_163 = arith.constant 0 : i32
        %parallel_loop3A_164 = arith.addi %parallel_loop3A_163, %parallel_loop3A_162 : i32
        %parallel_loop3A_165 = arith.index_cast %parallel_loop3A_164 : i32 to index
        %parallel_loop3A_166 = tpu.vector_load %arg6[%parallel_loop3A_165] {strides = array<i32>} : memref<16384xi32, #tpu.memory_space<vmem>>, vector<16xi32>,
        %parallel_loop3A_167 = tpu.vector_load_idx %arg5[%parallel_loop3A_166] : memref<100000xf32, #tpu.memory_space<vmem>>[vector<16xi32>], vector<16xf32>,
        %parallel_loop3A_168 = arith.constant 16 : i32
        %parallel_loop3A_169 = arith.muli %parallel_loop3A_160, %parallel_loop3A_168 : i32
        %parallel_loop3A_170 = arith.constant 0 : i32
        %parallel_loop3A_171 = arith.index_cast %parallel_loop3A_170 : i32 to index
        %parallel_loop3A_172 = arith.index_cast %parallel_loop3A_169 : i32 to index
        %parallel_loop3A_173 = tpu.vector_load %arg7[%parallel_loop3A_171, %parallel_loop3A_172] {strides = array<i32>} : memref<2x4096xf32, #tpu.memory_space<vmem>>, vector<16xf32>,
        tpu.vector_store %arg7[%parallel_loop3A_171, %parallel_loop3A_172], %parallel_loop3A_167 {strides = array<i32>} : memref<2x4096xf32, #tpu.memory_space<vmem>>, vector<16xf32>,
      } {sc.loop_unroll_factor = 16 : i64, sc.parallel_access}
      %dma_start3A = arith.constant 0 : i32
      %dma_start3A_49 = arith.constant 0 : i32
      %dma_start3A_50 = tpu.memref_slice %arg7[%dma_start3A, %dma_start3A_49] : memref<2x4096xf32, #tpu.memory_space<vmem>> -> memref<1x4096xf32, #tpu.memory_space<vmem>>
      %dma_start3A_51 = tpu.memref_squeeze %dma_start3A_50 : memref<1x4096xf32, #tpu.memory_space<vmem>> -> memref<4096xf32, #tpu.memory_space<vmem>>
      %dma_start3A_52 = arith.constant 0 : i32
      %dma_start3A_53 = tpu.memref_slice %arg4[%add3A_34, %dma_start3A_52] : memref<200x16384xf32, #tpu.memory_space<hbm>> -> memref<1x4096xf32, #tpu.memory_space<hbm>>
      %dma_start3A_54 = tpu.memref_squeeze %dma_start3A_53 : memref<1x4096xf32, #tpu.memory_space<hbm>> -> memref<4096xf32, #tpu.memory_space<hbm>>
      %dma_start3A_55 = arith.constant 0 : i32
      %dma_start3A_56 = tpu.memref_slice %arg4[%add3A_34, %dma_start3A_55] : memref<200x16384xf32, #tpu.memory_space<hbm>> -> memref<1x4096xf32, #tpu.memory_space<hbm>>
      %dma_start3A_57 = tpu.memref_squeeze %dma_start3A_56 : memref<1x4096xf32, #tpu.memory_space<hbm>> -> memref<4096xf32, #tpu.memory_space<hbm>>
      %dma_start3A_58 = arith.constant 0 : i32
      %dma_start3A_59 = tpu.memref_slice %arg7[%dma_start3A, %dma_start3A_58] : memref<2x4096xf32, #tpu.memory_space<vmem>> -> memref<1x4096xf32, #tpu.memory_space<vmem>>
      %dma_start3A_60 = tpu.memref_squeeze %dma_start3A_59 : memref<1x4096xf32, #tpu.memory_space<vmem>> -> memref<4096xf32, #tpu.memory_space<vmem>>
      tpu.enqueue_dma source(%dma_start3A_60 : memref<4096xf32, #tpu.memory_space<vmem>>) target(%dma_start3A_57 : memref<4096xf32, #tpu.memory_space<hbm>>) target_semaphore(%arg8 : memref<!tpu.dma_semaphore, #tpu.memory_space<semaphore_mem>>)
      %parallel_loop3A_61 = arith.constant 0 : i32
      %parallel_loop3A_62 = arith.constant 256 : i32
      %parallel_loop3A_63 = arith.constant 1 : i32
      scf.for %parallel_loop3A_160 = %parallel_loop3A_61 to %parallel_loop3A_62 step %parallel_loop3A_63  : i32 {
        %parallel_loop3A_161 = arith.constant 16 : i32
        %parallel_loop3A_162 = arith.muli %parallel_loop3A_160, %parallel_loop3A_161 : i32
        %parallel_loop3A_163 = arith.constant 4096 : i32
        %parallel_loop3A_164 = arith.addi %parallel_loop3A_163, %parallel_loop3A_162 : i32
        %parallel_loop3A_165 = arith.index_cast %parallel_loop3A_164 : i32 to index
        %parallel_loop3A_166 = tpu.vector_load %arg6[%parallel_loop3A_165] {strides = array<i32>} : memref<16384xi32, #tpu.memory_space<vmem>>, vector<16xi32>,
        %parallel_loop3A_167 = tpu.vector_load_idx %arg5[%parallel_loop3A_166] : memref<100000xf32, #tpu.memory_space<vmem>>[vector<16xi32>], vector<16xf32>,
        %parallel_loop3A_168 = arith.constant 16 : i32
        %parallel_loop3A_169 = arith.muli %parallel_loop3A_160, %parallel_loop3A_168 : i32
        %parallel_loop3A_170 = arith.constant 1 : i32
        %parallel_loop3A_171 = arith.index_cast %parallel_loop3A_170 : i32 to index
        %parallel_loop3A_172 = arith.index_cast %parallel_loop3A_169 : i32 to index
        %parallel_loop3A_173 = tpu.vector_load %arg7[%parallel_loop3A_171, %parallel_loop3A_172] {strides = array<i32>} : memref<2x4096xf32, #tpu.memory_space<vmem>>, vector<16xf32>,
        tpu.vector_store %arg7[%parallel_loop3A_171, %parallel_loop3A_172], %parallel_loop3A_167 {strides = array<i32>} : memref<2x4096xf32, #tpu.memory_space<vmem>>, vector<16xf32>,
      } {sc.loop_unroll_factor = 16 : i64, sc.parallel_access}
      %dma_start3A_64 = arith.constant 1 : i32
      %dma_start3A_65 = arith.constant 0 : i32
      %dma_start3A_66 = tpu.memref_slice %arg7[%dma_start3A_64, %dma_start3A_65] : memref<2x4096xf32, #tpu.memory_space<vmem>> -> memref<1x4096xf32, #tpu.memory_space<vmem>>
      %dma_start3A_67 = tpu.memref_squeeze %dma_start3A_66 : memref<1x4096xf32, #tpu.memory_space<vmem>> -> memref<4096xf32, #tpu.memory_space<vmem>>
      %dma_start3A_68 = arith.constant 4096 : i32
      %dma_start3A_69 = tpu.memref_slice %arg4[%add3A_34, %dma_start3A_68] : memref<200x16384xf32, #tpu.memory_space<hbm>> -> memref<1x4096xf32, #tpu.memory_space<hbm>>
      %dma_start3A_70 = tpu.memref_squeeze %dma_start3A_69 : memref<1x4096xf32, #tpu.memory_space<hbm>> -> memref<4096xf32, #tpu.memory_space<hbm>>
      %dma_start3A_71 = arith.constant 4096 : i32
      %dma_start3A_72 = tpu.memref_slice %arg4[%add3A_34, %dma_start3A_71] : memref<200x16384xf32, #tpu.memory_space<hbm>> -> memref<1x4096xf32, #tpu.memory_space<hbm>>
      %dma_start3A_73 = tpu.memref_squeeze %dma_start3A_72 : memref<1x4096xf32, #tpu.memory_space<hbm>> -> memref<4096xf32, #tpu.memory_space<hbm>>
      %dma_start3A_74 = arith.constant 0 : i32
      %dma_start3A_75 = tpu.memref_slice %arg7[%dma_start3A_64, %dma_start3A_74] : memref<2x4096xf32, #tpu.memory_space<vmem>> -> memref<1x4096xf32, #tpu.memory_space<vmem>>
      %dma_start3A_76 = tpu.memref_squeeze %dma_start3A_75 : memref<1x4096xf32, #tpu.memory_space<vmem>> -> memref<4096xf32, #tpu.memory_space<vmem>>
      tpu.enqueue_dma source(%dma_start3A_76 : memref<4096xf32, #tpu.memory_space<vmem>>) target(%dma_start3A_73 : memref<4096xf32, #tpu.memory_space<hbm>>) target_semaphore(%arg9 : memref<!tpu.dma_semaphore, #tpu.memory_space<semaphore_mem>>)
      %dma_wait3A = arith.constant 0 : i32
      %dma_wait3A_77 = arith.constant 0 : i32
      %dma_wait3A_78 = tpu.memref_slice %arg7[%dma_wait3A, %dma_wait3A_77] : memref<2x4096xf32, #tpu.memory_space<vmem>> -> memref<1x4096xf32, #tpu.memory_space<vmem>>
      %dma_wait3A_79 = tpu.memref_squeeze %dma_wait3A_78 : memref<1x4096xf32, #tpu.memory_space<vmem>> -> memref<4096xf32, #tpu.memory_space<vmem>>
      %dma_wait3A_80 = arith.constant 0 : i32
      %dma_wait3A_81 = tpu.memref_slice %arg4[%add3A_34, %dma_wait3A_80] : memref<200x16384xf32, #tpu.memory_space<hbm>> -> memref<1x4096xf32, #tpu.memory_space<hbm>>
      %dma_wait3A_82 = tpu.memref_squeeze %dma_wait3A_81 : memref<1x4096xf32, #tpu.memory_space<hbm>> -> memref<4096xf32, #tpu.memory_space<hbm>>
      %dma_wait3A_83 = arith.constant 0 : i32
      %dma_wait3A_84 = tpu.memref_slice %arg4[%add3A_34, %dma_wait3A_83] : memref<200x16384xf32, #tpu.memory_space<hbm>> -> memref<1x4096xf32, #tpu.memory_space<hbm>>
      %dma_wait3A_85 = tpu.memref_squeeze %dma_wait3A_84 : memref<1x4096xf32, #tpu.memory_space<hbm>> -> memref<4096xf32, #tpu.memory_space<hbm>>
      %dma_wait3A_86 = arith.constant 0 : i32
      %dma_wait3A_87 = tpu.memref_slice %arg7[%dma_wait3A, %dma_wait3A_86] : memref<2x4096xf32, #tpu.memory_space<vmem>> -> memref<1x4096xf32, #tpu.memory_space<vmem>>
      %dma_wait3A_88 = tpu.memref_squeeze %dma_wait3A_87 : memref<1x4096xf32, #tpu.memory_space<vmem>> -> memref<4096xf32, #tpu.memory_space<vmem>>
      tpu.wait_dma2 semaphore(%arg8 : memref<!tpu.dma_semaphore, #tpu.memory_space<semaphore_mem>>) src(%dma_wait3A_88 : memref<4096xf32, #tpu.memory_space<vmem>>) dst(%dma_wait3A_85 : memref<4096xf32, #tpu.memory_space<hbm>>)
      %parallel_loop3A_89 = arith.constant 0 : i32
      %parallel_loop3A_90 = arith.constant 256 : i32
      %parallel_loop3A_91 = arith.constant 1 : i32
      scf.for %parallel_loop3A_160 = %parallel_loop3A_89 to %parallel_loop3A_90 step %parallel_loop3A_91  : i32 {
        %parallel_loop3A_161 = arith.constant 16 : i32
        %parallel_loop3A_162 = arith.muli %parallel_loop3A_160, %parallel_loop3A_161 : i32
        %parallel_loop3A_163 = arith.constant 8192 : i32
        %parallel_loop3A_164 = arith.addi %parallel_loop3A_163, %parallel_loop3A_162 : i32
        %parallel_loop3A_165 = arith.index_cast %parallel_loop3A_164 : i32 to index
        %parallel_loop3A_166 = tpu.vector_load %arg6[%parallel_loop3A_165] {strides = array<i32>} : memref<16384xi32, #tpu.memory_space<vmem>>, vector<16xi32>,
        %parallel_loop3A_167 = tpu.vector_load_idx %arg5[%parallel_loop3A_166] : memref<100000xf32, #tpu.memory_space<vmem>>[vector<16xi32>], vector<16xf32>,
        %parallel_loop3A_168 = arith.constant 16 : i32
        %parallel_loop3A_169 = arith.muli %parallel_loop3A_160, %parallel_loop3A_168 : i32
        %parallel_loop3A_170 = arith.constant 0 : i32
        %parallel_loop3A_171 = arith.index_cast %parallel_loop3A_170 : i32 to index
        %parallel_loop3A_172 = arith.index_cast %parallel_loop3A_169 : i32 to index
        %parallel_loop3A_173 = tpu.vector_load %arg7[%parallel_loop3A_171, %parallel_loop3A_172] {strides = array<i32>} : memref<2x4096xf32, #tpu.memory_space<vmem>>, vector<16xf32>,
        tpu.vector_store %arg7[%parallel_loop3A_171, %parallel_loop3A_172], %parallel_loop3A_167 {strides = array<i32>} : memref<2x4096xf32, #tpu.memory_space<vmem>>, vector<16xf32>,
      } {sc.loop_unroll_factor = 16 : i64, sc.parallel_access}
      %dma_start3A_92 = arith.constant 0 : i32
      %dma_start3A_93 = arith.constant 0 : i32
      %dma_start3A_94 = tpu.memref_slice %arg7[%dma_start3A_92, %dma_start3A_93] : memref<2x4096xf32, #tpu.memory_space<vmem>> -> memref<1x4096xf32, #tpu.memory_space<vmem>>
      %dma_start3A_95 = tpu.memref_squeeze %dma_start3A_94 : memref<1x4096xf32, #tpu.memory_space<vmem>> -> memref<4096xf32, #tpu.memory_space<vmem>>
      %dma_start3A_96 = arith.constant 8192 : i32
      %dma_start3A_97 = tpu.memref_slice %arg4[%add3A_34, %dma_start3A_96] : memref<200x16384xf32, #tpu.memory_space<hbm>> -> memref<1x4096xf32, #tpu.memory_space<hbm>>
      %dma_start3A_98 = tpu.memref_squeeze %dma_start3A_97 : memref<1x4096xf32, #tpu.memory_space<hbm>> -> memref<4096xf32, #tpu.memory_space<hbm>>
      %dma_start3A_99 = arith.constant 8192 : i32
      %dma_start3A_100 = tpu.memref_slice %arg4[%add3A_34, %dma_start3A_99] : memref<200x16384xf32, #tpu.memory_space<hbm>> -> memref<1x4096xf32, #tpu.memory_space<hbm>>
      %dma_start3A_101 = tpu.memref_squeeze %dma_start3A_100 : memref<1x4096xf32, #tpu.memory_space<hbm>> -> memref<4096xf32, #tpu.memory_space<hbm>>
      %dma_start3A_102 = arith.constant 0 : i32
      %dma_start3A_103 = tpu.memref_slice %arg7[%dma_start3A_92, %dma_start3A_102] : memref<2x4096xf32, #tpu.memory_space<vmem>> -> memref<1x4096xf32, #tpu.memory_space<vmem>>
      %dma_start3A_104 = tpu.memref_squeeze %dma_start3A_103 : memref<1x4096xf32, #tpu.memory_space<vmem>> -> memref<4096xf32, #tpu.memory_space<vmem>>
      tpu.enqueue_dma source(%dma_start3A_104 : memref<4096xf32, #tpu.memory_space<vmem>>) target(%dma_start3A_101 : memref<4096xf32, #tpu.memory_space<hbm>>) target_semaphore(%arg8 : memref<!tpu.dma_semaphore, #tpu.memory_space<semaphore_mem>>)
      %dma_wait3A_105 = arith.constant 1 : i32
      %dma_wait3A_106 = arith.constant 0 : i32
      %dma_wait3A_107 = tpu.memref_slice %arg7[%dma_wait3A_105, %dma_wait3A_106] : memref<2x4096xf32, #tpu.memory_space<vmem>> -> memref<1x4096xf32, #tpu.memory_space<vmem>>
      %dma_wait3A_108 = tpu.memref_squeeze %dma_wait3A_107 : memref<1x4096xf32, #tpu.memory_space<vmem>> -> memref<4096xf32, #tpu.memory_space<vmem>>
      %dma_wait3A_109 = arith.constant 4096 : i32
      %dma_wait3A_110 = tpu.memref_slice %arg4[%add3A_34, %dma_wait3A_109] : memref<200x16384xf32, #tpu.memory_space<hbm>> -> memref<1x4096xf32, #tpu.memory_space<hbm>>
      %dma_wait3A_111 = tpu.memref_squeeze %dma_wait3A_110 : memref<1x4096xf32, #tpu.memory_space<hbm>> -> memref<4096xf32, #tpu.memory_space<hbm>>
      %dma_wait3A_112 = arith.constant 4096 : i32
      %dma_wait3A_113 = tpu.memref_slice %arg4[%add3A_34, %dma_wait3A_112] : memref<200x16384xf32, #tpu.memory_space<hbm>> -> memref<1x4096xf32, #tpu.memory_space<hbm>>
      %dma_wait3A_114 = tpu.memref_squeeze %dma_wait3A_113 : memref<1x4096xf32, #tpu.memory_space<hbm>> -> memref<4096xf32, #tpu.memory_space<hbm>>
      %dma_wait3A_115 = arith.constant 0 : i32
      %dma_wait3A_116 = tpu.memref_slice %arg7[%dma_wait3A_105, %dma_wait3A_115] : memref<2x4096xf32, #tpu.memory_space<vmem>> -> memref<1x4096xf32, #tpu.memory_space<vmem>>
      %dma_wait3A_117 = tpu.memref_squeeze %dma_wait3A_116 : memref<1x4096xf32, #tpu.memory_space<vmem>> -> memref<4096xf32, #tpu.memory_space<vmem>>
      tpu.wait_dma2 semaphore(%arg9 : memref<!tpu.dma_semaphore, #tpu.memory_space<semaphore_mem>>) src(%dma_wait3A_117 : memref<4096xf32, #tpu.memory_space<vmem>>) dst(%dma_wait3A_114 : memref<4096xf32, #tpu.memory_space<hbm>>)
      %parallel_loop3A_118 = arith.constant 0 : i32
      %parallel_loop3A_119 = arith.constant 256 : i32
      %parallel_loop3A_120 = arith.constant 1 : i32
      scf.for %parallel_loop3A_160 = %parallel_loop3A_118 to %parallel_loop3A_119 step %parallel_loop3A_120  : i32 {
        %parallel_loop3A_161 = arith.constant 16 : i32
        %parallel_loop3A_162 = arith.muli %parallel_loop3A_160, %parallel_loop3A_161 : i32
        %parallel_loop3A_163 = arith.constant 12288 : i32
        %parallel_loop3A_164 = arith.addi %parallel_loop3A_163, %parallel_loop3A_162 : i32
        %parallel_loop3A_165 = arith.index_cast %parallel_loop3A_164 : i32 to index
        %parallel_loop3A_166 = tpu.vector_load %arg6[%parallel_loop3A_165] {strides = array<i32>} : memref<16384xi32, #tpu.memory_space<vmem>>, vector<16xi32>,
        %parallel_loop3A_167 = tpu.vector_load_idx %arg5[%parallel_loop3A_166] : memref<100000xf32, #tpu.memory_space<vmem>>[vector<16xi32>], vector<16xf32>,
        %parallel_loop3A_168 = arith.constant 16 : i32
        %parallel_loop3A_169 = arith.muli %parallel_loop3A_160, %parallel_loop3A_168 : i32
        %parallel_loop3A_170 = arith.constant 1 : i32
        %parallel_loop3A_171 = arith.index_cast %parallel_loop3A_170 : i32 to index
        %parallel_loop3A_172 = arith.index_cast %parallel_loop3A_169 : i32 to index
        %parallel_loop3A_173 = tpu.vector_load %arg7[%parallel_loop3A_171, %parallel_loop3A_172] {strides = array<i32>} : memref<2x4096xf32, #tpu.memory_space<vmem>>, vector<16xf32>,
        tpu.vector_store %arg7[%parallel_loop3A_171, %parallel_loop3A_172], %parallel_loop3A_167 {strides = array<i32>} : memref<2x4096xf32, #tpu.memory_space<vmem>>, vector<16xf32>,
      } {sc.loop_unroll_factor = 16 : i64, sc.parallel_access}
      %dma_start3A_121 = arith.constant 1 : i32
      %dma_start3A_122 = arith.constant 0 : i32
      %dma_start3A_123 = tpu.memref_slice %arg7[%dma_start3A_121, %dma_start3A_122] : memref<2x4096xf32, #tpu.memory_space<vmem>> -> memref<1x4096xf32, #tpu.memory_space<vmem>>
      %dma_start3A_124 = tpu.memref_squeeze %dma_start3A_123 : memref<1x4096xf32, #tpu.memory_space<vmem>> -> memref<4096xf32, #tpu.memory_space<vmem>>
      %dma_start3A_125 = arith.constant 12288 : i32
      %dma_start3A_126 = tpu.memref_slice %arg4[%add3A_34, %dma_start3A_125] : memref<200x16384xf32, #tpu.memory_space<hbm>> -> memref<1x4096xf32, #tpu.memory_space<hbm>>
      %dma_start3A_127 = tpu.memref_squeeze %dma_start3A_126 : memref<1x4096xf32, #tpu.memory_space<hbm>> -> memref<4096xf32, #tpu.memory_space<hbm>>
      %dma_start3A_128 = arith.constant 12288 : i32
      %dma_start3A_129 = tpu.memref_slice %arg4[%add3A_34, %dma_start3A_128] : memref<200x16384xf32, #tpu.memory_space<hbm>> -> memref<1x4096xf32, #tpu.memory_space<hbm>>
      %dma_start3A_130 = tpu.memref_squeeze %dma_start3A_129 : memref<1x4096xf32, #tpu.memory_space<hbm>> -> memref<4096xf32, #tpu.memory_space<hbm>>
      %dma_start3A_131 = arith.constant 0 : i32
      %dma_start3A_132 = tpu.memref_slice %arg7[%dma_start3A_121, %dma_start3A_131] : memref<2x4096xf32, #tpu.memory_space<vmem>> -> memref<1x4096xf32, #tpu.memory_space<vmem>>
      %dma_start3A_133 = tpu.memref_squeeze %dma_start3A_132 : memref<1x4096xf32, #tpu.memory_space<vmem>> -> memref<4096xf32, #tpu.memory_space<vmem>>
      tpu.enqueue_dma source(%dma_start3A_133 : memref<4096xf32, #tpu.memory_space<vmem>>) target(%dma_start3A_130 : memref<4096xf32, #tpu.memory_space<hbm>>) target_semaphore(%arg9 : memref<!tpu.dma_semaphore, #tpu.memory_space<semaphore_mem>>)
      %dma_wait3A_134 = arith.constant 0 : i32
      %dma_wait3A_135 = arith.constant 0 : i32
      %dma_wait3A_136 = tpu.memref_slice %arg7[%dma_wait3A_134, %dma_wait3A_135] : memref<2x4096xf32, #tpu.memory_space<vmem>> -> memref<1x4096xf32, #tpu.memory_space<vmem>>
      %dma_wait3A_137 = tpu.memref_squeeze %dma_wait3A_136 : memref<1x4096xf32, #tpu.memory_space<vmem>> -> memref<4096xf32, #tpu.memory_space<vmem>>
      %dma_wait3A_138 = arith.constant 8192 : i32
      %dma_wait3A_139 = tpu.memref_slice %arg4[%add3A_34, %dma_wait3A_138] : memref<200x16384xf32, #tpu.memory_space<hbm>> -> memref<1x4096xf32, #tpu.memory_space<hbm>>
      %dma_wait3A_140 = tpu.memref_squeeze %dma_wait3A_139 : memref<1x4096xf32, #tpu.memory_space<hbm>> -> memref<4096xf32, #tpu.memory_space<hbm>>
      %dma_wait3A_141 = arith.constant 8192 : i32
      %dma_wait3A_142 = tpu.memref_slice %arg4[%add3A_34, %dma_wait3A_141] : memref<200x16384xf32, #tpu.memory_space<hbm>> -> memref<1x4096xf32, #tpu.memory_space<hbm>>
      %dma_wait3A_143 = tpu.memref_squeeze %dma_wait3A_142 : memref<1x4096xf32, #tpu.memory_space<hbm>> -> memref<4096xf32, #tpu.memory_space<hbm>>
      %dma_wait3A_144 = arith.constant 0 : i32
      %dma_wait3A_145 = tpu.memref_slice %arg7[%dma_wait3A_134, %dma_wait3A_144] : memref<2x4096xf32, #tpu.memory_space<vmem>> -> memref<1x4096xf32, #tpu.memory_space<vmem>>
      %dma_wait3A_146 = tpu.memref_squeeze %dma_wait3A_145 : memref<1x4096xf32, #tpu.memory_space<vmem>> -> memref<4096xf32, #tpu.memory_space<vmem>>
      tpu.wait_dma2 semaphore(%arg8 : memref<!tpu.dma_semaphore, #tpu.memory_space<semaphore_mem>>) src(%dma_wait3A_146 : memref<4096xf32, #tpu.memory_space<vmem>>) dst(%dma_wait3A_143 : memref<4096xf32, #tpu.memory_space<hbm>>)
      %dma_wait3A_147 = arith.constant 1 : i32
      %dma_wait3A_148 = arith.constant 0 : i32
      %dma_wait3A_149 = tpu.memref_slice %arg7[%dma_wait3A_147, %dma_wait3A_148] : memref<2x4096xf32, #tpu.memory_space<vmem>> -> memref<1x4096xf32, #tpu.memory_space<vmem>>
      %dma_wait3A_150 = tpu.memref_squeeze %dma_wait3A_149 : memref<1x4096xf32, #tpu.memory_space<vmem>> -> memref<4096xf32, #tpu.memory_space<vmem>>
      %dma_wait3A_151 = arith.constant 12288 : i32
      %dma_wait3A_152 = tpu.memref_slice %arg4[%add3A_34, %dma_wait3A_151] : memref<200x16384xf32, #tpu.memory_space<hbm>> -> memref<1x4096xf32, #tpu.memory_space<hbm>>
      %dma_wait3A_153 = tpu.memref_squeeze %dma_wait3A_152 : memref<1x4096xf32, #tpu.memory_space<hbm>> -> memref<4096xf32, #tpu.memory_space<hbm>>
      %dma_wait3A_154 = arith.constant 12288 : i32
      %dma_wait3A_155 = tpu.memref_slice %arg4[%add3A_34, %dma_wait3A_154] : memref<200x16384xf32, #tpu.memory_space<hbm>> -> memref<1x4096xf32, #tpu.memory_space<hbm>>
      %dma_wait3A_156 = tpu.memref_squeeze %dma_wait3A_155 : memref<1x4096xf32, #tpu.memory_space<hbm>> -> memref<4096xf32, #tpu.memory_space<hbm>>
      %dma_wait3A_157 = arith.constant 0 : i32
      %dma_wait3A_158 = tpu.memref_slice %arg7[%dma_wait3A_147, %dma_wait3A_157] : memref<2x4096xf32, #tpu.memory_space<vmem>> -> memref<1x4096xf32, #tpu.memory_space<vmem>>
      %dma_wait3A_159 = tpu.memref_squeeze %dma_wait3A_158 : memref<1x4096xf32, #tpu.memory_space<vmem>> -> memref<4096xf32, #tpu.memory_space<vmem>>
      tpu.wait_dma2 semaphore(%arg9 : memref<!tpu.dma_semaphore, #tpu.memory_space<semaphore_mem>>) src(%dma_wait3A_159 : memref<4096xf32, #tpu.memory_space<vmem>>) dst(%dma_wait3A_156 : memref<4096xf32, #tpu.memory_space<hbm>>)
    } else {
    }
    %add3A_40 = arith.constant 192 : i32
    %add3A_41 = arith.addi %add3A, %add3A_40 : i32
    %lt3A_42 = arith.constant 200 : i32
    %lt3A_43 = arith.cmpi slt, %add3A_41, %lt3A_42 : i32
    %convert_element_type3A_44 = arith.extui %lt3A_43 : i1 to i32
    %cond3A_45 = arith.constant 0 : i32
    %cond3A_46 = arith.cmpi ne, %convert_element_type3A_44, %cond3A_45 : i32
    scf.if %cond3A_46 {
      "tpu.region"() ({
        %run_scoped3A = tpu.sem_alloc : memref<!tpu.dma_semaphore, #tpu.memory_space<semaphore_mem>>
        %dma_start3A_160 = arith.constant 0 : i32
        %dma_start3A_161 = tpu.memref_slice %arg2[%add3A_41, %dma_start3A_160] : memref<200x100000xf32, #tpu.memory_space<hbm>> -> memref<1x100000xf32, #tpu.memory_space<hbm>>
        %dma_start3A_162 = tpu.memref_squeeze %dma_start3A_161 : memref<1x100000xf32, #tpu.memory_space<hbm>> -> memref<100000xf32, #tpu.memory_space<hbm>>
        %dma_start3A_163 = arith.constant 0 : i32
        %dma_start3A_164 = tpu.memref_slice %arg2[%add3A_41, %dma_start3A_163] : memref<200x100000xf32, #tpu.memory_space<hbm>> -> memref<1x100000xf32, #tpu.memory_space<hbm>>
        %dma_start3A_165 = tpu.memref_squeeze %dma_start3A_164 : memref<1x100000xf32, #tpu.memory_space<hbm>> -> memref<100000xf32, #tpu.memory_space<hbm>>
        tpu.enqueue_dma source(%dma_start3A_165 : memref<100000xf32, #tpu.memory_space<hbm>>) target(%arg5 : memref<100000xf32, #tpu.memory_space<vmem>>) target_semaphore(%run_scoped3A : memref<!tpu.dma_semaphore, #tpu.memory_space<semaphore_mem>>)
        %dma_wait3A_166 = arith.constant 0 : i32
        %dma_wait3A_167 = tpu.memref_slice %arg2[%add3A_41, %dma_wait3A_166] : memref<200x100000xf32, #tpu.memory_space<hbm>> -> memref<1x100000xf32, #tpu.memory_space<hbm>>
        %dma_wait3A_168 = tpu.memref_squeeze %dma_wait3A_167 : memref<1x100000xf32, #tpu.memory_space<hbm>> -> memref<100000xf32, #tpu.memory_space<hbm>>
        %dma_wait3A_169 = arith.constant 0 : i32
        %dma_wait3A_170 = tpu.memref_slice %arg2[%add3A_41, %dma_wait3A_169] : memref<200x100000xf32, #tpu.memory_space<hbm>> -> memref<1x100000xf32, #tpu.memory_space<hbm>>
        %dma_wait3A_171 = tpu.memref_squeeze %dma_wait3A_170 : memref<1x100000xf32, #tpu.memory_space<hbm>> -> memref<100000xf32, #tpu.memory_space<hbm>>
        tpu.wait_dma2 semaphore(%run_scoped3A : memref<!tpu.dma_semaphore, #tpu.memory_space<semaphore_mem>>) src(%dma_wait3A_171 : memref<100000xf32, #tpu.memory_space<hbm>>) dst(%arg5 : memref<100000xf32, #tpu.memory_space<vmem>>)
        tpu.yield
      }) : () -> ()
      %parallel_loop3A = arith.constant 0 : i32
      %parallel_loop3A_47 = arith.constant 256 : i32
      %parallel_loop3A_48 = arith.constant 1 : i32
      scf.for %parallel_loop3A_160 = %parallel_loop3A to %parallel_loop3A_47 step %parallel_loop3A_48  : i32 {
        %parallel_loop3A_161 = arith.constant 16 : i32
        %parallel_loop3A_162 = arith.muli %parallel_loop3A_160, %parallel_loop3A_161 : i32
        %parallel_loop3A_163 = arith.constant 0 : i32
        %parallel_loop3A_164 = arith.addi %parallel_loop3A_163, %parallel_loop3A_162 : i32
        %parallel_loop3A_165 = arith.index_cast %parallel_loop3A_164 : i32 to index
        %parallel_loop3A_166 = tpu.vector_load %arg6[%parallel_loop3A_165] {strides = array<i32>} : memref<16384xi32, #tpu.memory_space<vmem>>, vector<16xi32>,
        %parallel_loop3A_167 = tpu.vector_load_idx %arg5[%parallel_loop3A_166] : memref<100000xf32, #tpu.memory_space<vmem>>[vector<16xi32>], vector<16xf32>,
        %parallel_loop3A_168 = arith.constant 16 : i32
        %parallel_loop3A_169 = arith.muli %parallel_loop3A_160, %parallel_loop3A_168 : i32
        %parallel_loop3A_170 = arith.constant 0 : i32
        %parallel_loop3A_171 = arith.index_cast %parallel_loop3A_170 : i32 to index
        %parallel_loop3A_172 = arith.index_cast %parallel_loop3A_169 : i32 to index
        %parallel_loop3A_173 = tpu.vector_load %arg7[%parallel_loop3A_171, %parallel_loop3A_172] {strides = array<i32>} : memref<2x4096xf32, #tpu.memory_space<vmem>>, vector<16xf32>,
        tpu.vector_store %arg7[%parallel_loop3A_171, %parallel_loop3A_172], %parallel_loop3A_167 {strides = array<i32>} : memref<2x4096xf32, #tpu.memory_space<vmem>>, vector<16xf32>,
      } {sc.loop_unroll_factor = 16 : i64, sc.parallel_access}
      %dma_start3A = arith.constant 0 : i32
      %dma_start3A_49 = arith.constant 0 : i32
      %dma_start3A_50 = tpu.memref_slice %arg7[%dma_start3A, %dma_start3A_49] : memref<2x4096xf32, #tpu.memory_space<vmem>> -> memref<1x4096xf32, #tpu.memory_space<vmem>>
      %dma_start3A_51 = tpu.memref_squeeze %dma_start3A_50 : memref<1x4096xf32, #tpu.memory_space<vmem>> -> memref<4096xf32, #tpu.memory_space<vmem>>
      %dma_start3A_52 = arith.constant 0 : i32
      %dma_start3A_53 = tpu.memref_slice %arg4[%add3A_41, %dma_start3A_52] : memref<200x16384xf32, #tpu.memory_space<hbm>> -> memref<1x4096xf32, #tpu.memory_space<hbm>>
      %dma_start3A_54 = tpu.memref_squeeze %dma_start3A_53 : memref<1x4096xf32, #tpu.memory_space<hbm>> -> memref<4096xf32, #tpu.memory_space<hbm>>
      %dma_start3A_55 = arith.constant 0 : i32
      %dma_start3A_56 = tpu.memref_slice %arg4[%add3A_41, %dma_start3A_55] : memref<200x16384xf32, #tpu.memory_space<hbm>> -> memref<1x4096xf32, #tpu.memory_space<hbm>>
      %dma_start3A_57 = tpu.memref_squeeze %dma_start3A_56 : memref<1x4096xf32, #tpu.memory_space<hbm>> -> memref<4096xf32, #tpu.memory_space<hbm>>
      %dma_start3A_58 = arith.constant 0 : i32
      %dma_start3A_59 = tpu.memref_slice %arg7[%dma_start3A, %dma_start3A_58] : memref<2x4096xf32, #tpu.memory_space<vmem>> -> memref<1x4096xf32, #tpu.memory_space<vmem>>
      %dma_start3A_60 = tpu.memref_squeeze %dma_start3A_59 : memref<1x4096xf32, #tpu.memory_space<vmem>> -> memref<4096xf32, #tpu.memory_space<vmem>>
      tpu.enqueue_dma source(%dma_start3A_60 : memref<4096xf32, #tpu.memory_space<vmem>>) target(%dma_start3A_57 : memref<4096xf32, #tpu.memory_space<hbm>>) target_semaphore(%arg8 : memref<!tpu.dma_semaphore, #tpu.memory_space<semaphore_mem>>)
      %parallel_loop3A_61 = arith.constant 0 : i32
      %parallel_loop3A_62 = arith.constant 256 : i32
      %parallel_loop3A_63 = arith.constant 1 : i32
      scf.for %parallel_loop3A_160 = %parallel_loop3A_61 to %parallel_loop3A_62 step %parallel_loop3A_63  : i32 {
        %parallel_loop3A_161 = arith.constant 16 : i32
        %parallel_loop3A_162 = arith.muli %parallel_loop3A_160, %parallel_loop3A_161 : i32
        %parallel_loop3A_163 = arith.constant 4096 : i32
        %parallel_loop3A_164 = arith.addi %parallel_loop3A_163, %parallel_loop3A_162 : i32
        %parallel_loop3A_165 = arith.index_cast %parallel_loop3A_164 : i32 to index
        %parallel_loop3A_166 = tpu.vector_load %arg6[%parallel_loop3A_165] {strides = array<i32>} : memref<16384xi32, #tpu.memory_space<vmem>>, vector<16xi32>,
        %parallel_loop3A_167 = tpu.vector_load_idx %arg5[%parallel_loop3A_166] : memref<100000xf32, #tpu.memory_space<vmem>>[vector<16xi32>], vector<16xf32>,
        %parallel_loop3A_168 = arith.constant 16 : i32
        %parallel_loop3A_169 = arith.muli %parallel_loop3A_160, %parallel_loop3A_168 : i32
        %parallel_loop3A_170 = arith.constant 1 : i32
        %parallel_loop3A_171 = arith.index_cast %parallel_loop3A_170 : i32 to index
        %parallel_loop3A_172 = arith.index_cast %parallel_loop3A_169 : i32 to index
        %parallel_loop3A_173 = tpu.vector_load %arg7[%parallel_loop3A_171, %parallel_loop3A_172] {strides = array<i32>} : memref<2x4096xf32, #tpu.memory_space<vmem>>, vector<16xf32>,
        tpu.vector_store %arg7[%parallel_loop3A_171, %parallel_loop3A_172], %parallel_loop3A_167 {strides = array<i32>} : memref<2x4096xf32, #tpu.memory_space<vmem>>, vector<16xf32>,
      } {sc.loop_unroll_factor = 16 : i64, sc.parallel_access}
      %dma_start3A_64 = arith.constant 1 : i32
      %dma_start3A_65 = arith.constant 0 : i32
      %dma_start3A_66 = tpu.memref_slice %arg7[%dma_start3A_64, %dma_start3A_65] : memref<2x4096xf32, #tpu.memory_space<vmem>> -> memref<1x4096xf32, #tpu.memory_space<vmem>>
      %dma_start3A_67 = tpu.memref_squeeze %dma_start3A_66 : memref<1x4096xf32, #tpu.memory_space<vmem>> -> memref<4096xf32, #tpu.memory_space<vmem>>
      %dma_start3A_68 = arith.constant 4096 : i32
      %dma_start3A_69 = tpu.memref_slice %arg4[%add3A_41, %dma_start3A_68] : memref<200x16384xf32, #tpu.memory_space<hbm>> -> memref<1x4096xf32, #tpu.memory_space<hbm>>
      %dma_start3A_70 = tpu.memref_squeeze %dma_start3A_69 : memref<1x4096xf32, #tpu.memory_space<hbm>> -> memref<4096xf32, #tpu.memory_space<hbm>>
      %dma_start3A_71 = arith.constant 4096 : i32
      %dma_start3A_72 = tpu.memref_slice %arg4[%add3A_41, %dma_start3A_71] : memref<200x16384xf32, #tpu.memory_space<hbm>> -> memref<1x4096xf32, #tpu.memory_space<hbm>>
      %dma_start3A_73 = tpu.memref_squeeze %dma_start3A_72 : memref<1x4096xf32, #tpu.memory_space<hbm>> -> memref<4096xf32, #tpu.memory_space<hbm>>
      %dma_start3A_74 = arith.constant 0 : i32
      %dma_start3A_75 = tpu.memref_slice %arg7[%dma_start3A_64, %dma_start3A_74] : memref<2x4096xf32, #tpu.memory_space<vmem>> -> memref<1x4096xf32, #tpu.memory_space<vmem>>
      %dma_start3A_76 = tpu.memref_squeeze %dma_start3A_75 : memref<1x4096xf32, #tpu.memory_space<vmem>> -> memref<4096xf32, #tpu.memory_space<vmem>>
      tpu.enqueue_dma source(%dma_start3A_76 : memref<4096xf32, #tpu.memory_space<vmem>>) target(%dma_start3A_73 : memref<4096xf32, #tpu.memory_space<hbm>>) target_semaphore(%arg9 : memref<!tpu.dma_semaphore, #tpu.memory_space<semaphore_mem>>)
      %dma_wait3A = arith.constant 0 : i32
      %dma_wait3A_77 = arith.constant 0 : i32
      %dma_wait3A_78 = tpu.memref_slice %arg7[%dma_wait3A, %dma_wait3A_77] : memref<2x4096xf32, #tpu.memory_space<vmem>> -> memref<1x4096xf32, #tpu.memory_space<vmem>>
      %dma_wait3A_79 = tpu.memref_squeeze %dma_wait3A_78 : memref<1x4096xf32, #tpu.memory_space<vmem>> -> memref<4096xf32, #tpu.memory_space<vmem>>
      %dma_wait3A_80 = arith.constant 0 : i32
      %dma_wait3A_81 = tpu.memref_slice %arg4[%add3A_41, %dma_wait3A_80] : memref<200x16384xf32, #tpu.memory_space<hbm>> -> memref<1x4096xf32, #tpu.memory_space<hbm>>
      %dma_wait3A_82 = tpu.memref_squeeze %dma_wait3A_81 : memref<1x4096xf32, #tpu.memory_space<hbm>> -> memref<4096xf32, #tpu.memory_space<hbm>>
      %dma_wait3A_83 = arith.constant 0 : i32
      %dma_wait3A_84 = tpu.memref_slice %arg4[%add3A_41, %dma_wait3A_83] : memref<200x16384xf32, #tpu.memory_space<hbm>> -> memref<1x4096xf32, #tpu.memory_space<hbm>>
      %dma_wait3A_85 = tpu.memref_squeeze %dma_wait3A_84 : memref<1x4096xf32, #tpu.memory_space<hbm>> -> memref<4096xf32, #tpu.memory_space<hbm>>
      %dma_wait3A_86 = arith.constant 0 : i32
      %dma_wait3A_87 = tpu.memref_slice %arg7[%dma_wait3A, %dma_wait3A_86] : memref<2x4096xf32, #tpu.memory_space<vmem>> -> memref<1x4096xf32, #tpu.memory_space<vmem>>
      %dma_wait3A_88 = tpu.memref_squeeze %dma_wait3A_87 : memref<1x4096xf32, #tpu.memory_space<vmem>> -> memref<4096xf32, #tpu.memory_space<vmem>>
      tpu.wait_dma2 semaphore(%arg8 : memref<!tpu.dma_semaphore, #tpu.memory_space<semaphore_mem>>) src(%dma_wait3A_88 : memref<4096xf32, #tpu.memory_space<vmem>>) dst(%dma_wait3A_85 : memref<4096xf32, #tpu.memory_space<hbm>>)
      %parallel_loop3A_89 = arith.constant 0 : i32
      %parallel_loop3A_90 = arith.constant 256 : i32
      %parallel_loop3A_91 = arith.constant 1 : i32
      scf.for %parallel_loop3A_160 = %parallel_loop3A_89 to %parallel_loop3A_90 step %parallel_loop3A_91  : i32 {
        %parallel_loop3A_161 = arith.constant 16 : i32
        %parallel_loop3A_162 = arith.muli %parallel_loop3A_160, %parallel_loop3A_161 : i32
        %parallel_loop3A_163 = arith.constant 8192 : i32
        %parallel_loop3A_164 = arith.addi %parallel_loop3A_163, %parallel_loop3A_162 : i32
        %parallel_loop3A_165 = arith.index_cast %parallel_loop3A_164 : i32 to index
        %parallel_loop3A_166 = tpu.vector_load %arg6[%parallel_loop3A_165] {strides = array<i32>} : memref<16384xi32, #tpu.memory_space<vmem>>, vector<16xi32>,
        %parallel_loop3A_167 = tpu.vector_load_idx %arg5[%parallel_loop3A_166] : memref<100000xf32, #tpu.memory_space<vmem>>[vector<16xi32>], vector<16xf32>,
        %parallel_loop3A_168 = arith.constant 16 : i32
        %parallel_loop3A_169 = arith.muli %parallel_loop3A_160, %parallel_loop3A_168 : i32
        %parallel_loop3A_170 = arith.constant 0 : i32
        %parallel_loop3A_171 = arith.index_cast %parallel_loop3A_170 : i32 to index
        %parallel_loop3A_172 = arith.index_cast %parallel_loop3A_169 : i32 to index
        %parallel_loop3A_173 = tpu.vector_load %arg7[%parallel_loop3A_171, %parallel_loop3A_172] {strides = array<i32>} : memref<2x4096xf32, #tpu.memory_space<vmem>>, vector<16xf32>,
        tpu.vector_store %arg7[%parallel_loop3A_171, %parallel_loop3A_172], %parallel_loop3A_167 {strides = array<i32>} : memref<2x4096xf32, #tpu.memory_space<vmem>>, vector<16xf32>,
      } {sc.loop_unroll_factor = 16 : i64, sc.parallel_access}
      %dma_start3A_92 = arith.constant 0 : i32
      %dma_start3A_93 = arith.constant 0 : i32
      %dma_start3A_94 = tpu.memref_slice %arg7[%dma_start3A_92, %dma_start3A_93] : memref<2x4096xf32, #tpu.memory_space<vmem>> -> memref<1x4096xf32, #tpu.memory_space<vmem>>
      %dma_start3A_95 = tpu.memref_squeeze %dma_start3A_94 : memref<1x4096xf32, #tpu.memory_space<vmem>> -> memref<4096xf32, #tpu.memory_space<vmem>>
      %dma_start3A_96 = arith.constant 8192 : i32
      %dma_start3A_97 = tpu.memref_slice %arg4[%add3A_41, %dma_start3A_96] : memref<200x16384xf32, #tpu.memory_space<hbm>> -> memref<1x4096xf32, #tpu.memory_space<hbm>>
      %dma_start3A_98 = tpu.memref_squeeze %dma_start3A_97 : memref<1x4096xf32, #tpu.memory_space<hbm>> -> memref<4096xf32, #tpu.memory_space<hbm>>
      %dma_start3A_99 = arith.constant 8192 : i32
      %dma_start3A_100 = tpu.memref_slice %arg4[%add3A_41, %dma_start3A_99] : memref<200x16384xf32, #tpu.memory_space<hbm>> -> memref<1x4096xf32, #tpu.memory_space<hbm>>
      %dma_start3A_101 = tpu.memref_squeeze %dma_start3A_100 : memref<1x4096xf32, #tpu.memory_space<hbm>> -> memref<4096xf32, #tpu.memory_space<hbm>>
      %dma_start3A_102 = arith.constant 0 : i32
      %dma_start3A_103 = tpu.memref_slice %arg7[%dma_start3A_92, %dma_start3A_102] : memref<2x4096xf32, #tpu.memory_space<vmem>> -> memref<1x4096xf32, #tpu.memory_space<vmem>>
      %dma_start3A_104 = tpu.memref_squeeze %dma_start3A_103 : memref<1x4096xf32, #tpu.memory_space<vmem>> -> memref<4096xf32, #tpu.memory_space<vmem>>
      tpu.enqueue_dma source(%dma_start3A_104 : memref<4096xf32, #tpu.memory_space<vmem>>) target(%dma_start3A_101 : memref<4096xf32, #tpu.memory_space<hbm>>) target_semaphore(%arg8 : memref<!tpu.dma_semaphore, #tpu.memory_space<semaphore_mem>>)
      %dma_wait3A_105 = arith.constant 1 : i32
      %dma_wait3A_106 = arith.constant 0 : i32
      %dma_wait3A_107 = tpu.memref_slice %arg7[%dma_wait3A_105, %dma_wait3A_106] : memref<2x4096xf32, #tpu.memory_space<vmem>> -> memref<1x4096xf32, #tpu.memory_space<vmem>>
      %dma_wait3A_108 = tpu.memref_squeeze %dma_wait3A_107 : memref<1x4096xf32, #tpu.memory_space<vmem>> -> memref<4096xf32, #tpu.memory_space<vmem>>
      %dma_wait3A_109 = arith.constant 4096 : i32
      %dma_wait3A_110 = tpu.memref_slice %arg4[%add3A_41, %dma_wait3A_109] : memref<200x16384xf32, #tpu.memory_space<hbm>> -> memref<1x4096xf32, #tpu.memory_space<hbm>>
      %dma_wait3A_111 = tpu.memref_squeeze %dma_wait3A_110 : memref<1x4096xf32, #tpu.memory_space<hbm>> -> memref<4096xf32, #tpu.memory_space<hbm>>
      %dma_wait3A_112 = arith.constant 4096 : i32
      %dma_wait3A_113 = tpu.memref_slice %arg4[%add3A_41, %dma_wait3A_112] : memref<200x16384xf32, #tpu.memory_space<hbm>> -> memref<1x4096xf32, #tpu.memory_space<hbm>>
      %dma_wait3A_114 = tpu.memref_squeeze %dma_wait3A_113 : memref<1x4096xf32, #tpu.memory_space<hbm>> -> memref<4096xf32, #tpu.memory_space<hbm>>
      %dma_wait3A_115 = arith.constant 0 : i32
      %dma_wait3A_116 = tpu.memref_slice %arg7[%dma_wait3A_105, %dma_wait3A_115] : memref<2x4096xf32, #tpu.memory_space<vmem>> -> memref<1x4096xf32, #tpu.memory_space<vmem>>
      %dma_wait3A_117 = tpu.memref_squeeze %dma_wait3A_116 : memref<1x4096xf32, #tpu.memory_space<vmem>> -> memref<4096xf32, #tpu.memory_space<vmem>>
      tpu.wait_dma2 semaphore(%arg9 : memref<!tpu.dma_semaphore, #tpu.memory_space<semaphore_mem>>) src(%dma_wait3A_117 : memref<4096xf32, #tpu.memory_space<vmem>>) dst(%dma_wait3A_114 : memref<4096xf32, #tpu.memory_space<hbm>>)
      %parallel_loop3A_118 = arith.constant 0 : i32
      %parallel_loop3A_119 = arith.constant 256 : i32
      %parallel_loop3A_120 = arith.constant 1 : i32
      scf.for %parallel_loop3A_160 = %parallel_loop3A_118 to %parallel_loop3A_119 step %parallel_loop3A_120  : i32 {
        %parallel_loop3A_161 = arith.constant 16 : i32
        %parallel_loop3A_162 = arith.muli %parallel_loop3A_160, %parallel_loop3A_161 : i32
        %parallel_loop3A_163 = arith.constant 12288 : i32
        %parallel_loop3A_164 = arith.addi %parallel_loop3A_163, %parallel_loop3A_162 : i32
        %parallel_loop3A_165 = arith.index_cast %parallel_loop3A_164 : i32 to index
        %parallel_loop3A_166 = tpu.vector_load %arg6[%parallel_loop3A_165] {strides = array<i32>} : memref<16384xi32, #tpu.memory_space<vmem>>, vector<16xi32>,
        %parallel_loop3A_167 = tpu.vector_load_idx %arg5[%parallel_loop3A_166] : memref<100000xf32, #tpu.memory_space<vmem>>[vector<16xi32>], vector<16xf32>,
        %parallel_loop3A_168 = arith.constant 16 : i32
        %parallel_loop3A_169 = arith.muli %parallel_loop3A_160, %parallel_loop3A_168 : i32
        %parallel_loop3A_170 = arith.constant 1 : i32
        %parallel_loop3A_171 = arith.index_cast %parallel_loop3A_170 : i32 to index
        %parallel_loop3A_172 = arith.index_cast %parallel_loop3A_169 : i32 to index
        %parallel_loop3A_173 = tpu.vector_load %arg7[%parallel_loop3A_171, %parallel_loop3A_172] {strides = array<i32>} : memref<2x4096xf32, #tpu.memory_space<vmem>>, vector<16xf32>,
        tpu.vector_store %arg7[%parallel_loop3A_171, %parallel_loop3A_172], %parallel_loop3A_167 {strides = array<i32>} : memref<2x4096xf32, #tpu.memory_space<vmem>>, vector<16xf32>,
      } {sc.loop_unroll_factor = 16 : i64, sc.parallel_access}
      %dma_start3A_121 = arith.constant 1 : i32
      %dma_start3A_122 = arith.constant 0 : i32
      %dma_start3A_123 = tpu.memref_slice %arg7[%dma_start3A_121, %dma_start3A_122] : memref<2x4096xf32, #tpu.memory_space<vmem>> -> memref<1x4096xf32, #tpu.memory_space<vmem>>
      %dma_start3A_124 = tpu.memref_squeeze %dma_start3A_123 : memref<1x4096xf32, #tpu.memory_space<vmem>> -> memref<4096xf32, #tpu.memory_space<vmem>>
      %dma_start3A_125 = arith.constant 12288 : i32
      %dma_start3A_126 = tpu.memref_slice %arg4[%add3A_41, %dma_start3A_125] : memref<200x16384xf32, #tpu.memory_space<hbm>> -> memref<1x4096xf32, #tpu.memory_space<hbm>>
      %dma_start3A_127 = tpu.memref_squeeze %dma_start3A_126 : memref<1x4096xf32, #tpu.memory_space<hbm>> -> memref<4096xf32, #tpu.memory_space<hbm>>
      %dma_start3A_128 = arith.constant 12288 : i32
      %dma_start3A_129 = tpu.memref_slice %arg4[%add3A_41, %dma_start3A_128] : memref<200x16384xf32, #tpu.memory_space<hbm>> -> memref<1x4096xf32, #tpu.memory_space<hbm>>
      %dma_start3A_130 = tpu.memref_squeeze %dma_start3A_129 : memref<1x4096xf32, #tpu.memory_space<hbm>> -> memref<4096xf32, #tpu.memory_space<hbm>>
      %dma_start3A_131 = arith.constant 0 : i32
      %dma_start3A_132 = tpu.memref_slice %arg7[%dma_start3A_121, %dma_start3A_131] : memref<2x4096xf32, #tpu.memory_space<vmem>> -> memref<1x4096xf32, #tpu.memory_space<vmem>>
      %dma_start3A_133 = tpu.memref_squeeze %dma_start3A_132 : memref<1x4096xf32, #tpu.memory_space<vmem>> -> memref<4096xf32, #tpu.memory_space<vmem>>
      tpu.enqueue_dma source(%dma_start3A_133 : memref<4096xf32, #tpu.memory_space<vmem>>) target(%dma_start3A_130 : memref<4096xf32, #tpu.memory_space<hbm>>) target_semaphore(%arg9 : memref<!tpu.dma_semaphore, #tpu.memory_space<semaphore_mem>>)
      %dma_wait3A_134 = arith.constant 0 : i32
      %dma_wait3A_135 = arith.constant 0 : i32
      %dma_wait3A_136 = tpu.memref_slice %arg7[%dma_wait3A_134, %dma_wait3A_135] : memref<2x4096xf32, #tpu.memory_space<vmem>> -> memref<1x4096xf32, #tpu.memory_space<vmem>>
      %dma_wait3A_137 = tpu.memref_squeeze %dma_wait3A_136 : memref<1x4096xf32, #tpu.memory_space<vmem>> -> memref<4096xf32, #tpu.memory_space<vmem>>
      %dma_wait3A_138 = arith.constant 8192 : i32
      %dma_wait3A_139 = tpu.memref_slice %arg4[%add3A_41, %dma_wait3A_138] : memref<200x16384xf32, #tpu.memory_space<hbm>> -> memref<1x4096xf32, #tpu.memory_space<hbm>>
      %dma_wait3A_140 = tpu.memref_squeeze %dma_wait3A_139 : memref<1x4096xf32, #tpu.memory_space<hbm>> -> memref<4096xf32, #tpu.memory_space<hbm>>
      %dma_wait3A_141 = arith.constant 8192 : i32
      %dma_wait3A_142 = tpu.memref_slice %arg4[%add3A_41, %dma_wait3A_141] : memref<200x16384xf32, #tpu.memory_space<hbm>> -> memref<1x4096xf32, #tpu.memory_space<hbm>>
      %dma_wait3A_143 = tpu.memref_squeeze %dma_wait3A_142 : memref<1x4096xf32, #tpu.memory_space<hbm>> -> memref<4096xf32, #tpu.memory_space<hbm>>
      %dma_wait3A_144 = arith.constant 0 : i32
      %dma_wait3A_145 = tpu.memref_slice %arg7[%dma_wait3A_134, %dma_wait3A_144] : memref<2x4096xf32, #tpu.memory_space<vmem>> -> memref<1x4096xf32, #tpu.memory_space<vmem>>
      %dma_wait3A_146 = tpu.memref_squeeze %dma_wait3A_145 : memref<1x4096xf32, #tpu.memory_space<vmem>> -> memref<4096xf32, #tpu.memory_space<vmem>>
      tpu.wait_dma2 semaphore(%arg8 : memref<!tpu.dma_semaphore, #tpu.memory_space<semaphore_mem>>) src(%dma_wait3A_146 : memref<4096xf32, #tpu.memory_space<vmem>>) dst(%dma_wait3A_143 : memref<4096xf32, #tpu.memory_space<hbm>>)
      %dma_wait3A_147 = arith.constant 1 : i32
      %dma_wait3A_148 = arith.constant 0 : i32
      %dma_wait3A_149 = tpu.memref_slice %arg7[%dma_wait3A_147, %dma_wait3A_148] : memref<2x4096xf32, #tpu.memory_space<vmem>> -> memref<1x4096xf32, #tpu.memory_space<vmem>>
      %dma_wait3A_150 = tpu.memref_squeeze %dma_wait3A_149 : memref<1x4096xf32, #tpu.memory_space<vmem>> -> memref<4096xf32, #tpu.memory_space<vmem>>
      %dma_wait3A_151 = arith.constant 12288 : i32
      %dma_wait3A_152 = tpu.memref_slice %arg4[%add3A_41, %dma_wait3A_151] : memref<200x16384xf32, #tpu.memory_space<hbm>> -> memref<1x4096xf32, #tpu.memory_space<hbm>>
      %dma_wait3A_153 = tpu.memref_squeeze %dma_wait3A_152 : memref<1x4096xf32, #tpu.memory_space<hbm>> -> memref<4096xf32, #tpu.memory_space<hbm>>
      %dma_wait3A_154 = arith.constant 12288 : i32
      %dma_wait3A_155 = tpu.memref_slice %arg4[%add3A_41, %dma_wait3A_154] : memref<200x16384xf32, #tpu.memory_space<hbm>> -> memref<1x4096xf32, #tpu.memory_space<hbm>>
      %dma_wait3A_156 = tpu.memref_squeeze %dma_wait3A_155 : memref<1x4096xf32, #tpu.memory_space<hbm>> -> memref<4096xf32, #tpu.memory_space<hbm>>
      %dma_wait3A_157 = arith.constant 0 : i32
      %dma_wait3A_158 = tpu.memref_slice %arg7[%dma_wait3A_147, %dma_wait3A_157] : memref<2x4096xf32, #tpu.memory_space<vmem>> -> memref<1x4096xf32, #tpu.memory_space<vmem>>
      %dma_wait3A_159 = tpu.memref_squeeze %dma_wait3A_158 : memref<1x4096xf32, #tpu.memory_space<vmem>> -> memref<4096xf32, #tpu.memory_space<vmem>>
      tpu.wait_dma2 semaphore(%arg9 : memref<!tpu.dma_semaphore, #tpu.memory_space<semaphore_mem>>) src(%dma_wait3A_159 : memref<4096xf32, #tpu.memory_space<vmem>>) dst(%dma_wait3A_156 : memref<4096xf32, #tpu.memory_space<hbm>>)
    } else {
    }
    return
  }
}

module attributes {stable_mosaic.version = 14 : i64} {
  func.func @_tc_body(%arg0: i32, %arg1: memref<2048x5xi32, #tpu.memory_space<vmem>>, %arg2: memref<200x2048xf32, #tpu.memory_space<vmem>>, %arg3: memref<2x5xf32, #tpu.memory_space<vmem>>, %arg4: memref<24x10xf32, #tpu.memory_space<vmem>>, %arg5: memref<2x10xf32, #tpu.memory_space<vmem>>, %arg6: memref<3x10xf32, #tpu.memory_space<vmem>>, %arg7: memref<200x100xf32, #tpu.memory_space<vmem>>, %arg8: memref<35x100xf32, #tpu.memory_space<vmem>>, %arg9: memref<1x100xf32, #tpu.memory_space<vmem>>, %arg10: memref<200x100xf32, #tpu.memory_space<vmem>>, %arg11: memref<35x100xf32, #tpu.memory_space<vmem>>, %arg12: memref<1x100xf32, #tpu.memory_space<vmem>>, %arg13: memref<2048x100xf32, #tpu.memory_space<vmem>>, %arg14: memref<2048x100xf32, #tpu.memory_space<vmem>>, %arg15: memref<2048x100xf32, #tpu.memory_space<vmem>>, %arg16: memref<2048x100xf32, #tpu.memory_space<vmem>>) attributes {dimension_semantics = [#tpu.dimension_semantics<parallel>], iteration_bounds = array<i64: 8>, scalar_prefetch = 0 : i64, scratch_operands = 0 : i64, tpu.core_type = #tpu.core_type<tc>, window_params = [{transform_indices = @transform_0, window_bounds = array<i64: 2048, 5>}, {transform_indices = @transform_1, window_bounds = array<i64: 200, 2048>}, {pipeline_mode = #tpu.pipeline_mode<synchronous>, transform_indices = @transform_2, window_bounds = array<i64: 2, 5>}, {pipeline_mode = #tpu.pipeline_mode<synchronous>, transform_indices = @transform_3, window_bounds = array<i64: 24, 10>}, {pipeline_mode = #tpu.pipeline_mode<synchronous>, transform_indices = @transform_4, window_bounds = array<i64: 2, 10>}, {pipeline_mode = #tpu.pipeline_mode<synchronous>, transform_indices = @transform_5, window_bounds = array<i64: 3, 10>}, {pipeline_mode = #tpu.pipeline_mode<synchronous>, transform_indices = @transform_6, window_bounds = array<i64: 200, 100>}, {pipeline_mode = #tpu.pipeline_mode<synchronous>, transform_indices = @transform_7, window_bounds = array<i64: 35, 100>}, {pipeline_mode = #tpu.pipeline_mode<synchronous>, transform_indices = @transform_8, window_bounds = array<i64: 1, 100>}, {pipeline_mode = #tpu.pipeline_mode<synchronous>, transform_indices = @transform_9, window_bounds = array<i64: 200, 100>}, {pipeline_mode = #tpu.pipeline_mode<synchronous>, transform_indices = @transform_10, window_bounds = array<i64: 35, 100>}, {pipeline_mode = #tpu.pipeline_mode<synchronous>, transform_indices = @transform_11, window_bounds = array<i64: 1, 100>}, {transform_indices = @transform_12, window_bounds = array<i64: 2048, 100>}, {transform_indices = @transform_13, window_bounds = array<i64: 2048, 100>}, {transform_indices = @transform_14, window_bounds = array<i64: 2048, 100>}, {transform_indices = @transform_15, window_bounds = array<i64: 2048, 100>}]} {
    %get3A = arith.constant 0 : index
    %get3A_0 = arith.constant 0 : index
    %get3A_1 = vector.load %arg1[%get3A, %get3A_0] : memref<2048x5xi32, #tpu.memory_space<vmem>>, vector<2048x5xi32>
    %get3A_2 = arith.constant 0 : index
    %get3A_3 = arith.constant 0 : index
    %get3A_4 = vector.load %arg2[%get3A_2, %get3A_3] : memref<200x2048xf32, #tpu.memory_space<vmem>>, vector<200x2048xf32>
    %slice3A = vector.extract_strided_slice %get3A_1 {offsets = [0, 1], sizes = [2048, 1], strides = [1, 1]} : vector<2048x5xi32> to vector<2048x1xi32>
    %iota3A = tpu.iota {dimensions = array<i32: 1>} : vector<2048x2xi32>
    %eq3A = vector.broadcast %slice3A : vector<2048x1xi32> to vector<2048x2xi32>
    %eq3A_5 = arith.cmpi eq, %eq3A, %iota3A : vector<2048x2xi32>
    %convert_element_type3A = arith.extui %eq3A_5 : vector<2048x2xi1> to vector<2048x2xi32>
    %convert_element_type3A_6 = arith.sitofp %convert_element_type3A : vector<2048x2xi32> to vector<2048x2xf32>
    %get3A_7 = arith.constant 0 : index
    %get3A_8 = arith.constant 0 : index
    %get3A_9 = vector.load %arg3[%get3A_7, %get3A_8] : memref<2x5xf32, #tpu.memory_space<vmem>>, vector<2x5xf32>
    %dot_general3A = arith.constant dense<0.000000e+00> : vector<2048x5xf32>
    %dot_general3A_10 = tpu.matmul %convert_element_type3A_6, %get3A_9, %dot_general3A {dimension_numbers = #tpu.dot_dimension_numbers<[1], [0], [0], [1], [0, 0, 1, 1], [], []>, transpose_lhs_hint = false} : vector<2048x2xf32>, vector<2x5xf32>, vector<2048x5xf32> -> vector<2048x5xf32>
    %slice3A_11 = vector.extract_strided_slice %get3A_1 {offsets = [0, 2], sizes = [2048, 1], strides = [1, 1]} : vector<2048x5xi32> to vector<2048x1xi32>
    %iota3A_12 = tpu.iota {dimensions = array<i32: 1>} : vector<2048x24xi32>
    %eq3A_13 = vector.broadcast %slice3A_11 : vector<2048x1xi32> to vector<2048x24xi32>
    %eq3A_14 = arith.cmpi eq, %eq3A_13, %iota3A_12 : vector<2048x24xi32>
    %convert_element_type3A_15 = arith.extui %eq3A_14 : vector<2048x24xi1> to vector<2048x24xi32>
    %convert_element_type3A_16 = arith.sitofp %convert_element_type3A_15 : vector<2048x24xi32> to vector<2048x24xf32>
    %get3A_17 = arith.constant 0 : index
    %get3A_18 = arith.constant 0 : index
    %get3A_19 = vector.load %arg4[%get3A_17, %get3A_18] : memref<24x10xf32, #tpu.memory_space<vmem>>, vector<24x10xf32>
    %dot_general3A_20 = arith.constant dense<0.000000e+00> : vector<2048x10xf32>
    %dot_general3A_21 = tpu.matmul %convert_element_type3A_16, %get3A_19, %dot_general3A_20 {dimension_numbers = #tpu.dot_dimension_numbers<[1], [0], [0], [1], [0, 0, 1, 1], [], []>, transpose_lhs_hint = false} : vector<2048x24xf32>, vector<24x10xf32>, vector<2048x10xf32> -> vector<2048x10xf32>
    %slice3A_22 = vector.extract_strided_slice %get3A_1 {offsets = [0, 3], sizes = [2048, 1], strides = [1, 1]} : vector<2048x5xi32> to vector<2048x1xi32>
    %iota3A_23 = tpu.iota {dimensions = array<i32: 1>} : vector<2048x2xi32>
    %eq3A_24 = vector.broadcast %slice3A_22 : vector<2048x1xi32> to vector<2048x2xi32>
    %eq3A_25 = arith.cmpi eq, %eq3A_24, %iota3A_23 : vector<2048x2xi32>
    %convert_element_type3A_26 = arith.extui %eq3A_25 : vector<2048x2xi1> to vector<2048x2xi32>
    %convert_element_type3A_27 = arith.sitofp %convert_element_type3A_26 : vector<2048x2xi32> to vector<2048x2xf32>
    %get3A_28 = arith.constant 0 : index
    %get3A_29 = arith.constant 0 : index
    %get3A_30 = vector.load %arg5[%get3A_28, %get3A_29] : memref<2x10xf32, #tpu.memory_space<vmem>>, vector<2x10xf32>
    %dot_general3A_31 = arith.constant dense<0.000000e+00> : vector<2048x10xf32>
    %dot_general3A_32 = tpu.matmul %convert_element_type3A_27, %get3A_30, %dot_general3A_31 {dimension_numbers = #tpu.dot_dimension_numbers<[1], [0], [0], [1], [0, 0, 1, 1], [], []>, transpose_lhs_hint = false} : vector<2048x2xf32>, vector<2x10xf32>, vector<2048x10xf32> -> vector<2048x10xf32>
    %slice3A_33 = vector.extract_strided_slice %get3A_1 {offsets = [0, 4], sizes = [2048, 1], strides = [1, 1]} : vector<2048x5xi32> to vector<2048x1xi32>
    %iota3A_34 = tpu.iota {dimensions = array<i32: 1>} : vector<2048x3xi32>
    %eq3A_35 = vector.broadcast %slice3A_33 : vector<2048x1xi32> to vector<2048x3xi32>
    %eq3A_36 = arith.cmpi eq, %eq3A_35, %iota3A_34 : vector<2048x3xi32>
    %convert_element_type3A_37 = arith.extui %eq3A_36 : vector<2048x3xi1> to vector<2048x3xi32>
    %convert_element_type3A_38 = arith.sitofp %convert_element_type3A_37 : vector<2048x3xi32> to vector<2048x3xf32>
    %get3A_39 = arith.constant 0 : index
    %get3A_40 = arith.constant 0 : index
    %get3A_41 = vector.load %arg6[%get3A_39, %get3A_40] : memref<3x10xf32, #tpu.memory_space<vmem>>, vector<3x10xf32>
    %dot_general3A_42 = arith.constant dense<0.000000e+00> : vector<2048x10xf32>
    %dot_general3A_43 = tpu.matmul %convert_element_type3A_38, %get3A_41, %dot_general3A_42 {dimension_numbers = #tpu.dot_dimension_numbers<[1], [0], [0], [1], [0, 0, 1, 1], [], []>, transpose_lhs_hint = false} : vector<2048x3xf32>, vector<3x10xf32>, vector<2048x10xf32> -> vector<2048x10xf32>
    %concatenate3A = tpu.concatenate %dot_general3A_10, %dot_general3A_21, %dot_general3A_32, %dot_general3A_43 in 1 : vector<2048x5xf32>, vector<2048x10xf32>, vector<2048x10xf32>, vector<2048x10xf32> -> vector<2048x35xf32>
    %get3A_44 = arith.constant 0 : index
    %get3A_45 = arith.constant 0 : index
    %get3A_46 = vector.load %arg7[%get3A_44, %get3A_45] : memref<200x100xf32, #tpu.memory_space<vmem>>, vector<200x100xf32>
    %dot_general3A_47 = arith.constant dense<0.000000e+00> : vector<2048x100xf32>
    %dot_general3A_48 = tpu.matmul %get3A_4, %get3A_46, %dot_general3A_47 {dimension_numbers = #tpu.dot_dimension_numbers<[0], [0], [1], [1], [0, 1, 1, 1], [], []>, transpose_lhs_hint = false} : vector<200x2048xf32>, vector<200x100xf32>, vector<2048x100xf32> -> vector<2048x100xf32>
    %get3A_49 = arith.constant 0 : index
    %get3A_50 = arith.constant 0 : index
    %get3A_51 = vector.load %arg8[%get3A_49, %get3A_50] : memref<35x100xf32, #tpu.memory_space<vmem>>, vector<35x100xf32>
    %dot_general3A_52 = arith.constant dense<0.000000e+00> : vector<2048x100xf32>
    %dot_general3A_53 = tpu.matmul %concatenate3A, %get3A_51, %dot_general3A_52 {dimension_numbers = #tpu.dot_dimension_numbers<[1], [0], [0], [1], [0, 0, 1, 1], [], []>, transpose_lhs_hint = false} : vector<2048x35xf32>, vector<35x100xf32>, vector<2048x100xf32> -> vector<2048x100xf32>
    %add3A = arith.addf %dot_general3A_48, %dot_general3A_53 : vector<2048x100xf32>
    %get3A_54 = arith.constant 0 : index
    %get3A_55 = arith.constant 0 : index
    %get3A_56 = vector.load %arg9[%get3A_54, %get3A_55] : memref<1x100xf32, #tpu.memory_space<vmem>>, vector<1x100xf32>
    %add3A_57 = vector.broadcast %get3A_56 : vector<1x100xf32> to vector<2048x100xf32>
    %add3A_58 = arith.addf %add3A, %add3A_57 : vector<2048x100xf32>
    %get3A_59 = arith.constant 0 : index
    %get3A_60 = arith.constant 0 : index
    %get3A_61 = vector.load %arg10[%get3A_59, %get3A_60] : memref<200x100xf32, #tpu.memory_space<vmem>>, vector<200x100xf32>
    %dot_general3A_62 = arith.constant dense<0.000000e+00> : vector<2048x100xf32>
    %dot_general3A_63 = tpu.matmul %get3A_4, %get3A_61, %dot_general3A_62 {dimension_numbers = #tpu.dot_dimension_numbers<[0], [0], [1], [1], [0, 1, 1, 1], [], []>, transpose_lhs_hint = false} : vector<200x2048xf32>, vector<200x100xf32>, vector<2048x100xf32> -> vector<2048x100xf32>
    %get3A_64 = arith.constant 0 : index
    %get3A_65 = arith.constant 0 : index
    %get3A_66 = vector.load %arg11[%get3A_64, %get3A_65] : memref<35x100xf32, #tpu.memory_space<vmem>>, vector<35x100xf32>
    %dot_general3A_67 = arith.constant dense<0.000000e+00> : vector<2048x100xf32>
    %dot_general3A_68 = tpu.matmul %concatenate3A, %get3A_66, %dot_general3A_67 {dimension_numbers = #tpu.dot_dimension_numbers<[1], [0], [0], [1], [0, 0, 1, 1], [], []>, transpose_lhs_hint = false} : vector<2048x35xf32>, vector<35x100xf32>, vector<2048x100xf32> -> vector<2048x100xf32>
    %add3A_69 = arith.addf %dot_general3A_63, %dot_general3A_68 : vector<2048x100xf32>
    %get3A_70 = arith.constant 0 : index
    %get3A_71 = arith.constant 0 : index
    %get3A_72 = vector.load %arg12[%get3A_70, %get3A_71] : memref<1x100xf32, #tpu.memory_space<vmem>>, vector<1x100xf32>
    %add3A_73 = vector.broadcast %get3A_72 : vector<1x100xf32> to vector<2048x100xf32>
    %add3A_74 = arith.addf %add3A_69, %add3A_73 : vector<2048x100xf32>
    %mul3A = arith.constant 5.000000e-01 : f32
    %mul3A_75 = vector.broadcast %mul3A : f32 to vector<2048x100xf32>
    %mul3A_76 = arith.mulf %mul3A_75, %add3A_74 : vector<2048x100xf32>
    %exp3A = math.exp %mul3A_76 : vector<2048x100xf32>
    %get3A_77 = arith.constant 0 : index
    %get3A_78 = arith.constant 0 : index
    %get3A_79 = vector.load %arg13[%get3A_77, %get3A_78] : memref<2048x100xf32, #tpu.memory_space<vmem>>, vector<2048x100xf32>
    %mul3A_80 = arith.mulf %exp3A, %get3A_79 : vector<2048x100xf32>
    %add3A_81 = arith.addf %add3A_58, %mul3A_80 : vector<2048x100xf32>
    %swap3A = arith.constant 0 : index
    %swap3A_82 = arith.constant 0 : index
    %swap3A_83 = vector.load %arg14[%swap3A, %swap3A_82] : memref<2048x100xf32, #tpu.memory_space<vmem>>, vector<2048x100xf32>
    tpu.vector_store %arg14[%swap3A, %swap3A_82], %add3A_81 {strides = array<i32>} : memref<2048x100xf32, #tpu.memory_space<vmem>>, vector<2048x100xf32>,
    %swap3A_84 = arith.constant 0 : index
    %swap3A_85 = arith.constant 0 : index
    %swap3A_86 = vector.load %arg15[%swap3A_84, %swap3A_85] : memref<2048x100xf32, #tpu.memory_space<vmem>>, vector<2048x100xf32>
    tpu.vector_store %arg15[%swap3A_84, %swap3A_85], %add3A_58 {strides = array<i32>} : memref<2048x100xf32, #tpu.memory_space<vmem>>, vector<2048x100xf32>,
    %swap3A_87 = arith.constant 0 : index
    %swap3A_88 = arith.constant 0 : index
    %swap3A_89 = vector.load %arg16[%swap3A_87, %swap3A_88] : memref<2048x100xf32, #tpu.memory_space<vmem>>, vector<2048x100xf32>
    tpu.vector_store %arg16[%swap3A_87, %swap3A_88], %add3A_74 {strides = array<i32>} : memref<2048x100xf32, #tpu.memory_space<vmem>>, vector<2048x100xf32>,
    return
  }
  func.func @transform_0(%arg0: i32) -> (i32, i32) {
    %c0_i32 = arith.constant 0 : i32
    %c0_i32_0 = arith.constant 0 : i32
    return %arg0, %c0_i32 : i32, i32
  }
  func.func @transform_1(%arg0: i32) -> (i32, i32) {
    %c0_i32 = arith.constant 0 : i32
    %c0_i32_0 = arith.constant 0 : i32
    return %c0_i32, %arg0 : i32, i32
  }
  func.func @transform_2(%arg0: i32) -> (i32, i32) {
    %c0_i32 = arith.constant 0 : i32
    %c0_i32_0 = arith.constant 0 : i32
    %c0_i32_1 = arith.constant 0 : i32
    return %c0_i32, %c0_i32_0 : i32, i32
  }
  func.func @transform_3(%arg0: i32) -> (i32, i32) {
    %c0_i32 = arith.constant 0 : i32
    %c0_i32_0 = arith.constant 0 : i32
    %c0_i32_1 = arith.constant 0 : i32
    return %c0_i32, %c0_i32_0 : i32, i32
  }
  func.func @transform_4(%arg0: i32) -> (i32, i32) {
    %c0_i32 = arith.constant 0 : i32
    %c0_i32_0 = arith.constant 0 : i32
    %c0_i32_1 = arith.constant 0 : i32
    return %c0_i32, %c0_i32_0 : i32, i32
  }
  func.func @transform_5(%arg0: i32) -> (i32, i32) {
    %c0_i32 = arith.constant 0 : i32
    %c0_i32_0 = arith.constant 0 : i32
    %c0_i32_1 = arith.constant 0 : i32
    return %c0_i32, %c0_i32_0 : i32, i32
  }
  func.func @transform_6(%arg0: i32) -> (i32, i32) {
    %c0_i32 = arith.constant 0 : i32
    %c0_i32_0 = arith.constant 0 : i32
    %c0_i32_1 = arith.constant 0 : i32
    return %c0_i32, %c0_i32_0 : i32, i32
  }
  func.func @transform_7(%arg0: i32) -> (i32, i32) {
    %c0_i32 = arith.constant 0 : i32
    %c0_i32_0 = arith.constant 0 : i32
    %c0_i32_1 = arith.constant 0 : i32
    return %c0_i32, %c0_i32_0 : i32, i32
  }
  func.func @transform_8(%arg0: i32) -> (i32, i32) {
    %c0_i32 = arith.constant 0 : i32
    %c0_i32_0 = arith.constant 0 : i32
    %c0_i32_1 = arith.constant 0 : i32
    return %c0_i32, %c0_i32_0 : i32, i32
  }
  func.func @transform_9(%arg0: i32) -> (i32, i32) {
    %c0_i32 = arith.constant 0 : i32
    %c0_i32_0 = arith.constant 0 : i32
    %c0_i32_1 = arith.constant 0 : i32
    return %c0_i32, %c0_i32_0 : i32, i32
  }
  func.func @transform_10(%arg0: i32) -> (i32, i32) {
    %c0_i32 = arith.constant 0 : i32
    %c0_i32_0 = arith.constant 0 : i32
    %c0_i32_1 = arith.constant 0 : i32
    return %c0_i32, %c0_i32_0 : i32, i32
  }
  func.func @transform_11(%arg0: i32) -> (i32, i32) {
    %c0_i32 = arith.constant 0 : i32
    %c0_i32_0 = arith.constant 0 : i32
    %c0_i32_1 = arith.constant 0 : i32
    return %c0_i32, %c0_i32_0 : i32, i32
  }
  func.func @transform_12(%arg0: i32) -> (i32, i32) {
    %c0_i32 = arith.constant 0 : i32
    %c0_i32_0 = arith.constant 0 : i32
    return %arg0, %c0_i32 : i32, i32
  }
  func.func @transform_13(%arg0: i32) -> (i32, i32) {
    %c0_i32 = arith.constant 0 : i32
    %c0_i32_0 = arith.constant 0 : i32
    return %arg0, %c0_i32 : i32, i32
  }
  func.func @transform_14(%arg0: i32) -> (i32, i32) {
    %c0_i32 = arith.constant 0 : i32
    %c0_i32_0 = arith.constant 0 : i32
    return %arg0, %c0_i32 : i32, i32
  }
  func.func @transform_15(%arg0: i32) -> (i32, i32) {
    %c0_i32 = arith.constant 0 : i32
    %c0_i32_0 = arith.constant 0 : i32
    return %arg0, %c0_i32 : i32, i32
  }
}

</mosaic_0001>

<sc_bundles>
// kernel: kernel.4.cloned.1.call-start
scs
__scs_entry_jumppad:
0x0: {  	(pc) =	sbr.rel $0x88, $3  }
0x1: {  	(tag) =	ssettag $0x0;
	lr =	simm.s32 $0x1  }
0x2: {  	[smem:$0x3F97] =	sst lr;
	_ =	strace $0xD0000000  }
0x3: {  	_ = 	snop  }
0x4: {  	_ = 	snop  }
0x5: {  	_ = 	snop  }
0x6: {  	_ = 	snop  }
0x7: {  	_ = 	snop  }
__scs_overlays_trampoline_lowered:
0x8: {  	[smem:$0x3FA6] =	sst s0  }
0x9: {  	[smem:$0x3FA7] =	sst s1  }
0xa: {  	[smem:$0x3FA8] =	sst s2  }
0xb: {  	[smem:$0x3FA9] =	sst s3  }
0xc: {  	[smem:$0x3FAA] =	sst s4  }
0xd: {  	[smem:$0x3FAB] =	sst s5  }
0xe: {  	[smem:$0x3FAC] =	sst s6  }
0xf: {  	[smem:$0x3FAD] =	sst s7  }
0x10: {  	[smem:$0x3FAE] =	sst s8  }
0x11: {  	[smem:$0x3FAF] =	sst s9;
	s0 =	simm.s32 @!p0 $0x0  }
0x12: {  	s1 =	sld [smem:$0x3F95];
	s0 =	simm.s32 @p0 $0x1  }
0x13: {  	[smem:$0x3FB0] =	sst s0;
	s0 =	simm.s32 @!p1 $0x0  }
0x14: {  	s2 =	sld [smem:$0x3F94];
	s0 =	simm.s32 @p1 $0x1  }
0x15: {  	[smem:$0x3FB1] =	sst s0;
	s0 =	simm.s32 @!p2 $0x0  }
0x16: {  	s3 =	sld [smem:$0x3FDB];
	s0 =	simm.s32 @p2 $0x1  }
0x17: {  	s4 =	simm.s32 $0x1BF5;
	[smem:$0x3FB3] =	sst s0  }
0x18: {  	s0 =	sld [smem:$0x3F96];
	_ =	swait.ge [sflag:s4], $0x0  }
0x19: {  	s7 =	sld [smem:$0x3F97]  }
0x1a: {  	s8 =	sadd.s32 $0xFFFFE003, lr  }
0x1b: {  	s9 =	sadd.s32 $0xFFFFFEF7, lr;
	s5 =	simm.s32 $0xFFFFFFFF;
	p2 =	slt.u32 s8, $0xFFFFF086  }
0x1c: {  	p1 =	slt.u32 s9, $0xF7A;
	s5 =	simm.s32 @!p2 $0x0  }
0x1d: {  	s5 =	simm.s32 @p1 $0x1;
	p0 =	seq.s32 s7, s2  }
0x1e: {  	s7 =	smul.u32 @!p0 $0xF7A, s2;
	p2 =	seq.s32 @!p0 s5, $0x0  }
0x1f: {  	s9 =	smul.u32 $0xF7A, s1;
	s8 =	simm.s32 @!p0 $0x1BF5;
	p2 =	por !p2, p0  }
0x20: {  	[sflag:s8] =	ssyncset.s32 @!p0 $0xFFFFF086;
	s6 =	sadd.s32 @!p0 s3, s7;
	s7 =	simm.s32 @!p0 $0x108  }
0x21: {  	s3 =	sadd.s32 s3, s9;
	s6 =	sadd.s32 @!p0 $0x88, s6;
	s7 =	simm.s32 @p2 $0x1082  }
0x22: {  	[simem:s7], [sflag:s8] =	dma.local @!p0 [hbm:s6], $0xF7A  }
0x23: {  	s9 =	sor.u32 $0xD0000000, s2;
	s6 =	simm.s32 $0x108;
	_ =	swait.ge @!p0 [sflag:s8], $0x0  }
0x24: {  	s3 =	sadd.s32 $0x88, s3;
	s6 =	simm.s32 @!p1 $0x1082;
	[sflag:s4] =	ssyncset.s32 $0xFFFFF086  }
0x25: {  	[simem:s6], [sflag:s4] =	dma.local [hbm:s3], $0xF7A  }
0x26: {  	[smem:$0x3F97] =	sst s1;
	(tag) =	ssettag s2;
	_ =	strace s9  }
0x27: {  	s1 =	sld [smem:$0x3FA7]  }
0x28: {  	s2 =	sld [smem:$0x3FA8]  }
0x29: {  	s4 =	sld [smem:$0x3FAA]  }
0x2a: {  	p0 =	seq.s32 s5, $0x0;
	s5 =	sld [smem:$0x3FAB]  }
0x2b: {  	s6 =	sld [smem:$0x3FAC]  }
0x2c: {  	s7 =	sld [smem:$0x3FAD]  }
0x2d: {  	s3 =	simm.s32 $0x108;
	s8 =	sld [smem:$0x3FAE]  }
0x2e: {  	s3 =	simm.s32 @!p0 $0x1082;
	s9 =	sld [smem:$0x3FAF]  }
0x2f: {  	lr =	sadd.s32 s0, s3;
	s0 =	sld [smem:$0x3FA6]  }
0x30: {  	s3 =	sld [smem:$0x3FA9]  }
0x31: {  	[smem:$0x3FB2] =	sst s10  }
0x32: {  	s10 =	sld [smem:$0x3FB0];
	_ =	sdelay $0x3  }
0x33: {  	p0 =	seq.s32 s10, $0x1;
	s10 =	sld [smem:$0x3FB2];
	_ =	sdelay $0x3  }
0x34: {  	[smem:$0x3FB2] =	sst s10  }
0x35: {  	s10 =	sld [smem:$0x3FB1];
	_ =	sdelay $0x3  }
0x36: {  	p1 =	seq.s32 s10, $0x1;
	s10 =	sld [smem:$0x3FB2];
	_ =	sdelay $0x3  }
0x37: {  	[smem:$0x3FB2] =	sst s10  }
0x38: {  	s10 =	sld [smem:$0x3FB3]  }
0x39: {  	_ = 	snop;
	(pc) =	sbr.ind lr, $3  }
0x3a: {  	_ = 	snop  }
0x3b: {  	_ = 	snop  }
0x3c: {  	p2 =	seq.s32 s10, $0x1;
	s10 =	sld [smem:$0x3FB2]  }
0x3d: {  	_ =	shalt  }
0x3e: {  	_ =	shalt  }
0x3f: {  	_ =	shalt  }
0x40: {  	_ =	shalt  }
0x41: {  	_ =	shalt  }
0x42: {  	_ =	shalt  }
0x43: {  	_ =	shalt  }
0x44: {  	_ =	shalt  }
0x45: {  	_ =	shalt  }
0x46: {  	_ =	shalt  }
0x47: {  	_ =	shalt  }
0x48: {  	_ =	shalt  }
0x49: {  	_ =	shalt  }
0x4a: {  	_ =	shalt  }
0x4b: {  	_ =	shalt  }
0x4c: {  	_ =	shalt  }
0x4d: {  	_ =	shalt  }
0x4e: {  	_ =	shalt  }
0x4f: {  	_ =	shalt  }
0x50: {  	_ =	shalt  }
0x51: {  	_ =	shalt  }
0x52: {  	_ =	shalt  }
0x53: {  	_ =	shalt  }
0x54: {  	_ =	shalt  }
0x55: {  	_ =	shalt  }
0x56: {  	_ =	shalt  }
0x57: {  	_ =	shalt  }
0x58: {  	_ =	shalt  }
0x59: {  	_ =	shalt  }
0x5a: {  	_ =	shalt  }
0x5b: {  	_ =	shalt  }
0x5c: {  	_ =	shalt  }
0x5d: {  	_ =	shalt  }
0x5e: {  	_ =	shalt  }
0x5f: {  	_ =	shalt  }
0x60: {  	_ =	shalt  }
0x61: {  	_ =	shalt  }
0x62: {  	_ =	shalt  }
0x63: {  	_ =	shalt  }
0x64: {  	_ =	shalt  }
0x65: {  	_ =	shalt  }
0x66: {  	_ =	shalt  }
0x67: {  	_ =	shalt  }
0x68: {  	_ =	shalt  }
0x69: {  	_ =	shalt  }
0x6a: {  	_ =	shalt  }
0x6b: {  	_ =	shalt  }
0x6c: {  	_ =	shalt  }
0x6d: {  	_ =	shalt  }
0x6e: {  	_ =	shalt  }
0x6f: {  	_ =	shalt  }
0x70: {  	_ =	shalt  }
0x71: {  	_ =	shalt  }
0x72: {  	_ =	shalt  }
0x73: {  	_ =	shalt  }
0x74: {  	_ =	shalt  }
0x75: {  	_ =	shalt  }
0x76: {  	_ =	shalt  }
0x77: {  	_ =	shalt  }
0x78: {  	_ =	shalt  }
0x79: {  	_ =	shalt  }
0x7a: {  	_ =	shalt  }
0x7b: {  	_ =	shalt  }
0x7c: {  	_ =	shalt  }
0x7d: {  	_ =	shalt  }
0x7e: {  	_ =	shalt  }
0x7f: {  	_ =	shalt  }
0x80: {  	_ =	shalt  }
0x81: {  	_ =	shalt  }
0x82: {  	_ =	shalt  }
0x83: {  	_ =	shalt  }
0x84: {  	_ =	shalt  }
0x85: {  	_ =	shalt  }
0x86: {  	_ =	shalt  }
0x87: {  	_ =	shalt  }
.Lfunc_end0:
.L_simem_size_0:
called_computation_lowered:
.L_overlay_start_0:
0x88: {  	s2 =	sld [smem:$0x3FD9]  }
0x89: {  	s3 =	sld [smem:$0x3FFE];
	_ =	sdelay $0x1  }
0x8a: {  	s1 =	srdreg.scid  }
0x8b: {  	s0 =	sand.u32 $0x1, s1  }
0x8c: {  	s14 =	sshll.u32 s0, $0xA;
	s2 =	sadd.s32 s3, s2  }
0x8d: {  	s2 =	sadd.s32 s2, s14  }
0x8e: {  	[smem:$0x3FBE] =	sst s2  }
0x8f: {  	_ = 	snop  }
0x90: {  	s2 =	sld [smem:$0x3FD0];
	_ =	sdelay $0x2  }
0x91: {  	s4 =	simm.s32 $0xA;
	s5 =	simm.s32 $0x10;
	s15 =	sld [smem:$0x3FC8]  }
0x92: {  	[smem:s5], [sflag:s4] =	dma.local [hbm:s2], $0x1  }
0x93: {  	_ =	swait.eq [sflag:s4], $0x1  }
0x94: {  	[sflag:s4] =	ssyncset.done $0x0  }
0x95: {  	[sflag:s4] =	ssyncadd.s32 $0xFFFFFFFF  }
0x96: {  	s16 =	sld [smem:$0x12];
	(tm) =	ssettm $0x1  }
0x97: {  	s17 =	sld [smem:$0x3FFB];
	_ =	sdelay $0x3  }
0x98: {  	_ =	strace s17  }
0x99: {  	s4 =	sld [smem:$0x3FFC];
	_ =	sdelay $0x3  }
0x9a: {  	_ =	strace s4  }
0x9b: {  	s4 =	sld [smem:$0x3FFD];
	_ =	sdelay $0x3  }
0x9c: {  	_ =	strace s4  }
0x9d: {  	_ =	strace $0x8FFFFFFF  }
0x9e: {  	s18 =	sld [smem:$0x3FDB];
	_ =	sdelay $0x1  }
0x9f: {  	s19 =	simm.s32 $_scs_section_size  }
0xa0: {  	s6 =	simm.s32 $_size__tile_overlayer_lowered;
	s7 =	simm.s32 $_tile_overlayer_lowered  }
0xa1: {  	s22 =	simm.s32 $0x1BFF;
	s21 =	sshll.u32 s7, $0x1;
	s4 =	sadd.s32 s19, s18  }
0xa2: {  	s8 =	simm.s32 $0x0;
	s20 =	sshll.u32 s6, $0x1;
	s6 =	sadd.s32 s21, s4  }
0xa3: {  	[timem:s8], [sflag:s22] =	dma.local [hbm:s6], s20  }
0xa4: {  	_ =	swait.ge [sflag:s22], s20  }
0xa5: {  	s5 =	ssub.s32 $0x0, s20;
	[sflag:s22] =	ssyncset.done $0x0  }
0xa6: {  	[sflag:s22] =	ssyncadd.s32 s5;
	_ =	sdelay $0x1  }
0xa7: {  	s23 =	simm.s32 $0x1B8B  }
0xa8: {  	_ =	swait.ge [sflag:s23], $0x1  }
0xa9: {  	[sflag:s23] =	ssyncset.done $0x0  }
0xaa: {  	s25 =	simm.s32 $0x1B8E;
	s24 =	sld [smem:$0x3FFE];
	[sflag:s23] =	ssyncadd.s32 $0xFFFFFFFF  }
0xab: {  	s26 =	simm.s32 $execute0_lowered;
	[smem:$0x3FD2] =	sst s25  }
0xac: {  	s6 =	sshll.u32 s26, $0x1;
	_ =	strace $0x80000046;
	[dreg:$0x1] =	wrdreg $0xFFFFFFFF  }
0xad: {  	s28 =	simm.s32 $_size_execute0_lowered;
	s4 =	sadd.s32 s4, s6;
	[dreg:$0x0] =	wrdreg $0x0  }
0xae: {  	s6 =	sshll.u32 s28, $0x1;
	[dreg:$0x2] =	wrdreg s4  }
0xaf: {  	[dreg:$0x3] =	wrdreg s6  }
0xb0: {  	[dreg:$0x4] =	wrdreg $0xC0  }
0xb1: {  	_ =	task [dreg:s8], $0x5FFFF  }
0xb2: {  	[dreg:$0x1] =	wrdreg $0xFFFFFFFF  }
0xb3: {  	[dreg:$0x0] =	wrdreg $0x60  }
0xb4: {  	[dreg:$0x2] =	wrdreg s15  }
0xb5: {  	[dreg:$0x3] =	wrdreg s16  }
0xb6: {  	[dreg:$0x4] =	wrdreg s24  }
0xb7: {  	[dreg:$0x5] =	wrdreg $0x9  }
0xb8: {  	_ =	task.clear_ibuf [dreg:s8], $0x6FFFF;
	_ =	strace $0x90000046  }
0xb9: {  	s29 =	simm.s32 $0x9;
	_ =	strace $0x80000048  }
0xba: {  	_ =	swait.ge [sflag:s29], $0x1  }
0xbb: {  	[sflag:s29] =	ssyncadd.s32 $0xFFFFFFFF  }
0xbc: {  	_ =	strace $0x90000048  }
0xbd: {  	_ =	sfence  }
0xbe: {  	s30 =	sld [smem:$0x0];
	_ =	sdelay $0x2  }
0xbf: {  	s31 =	sshll.u32 s1, $0xD;
	s1 =	sshrl.u32 s1, $0x2  }
0xc0: {  	s3 =	sand.u32 $0x4000, s31;
	s1 =	sadd.s32 s1, s30  }
0xc1: {  	s0 =	sor.u32 s3, s0;
	s1 =	sshll.u32 s1, $0x11  }
0xc2: {  	s0 =	sor.u32 s1, s0  }
0xc3: {  	s0 =	sadd.s32 $0x8F2B, s0  }
0xc4: {  	[sflag:s0] =	ssyncadd.remote.s32 $0x1  }
0xc5: {  	_ =	sfence.sel $0xFFFF  }
0xc6: {  	[dreg:$0x0] =	wrdreg $0xFFFFFFFF;
	(pc) =	sbr.abs _section_cstart, $3  }
0xc7: {  	[dreg:$0x1] =	wrdreg $0xFFFFFFFF  }
0xc8: {  	_ =	task.clear_ibuf [dreg:s8], $0x2FFFF;
	_ =	strace $0x9FFFFFFF  }
0xc9: {  	(tm) =	ssettm $0x7FFFFFFF  }
tec
execute0_lowered:
.L_overlay_start_1:
0x0: {  	(tag) =	ssettag $0x1  }
0x1: {  	s0 =	rddreg [dreg:$0x0]  }
0x2: {  	s5 =	rddreg [dreg:$0x2];
	s3 =	simm.s32 $0x0;
	s1 =	srdreg.scid  }
0x3: {  	s2 =	stileid.u32;
	[smem:$0x7FF] =	sst s3  }
0x4: {  	s4 =	sand.u32 $0x1, s1;
	s19 =	sshrl.u32 s2, $0x2;
	s14 =	sshll.u32 s2, $0x8  }
0x5: {  	s1 =	sadd.s32 $0x2000, s5;
	s9 =	sadd.s32 $0x3000, s5;
	s15 =	sshll.u32 s4, $0x7  }
0x6: {  	s6 =	sand.u32 $0x300, s14;
	s7 =	smul.u32 $0xC3800, s19;
	_ =	strace $0x80000047  }
0x7: {  	s4 =	ssub.s32 $0x2, s4;
	s16 =	sshll.u32 s19, $0x11;
	s10 =	sor.u32 $0x4, s19  }
0x8: {  	s14 =	sadd.s32 $0x4000, s5;
	s5 =	sadd.s32 $0x5000, s5;
	s23 =	sor.u32 $0x10, s19  }
0x9: {  	s2 =	sor.u32 s15, s6;
	s8 =	sshrl.u32 s4, $0x1;
	s11 =	smul.u32 $0xC3800, s10  }
0xa: {  	s10 =	sshll.u32 s10, $0x11;
	s15 =	sor.u32 $0x8, s19;
	s24 =	smul.u32 $0xC3800, s23  }
0xb: {  	s26 =	sshll.u32 s23, $0x11;
	s6 =	sor.u32 s7, s2;
	s7 =	sor.u32 s16, s2  }
0xc: {  	s4 =	ssub.s32 s4, s8;
	s10 =	sor.u32 s2, s10;
	s16 =	smul.u32 $0xC3800, s15  }
0xd: {  	s15 =	sshll.u32 s15, $0x11;
	s26 =	sor.u32 s2, s26;
	s6 =	sshrl.u32 s6, $0x3  }
0xe: {  	s17 =	sshrl.u32 s7, $0x3;
	s11 =	sor.u32 s2, s11;
	s13 =	sshrl.u32 s10, $0x3  }
0xf: {  	s15 =	sor.u32 s2, s15;
	s24 =	sor.u32 s2, s24;
	s4 =	smax.u32 s4, $0x1  }
0x10: {  	s6 =	sadd.s32 s0, s6;
	s18 =	sadd.s32 s1, s17;
	s7 =	sadd.s32 s17, s14  }
0x11: {  	s8 =	sadd.s32 s17, s5;
	s11 =	sshrl.u32 s11, $0x3;
	[dreg:$0xd] =	wrdreg s4  }
0x12: {  	s10 =	sadd.s32 s1, s13;
	s12 =	sadd.s32 s13, s14;
	[dreg:$0x4] =	wrdreg s6  }
0x13: {  	s16 =	sor.u32 s2, s16;
	s24 =	sshrl.u32 s24, $0x3;
	[dreg:$0x5] =	wrdreg s18  }
0x14: {  	s6 =	sadd.s32 s17, s9;
	s20 =	sadd.s32 s0, s11;
	s11 =	sadd.s32 s13, s9  }
0x15: {  	s17 =	sor.u32 $0xC, s19;
	s13 =	sadd.s32 s13, s5;
	s16 =	sshrl.u32 s16, $0x3  }
0x16: {  	s19 =	sor.u32 $0x14, s19;
	s24 =	sadd.s32 s0, s24;
	[dreg:$0x6] =	wrdreg s20  }
0x17: {  	s18 =	smul.u32 $0xC3800, s17;
	s16 =	sadd.s32 s0, s16;
	s20 =	sshrl.u32 s15, $0x3  }
0x18: {  	s22 =	sshll.u32 s17, $0x11;
	s28 =	smul.u32 $0xC3800, s19;
	[dreg:$0x9] =	wrdreg s24  }
0x19: {  	s24 =	sshrl.u32 s26, $0x3;
	s19 =	sshll.u32 s19, $0x11;
	[dreg:$0x7] =	wrdreg s16  }
0x1a: {  	s15 =	sadd.s32 s1, s20;
	s16 =	sadd.s32 s20, s9;
	s17 =	sadd.s32 s20, s14  }
0x1b: {  	s25 =	sor.u32 s2, s22;
	s26 =	sadd.s32 s24, s9;
	s29 =	sadd.s32 s24, s5  }
0x1c: {  	s19 =	sor.u32 s2, s19;
	s21 =	sor.u32 s2, s18;
	s18 =	sadd.s32 s20, s5  }
0x1d: {  	s25 =	sshrl.u32 s25, $0x3;
	s30 =	sor.u32 s2, s28;
	s28 =	sadd.s32 s24, s14  }
0x1e: {  	s2 =	sshrl.u32 s2, $0x3;
	s19 =	sshrl.u32 s19, $0x3;
	s21 =	sshrl.u32 s21, $0x3  }
0x1f: {  	s22 =	sadd.s32 s25, s14;
	s23 =	sadd.s32 s25, s5;
	s30 =	sshrl.u32 s30, $0x3  }
0x20: {  	s31 =	sadd.s32 s1, s19;
	s20 =	sadd.s32 s0, s21;
	s21 =	sadd.s32 s25, s9  }
0x21: {  	[dreg:$0x8] =	wrdreg s20;
	s20 =	sadd.s32 s1, s25;
	s25 =	sadd.s32 s1, s24  }
0x22: {  	s24 =	sadd.s32 s0, s30;
	s30 =	sadd.s32 s2, s1;
	s1 =	sadd.s32 s19, s5  }
.Ltmp0:
0x23: {  	[dreg:$0xa] =	wrdreg s24;
	s24 =	sadd.s32 s2, s0;
	(pc) =	sbr.rel .LBB2_1-.Ltmp0, $4  }
0x24: {  	s0 =	sadd.s32 s19, s9;
	s2 =	sadd.s32 s19, s14;
	s9 =	sadd.s32 $0x61000, s30  }
0x25: {  	s14 =	sadd.s32 $0x62000, s30;
	s19 =	sadd.s32 $0x24A800, s24;
	s24 =	sadd.s32 $0x60000, s30  }
0x26: {  	[dreg:$0xb] =	wrdreg s19;
	s19 =	sadd.s32 $0x63000, s30;
	s30 =	stileid.u32  }
0x27: {  	s5 =	simm.s32 $0x0;
	[dreg:$0xc] =	wrdreg s24;
	p0 =	sgt.u32 s30, $0x3  }
.LBB2_114:
0x28: {  	[hbm4b:s5+s3] =	stream.linear.scatter [tilespmem:s24], [sflag:$0x2], $0x80, $0x38;
	[tilespmem:$0x1E700] =	vst v63  }
0x29: {  	s4 =	simm.s32 $0x1  }
0x2a: {  	_ =	swait.ge [sflag:s4], $0x1000  }
0x2b: {  	[sflag:s4] =	ssyncset.done $0x0  }
0x2c: {  	s30 =	simm.s32 $0x2;
	[sflag:s4] =	ssyncadd.s32 $0xFFFFF000  }
0x2d: {  	_ =	swait.ge [sflag:s30], $0x1000  }
0x2e: {  	[sflag:s30] =	ssyncset.done $0x0  }
0x2f: {  	s5 =	rddreg [dreg:$0xe];
	[sflag:s30] =	ssyncadd.s32 $0xFFFFF000  }
.LBB2_115:
0x30: {  	s5 =	sadd.s32 $0x1, s5;
	s4 =	rddreg [dreg:$0xd]  }
0x31: {  	p1 =	sne.s32 s5, s4  }
.Ltmp1:
0x32: {  	_ = 	snop;
	(pc) =	sbr.rel @!p1 .LBB2_116-.Ltmp1, $1  }
0x33: {  	_ =	sdelay $0x3  }
.LBB2_1:
0x34: {  	[dreg:$0xe] =	wrdreg s5  }
0x35: {  	s4 =	rddreg [dreg:$0x1];
	s24 =	simm.s32 $0x18700;
	s5 =	simm.s32 $0x3  }
0x36: {  	[tilespmem:s24], [sflag:$0x3] =	stream.linear.gather [hbm4b:s4+s3], $0x4000, $0x38;
	[tilespmem:$0x1E700] =	vst v63  }
0x37: {  	_ =	swait.ge [sflag:s5], $0x4000  }
0x38: {  	s30 =	simm.s32 $0x400;
	[sflag:s5] =	ssyncset.done $0x0  }
0x39: {  	s24 =	simm.s32 $0x80;
	s4 =	rddreg [dreg:$0x4];
	[sflag:s5] =	ssyncadd.s32 $0xFFFFC000  }
0x3a: {  	[tilespmem:s3], [sflag:$0x3] =	stream.strided.gather [hbm4b:s4+s24], $0x18700, s30, s24, $0x38;
	[tilespmem:$0x1E700] =	vst v63  }
0x3b: {  	_ =	swait.ge [sflag:s5], $0x18700  }
0x3c: {  	[sflag:s5] =	ssyncset.done $0x0  }
0x3d: {  	s24 =	simm.s32 $0x18780;
	[sflag:s5] =	ssyncadd.s32 $0xFFFE7900  }
0x3e: {  	v0 =	vld [tilespmem:s24+$0x70]  }
0x3f: {  	v1 =	vld [tilespmem:s24+$0xFFFFFF90]  }
0x40: {  	v2 =	vld [tilespmem:s24+$0xFFFFFFA0]  }
0x41: {  	v3 =	vld [tilespmem:s24+$0xFFFFFFB0]  }
0x42: {  	v4 =	vld [tilespmem:s24+$0xFFFFFFC0]  }
0x43: {  	v5 =	vld [tilespmem:s24+$0xFFFFFFD0]  }
0x44: {  	v6 =	vld [tilespmem:s24+$0xFFFFFFE0]  }
0x45: {  	v7 =	vld [tilespmem:s24+$0xFFFFFFF0]  }
0x46: {  	v8 =	vld [tilespmem:s24+$0x0]  }
0x47: {  	v9 =	vld [tilespmem:s24+$0x10]  }
0x48: {  	v10 =	vld [tilespmem:s24+$0x20]  }
0x49: {  	v11 =	vld [tilespmem:s24+$0x30]  }
0x4a: {  	v12 =	vld [tilespmem:s24+$0x40]  }
0x4b: {  	v13 =	vld [tilespmem:s24+$0x50]  }
0x4c: {  	v14 =	vld [tilespmem:s24+$0x60]  }
0x4d: {  	v15 =	vld [tilespmem:s24+$0xFFFFFF80]  }
0x4e: {  	v0 =	vld.idx.msk [tilespmem:v0+s3+$0x0], $0xffff  }
0x4f: {  	v1 =	vld.idx.msk [tilespmem:v1+s3+$0x0], $0xffff  }
0x50: {  	v2 =	vld.idx.msk [tilespmem:v2+s3+$0x0], $0xffff  }
0x51: {  	v3 =	vld.idx.msk [tilespmem:v3+s3+$0x0], $0xffff  }
0x52: {  	v4 =	vld.idx.msk [tilespmem:v4+s3+$0x0], $0xffff  }
0x53: {  	s4 =	simm.s32 $0x1C800;
	v5 =	vld.idx.msk [tilespmem:v5+s3+$0x0], $0xffff  }
0x54: {  	v6 =	vld.idx.msk [tilespmem:v6+s3+$0x0], $0xffff;
	[tilespmem:s4+$0x70] =	vst v0  }
0x55: {  	v7 =	vld.idx.msk [tilespmem:v7+s3+$0x0], $0xffff;
	[tilespmem:s4+$0xFFFFFF10] =	vst v1  }
0x56: {  	v15 =	vld.idx.msk [tilespmem:v15+s3+$0x0], $0xffff;
	[tilespmem:s4+$0xFFFFFF20] =	vst v2  }
0x57: {  	v8 =	vld.idx.msk [tilespmem:v8+s3+$0x0], $0xffff;
	[tilespmem:s4+$0xFFFFFF30] =	vst v3  }
0x58: {  	[tilespmem:s4+$0xFFFFFF40] =	vst v4;
	v0 =	vld.idx.msk [tilespmem:v9+s3+$0x0], $0xffff  }
0x59: {  	[tilespmem:s4+$0xFFFFFF50] =	vst v5;
	v1 =	vld.idx.msk [tilespmem:v10+s3+$0x0], $0xffff  }
0x5a: {  	[tilespmem:s4+$0xFFFFFF60] =	vst v6;
	v2 =	vld.idx.msk [tilespmem:v11+s3+$0x0], $0xffff  }
0x5b: {  	[tilespmem:s4+$0xFFFFFF70] =	vst v7;
	v3 =	vld.idx.msk [tilespmem:v12+s3+$0x0], $0xffff  }
0x5c: {  	[tilespmem:s4+$0xFFFFFF00] =	vst v15;
	v4 =	vld.idx.msk [tilespmem:v13+s3+$0x0], $0xffff  }
0x5d: {  	s30 =	simm.s32 $0x18880;
	s24 =	simm.s32 $0x0;
	[tilespmem:s4+$0x0] =	vst v8;
	v5 =	vld.idx.msk [tilespmem:v14+s3+$0x0], $0xffff  }
.LBB2_2:
0x5e: {  	v6 =	vld [tilespmem:s30+$0x70];
	s24 =	sadd.s32 $0x10, s24;
	[tilespmem:s4+$0x10] =	vst v0  }
0x5f: {  	v0 =	vld [tilespmem:s30+$0xFFFFFF90];
	p1 =	slt.u32 s24, $0xF0;
	[tilespmem:s4+$0x20] =	vst v1  }
0x60: {  	v1 =	vld [tilespmem:s30+$0xFFFFFFA0];
	[tilespmem:s4+$0x30] =	vst v2  }
0x61: {  	v2 =	vld [tilespmem:s30+$0xFFFFFFB0];
	[tilespmem:s4+$0x40] =	vst v3  }
0x62: {  	v3 =	vld [tilespmem:s30+$0xFFFFFFC0];
	[tilespmem:s4+$0x50] =	vst v4  }
0x63: {  	v4 =	vld [tilespmem:s30+$0xFFFFFFD0];
	[tilespmem:s4+$0x60] =	vst v5  }
0x64: {  	v5 =	vld [tilespmem:s30+$0xFFFFFFE0]  }
0x65: {  	v7 =	vld [tilespmem:s30+$0xFFFFFFF0]  }
0x66: {  	v6 =	vld.idx.msk [tilespmem:v6+s3+$0x0], $0xffff  }
0x67: {  	v8 =	vld [tilespmem:s30+$0x0]  }
0x68: {  	v9 =	vld [tilespmem:s30+$0x10]  }
0x69: {  	v10 =	vld [tilespmem:s30+$0x20]  }
0x6a: {  	v11 =	vld [tilespmem:s30+$0x30]  }
0x6b: {  	s4 =	sadd.s32 $0x200, s4;
	v12 =	vld [tilespmem:s30+$0x40]  }
0x6c: {  	v13 =	vld [tilespmem:s30+$0x50];
	[tilespmem:s4+$0x70] =	vst v6  }
0x6d: {  	v6 =	vld [tilespmem:s30+$0x60]  }
0x6e: {  	v14 =	vld [tilespmem:s30+$0xFFFFFF80]  }
0x6f: {  	v0 =	vld.idx.msk [tilespmem:v0+s3+$0x0], $0xffff  }
0x70: {  	v1 =	vld.idx.msk [tilespmem:v1+s3+$0x0], $0xffff  }
0x71: {  	v2 =	vld.idx.msk [tilespmem:v2+s3+$0x0], $0xffff  }
0x72: {  	v3 =	vld.idx.msk [tilespmem:v3+s3+$0x0], $0xffff  }
0x73: {  	v4 =	vld.idx.msk [tilespmem:v4+s3+$0x0], $0xffff  }
0x74: {  	v5 =	vld.idx.msk [tilespmem:v5+s3+$0x0], $0xffff  }
0x75: {  	[tilespmem:s4+$0xFFFFFF10] =	vst v0;
	v7 =	vld.idx.msk [tilespmem:v7+s3+$0x0], $0xffff  }
0x76: {  	v14 =	vld.idx.msk [tilespmem:v14+s3+$0x0], $0xffff;
	[tilespmem:s4+$0xFFFFFF20] =	vst v1  }
0x77: {  	[tilespmem:s4+$0xFFFFFF30] =	vst v2;
	v8 =	vld.idx.msk [tilespmem:v8+s3+$0x0], $0xffff  }
0x78: {  	[tilespmem:s4+$0xFFFFFF40] =	vst v3;
	v0 =	vld.idx.msk [tilespmem:v9+s3+$0x0], $0xffff  }
.Ltmp2:
0x79: {  	[tilespmem:s4+$0xFFFFFF50] =	vst v4;
	v1 =	vld.idx.msk [tilespmem:v10+s3+$0x0], $0xffff;
	(pc) =	sbr.rel @p1 .LBB2_2-.Ltmp2, $4  }
0x7a: {  	[tilespmem:s4+$0xFFFFFF60] =	vst v5;
	v2 =	vld.idx.msk [tilespmem:v11+s3+$0x0], $0xffff  }
0x7b: {  	[tilespmem:s4+$0xFFFFFF70] =	vst v7;
	v3 =	vld.idx.msk [tilespmem:v12+s3+$0x0], $0xffff  }
0x7c: {  	[tilespmem:s4+$0xFFFFFF00] =	vst v14;
	v4 =	vld.idx.msk [tilespmem:v13+s3+$0x0], $0xffff  }
0x7d: {  	s30 =	sadd.s32 $0x100, s30;
	[tilespmem:s4+$0x0] =	vst v8;
	v5 =	vld.idx.msk [tilespmem:v6+s3+$0x0], $0xffff  }
0x7e: {  	[tilespmem:s4+$0x10] =	vst v0  }
0x7f: {  	[tilespmem:s4+$0x20] =	vst v1  }
0x80: {  	[tilespmem:s4+$0x30] =	vst v2  }
0x81: {  	[tilespmem:s4+$0x40] =	vst v3  }
0x82: {  	[tilespmem:s4+$0x50] =	vst v4  }
0x83: {  	[tilespmem:s4+$0x60] =	vst v5  }
0x84: {  	s5 =	simm.s32 $0x1C700;
	s4 =	simm.s32 $0x0;
	s30 =	rddreg [dreg:$0x5]  }
.LBB2_4:
0x85: {  	p1 =	sne.s32 s4, $0xF80  }
.Ltmp3:
0x86: {  	_ = 	snop;
	(pc) =	sbr.rel @p1 .LBB2_4-.Ltmp3, $4  }
0x87: {  	_ = 	snop  }
0x88: {  	s24 =	sadd.s32 s4, s30  }
0x89: {  	[hbm4b:s24+s3] =	stream.linear.scatter [tilespmem:s5], [sflag:$0x1], $0x80, $0x38;
	[tilespmem:$0x1E700] =	vst v63  }
0x8a: {  	s4 =	sadd.s32 $0x80, s4;
	s5 =	sadd.s32 $0x100, s5  }
0x8b: {  	s4 =	simm.s32 $0x197F0  }
0x8c: {  	v0 =	vld [tilespmem:s4+$0x0]  }
0x8d: {  	v1 =	vld [tilespmem:s4+$0xFFFFFF20]  }
0x8e: {  	v2 =	vld [tilespmem:s4+$0xFFFFFF30]  }
0x8f: {  	v3 =	vld [tilespmem:s4+$0xFFFFFF40]  }
0x90: {  	v4 =	vld [tilespmem:s4+$0xFFFFFF50]  }
0x91: {  	v5 =	vld [tilespmem:s4+$0xFFFFFF60]  }
0x92: {  	v6 =	vld [tilespmem:s4+$0xFFFFFF70]  }
0x93: {  	v7 =	vld [tilespmem:s4+$0xFFFFFF80]  }
0x94: {  	v8 =	vld [tilespmem:s4+$0xFFFFFF90]  }
0x95: {  	v9 =	vld [tilespmem:s4+$0xFFFFFFA0]  }
0x96: {  	v10 =	vld [tilespmem:s4+$0xFFFFFFB0]  }
0x97: {  	v11 =	vld [tilespmem:s4+$0xFFFFFFC0]  }
0x98: {  	v12 =	vld [tilespmem:s4+$0xFFFFFFD0]  }
0x99: {  	v13 =	vld [tilespmem:s4+$0xFFFFFFE0]  }
0x9a: {  	v14 =	vld [tilespmem:s4+$0xFFFFFFF0]  }
0x9b: {  	v15 =	vld [tilespmem:s4+$0xFFFFFF10]  }
0x9c: {  	v0 =	vld.idx.msk [tilespmem:v0+s3+$0x0], $0xffff  }
0x9d: {  	v1 =	vld.idx.msk [tilespmem:v1+s3+$0x0], $0xffff  }
0x9e: {  	v2 =	vld.idx.msk [tilespmem:v2+s3+$0x0], $0xffff  }
0x9f: {  	v3 =	vld.idx.msk [tilespmem:v3+s3+$0x0], $0xffff  }
0xa0: {  	v4 =	vld.idx.msk [tilespmem:v4+s3+$0x0], $0xffff  }
0xa1: {  	s4 =	simm.s32 $0x1C880;
	v5 =	vld.idx.msk [tilespmem:v5+s3+$0x0], $0xffff  }
0xa2: {  	v6 =	vld.idx.msk [tilespmem:v6+s3+$0x0], $0xffff;
	[tilespmem:s4+$0x70] =	vst v0  }
0xa3: {  	v7 =	vld.idx.msk [tilespmem:v7+s3+$0x0], $0xffff;
	[tilespmem:s4+$0xFFFFFF10] =	vst v1  }
0xa4: {  	v15 =	vld.idx.msk [tilespmem:v15+s3+$0x0], $0xffff;
	[tilespmem:s4+$0xFFFFFF20] =	vst v2  }
0xa5: {  	v8 =	vld.idx.msk [tilespmem:v8+s3+$0x0], $0xffff;
	[tilespmem:s4+$0xFFFFFF30] =	vst v3  }
0xa6: {  	[tilespmem:s4+$0xFFFFFF40] =	vst v4;
	v0 =	vld.idx.msk [tilespmem:v9+s3+$0x0], $0xffff  }
0xa7: {  	[tilespmem:s4+$0xFFFFFF50] =	vst v5;
	v1 =	vld.idx.msk [tilespmem:v10+s3+$0x0], $0xffff  }
0xa8: {  	[tilespmem:s4+$0xFFFFFF60] =	vst v6;
	v2 =	vld.idx.msk [tilespmem:v11+s3+$0x0], $0xffff  }
0xa9: {  	[tilespmem:s4+$0xFFFFFF70] =	vst v7;
	v3 =	vld.idx.msk [tilespmem:v12+s3+$0x0], $0xffff  }
0xaa: {  	[tilespmem:s4+$0xFFFFFF00] =	vst v15;
	v4 =	vld.idx.msk [tilespmem:v13+s3+$0x0], $0xffff  }
0xab: {  	s24 =	simm.s32 $0x0;
	s30 =	simm.s32 $0x198F0;
	[tilespmem:s4+$0x0] =	vst v8;
	v5 =	vld.idx.msk [tilespmem:v14+s3+$0x0], $0xffff  }
.LBB2_6:
0xac: {  	v6 =	vld [tilespmem:s30+$0x0];
	s24 =	sadd.s32 $0x10, s24;
	[tilespmem:s4+$0x10] =	vst v0  }
0xad: {  	v0 =	vld [tilespmem:s30+$0xFFFFFF20];
	p1 =	slt.u32 s24, $0xF0;
	[tilespmem:s4+$0x20] =	vst v1  }
0xae: {  	v1 =	vld [tilespmem:s30+$0xFFFFFF30];
	[tilespmem:s4+$0x30] =	vst v2  }
0xaf: {  	v2 =	vld [tilespmem:s30+$0xFFFFFF40];
	[tilespmem:s4+$0x40] =	vst v3  }
0xb0: {  	v3 =	vld [tilespmem:s30+$0xFFFFFF50];
	[tilespmem:s4+$0x50] =	vst v4  }
0xb1: {  	v4 =	vld [tilespmem:s30+$0xFFFFFF60];
	[tilespmem:s4+$0x60] =	vst v5  }
0xb2: {  	v5 =	vld [tilespmem:s30+$0xFFFFFF70]  }
0xb3: {  	v7 =	vld [tilespmem:s30+$0xFFFFFF80]  }
0xb4: {  	v6 =	vld.idx.msk [tilespmem:v6+s3+$0x0], $0xffff  }
0xb5: {  	v8 =	vld [tilespmem:s30+$0xFFFFFF90]  }
0xb6: {  	v9 =	vld [tilespmem:s30+$0xFFFFFFA0]  }
0xb7: {  	v10 =	vld [tilespmem:s30+$0xFFFFFFB0]  }
0xb8: {  	v11 =	vld [tilespmem:s30+$0xFFFFFFC0]  }
0xb9: {  	s4 =	sadd.s32 $0x200, s4;
	v12 =	vld [tilespmem:s30+$0xFFFFFFD0]  }
0xba: {  	v13 =	vld [tilespmem:s30+$0xFFFFFFE0];
	[tilespmem:s4+$0x70] =	vst v6  }
0xbb: {  	v6 =	vld [tilespmem:s30+$0xFFFFFFF0]  }
0xbc: {  	v14 =	vld [tilespmem:s30+$0xFFFFFF10]  }
0xbd: {  	v0 =	vld.idx.msk [tilespmem:v0+s3+$0x0], $0xffff  }
0xbe: {  	v1 =	vld.idx.msk [tilespmem:v1+s3+$0x0], $0xffff  }
0xbf: {  	v2 =	vld.idx.msk [tilespmem:v2+s3+$0x0], $0xffff  }
0xc0: {  	v3 =	vld.idx.msk [tilespmem:v3+s3+$0x0], $0xffff  }
0xc1: {  	v4 =	vld.idx.msk [tilespmem:v4+s3+$0x0], $0xffff  }
0xc2: {  	v5 =	vld.idx.msk [tilespmem:v5+s3+$0x0], $0xffff  }
0xc3: {  	[tilespmem:s4+$0xFFFFFF10] =	vst v0;
	v7 =	vld.idx.msk [tilespmem:v7+s3+$0x0], $0xffff  }
0xc4: {  	v14 =	vld.idx.msk [tilespmem:v14+s3+$0x0], $0xffff;
	[tilespmem:s4+$0xFFFFFF20] =	vst v1  }
0xc5: {  	[tilespmem:s4+$0xFFFFFF30] =	vst v2;
	v8 =	vld.idx.msk [tilespmem:v8+s3+$0x0], $0xffff  }
0xc6: {  	[tilespmem:s4+$0xFFFFFF40] =	vst v3;
	v0 =	vld.idx.msk [tilespmem:v9+s3+$0x0], $0xffff  }
.Ltmp4:
0xc7: {  	[tilespmem:s4+$0xFFFFFF50] =	vst v4;
	v1 =	vld.idx.msk [tilespmem:v10+s3+$0x0], $0xffff;
	(pc) =	sbr.rel @p1 .LBB2_6-.Ltmp4, $4  }
0xc8: {  	[tilespmem:s4+$0xFFFFFF60] =	vst v5;
	v2 =	vld.idx.msk [tilespmem:v11+s3+$0x0], $0xffff  }
0xc9: {  	[tilespmem:s4+$0xFFFFFF70] =	vst v7;
	v3 =	vld.idx.msk [tilespmem:v12+s3+$0x0], $0xffff  }
0xca: {  	[tilespmem:s4+$0xFFFFFF00] =	vst v14;
	v4 =	vld.idx.msk [tilespmem:v13+s3+$0x0], $0xffff  }
0xcb: {  	s30 =	sadd.s32 $0x100, s30;
	[tilespmem:s4+$0x0] =	vst v8;
	v5 =	vld.idx.msk [tilespmem:v6+s3+$0x0], $0xffff  }
0xcc: {  	[tilespmem:s4+$0x10] =	vst v0  }
0xcd: {  	[tilespmem:s4+$0x20] =	vst v1  }
0xce: {  	[tilespmem:s4+$0x30] =	vst v2  }
0xcf: {  	[tilespmem:s4+$0x40] =	vst v3  }
0xd0: {  	s24 =	simm.s32 $0x1C780;
	[tilespmem:s4+$0x50] =	vst v4  }
0xd1: {  	s5 =	sadd.s32 $0x0, s6;
	s30 =	simm.s32 $0x1C880;
	[tilespmem:s4+$0x60] =	vst v5;
	s4 =	simm.s32 $0x80  }
.LBB2_8:
0xd2: {  	[hbm4b:s5+s3] =	stream.linear.scatter [tilespmem:s24], [sflag:$0x2], $0x80, $0x38;
	[tilespmem:$0x1E700] =	vst v63  }
0xd3: {  	s5 =	smov.u32 s4;
	s24 =	smov.u32 s30;
	p1 =	sne.s32 s4, $0xF80  }
.Ltmp5:
0xd4: {  	s4 =	sadd.s32 $0x80, s4;
	(pc) =	sbr.rel @p1 .LBB2_8-.Ltmp5, $2  }
0xd5: {  	_ =	sdelay $0x2  }
0xd6: {  	s30 =	sadd.s32 $0x100, s30;
	s5 =	sadd.s32 s5, s6  }
0xd7: {  	[hbm4b:s5+s3] =	stream.linear.scatter [tilespmem:s24], [sflag:$0x2], $0x80, $0x38;
	[tilespmem:$0x1E700] =	vst v63  }
0xd8: {  	s4 =	simm.s32 $0x1  }
0xd9: {  	_ =	swait.ge [sflag:s4], $0x1000  }
0xda: {  	[sflag:s4] =	ssyncset.done $0x0  }
0xdb: {  	s24 =	simm.s32 $0x1A7F0;
	[sflag:s4] =	ssyncadd.s32 $0xFFFFF000  }
0xdc: {  	v0 =	vld [tilespmem:s24+$0x0]  }
0xdd: {  	v1 =	vld [tilespmem:s24+$0xFFFFFF20]  }
0xde: {  	v2 =	vld [tilespmem:s24+$0xFFFFFF30]  }
0xdf: {  	v3 =	vld [tilespmem:s24+$0xFFFFFF40]  }
0xe0: {  	v4 =	vld [tilespmem:s24+$0xFFFFFF50]  }
0xe1: {  	v5 =	vld [tilespmem:s24+$0xFFFFFF60]  }
0xe2: {  	v6 =	vld [tilespmem:s24+$0xFFFFFF70]  }
0xe3: {  	v7 =	vld [tilespmem:s24+$0xFFFFFF80]  }
0xe4: {  	v8 =	vld [tilespmem:s24+$0xFFFFFF90]  }
0xe5: {  	v9 =	vld [tilespmem:s24+$0xFFFFFFA0]  }
0xe6: {  	v10 =	vld [tilespmem:s24+$0xFFFFFFB0]  }
0xe7: {  	v11 =	vld [tilespmem:s24+$0xFFFFFFC0]  }
0xe8: {  	v12 =	vld [tilespmem:s24+$0xFFFFFFD0]  }
0xe9: {  	v13 =	vld [tilespmem:s24+$0xFFFFFFE0]  }
0xea: {  	v14 =	vld [tilespmem:s24+$0xFFFFFFF0]  }
0xeb: {  	v15 =	vld [tilespmem:s24+$0xFFFFFF10]  }
0xec: {  	v0 =	vld.idx.msk [tilespmem:v0+s3+$0x0], $0xffff  }
0xed: {  	v1 =	vld.idx.msk [tilespmem:v1+s3+$0x0], $0xffff  }
0xee: {  	v2 =	vld.idx.msk [tilespmem:v2+s3+$0x0], $0xffff  }
0xef: {  	v3 =	vld.idx.msk [tilespmem:v3+s3+$0x0], $0xffff  }
0xf0: {  	v4 =	vld.idx.msk [tilespmem:v4+s3+$0x0], $0xffff  }
0xf1: {  	s4 =	simm.s32 $0x1C800;
	v5 =	vld.idx.msk [tilespmem:v5+s3+$0x0], $0xffff  }
0xf2: {  	v6 =	vld.idx.msk [tilespmem:v6+s3+$0x0], $0xffff;
	[tilespmem:s4+$0x70] =	vst v0  }
0xf3: {  	v7 =	vld.idx.msk [tilespmem:v7+s3+$0x0], $0xffff;
	[tilespmem:s4+$0xFFFFFF10] =	vst v1  }
0xf4: {  	v15 =	vld.idx.msk [tilespmem:v15+s3+$0x0], $0xffff;
	[tilespmem:s4+$0xFFFFFF20] =	vst v2  }
0xf5: {  	v8 =	vld.idx.msk [tilespmem:v8+s3+$0x0], $0xffff;
	[tilespmem:s4+$0xFFFFFF30] =	vst v3  }
0xf6: {  	[tilespmem:s4+$0xFFFFFF40] =	vst v4;
	v0 =	vld.idx.msk [tilespmem:v9+s3+$0x0], $0xffff  }
0xf7: {  	[tilespmem:s4+$0xFFFFFF50] =	vst v5;
	v1 =	vld.idx.msk [tilespmem:v10+s3+$0x0], $0xffff  }
0xf8: {  	[tilespmem:s4+$0xFFFFFF60] =	vst v6;
	v2 =	vld.idx.msk [tilespmem:v11+s3+$0x0], $0xffff  }
0xf9: {  	[tilespmem:s4+$0xFFFFFF70] =	vst v7;
	v3 =	vld.idx.msk [tilespmem:v12+s3+$0x0], $0xffff  }
0xfa: {  	[tilespmem:s4+$0xFFFFFF00] =	vst v15;
	v4 =	vld.idx.msk [tilespmem:v13+s3+$0x0], $0xffff  }
0xfb: {  	s30 =	simm.s32 $0x1A8F0;
	s24 =	simm.s32 $0x0;
	[tilespmem:s4+$0x0] =	vst v8;
	v5 =	vld.idx.msk [tilespmem:v14+s3+$0x0], $0xffff  }
.LBB2_10:
0xfc: {  	v6 =	vld [tilespmem:s30+$0x0];
	s24 =	sadd.s32 $0x10, s24;
	[tilespmem:s4+$0x10] =	vst v0  }
0xfd: {  	v0 =	vld [tilespmem:s30+$0xFFFFFF20];
	p1 =	slt.u32 s24, $0xF0;
	[tilespmem:s4+$0x20] =	vst v1  }
0xfe: {  	v1 =	vld [tilespmem:s30+$0xFFFFFF30];
	[tilespmem:s4+$0x30] =	vst v2  }
0xff: {  	v2 =	vld [tilespmem:s30+$0xFFFFFF40];
	[tilespmem:s4+$0x40] =	vst v3  }
0x100: {  	v3 =	vld [tilespmem:s30+$0xFFFFFF50];
	[tilespmem:s4+$0x50] =	vst v4  }
0x101: {  	v4 =	vld [tilespmem:s30+$0xFFFFFF60];
	[tilespmem:s4+$0x60] =	vst v5  }
0x102: {  	v5 =	vld [tilespmem:s30+$0xFFFFFF70]  }
0x103: {  	v7 =	vld [tilespmem:s30+$0xFFFFFF80]  }
0x104: {  	v6 =	vld.idx.msk [tilespmem:v6+s3+$0x0], $0xffff  }
0x105: {  	v8 =	vld [tilespmem:s30+$0xFFFFFF90]  }
0x106: {  	v9 =	vld [tilespmem:s30+$0xFFFFFFA0]  }
0x107: {  	v10 =	vld [tilespmem:s30+$0xFFFFFFB0]  }
0x108: {  	v11 =	vld [tilespmem:s30+$0xFFFFFFC0]  }
0x109: {  	s4 =	sadd.s32 $0x200, s4;
	v12 =	vld [tilespmem:s30+$0xFFFFFFD0]  }
0x10a: {  	v13 =	vld [tilespmem:s30+$0xFFFFFFE0];
	[tilespmem:s4+$0x70] =	vst v6  }
0x10b: {  	v6 =	vld [tilespmem:s30+$0xFFFFFFF0]  }
0x10c: {  	v14 =	vld [tilespmem:s30+$0xFFFFFF10]  }
0x10d: {  	v0 =	vld.idx.msk [tilespmem:v0+s3+$0x0], $0xffff  }
0x10e: {  	v1 =	vld.idx.msk [tilespmem:v1+s3+$0x0], $0xffff  }
0x10f: {  	v2 =	vld.idx.msk [tilespmem:v2+s3+$0x0], $0xffff  }
0x110: {  	v3 =	vld.idx.msk [tilespmem:v3+s3+$0x0], $0xffff  }
0x111: {  	v4 =	vld.idx.msk [tilespmem:v4+s3+$0x0], $0xffff  }
0x112: {  	v5 =	vld.idx.msk [tilespmem:v5+s3+$0x0], $0xffff  }
0x113: {  	[tilespmem:s4+$0xFFFFFF10] =	vst v0;
	v7 =	vld.idx.msk [tilespmem:v7+s3+$0x0], $0xffff  }
0x114: {  	v14 =	vld.idx.msk [tilespmem:v14+s3+$0x0], $0xffff;
	[tilespmem:s4+$0xFFFFFF20] =	vst v1  }
0x115: {  	[tilespmem:s4+$0xFFFFFF30] =	vst v2;
	v8 =	vld.idx.msk [tilespmem:v8+s3+$0x0], $0xffff  }
0x116: {  	[tilespmem:s4+$0xFFFFFF40] =	vst v3;
	v0 =	vld.idx.msk [tilespmem:v9+s3+$0x0], $0xffff  }
.Ltmp6:
0x117: {  	[tilespmem:s4+$0xFFFFFF50] =	vst v4;
	v1 =	vld.idx.msk [tilespmem:v10+s3+$0x0], $0xffff;
	(pc) =	sbr.rel @p1 .LBB2_10-.Ltmp6, $4  }
0x118: {  	[tilespmem:s4+$0xFFFFFF60] =	vst v5;
	v2 =	vld.idx.msk [tilespmem:v11+s3+$0x0], $0xffff  }
0x119: {  	[tilespmem:s4+$0xFFFFFF70] =	vst v7;
	v3 =	vld.idx.msk [tilespmem:v12+s3+$0x0], $0xffff  }
0x11a: {  	[tilespmem:s4+$0xFFFFFF00] =	vst v14;
	v4 =	vld.idx.msk [tilespmem:v13+s3+$0x0], $0xffff  }
0x11b: {  	s30 =	sadd.s32 $0x100, s30;
	[tilespmem:s4+$0x0] =	vst v8;
	v5 =	vld.idx.msk [tilespmem:v6+s3+$0x0], $0xffff  }
0x11c: {  	[tilespmem:s4+$0x10] =	vst v0  }
0x11d: {  	[tilespmem:s4+$0x20] =	vst v1  }
0x11e: {  	[tilespmem:s4+$0x30] =	vst v2  }
0x11f: {  	[tilespmem:s4+$0x40] =	vst v3  }
0x120: {  	s24 =	simm.s32 $0x1C700;
	[tilespmem:s4+$0x50] =	vst v4  }
0x121: {  	s5 =	sadd.s32 $0x0, s7;
	s30 =	simm.s32 $0x1C800;
	[tilespmem:s4+$0x60] =	vst v5;
	s4 =	simm.s32 $0x80  }
.LBB2_12:
0x122: {  	[hbm4b:s5+s3] =	stream.linear.scatter [tilespmem:s24], [sflag:$0x1], $0x80, $0x38;
	[tilespmem:$0x1E700] =	vst v63  }
0x123: {  	s5 =	smov.u32 s4;
	s24 =	smov.u32 s30;
	p1 =	sne.s32 s4, $0xF80  }
.Ltmp7:
0x124: {  	s4 =	sadd.s32 $0x80, s4;
	(pc) =	sbr.rel @p1 .LBB2_12-.Ltmp7, $2  }
0x125: {  	_ =	sdelay $0x2  }
0x126: {  	s30 =	sadd.s32 $0x100, s30;
	s5 =	sadd.s32 s5, s7  }
0x127: {  	[hbm4b:s5+s3] =	stream.linear.scatter [tilespmem:s24], [sflag:$0x1], $0x80, $0x38;
	[tilespmem:$0x1E700] =	vst v63  }
0x128: {  	s4 =	simm.s32 $0x2  }
0x129: {  	_ =	swait.ge [sflag:s4], $0x1000  }
0x12a: {  	[sflag:s4] =	ssyncset.done $0x0  }
0x12b: {  	s24 =	simm.s32 $0x1B7F0;
	[sflag:s4] =	ssyncadd.s32 $0xFFFFF000  }
0x12c: {  	v0 =	vld [tilespmem:s24+$0x0]  }
0x12d: {  	v1 =	vld [tilespmem:s24+$0xFFFFFF20]  }
0x12e: {  	v2 =	vld [tilespmem:s24+$0xFFFFFF30]  }
0x12f: {  	v3 =	vld [tilespmem:s24+$0xFFFFFF40]  }
0x130: {  	v4 =	vld [tilespmem:s24+$0xFFFFFF50]  }
0x131: {  	v5 =	vld [tilespmem:s24+$0xFFFFFF60]  }
0x132: {  	v6 =	vld [tilespmem:s24+$0xFFFFFF70]  }
0x133: {  	v7 =	vld [tilespmem:s24+$0xFFFFFF80]  }
0x134: {  	v8 =	vld [tilespmem:s24+$0xFFFFFF90]  }
0x135: {  	v9 =	vld [tilespmem:s24+$0xFFFFFFA0]  }
0x136: {  	v10 =	vld [tilespmem:s24+$0xFFFFFFB0]  }
0x137: {  	v11 =	vld [tilespmem:s24+$0xFFFFFFC0]  }
0x138: {  	v12 =	vld [tilespmem:s24+$0xFFFFFFD0]  }
0x139: {  	v13 =	vld [tilespmem:s24+$0xFFFFFFE0]  }
0x13a: {  	v14 =	vld [tilespmem:s24+$0xFFFFFFF0]  }
0x13b: {  	v15 =	vld [tilespmem:s24+$0xFFFFFF10]  }
0x13c: {  	v0 =	vld.idx.msk [tilespmem:v0+s3+$0x0], $0xffff  }
0x13d: {  	v1 =	vld.idx.msk [tilespmem:v1+s3+$0x0], $0xffff  }
0x13e: {  	v2 =	vld.idx.msk [tilespmem:v2+s3+$0x0], $0xffff  }
0x13f: {  	v3 =	vld.idx.msk [tilespmem:v3+s3+$0x0], $0xffff  }
0x140: {  	v4 =	vld.idx.msk [tilespmem:v4+s3+$0x0], $0xffff  }
0x141: {  	s4 =	simm.s32 $0x1C880;
	v5 =	vld.idx.msk [tilespmem:v5+s3+$0x0], $0xffff  }
0x142: {  	v6 =	vld.idx.msk [tilespmem:v6+s3+$0x0], $0xffff;
	[tilespmem:s4+$0x70] =	vst v0  }
0x143: {  	v7 =	vld.idx.msk [tilespmem:v7+s3+$0x0], $0xffff;
	[tilespmem:s4+$0xFFFFFF10] =	vst v1  }
0x144: {  	v15 =	vld.idx.msk [tilespmem:v15+s3+$0x0], $0xffff;
	[tilespmem:s4+$0xFFFFFF20] =	vst v2  }
0x145: {  	v8 =	vld.idx.msk [tilespmem:v8+s3+$0x0], $0xffff;
	[tilespmem:s4+$0xFFFFFF30] =	vst v3  }
0x146: {  	[tilespmem:s4+$0xFFFFFF40] =	vst v4;
	v0 =	vld.idx.msk [tilespmem:v9+s3+$0x0], $0xffff  }
0x147: {  	[tilespmem:s4+$0xFFFFFF50] =	vst v5;
	v1 =	vld.idx.msk [tilespmem:v10+s3+$0x0], $0xffff  }
0x148: {  	[tilespmem:s4+$0xFFFFFF60] =	vst v6;
	v2 =	vld.idx.msk [tilespmem:v11+s3+$0x0], $0xffff  }
0x149: {  	[tilespmem:s4+$0xFFFFFF70] =	vst v7;
	v3 =	vld.idx.msk [tilespmem:v12+s3+$0x0], $0xffff  }
0x14a: {  	[tilespmem:s4+$0xFFFFFF00] =	vst v15;
	v4 =	vld.idx.msk [tilespmem:v13+s3+$0x0], $0xffff  }
0x14b: {  	s30 =	simm.s32 $0x1B8F0;
	s24 =	simm.s32 $0x0;
	[tilespmem:s4+$0x0] =	vst v8;
	v5 =	vld.idx.msk [tilespmem:v14+s3+$0x0], $0xffff  }
.LBB2_14:
0x14c: {  	v6 =	vld [tilespmem:s30+$0x0];
	s24 =	sadd.s32 $0x10, s24;
	[tilespmem:s4+$0x10] =	vst v0  }
0x14d: {  	v0 =	vld [tilespmem:s30+$0xFFFFFF20];
	p1 =	slt.u32 s24, $0xF0;
	[tilespmem:s4+$0x20] =	vst v1  }
0x14e: {  	v1 =	vld [tilespmem:s30+$0xFFFFFF30];
	[tilespmem:s4+$0x30] =	vst v2  }
0x14f: {  	v2 =	vld [tilespmem:s30+$0xFFFFFF40];
	[tilespmem:s4+$0x40] =	vst v3  }
0x150: {  	v3 =	vld [tilespmem:s30+$0xFFFFFF50];
	[tilespmem:s4+$0x50] =	vst v4  }
0x151: {  	v4 =	vld [tilespmem:s30+$0xFFFFFF60];
	[tilespmem:s4+$0x60] =	vst v5  }
0x152: {  	v5 =	vld [tilespmem:s30+$0xFFFFFF70]  }
0x153: {  	v7 =	vld [tilespmem:s30+$0xFFFFFF80]  }
0x154: {  	v6 =	vld.idx.msk [tilespmem:v6+s3+$0x0], $0xffff  }
0x155: {  	v8 =	vld [tilespmem:s30+$0xFFFFFF90]  }
0x156: {  	v9 =	vld [tilespmem:s30+$0xFFFFFFA0]  }
0x157: {  	v10 =	vld [tilespmem:s30+$0xFFFFFFB0]  }
0x158: {  	v11 =	vld [tilespmem:s30+$0xFFFFFFC0]  }
0x159: {  	s4 =	sadd.s32 $0x200, s4;
	v12 =	vld [tilespmem:s30+$0xFFFFFFD0]  }
0x15a: {  	v13 =	vld [tilespmem:s30+$0xFFFFFFE0];
	[tilespmem:s4+$0x70] =	vst v6  }
0x15b: {  	v6 =	vld [tilespmem:s30+$0xFFFFFFF0]  }
0x15c: {  	v14 =	vld [tilespmem:s30+$0xFFFFFF10]  }
0x15d: {  	v0 =	vld.idx.msk [tilespmem:v0+s3+$0x0], $0xffff  }
0x15e: {  	v1 =	vld.idx.msk [tilespmem:v1+s3+$0x0], $0xffff  }
0x15f: {  	v2 =	vld.idx.msk [tilespmem:v2+s3+$0x0], $0xffff  }
0x160: {  	v3 =	vld.idx.msk [tilespmem:v3+s3+$0x0], $0xffff  }
0x161: {  	v4 =	vld.idx.msk [tilespmem:v4+s3+$0x0], $0xffff  }
0x162: {  	v5 =	vld.idx.msk [tilespmem:v5+s3+$0x0], $0xffff  }
0x163: {  	[tilespmem:s4+$0xFFFFFF10] =	vst v0;
	v7 =	vld.idx.msk [tilespmem:v7+s3+$0x0], $0xffff  }
0x164: {  	v14 =	vld.idx.msk [tilespmem:v14+s3+$0x0], $0xffff;
	[tilespmem:s4+$0xFFFFFF20] =	vst v1  }
0x165: {  	[tilespmem:s4+$0xFFFFFF30] =	vst v2;
	v8 =	vld.idx.msk [tilespmem:v8+s3+$0x0], $0xffff  }
0x166: {  	[tilespmem:s4+$0xFFFFFF40] =	vst v3;
	v0 =	vld.idx.msk [tilespmem:v9+s3+$0x0], $0xffff  }
.Ltmp8:
0x167: {  	[tilespmem:s4+$0xFFFFFF50] =	vst v4;
	v1 =	vld.idx.msk [tilespmem:v10+s3+$0x0], $0xffff;
	(pc) =	sbr.rel @p1 .LBB2_14-.Ltmp8, $4  }
0x168: {  	[tilespmem:s4+$0xFFFFFF60] =	vst v5;
	v2 =	vld.idx.msk [tilespmem:v11+s3+$0x0], $0xffff  }
0x169: {  	[tilespmem:s4+$0xFFFFFF70] =	vst v7;
	v3 =	vld.idx.msk [tilespmem:v12+s3+$0x0], $0xffff  }
0x16a: {  	[tilespmem:s4+$0xFFFFFF00] =	vst v14;
	v4 =	vld.idx.msk [tilespmem:v13+s3+$0x0], $0xffff  }
0x16b: {  	s30 =	sadd.s32 $0x100, s30;
	[tilespmem:s4+$0x0] =	vst v8;
	v5 =	vld.idx.msk [tilespmem:v6+s3+$0x0], $0xffff  }
0x16c: {  	[tilespmem:s4+$0x10] =	vst v0  }
0x16d: {  	[tilespmem:s4+$0x20] =	vst v1  }
0x16e: {  	[tilespmem:s4+$0x30] =	vst v2  }
0x16f: {  	[tilespmem:s4+$0x40] =	vst v3  }
0x170: {  	s24 =	simm.s32 $0x1C780;
	[tilespmem:s4+$0x50] =	vst v4  }
0x171: {  	s5 =	sadd.s32 $0x0, s8;
	s30 =	simm.s32 $0x1C880;
	[tilespmem:s4+$0x60] =	vst v5;
	s4 =	simm.s32 $0x80  }
.LBB2_16:
0x172: {  	[hbm4b:s5+s3] =	stream.linear.scatter [tilespmem:s24], [sflag:$0x2], $0x80, $0x38;
	[tilespmem:$0x1E700] =	vst v63  }
0x173: {  	s5 =	smov.u32 s4;
	s24 =	smov.u32 s30;
	p1 =	sne.s32 s4, $0xF80  }
.Ltmp9:
0x174: {  	s4 =	sadd.s32 $0x80, s4;
	(pc) =	sbr.rel @p1 .LBB2_16-.Ltmp9, $2  }
0x175: {  	_ =	sdelay $0x2  }
0x176: {  	s30 =	sadd.s32 $0x100, s30;
	s5 =	sadd.s32 s5, s8  }
0x177: {  	[hbm4b:s5+s3] =	stream.linear.scatter [tilespmem:s24], [sflag:$0x2], $0x80, $0x38;
	[tilespmem:$0x1E700] =	vst v63  }
0x178: {  	s4 =	simm.s32 $0x1  }
0x179: {  	_ =	swait.ge [sflag:s4], $0x1000  }
0x17a: {  	[sflag:s4] =	ssyncset.done $0x0  }
0x17b: {  	s24 =	simm.s32 $0x2;
	[sflag:s4] =	ssyncadd.s32 $0xFFFFF000  }
0x17c: {  	_ =	swait.ge [sflag:s24], $0x1000  }
0x17d: {  	s5 =	simm.s32 $0x80;
	[sflag:s24] =	ssyncset.done $0x0  }
0x17e: {  	s4 =	rddreg [dreg:$0x6];
	[sflag:s24] =	ssyncadd.s32 $0xFFFFF000;
	s24 =	simm.s32 $0x400  }
0x17f: {  	[tilespmem:s3], [sflag:$0x3] =	stream.strided.gather [hbm4b:s4+s5], $0x18700, s24, s5, $0x38;
	[tilespmem:$0x1E700] =	vst v63  }
0x180: {  	s5 =	simm.s32 $0x3  }
0x181: {  	_ =	swait.ge [sflag:s5], $0x18700  }
0x182: {  	[sflag:s5] =	ssyncset.done $0x0  }
0x183: {  	s24 =	simm.s32 $0x18780;
	[sflag:s5] =	ssyncadd.s32 $0xFFFE7900  }
0x184: {  	v0 =	vld [tilespmem:s24+$0x70]  }
0x185: {  	v1 =	vld [tilespmem:s24+$0xFFFFFF90]  }
0x186: {  	v2 =	vld [tilespmem:s24+$0xFFFFFFA0]  }
0x187: {  	v3 =	vld [tilespmem:s24+$0xFFFFFFB0]  }
0x188: {  	v4 =	vld [tilespmem:s24+$0xFFFFFFC0]  }
0x189: {  	v5 =	vld [tilespmem:s24+$0xFFFFFFD0]  }
0x18a: {  	v6 =	vld [tilespmem:s24+$0xFFFFFFE0]  }
0x18b: {  	v7 =	vld [tilespmem:s24+$0xFFFFFFF0]  }
0x18c: {  	v8 =	vld [tilespmem:s24+$0x0]  }
0x18d: {  	v9 =	vld [tilespmem:s24+$0x10]  }
0x18e: {  	v10 =	vld [tilespmem:s24+$0x20]  }
0x18f: {  	v11 =	vld [tilespmem:s24+$0x30]  }
0x190: {  	v12 =	vld [tilespmem:s24+$0x40]  }
0x191: {  	v13 =	vld [tilespmem:s24+$0x50]  }
0x192: {  	v14 =	vld [tilespmem:s24+$0x60]  }
0x193: {  	v15 =	vld [tilespmem:s24+$0xFFFFFF80]  }
0x194: {  	v0 =	vld.idx.msk [tilespmem:v0+s3+$0x0], $0xffff  }
0x195: {  	v1 =	vld.idx.msk [tilespmem:v1+s3+$0x0], $0xffff  }
0x196: {  	v2 =	vld.idx.msk [tilespmem:v2+s3+$0x0], $0xffff  }
0x197: {  	v3 =	vld.idx.msk [tilespmem:v3+s3+$0x0], $0xffff  }
0x198: {  	v4 =	vld.idx.msk [tilespmem:v4+s3+$0x0], $0xffff  }
0x199: {  	s4 =	simm.s32 $0x1C800;
	v5 =	vld.idx.msk [tilespmem:v5+s3+$0x0], $0xffff  }
0x19a: {  	v6 =	vld.idx.msk [tilespmem:v6+s3+$0x0], $0xffff;
	[tilespmem:s4+$0x70] =	vst v0  }
0x19b: {  	v7 =	vld.idx.msk [tilespmem:v7+s3+$0x0], $0xffff;
	[tilespmem:s4+$0xFFFFFF10] =	vst v1  }
0x19c: {  	v15 =	vld.idx.msk [tilespmem:v15+s3+$0x0], $0xffff;
	[tilespmem:s4+$0xFFFFFF20] =	vst v2  }
0x19d: {  	v8 =	vld.idx.msk [tilespmem:v8+s3+$0x0], $0xffff;
	[tilespmem:s4+$0xFFFFFF30] =	vst v3  }
0x19e: {  	[tilespmem:s4+$0xFFFFFF40] =	vst v4;
	v0 =	vld.idx.msk [tilespmem:v9+s3+$0x0], $0xffff  }
0x19f: {  	[tilespmem:s4+$0xFFFFFF50] =	vst v5;
	v1 =	vld.idx.msk [tilespmem:v10+s3+$0x0], $0xffff  }
0x1a0: {  	[tilespmem:s4+$0xFFFFFF60] =	vst v6;
	v2 =	vld.idx.msk [tilespmem:v11+s3+$0x0], $0xffff  }
0x1a1: {  	[tilespmem:s4+$0xFFFFFF70] =	vst v7;
	v3 =	vld.idx.msk [tilespmem:v12+s3+$0x0], $0xffff  }
0x1a2: {  	[tilespmem:s4+$0xFFFFFF00] =	vst v15;
	v4 =	vld.idx.msk [tilespmem:v13+s3+$0x0], $0xffff  }
0x1a3: {  	s30 =	simm.s32 $0x18880;
	s24 =	simm.s32 $0x0;
	[tilespmem:s4+$0x0] =	vst v8;
	v5 =	vld.idx.msk [tilespmem:v14+s3+$0x0], $0xffff  }
.LBB2_18:
0x1a4: {  	v6 =	vld [tilespmem:s30+$0x70];
	s24 =	sadd.s32 $0x10, s24;
	[tilespmem:s4+$0x10] =	vst v0  }
0x1a5: {  	v0 =	vld [tilespmem:s30+$0xFFFFFF90];
	p1 =	slt.u32 s24, $0xF0;
	[tilespmem:s4+$0x20] =	vst v1  }
0x1a6: {  	v1 =	vld [tilespmem:s30+$0xFFFFFFA0];
	[tilespmem:s4+$0x30] =	vst v2  }
0x1a7: {  	v2 =	vld [tilespmem:s30+$0xFFFFFFB0];
	[tilespmem:s4+$0x40] =	vst v3  }
0x1a8: {  	v3 =	vld [tilespmem:s30+$0xFFFFFFC0];
	[tilespmem:s4+$0x50] =	vst v4  }
0x1a9: {  	v4 =	vld [tilespmem:s30+$0xFFFFFFD0];
	[tilespmem:s4+$0x60] =	vst v5  }
0x1aa: {  	v5 =	vld [tilespmem:s30+$0xFFFFFFE0]  }
0x1ab: {  	v7 =	vld [tilespmem:s30+$0xFFFFFFF0]  }
0x1ac: {  	v6 =	vld.idx.msk [tilespmem:v6+s3+$0x0], $0xffff  }
0x1ad: {  	v8 =	vld [tilespmem:s30+$0x0]  }
0x1ae: {  	v9 =	vld [tilespmem:s30+$0x10]  }
0x1af: {  	v10 =	vld [tilespmem:s30+$0x20]  }
0x1b0: {  	v11 =	vld [tilespmem:s30+$0x30]  }
0x1b1: {  	s4 =	sadd.s32 $0x200, s4;
	v12 =	vld [tilespmem:s30+$0x40]  }
0x1b2: {  	v13 =	vld [tilespmem:s30+$0x50];
	[tilespmem:s4+$0x70] =	vst v6  }
0x1b3: {  	v6 =	vld [tilespmem:s30+$0x60]  }
0x1b4: {  	v14 =	vld [tilespmem:s30+$0xFFFFFF80]  }
0x1b5: {  	v0 =	vld.idx.msk [tilespmem:v0+s3+$0x0], $0xffff  }
0x1b6: {  	v1 =	vld.idx.msk [tilespmem:v1+s3+$0x0], $0xffff  }
0x1b7: {  	v2 =	vld.idx.msk [tilespmem:v2+s3+$0x0], $0xffff  }
0x1b8: {  	v3 =	vld.idx.msk [tilespmem:v3+s3+$0x0], $0xffff  }
0x1b9: {  	v4 =	vld.idx.msk [tilespmem:v4+s3+$0x0], $0xffff  }
0x1ba: {  	v5 =	vld.idx.msk [tilespmem:v5+s3+$0x0], $0xffff  }
0x1bb: {  	[tilespmem:s4+$0xFFFFFF10] =	vst v0;
	v7 =	vld.idx.msk [tilespmem:v7+s3+$0x0], $0xffff  }
0x1bc: {  	v14 =	vld.idx.msk [tilespmem:v14+s3+$0x0], $0xffff;
	[tilespmem:s4+$0xFFFFFF20] =	vst v1  }
0x1bd: {  	[tilespmem:s4+$0xFFFFFF30] =	vst v2;
	v8 =	vld.idx.msk [tilespmem:v8+s3+$0x0], $0xffff  }
0x1be: {  	[tilespmem:s4+$0xFFFFFF40] =	vst v3;
	v0 =	vld.idx.msk [tilespmem:v9+s3+$0x0], $0xffff  }
.Ltmp10:
0x1bf: {  	[tilespmem:s4+$0xFFFFFF50] =	vst v4;
	v1 =	vld.idx.msk [tilespmem:v10+s3+$0x0], $0xffff;
	(pc) =	sbr.rel @p1 .LBB2_18-.Ltmp10, $4  }
0x1c0: {  	[tilespmem:s4+$0xFFFFFF60] =	vst v5;
	v2 =	vld.idx.msk [tilespmem:v11+s3+$0x0], $0xffff  }
0x1c1: {  	[tilespmem:s4+$0xFFFFFF70] =	vst v7;
	v3 =	vld.idx.msk [tilespmem:v12+s3+$0x0], $0xffff  }
0x1c2: {  	[tilespmem:s4+$0xFFFFFF00] =	vst v14;
	v4 =	vld.idx.msk [tilespmem:v13+s3+$0x0], $0xffff  }
0x1c3: {  	s30 =	sadd.s32 $0x100, s30;
	[tilespmem:s4+$0x0] =	vst v8;
	v5 =	vld.idx.msk [tilespmem:v6+s3+$0x0], $0xffff  }
0x1c4: {  	[tilespmem:s4+$0x10] =	vst v0  }
0x1c5: {  	[tilespmem:s4+$0x20] =	vst v1  }
0x1c6: {  	[tilespmem:s4+$0x30] =	vst v2  }
0x1c7: {  	[tilespmem:s4+$0x40] =	vst v3  }
0x1c8: {  	[tilespmem:s4+$0x50] =	vst v4  }
0x1c9: {  	s5 =	simm.s32 $0x1C700;
	[tilespmem:s4+$0x60] =	vst v5;
	s4 =	simm.s32 $0x0  }
.LBB2_20:
0x1ca: {  	p1 =	sne.s32 s4, $0xF80  }
.Ltmp11:
0x1cb: {  	_ = 	snop;
	(pc) =	sbr.rel @p1 .LBB2_20-.Ltmp11, $4  }
0x1cc: {  	_ = 	snop  }
0x1cd: {  	s24 =	sadd.s32 s4, s10  }
0x1ce: {  	[hbm4b:s24+s3] =	stream.linear.scatter [tilespmem:s5], [sflag:$0x1], $0x80, $0x38;
	[tilespmem:$0x1E700] =	vst v63  }
0x1cf: {  	s4 =	sadd.s32 $0x80, s4;
	s5 =	sadd.s32 $0x100, s5  }
0x1d0: {  	s4 =	simm.s32 $0x197F0  }
0x1d1: {  	v0 =	vld [tilespmem:s4+$0x0]  }
0x1d2: {  	v1 =	vld [tilespmem:s4+$0xFFFFFF20]  }
0x1d3: {  	v2 =	vld [tilespmem:s4+$0xFFFFFF30]  }
0x1d4: {  	v3 =	vld [tilespmem:s4+$0xFFFFFF40]  }
0x1d5: {  	v4 =	vld [tilespmem:s4+$0xFFFFFF50]  }
0x1d6: {  	v5 =	vld [tilespmem:s4+$0xFFFFFF60]  }
0x1d7: {  	v6 =	vld [tilespmem:s4+$0xFFFFFF70]  }
0x1d8: {  	v7 =	vld [tilespmem:s4+$0xFFFFFF80]  }
0x1d9: {  	v8 =	vld [tilespmem:s4+$0xFFFFFF90]  }
0x1da: {  	v9 =	vld [tilespmem:s4+$0xFFFFFFA0]  }
0x1db: {  	v10 =	vld [tilespmem:s4+$0xFFFFFFB0]  }
0x1dc: {  	v11 =	vld [tilespmem:s4+$0xFFFFFFC0]  }
0x1dd: {  	v12 =	vld [tilespmem:s4+$0xFFFFFFD0]  }
0x1de: {  	v13 =	vld [tilespmem:s4+$0xFFFFFFE0]  }
0x1df: {  	v14 =	vld [tilespmem:s4+$0xFFFFFFF0]  }
0x1e0: {  	v15 =	vld [tilespmem:s4+$0xFFFFFF10]  }
0x1e1: {  	v0 =	vld.idx.msk [tilespmem:v0+s3+$0x0], $0xffff  }
0x1e2: {  	v1 =	vld.idx.msk [tilespmem:v1+s3+$0x0], $0xffff  }
0x1e3: {  	v2 =	vld.idx.msk [tilespmem:v2+s3+$0x0], $0xffff  }
0x1e4: {  	v3 =	vld.idx.msk [tilespmem:v3+s3+$0x0], $0xffff  }
0x1e5: {  	v4 =	vld.idx.msk [tilespmem:v4+s3+$0x0], $0xffff  }
0x1e6: {  	s4 =	simm.s32 $0x1C880;
	v5 =	vld.idx.msk [tilespmem:v5+s3+$0x0], $0xffff  }
0x1e7: {  	v6 =	vld.idx.msk [tilespmem:v6+s3+$0x0], $0xffff;
	[tilespmem:s4+$0x70] =	vst v0  }
0x1e8: {  	v7 =	vld.idx.msk [tilespmem:v7+s3+$0x0], $0xffff;
	[tilespmem:s4+$0xFFFFFF10] =	vst v1  }
0x1e9: {  	v15 =	vld.idx.msk [tilespmem:v15+s3+$0x0], $0xffff;
	[tilespmem:s4+$0xFFFFFF20] =	vst v2  }
0x1ea: {  	v8 =	vld.idx.msk [tilespmem:v8+s3+$0x0], $0xffff;
	[tilespmem:s4+$0xFFFFFF30] =	vst v3  }
0x1eb: {  	[tilespmem:s4+$0xFFFFFF40] =	vst v4;
	v0 =	vld.idx.msk [tilespmem:v9+s3+$0x0], $0xffff  }
0x1ec: {  	[tilespmem:s4+$0xFFFFFF50] =	vst v5;
	v1 =	vld.idx.msk [tilespmem:v10+s3+$0x0], $0xffff  }
0x1ed: {  	[tilespmem:s4+$0xFFFFFF60] =	vst v6;
	v2 =	vld.idx.msk [tilespmem:v11+s3+$0x0], $0xffff  }
0x1ee: {  	[tilespmem:s4+$0xFFFFFF70] =	vst v7;
	v3 =	vld.idx.msk [tilespmem:v12+s3+$0x0], $0xffff  }
0x1ef: {  	[tilespmem:s4+$0xFFFFFF00] =	vst v15;
	v4 =	vld.idx.msk [tilespmem:v13+s3+$0x0], $0xffff  }
0x1f0: {  	s24 =	simm.s32 $0x0;
	s30 =	simm.s32 $0x198F0;
	[tilespmem:s4+$0x0] =	vst v8;
	v5 =	vld.idx.msk [tilespmem:v14+s3+$0x0], $0xffff  }
.LBB2_22:
0x1f1: {  	v6 =	vld [tilespmem:s30+$0x0];
	s24 =	sadd.s32 $0x10, s24;
	[tilespmem:s4+$0x10] =	vst v0  }
0x1f2: {  	v0 =	vld [tilespmem:s30+$0xFFFFFF20];
	p1 =	slt.u32 s24, $0xF0;
	[tilespmem:s4+$0x20] =	vst v1  }
0x1f3: {  	v1 =	vld [tilespmem:s30+$0xFFFFFF30];
	[tilespmem:s4+$0x30] =	vst v2  }
0x1f4: {  	v2 =	vld [tilespmem:s30+$0xFFFFFF40];
	[tilespmem:s4+$0x40] =	vst v3  }
0x1f5: {  	v3 =	vld [tilespmem:s30+$0xFFFFFF50];
	[tilespmem:s4+$0x50] =	vst v4  }
0x1f6: {  	v4 =	vld [tilespmem:s30+$0xFFFFFF60];
	[tilespmem:s4+$0x60] =	vst v5  }
0x1f7: {  	v5 =	vld [tilespmem:s30+$0xFFFFFF70]  }
0x1f8: {  	v7 =	vld [tilespmem:s30+$0xFFFFFF80]  }
0x1f9: {  	v6 =	vld.idx.msk [tilespmem:v6+s3+$0x0], $0xffff  }
0x1fa: {  	v8 =	vld [tilespmem:s30+$0xFFFFFF90]  }
0x1fb: {  	v9 =	vld [tilespmem:s30+$0xFFFFFFA0]  }
0x1fc: {  	v10 =	vld [tilespmem:s30+$0xFFFFFFB0]  }
0x1fd: {  	v11 =	vld [tilespmem:s30+$0xFFFFFFC0]  }
0x1fe: {  	s4 =	sadd.s32 $0x200, s4;
	v12 =	vld [tilespmem:s30+$0xFFFFFFD0]  }
0x1ff: {  	v13 =	vld [tilespmem:s30+$0xFFFFFFE0];
	[tilespmem:s4+$0x70] =	vst v6  }
0x200: {  	v6 =	vld [tilespmem:s30+$0xFFFFFFF0]  }
0x201: {  	v14 =	vld [tilespmem:s30+$0xFFFFFF10]  }
0x202: {  	v0 =	vld.idx.msk [tilespmem:v0+s3+$0x0], $0xffff  }
0x203: {  	v1 =	vld.idx.msk [tilespmem:v1+s3+$0x0], $0xffff  }
0x204: {  	v2 =	vld.idx.msk [tilespmem:v2+s3+$0x0], $0xffff  }
0x205: {  	v3 =	vld.idx.msk [tilespmem:v3+s3+$0x0], $0xffff  }
0x206: {  	v4 =	vld.idx.msk [tilespmem:v4+s3+$0x0], $0xffff  }
0x207: {  	v5 =	vld.idx.msk [tilespmem:v5+s3+$0x0], $0xffff  }
0x208: {  	[tilespmem:s4+$0xFFFFFF10] =	vst v0;
	v7 =	vld.idx.msk [tilespmem:v7+s3+$0x0], $0xffff  }
0x209: {  	v14 =	vld.idx.msk [tilespmem:v14+s3+$0x0], $0xffff;
	[tilespmem:s4+$0xFFFFFF20] =	vst v1  }
0x20a: {  	[tilespmem:s4+$0xFFFFFF30] =	vst v2;
	v8 =	vld.idx.msk [tilespmem:v8+s3+$0x0], $0xffff  }
0x20b: {  	[tilespmem:s4+$0xFFFFFF40] =	vst v3;
	v0 =	vld.idx.msk [tilespmem:v9+s3+$0x0], $0xffff  }
.Ltmp12:
0x20c: {  	[tilespmem:s4+$0xFFFFFF50] =	vst v4;
	v1 =	vld.idx.msk [tilespmem:v10+s3+$0x0], $0xffff;
	(pc) =	sbr.rel @p1 .LBB2_22-.Ltmp12, $4  }
0x20d: {  	[tilespmem:s4+$0xFFFFFF60] =	vst v5;
	v2 =	vld.idx.msk [tilespmem:v11+s3+$0x0], $0xffff  }
0x20e: {  	[tilespmem:s4+$0xFFFFFF70] =	vst v7;
	v3 =	vld.idx.msk [tilespmem:v12+s3+$0x0], $0xffff  }
0x20f: {  	[tilespmem:s4+$0xFFFFFF00] =	vst v14;
	v4 =	vld.idx.msk [tilespmem:v13+s3+$0x0], $0xffff  }
0x210: {  	s30 =	sadd.s32 $0x100, s30;
	[tilespmem:s4+$0x0] =	vst v8;
	v5 =	vld.idx.msk [tilespmem:v6+s3+$0x0], $0xffff  }
0x211: {  	[tilespmem:s4+$0x10] =	vst v0  }
0x212: {  	[tilespmem:s4+$0x20] =	vst v1  }
0x213: {  	[tilespmem:s4+$0x30] =	vst v2  }
0x214: {  	[tilespmem:s4+$0x40] =	vst v3  }
0x215: {  	s24 =	simm.s32 $0x1C780;
	[tilespmem:s4+$0x50] =	vst v4  }
0x216: {  	s5 =	sadd.s32 $0x0, s11;
	s30 =	simm.s32 $0x1C880;
	[tilespmem:s4+$0x60] =	vst v5;
	s4 =	simm.s32 $0x80  }
.LBB2_24:
0x217: {  	[hbm4b:s5+s3] =	stream.linear.scatter [tilespmem:s24], [sflag:$0x2], $0x80, $0x38;
	[tilespmem:$0x1E700] =	vst v63  }
0x218: {  	s5 =	smov.u32 s4;
	s24 =	smov.u32 s30;
	p1 =	sne.s32 s4, $0xF80  }
.Ltmp13:
0x219: {  	s4 =	sadd.s32 $0x80, s4;
	(pc) =	sbr.rel @p1 .LBB2_24-.Ltmp13, $2  }
0x21a: {  	_ =	sdelay $0x2  }
0x21b: {  	s30 =	sadd.s32 $0x100, s30;
	s5 =	sadd.s32 s5, s11  }
0x21c: {  	[hbm4b:s5+s3] =	stream.linear.scatter [tilespmem:s24], [sflag:$0x2], $0x80, $0x38;
	[tilespmem:$0x1E700] =	vst v63  }
0x21d: {  	s4 =	simm.s32 $0x1  }
0x21e: {  	_ =	swait.ge [sflag:s4], $0x1000  }
0x21f: {  	[sflag:s4] =	ssyncset.done $0x0  }
0x220: {  	s24 =	simm.s32 $0x1A7F0;
	[sflag:s4] =	ssyncadd.s32 $0xFFFFF000  }
0x221: {  	v0 =	vld [tilespmem:s24+$0x0]  }
0x222: {  	v1 =	vld [tilespmem:s24+$0xFFFFFF20]  }
0x223: {  	v2 =	vld [tilespmem:s24+$0xFFFFFF30]  }
0x224: {  	v3 =	vld [tilespmem:s24+$0xFFFFFF40]  }
0x225: {  	v4 =	vld [tilespmem:s24+$0xFFFFFF50]  }
0x226: {  	v5 =	vld [tilespmem:s24+$0xFFFFFF60]  }
0x227: {  	v6 =	vld [tilespmem:s24+$0xFFFFFF70]  }
0x228: {  	v7 =	vld [tilespmem:s24+$0xFFFFFF80]  }
0x229: {  	v8 =	vld [tilespmem:s24+$0xFFFFFF90]  }
0x22a: {  	v9 =	vld [tilespmem:s24+$0xFFFFFFA0]  }
0x22b: {  	v10 =	vld [tilespmem:s24+$0xFFFFFFB0]  }
0x22c: {  	v11 =	vld [tilespmem:s24+$0xFFFFFFC0]  }
0x22d: {  	v12 =	vld [tilespmem:s24+$0xFFFFFFD0]  }
0x22e: {  	v13 =	vld [tilespmem:s24+$0xFFFFFFE0]  }
0x22f: {  	v14 =	vld [tilespmem:s24+$0xFFFFFFF0]  }
0x230: {  	v15 =	vld [tilespmem:s24+$0xFFFFFF10]  }
0x231: {  	v0 =	vld.idx.msk [tilespmem:v0+s3+$0x0], $0xffff  }
0x232: {  	v1 =	vld.idx.msk [tilespmem:v1+s3+$0x0], $0xffff  }
0x233: {  	v2 =	vld.idx.msk [tilespmem:v2+s3+$0x0], $0xffff  }
0x234: {  	v3 =	vld.idx.msk [tilespmem:v3+s3+$0x0], $0xffff  }
0x235: {  	v4 =	vld.idx.msk [tilespmem:v4+s3+$0x0], $0xffff  }
0x236: {  	s4 =	simm.s32 $0x1C800;
	v5 =	vld.idx.msk [tilespmem:v5+s3+$0x0], $0xffff  }
0x237: {  	v6 =	vld.idx.msk [tilespmem:v6+s3+$0x0], $0xffff;
	[tilespmem:s4+$0x70] =	vst v0  }
0x238: {  	v7 =	vld.idx.msk [tilespmem:v7+s3+$0x0], $0xffff;
	[tilespmem:s4+$0xFFFFFF10] =	vst v1  }
0x239: {  	v15 =	vld.idx.msk [tilespmem:v15+s3+$0x0], $0xffff;
	[tilespmem:s4+$0xFFFFFF20] =	vst v2  }
0x23a: {  	v8 =	vld.idx.msk [tilespmem:v8+s3+$0x0], $0xffff;
	[tilespmem:s4+$0xFFFFFF30] =	vst v3  }
0x23b: {  	[tilespmem:s4+$0xFFFFFF40] =	vst v4;
	v0 =	vld.idx.msk [tilespmem:v9+s3+$0x0], $0xffff  }
0x23c: {  	[tilespmem:s4+$0xFFFFFF50] =	vst v5;
	v1 =	vld.idx.msk [tilespmem:v10+s3+$0x0], $0xffff  }
0x23d: {  	[tilespmem:s4+$0xFFFFFF60] =	vst v6;
	v2 =	vld.idx.msk [tilespmem:v11+s3+$0x0], $0xffff  }
0x23e: {  	[tilespmem:s4+$0xFFFFFF70] =	vst v7;
	v3 =	vld.idx.msk [tilespmem:v12+s3+$0x0], $0xffff  }
0x23f: {  	[tilespmem:s4+$0xFFFFFF00] =	vst v15;
	v4 =	vld.idx.msk [tilespmem:v13+s3+$0x0], $0xffff  }
0x240: {  	s30 =	simm.s32 $0x1A8F0;
	s24 =	simm.s32 $0x0;
	[tilespmem:s4+$0x0] =	vst v8;
	v5 =	vld.idx.msk [tilespmem:v14+s3+$0x0], $0xffff  }
.LBB2_26:
0x241: {  	v6 =	vld [tilespmem:s30+$0x0];
	s24 =	sadd.s32 $0x10, s24;
	[tilespmem:s4+$0x10] =	vst v0  }
0x242: {  	v0 =	vld [tilespmem:s30+$0xFFFFFF20];
	p1 =	slt.u32 s24, $0xF0;
	[tilespmem:s4+$0x20] =	vst v1  }
0x243: {  	v1 =	vld [tilespmem:s30+$0xFFFFFF30];
	[tilespmem:s4+$0x30] =	vst v2  }
0x244: {  	v2 =	vld [tilespmem:s30+$0xFFFFFF40];
	[tilespmem:s4+$0x40] =	vst v3  }
0x245: {  	v3 =	vld [tilespmem:s30+$0xFFFFFF50];
	[tilespmem:s4+$0x50] =	vst v4  }
0x246: {  	v4 =	vld [tilespmem:s30+$0xFFFFFF60];
	[tilespmem:s4+$0x60] =	vst v5  }
0x247: {  	v5 =	vld [tilespmem:s30+$0xFFFFFF70]  }
0x248: {  	v7 =	vld [tilespmem:s30+$0xFFFFFF80]  }
0x249: {  	v6 =	vld.idx.msk [tilespmem:v6+s3+$0x0], $0xffff  }
0x24a: {  	v8 =	vld [tilespmem:s30+$0xFFFFFF90]  }
0x24b: {  	v9 =	vld [tilespmem:s30+$0xFFFFFFA0]  }
0x24c: {  	v10 =	vld [tilespmem:s30+$0xFFFFFFB0]  }
0x24d: {  	v11 =	vld [tilespmem:s30+$0xFFFFFFC0]  }
0x24e: {  	s4 =	sadd.s32 $0x200, s4;
	v12 =	vld [tilespmem:s30+$0xFFFFFFD0]  }
0x24f: {  	v13 =	vld [tilespmem:s30+$0xFFFFFFE0];
	[tilespmem:s4+$0x70] =	vst v6  }
0x250: {  	v6 =	vld [tilespmem:s30+$0xFFFFFFF0]  }
0x251: {  	v14 =	vld [tilespmem:s30+$0xFFFFFF10]  }
0x252: {  	v0 =	vld.idx.msk [tilespmem:v0+s3+$0x0], $0xffff  }
0x253: {  	v1 =	vld.idx.msk [tilespmem:v1+s3+$0x0], $0xffff  }
0x254: {  	v2 =	vld.idx.msk [tilespmem:v2+s3+$0x0], $0xffff  }
0x255: {  	v3 =	vld.idx.msk [tilespmem:v3+s3+$0x0], $0xffff  }
0x256: {  	v4 =	vld.idx.msk [tilespmem:v4+s3+$0x0], $0xffff  }
0x257: {  	v5 =	vld.idx.msk [tilespmem:v5+s3+$0x0], $0xffff  }
0x258: {  	[tilespmem:s4+$0xFFFFFF10] =	vst v0;
	v7 =	vld.idx.msk [tilespmem:v7+s3+$0x0], $0xffff  }
0x259: {  	v14 =	vld.idx.msk [tilespmem:v14+s3+$0x0], $0xffff;
	[tilespmem:s4+$0xFFFFFF20] =	vst v1  }
0x25a: {  	[tilespmem:s4+$0xFFFFFF30] =	vst v2;
	v8 =	vld.idx.msk [tilespmem:v8+s3+$0x0], $0xffff  }
0x25b: {  	[tilespmem:s4+$0xFFFFFF40] =	vst v3;
	v0 =	vld.idx.msk [tilespmem:v9+s3+$0x0], $0xffff  }
.Ltmp14:
0x25c: {  	[tilespmem:s4+$0xFFFFFF50] =	vst v4;
	v1 =	vld.idx.msk [tilespmem:v10+s3+$0x0], $0xffff;
	(pc) =	sbr.rel @p1 .LBB2_26-.Ltmp14, $4  }
0x25d: {  	[tilespmem:s4+$0xFFFFFF60] =	vst v5;
	v2 =	vld.idx.msk [tilespmem:v11+s3+$0x0], $0xffff  }
0x25e: {  	[tilespmem:s4+$0xFFFFFF70] =	vst v7;
	v3 =	vld.idx.msk [tilespmem:v12+s3+$0x0], $0xffff  }
0x25f: {  	[tilespmem:s4+$0xFFFFFF00] =	vst v14;
	v4 =	vld.idx.msk [tilespmem:v13+s3+$0x0], $0xffff  }
0x260: {  	s30 =	sadd.s32 $0x100, s30;
	[tilespmem:s4+$0x0] =	vst v8;
	v5 =	vld.idx.msk [tilespmem:v6+s3+$0x0], $0xffff  }
0x261: {  	[tilespmem:s4+$0x10] =	vst v0  }
0x262: {  	[tilespmem:s4+$0x20] =	vst v1  }
0x263: {  	[tilespmem:s4+$0x30] =	vst v2  }
0x264: {  	[tilespmem:s4+$0x40] =	vst v3  }
0x265: {  	s24 =	simm.s32 $0x1C700;
	[tilespmem:s4+$0x50] =	vst v4  }
0x266: {  	s5 =	sadd.s32 $0x0, s12;
	s30 =	simm.s32 $0x1C800;
	[tilespmem:s4+$0x60] =	vst v5;
	s4 =	simm.s32 $0x80  }
.LBB2_28:
0x267: {  	[hbm4b:s5+s3] =	stream.linear.scatter [tilespmem:s24], [sflag:$0x1], $0x80, $0x38;
	[tilespmem:$0x1E700] =	vst v63  }
0x268: {  	s5 =	smov.u32 s4;
	s24 =	smov.u32 s30;
	p1 =	sne.s32 s4, $0xF80  }
.Ltmp15:
0x269: {  	s4 =	sadd.s32 $0x80, s4;
	(pc) =	sbr.rel @p1 .LBB2_28-.Ltmp15, $2  }
0x26a: {  	_ =	sdelay $0x2  }
0x26b: {  	s30 =	sadd.s32 $0x100, s30;
	s5 =	sadd.s32 s5, s12  }
0x26c: {  	[hbm4b:s5+s3] =	stream.linear.scatter [tilespmem:s24], [sflag:$0x1], $0x80, $0x38;
	[tilespmem:$0x1E700] =	vst v63  }
0x26d: {  	s4 =	simm.s32 $0x2  }
0x26e: {  	_ =	swait.ge [sflag:s4], $0x1000  }
0x26f: {  	[sflag:s4] =	ssyncset.done $0x0  }
0x270: {  	s24 =	simm.s32 $0x1B7F0;
	[sflag:s4] =	ssyncadd.s32 $0xFFFFF000  }
0x271: {  	v0 =	vld [tilespmem:s24+$0x0]  }
0x272: {  	v1 =	vld [tilespmem:s24+$0xFFFFFF20]  }
0x273: {  	v2 =	vld [tilespmem:s24+$0xFFFFFF30]  }
0x274: {  	v3 =	vld [tilespmem:s24+$0xFFFFFF40]  }
0x275: {  	v4 =	vld [tilespmem:s24+$0xFFFFFF50]  }
0x276: {  	v5 =	vld [tilespmem:s24+$0xFFFFFF60]  }
0x277: {  	v6 =	vld [tilespmem:s24+$0xFFFFFF70]  }
0x278: {  	v7 =	vld [tilespmem:s24+$0xFFFFFF80]  }
0x279: {  	v8 =	vld [tilespmem:s24+$0xFFFFFF90]  }
0x27a: {  	v9 =	vld [tilespmem:s24+$0xFFFFFFA0]  }
0x27b: {  	v10 =	vld [tilespmem:s24+$0xFFFFFFB0]  }
0x27c: {  	v11 =	vld [tilespmem:s24+$0xFFFFFFC0]  }
0x27d: {  	v12 =	vld [tilespmem:s24+$0xFFFFFFD0]  }
0x27e: {  	v13 =	vld [tilespmem:s24+$0xFFFFFFE0]  }
0x27f: {  	v14 =	vld [tilespmem:s24+$0xFFFFFFF0]  }
0x280: {  	v15 =	vld [tilespmem:s24+$0xFFFFFF10]  }
0x281: {  	v0 =	vld.idx.msk [tilespmem:v0+s3+$0x0], $0xffff  }
0x282: {  	v1 =	vld.idx.msk [tilespmem:v1+s3+$0x0], $0xffff  }
0x283: {  	v2 =	vld.idx.msk [tilespmem:v2+s3+$0x0], $0xffff  }
0x284: {  	v3 =	vld.idx.msk [tilespmem:v3+s3+$0x0], $0xffff  }
0x285: {  	v4 =	vld.idx.msk [tilespmem:v4+s3+$0x0], $0xffff  }
0x286: {  	s4 =	simm.s32 $0x1C880;
	v5 =	vld.idx.msk [tilespmem:v5+s3+$0x0], $0xffff  }
0x287: {  	v6 =	vld.idx.msk [tilespmem:v6+s3+$0x0], $0xffff;
	[tilespmem:s4+$0x70] =	vst v0  }
0x288: {  	v7 =	vld.idx.msk [tilespmem:v7+s3+$0x0], $0xffff;
	[tilespmem:s4+$0xFFFFFF10] =	vst v1  }
0x289: {  	v15 =	vld.idx.msk [tilespmem:v15+s3+$0x0], $0xffff;
	[tilespmem:s4+$0xFFFFFF20] =	vst v2  }
0x28a: {  	v8 =	vld.idx.msk [tilespmem:v8+s3+$0x0], $0xffff;
	[tilespmem:s4+$0xFFFFFF30] =	vst v3  }
0x28b: {  	[tilespmem:s4+$0xFFFFFF40] =	vst v4;
	v0 =	vld.idx.msk [tilespmem:v9+s3+$0x0], $0xffff  }
0x28c: {  	[tilespmem:s4+$0xFFFFFF50] =	vst v5;
	v1 =	vld.idx.msk [tilespmem:v10+s3+$0x0], $0xffff  }
0x28d: {  	[tilespmem:s4+$0xFFFFFF60] =	vst v6;
	v2 =	vld.idx.msk [tilespmem:v11+s3+$0x0], $0xffff  }
0x28e: {  	[tilespmem:s4+$0xFFFFFF70] =	vst v7;
	v3 =	vld.idx.msk [tilespmem:v12+s3+$0x0], $0xffff  }
0x28f: {  	[tilespmem:s4+$0xFFFFFF00] =	vst v15;
	v4 =	vld.idx.msk [tilespmem:v13+s3+$0x0], $0xffff  }
0x290: {  	s30 =	simm.s32 $0x1B8F0;
	s24 =	simm.s32 $0x0;
	[tilespmem:s4+$0x0] =	vst v8;
	v5 =	vld.idx.msk [tilespmem:v14+s3+$0x0], $0xffff  }
.LBB2_30:
0x291: {  	v6 =	vld [tilespmem:s30+$0x0];
	s24 =	sadd.s32 $0x10, s24;
	[tilespmem:s4+$0x10] =	vst v0  }
0x292: {  	v0 =	vld [tilespmem:s30+$0xFFFFFF20];
	p1 =	slt.u32 s24, $0xF0;
	[tilespmem:s4+$0x20] =	vst v1  }
0x293: {  	v1 =	vld [tilespmem:s30+$0xFFFFFF30];
	[tilespmem:s4+$0x30] =	vst v2  }
0x294: {  	v2 =	vld [tilespmem:s30+$0xFFFFFF40];
	[tilespmem:s4+$0x40] =	vst v3  }
0x295: {  	v3 =	vld [tilespmem:s30+$0xFFFFFF50];
	[tilespmem:s4+$0x50] =	vst v4  }
0x296: {  	v4 =	vld [tilespmem:s30+$0xFFFFFF60];
	[tilespmem:s4+$0x60] =	vst v5  }
0x297: {  	v5 =	vld [tilespmem:s30+$0xFFFFFF70]  }
0x298: {  	v7 =	vld [tilespmem:s30+$0xFFFFFF80]  }
0x299: {  	v6 =	vld.idx.msk [tilespmem:v6+s3+$0x0], $0xffff  }
0x29a: {  	v8 =	vld [tilespmem:s30+$0xFFFFFF90]  }
0x29b: {  	v9 =	vld [tilespmem:s30+$0xFFFFFFA0]  }
0x29c: {  	v10 =	vld [tilespmem:s30+$0xFFFFFFB0]  }
0x29d: {  	v11 =	vld [tilespmem:s30+$0xFFFFFFC0]  }
0x29e: {  	s4 =	sadd.s32 $0x200, s4;
	v12 =	vld [tilespmem:s30+$0xFFFFFFD0]  }
0x29f: {  	v13 =	vld [tilespmem:s30+$0xFFFFFFE0];
	[tilespmem:s4+$0x70] =	vst v6  }
0x2a0: {  	v6 =	vld [tilespmem:s30+$0xFFFFFFF0]  }
0x2a1: {  	v14 =	vld [tilespmem:s30+$0xFFFFFF10]  }
0x2a2: {  	v0 =	vld.idx.msk [tilespmem:v0+s3+$0x0], $0xffff  }
0x2a3: {  	v1 =	vld.idx.msk [tilespmem:v1+s3+$0x0], $0xffff  }
0x2a4: {  	v2 =	vld.idx.msk [tilespmem:v2+s3+$0x0], $0xffff  }
0x2a5: {  	v3 =	vld.idx.msk [tilespmem:v3+s3+$0x0], $0xffff  }
0x2a6: {  	v4 =	vld.idx.msk [tilespmem:v4+s3+$0x0], $0xffff  }
0x2a7: {  	v5 =	vld.idx.msk [tilespmem:v5+s3+$0x0], $0xffff  }
0x2a8: {  	[tilespmem:s4+$0xFFFFFF10] =	vst v0;
	v7 =	vld.idx.msk [tilespmem:v7+s3+$0x0], $0xffff  }
0x2a9: {  	v14 =	vld.idx.msk [tilespmem:v14+s3+$0x0], $0xffff;
	[tilespmem:s4+$0xFFFFFF20] =	vst v1  }
0x2aa: {  	[tilespmem:s4+$0xFFFFFF30] =	vst v2;
	v8 =	vld.idx.msk [tilespmem:v8+s3+$0x0], $0xffff  }
0x2ab: {  	[tilespmem:s4+$0xFFFFFF40] =	vst v3;
	v0 =	vld.idx.msk [tilespmem:v9+s3+$0x0], $0xffff  }
.Ltmp16:
0x2ac: {  	[tilespmem:s4+$0xFFFFFF50] =	vst v4;
	v1 =	vld.idx.msk [tilespmem:v10+s3+$0x0], $0xffff;
	(pc) =	sbr.rel @p1 .LBB2_30-.Ltmp16, $4  }
0x2ad: {  	[tilespmem:s4+$0xFFFFFF60] =	vst v5;
	v2 =	vld.idx.msk [tilespmem:v11+s3+$0x0], $0xffff  }
0x2ae: {  	[tilespmem:s4+$0xFFFFFF70] =	vst v7;
	v3 =	vld.idx.msk [tilespmem:v12+s3+$0x0], $0xffff  }
0x2af: {  	[tilespmem:s4+$0xFFFFFF00] =	vst v14;
	v4 =	vld.idx.msk [tilespmem:v13+s3+$0x0], $0xffff  }
0x2b0: {  	s30 =	sadd.s32 $0x100, s30;
	[tilespmem:s4+$0x0] =	vst v8;
	v5 =	vld.idx.msk [tilespmem:v6+s3+$0x0], $0xffff  }
0x2b1: {  	[tilespmem:s4+$0x10] =	vst v0  }
0x2b2: {  	[tilespmem:s4+$0x20] =	vst v1  }
0x2b3: {  	[tilespmem:s4+$0x30] =	vst v2  }
0x2b4: {  	[tilespmem:s4+$0x40] =	vst v3  }
0x2b5: {  	s24 =	simm.s32 $0x1C780;
	[tilespmem:s4+$0x50] =	vst v4  }
0x2b6: {  	s5 =	sadd.s32 $0x0, s13;
	s30 =	simm.s32 $0x1C880;
	[tilespmem:s4+$0x60] =	vst v5;
	s4 =	simm.s32 $0x80  }
.LBB2_32:
0x2b7: {  	[hbm4b:s5+s3] =	stream.linear.scatter [tilespmem:s24], [sflag:$0x2], $0x80, $0x38;
	[tilespmem:$0x1E700] =	vst v63  }
0x2b8: {  	s5 =	smov.u32 s4;
	s24 =	smov.u32 s30;
	p1 =	sne.s32 s4, $0xF80  }
.Ltmp17:
0x2b9: {  	s4 =	sadd.s32 $0x80, s4;
	(pc) =	sbr.rel @p1 .LBB2_32-.Ltmp17, $2  }
0x2ba: {  	_ =	sdelay $0x2  }
0x2bb: {  	s30 =	sadd.s32 $0x100, s30;
	s5 =	sadd.s32 s5, s13  }
0x2bc: {  	[hbm4b:s5+s3] =	stream.linear.scatter [tilespmem:s24], [sflag:$0x2], $0x80, $0x38;
	[tilespmem:$0x1E700] =	vst v63  }
0x2bd: {  	s4 =	simm.s32 $0x1  }
0x2be: {  	_ =	swait.ge [sflag:s4], $0x1000  }
0x2bf: {  	[sflag:s4] =	ssyncset.done $0x0  }
0x2c0: {  	s24 =	simm.s32 $0x2;
	[sflag:s4] =	ssyncadd.s32 $0xFFFFF000  }
0x2c1: {  	_ =	swait.ge [sflag:s24], $0x1000  }
0x2c2: {  	s5 =	simm.s32 $0x80;
	[sflag:s24] =	ssyncset.done $0x0  }
0x2c3: {  	s4 =	rddreg [dreg:$0x7];
	[sflag:s24] =	ssyncadd.s32 $0xFFFFF000;
	s24 =	simm.s32 $0x400  }
0x2c4: {  	[tilespmem:s3], [sflag:$0x3] =	stream.strided.gather [hbm4b:s4+s5], $0x18700, s24, s5, $0x38;
	[tilespmem:$0x1E700] =	vst v63  }
0x2c5: {  	s5 =	simm.s32 $0x3  }
0x2c6: {  	_ =	swait.ge [sflag:s5], $0x18700  }
0x2c7: {  	[sflag:s5] =	ssyncset.done $0x0  }
0x2c8: {  	s24 =	simm.s32 $0x18780;
	[sflag:s5] =	ssyncadd.s32 $0xFFFE7900  }
0x2c9: {  	v0 =	vld [tilespmem:s24+$0x70]  }
0x2ca: {  	v1 =	vld [tilespmem:s24+$0xFFFFFF90]  }
0x2cb: {  	v2 =	vld [tilespmem:s24+$0xFFFFFFA0]  }
0x2cc: {  	v3 =	vld [tilespmem:s24+$0xFFFFFFB0]  }
0x2cd: {  	v4 =	vld [tilespmem:s24+$0xFFFFFFC0]  }
0x2ce: {  	v5 =	vld [tilespmem:s24+$0xFFFFFFD0]  }
0x2cf: {  	v6 =	vld [tilespmem:s24+$0xFFFFFFE0]  }
0x2d0: {  	v7 =	vld [tilespmem:s24+$0xFFFFFFF0]  }
0x2d1: {  	v8 =	vld [tilespmem:s24+$0x0]  }
0x2d2: {  	v9 =	vld [tilespmem:s24+$0x10]  }
0x2d3: {  	v10 =	vld [tilespmem:s24+$0x20]  }
0x2d4: {  	v11 =	vld [tilespmem:s24+$0x30]  }
0x2d5: {  	v12 =	vld [tilespmem:s24+$0x40]  }
0x2d6: {  	v13 =	vld [tilespmem:s24+$0x50]  }
0x2d7: {  	v14 =	vld [tilespmem:s24+$0x60]  }
0x2d8: {  	v15 =	vld [tilespmem:s24+$0xFFFFFF80]  }
0x2d9: {  	v0 =	vld.idx.msk [tilespmem:v0+s3+$0x0], $0xffff  }
0x2da: {  	v1 =	vld.idx.msk [tilespmem:v1+s3+$0x0], $0xffff  }
0x2db: {  	v2 =	vld.idx.msk [tilespmem:v2+s3+$0x0], $0xffff  }
0x2dc: {  	v3 =	vld.idx.msk [tilespmem:v3+s3+$0x0], $0xffff  }
0x2dd: {  	v4 =	vld.idx.msk [tilespmem:v4+s3+$0x0], $0xffff  }
0x2de: {  	s4 =	simm.s32 $0x1C800;
	v5 =	vld.idx.msk [tilespmem:v5+s3+$0x0], $0xffff  }
0x2df: {  	v6 =	vld.idx.msk [tilespmem:v6+s3+$0x0], $0xffff;
	[tilespmem:s4+$0x70] =	vst v0  }
0x2e0: {  	v7 =	vld.idx.msk [tilespmem:v7+s3+$0x0], $0xffff;
	[tilespmem:s4+$0xFFFFFF10] =	vst v1  }
0x2e1: {  	v15 =	vld.idx.msk [tilespmem:v15+s3+$0x0], $0xffff;
	[tilespmem:s4+$0xFFFFFF20] =	vst v2  }
0x2e2: {  	v8 =	vld.idx.msk [tilespmem:v8+s3+$0x0], $0xffff;
	[tilespmem:s4+$0xFFFFFF30] =	vst v3  }
0x2e3: {  	[tilespmem:s4+$0xFFFFFF40] =	vst v4;
	v0 =	vld.idx.msk [tilespmem:v9+s3+$0x0], $0xffff  }
0x2e4: {  	[tilespmem:s4+$0xFFFFFF50] =	vst v5;
	v1 =	vld.idx.msk [tilespmem:v10+s3+$0x0], $0xffff  }
0x2e5: {  	[tilespmem:s4+$0xFFFFFF60] =	vst v6;
	v2 =	vld.idx.msk [tilespmem:v11+s3+$0x0], $0xffff  }
0x2e6: {  	[tilespmem:s4+$0xFFFFFF70] =	vst v7;
	v3 =	vld.idx.msk [tilespmem:v12+s3+$0x0], $0xffff  }
0x2e7: {  	[tilespmem:s4+$0xFFFFFF00] =	vst v15;
	v4 =	vld.idx.msk [tilespmem:v13+s3+$0x0], $0xffff  }
0x2e8: {  	s30 =	simm.s32 $0x18880;
	s24 =	simm.s32 $0x0;
	[tilespmem:s4+$0x0] =	vst v8;
	v5 =	vld.idx.msk [tilespmem:v14+s3+$0x0], $0xffff  }
.LBB2_34:
0x2e9: {  	v6 =	vld [tilespmem:s30+$0x70];
	s24 =	sadd.s32 $0x10, s24;
	[tilespmem:s4+$0x10] =	vst v0  }
0x2ea: {  	v0 =	vld [tilespmem:s30+$0xFFFFFF90];
	p1 =	slt.u32 s24, $0xF0;
	[tilespmem:s4+$0x20] =	vst v1  }
0x2eb: {  	v1 =	vld [tilespmem:s30+$0xFFFFFFA0];
	[tilespmem:s4+$0x30] =	vst v2  }
0x2ec: {  	v2 =	vld [tilespmem:s30+$0xFFFFFFB0];
	[tilespmem:s4+$0x40] =	vst v3  }
0x2ed: {  	v3 =	vld [tilespmem:s30+$0xFFFFFFC0];
	[tilespmem:s4+$0x50] =	vst v4  }
0x2ee: {  	v4 =	vld [tilespmem:s30+$0xFFFFFFD0];
	[tilespmem:s4+$0x60] =	vst v5  }
0x2ef: {  	v5 =	vld [tilespmem:s30+$0xFFFFFFE0]  }
0x2f0: {  	v7 =	vld [tilespmem:s30+$0xFFFFFFF0]  }
0x2f1: {  	v6 =	vld.idx.msk [tilespmem:v6+s3+$0x0], $0xffff  }
0x2f2: {  	v8 =	vld [tilespmem:s30+$0x0]  }
0x2f3: {  	v9 =	vld [tilespmem:s30+$0x10]  }
0x2f4: {  	v10 =	vld [tilespmem:s30+$0x20]  }
0x2f5: {  	v11 =	vld [tilespmem:s30+$0x30]  }
0x2f6: {  	s4 =	sadd.s32 $0x200, s4;
	v12 =	vld [tilespmem:s30+$0x40]  }
0x2f7: {  	v13 =	vld [tilespmem:s30+$0x50];
	[tilespmem:s4+$0x70] =	vst v6  }
0x2f8: {  	v6 =	vld [tilespmem:s30+$0x60]  }
0x2f9: {  	v14 =	vld [tilespmem:s30+$0xFFFFFF80]  }
0x2fa: {  	v0 =	vld.idx.msk [tilespmem:v0+s3+$0x0], $0xffff  }
0x2fb: {  	v1 =	vld.idx.msk [tilespmem:v1+s3+$0x0], $0xffff  }
0x2fc: {  	v2 =	vld.idx.msk [tilespmem:v2+s3+$0x0], $0xffff  }
0x2fd: {  	v3 =	vld.idx.msk [tilespmem:v3+s3+$0x0], $0xffff  }
0x2fe: {  	v4 =	vld.idx.msk [tilespmem:v4+s3+$0x0], $0xffff  }
0x2ff: {  	v5 =	vld.idx.msk [tilespmem:v5+s3+$0x0], $0xffff  }
0x300: {  	[tilespmem:s4+$0xFFFFFF10] =	vst v0;
	v7 =	vld.idx.msk [tilespmem:v7+s3+$0x0], $0xffff  }
0x301: {  	v14 =	vld.idx.msk [tilespmem:v14+s3+$0x0], $0xffff;
	[tilespmem:s4+$0xFFFFFF20] =	vst v1  }
0x302: {  	[tilespmem:s4+$0xFFFFFF30] =	vst v2;
	v8 =	vld.idx.msk [tilespmem:v8+s3+$0x0], $0xffff  }
0x303: {  	[tilespmem:s4+$0xFFFFFF40] =	vst v3;
	v0 =	vld.idx.msk [tilespmem:v9+s3+$0x0], $0xffff  }
.Ltmp18:
0x304: {  	[tilespmem:s4+$0xFFFFFF50] =	vst v4;
	v1 =	vld.idx.msk [tilespmem:v10+s3+$0x0], $0xffff;
	(pc) =	sbr.rel @p1 .LBB2_34-.Ltmp18, $4  }
0x305: {  	[tilespmem:s4+$0xFFFFFF60] =	vst v5;
	v2 =	vld.idx.msk [tilespmem:v11+s3+$0x0], $0xffff  }
0x306: {  	[tilespmem:s4+$0xFFFFFF70] =	vst v7;
	v3 =	vld.idx.msk [tilespmem:v12+s3+$0x0], $0xffff  }
0x307: {  	[tilespmem:s4+$0xFFFFFF00] =	vst v14;
	v4 =	vld.idx.msk [tilespmem:v13+s3+$0x0], $0xffff  }
0x308: {  	s30 =	sadd.s32 $0x100, s30;
	[tilespmem:s4+$0x0] =	vst v8;
	v5 =	vld.idx.msk [tilespmem:v6+s3+$0x0], $0xffff  }
0x309: {  	[tilespmem:s4+$0x10] =	vst v0  }
0x30a: {  	[tilespmem:s4+$0x20] =	vst v1  }
0x30b: {  	[tilespmem:s4+$0x30] =	vst v2  }
0x30c: {  	[tilespmem:s4+$0x40] =	vst v3  }
0x30d: {  	[tilespmem:s4+$0x50] =	vst v4  }
0x30e: {  	s5 =	simm.s32 $0x1C700;
	[tilespmem:s4+$0x60] =	vst v5;
	s4 =	simm.s32 $0x0  }
.LBB2_36:
0x30f: {  	p1 =	sne.s32 s4, $0xF80  }
.Ltmp19:
0x310: {  	_ = 	snop;
	(pc) =	sbr.rel @p1 .LBB2_36-.Ltmp19, $4  }
0x311: {  	_ = 	snop  }
0x312: {  	s24 =	sadd.s32 s4, s15  }
0x313: {  	[hbm4b:s24+s3] =	stream.linear.scatter [tilespmem:s5], [sflag:$0x1], $0x80, $0x38;
	[tilespmem:$0x1E700] =	vst v63  }
0x314: {  	s4 =	sadd.s32 $0x80, s4;
	s5 =	sadd.s32 $0x100, s5  }
0x315: {  	s4 =	simm.s32 $0x197F0  }
0x316: {  	v0 =	vld [tilespmem:s4+$0x0]  }
0x317: {  	v1 =	vld [tilespmem:s4+$0xFFFFFF20]  }
0x318: {  	v2 =	vld [tilespmem:s4+$0xFFFFFF30]  }
0x319: {  	v3 =	vld [tilespmem:s4+$0xFFFFFF40]  }
0x31a: {  	v4 =	vld [tilespmem:s4+$0xFFFFFF50]  }
0x31b: {  	v5 =	vld [tilespmem:s4+$0xFFFFFF60]  }
0x31c: {  	v6 =	vld [tilespmem:s4+$0xFFFFFF70]  }
0x31d: {  	v7 =	vld [tilespmem:s4+$0xFFFFFF80]  }
0x31e: {  	v8 =	vld [tilespmem:s4+$0xFFFFFF90]  }
0x31f: {  	v9 =	vld [tilespmem:s4+$0xFFFFFFA0]  }
0x320: {  	v10 =	vld [tilespmem:s4+$0xFFFFFFB0]  }
0x321: {  	v11 =	vld [tilespmem:s4+$0xFFFFFFC0]  }
0x322: {  	v12 =	vld [tilespmem:s4+$0xFFFFFFD0]  }
0x323: {  	v13 =	vld [tilespmem:s4+$0xFFFFFFE0]  }
0x324: {  	v14 =	vld [tilespmem:s4+$0xFFFFFFF0]  }
0x325: {  	v15 =	vld [tilespmem:s4+$0xFFFFFF10]  }
0x326: {  	v0 =	vld.idx.msk [tilespmem:v0+s3+$0x0], $0xffff  }
0x327: {  	v1 =	vld.idx.msk [tilespmem:v1+s3+$0x0], $0xffff  }
0x328: {  	v2 =	vld.idx.msk [tilespmem:v2+s3+$0x0], $0xffff  }
0x329: {  	v3 =	vld.idx.msk [tilespmem:v3+s3+$0x0], $0xffff  }
0x32a: {  	v4 =	vld.idx.msk [tilespmem:v4+s3+$0x0], $0xffff  }
0x32b: {  	s4 =	simm.s32 $0x1C880;
	v5 =	vld.idx.msk [tilespmem:v5+s3+$0x0], $0xffff  }
0x32c: {  	v6 =	vld.idx.msk [tilespmem:v6+s3+$0x0], $0xffff;
	[tilespmem:s4+$0x70] =	vst v0  }
0x32d: {  	v7 =	vld.idx.msk [tilespmem:v7+s3+$0x0], $0xffff;
	[tilespmem:s4+$0xFFFFFF10] =	vst v1  }
0x32e: {  	v15 =	vld.idx.msk [tilespmem:v15+s3+$0x0], $0xffff;
	[tilespmem:s4+$0xFFFFFF20] =	vst v2  }
0x32f: {  	v8 =	vld.idx.msk [tilespmem:v8+s3+$0x0], $0xffff;
	[tilespmem:s4+$0xFFFFFF30] =	vst v3  }
0x330: {  	[tilespmem:s4+$0xFFFFFF40] =	vst v4;
	v0 =	vld.idx.msk [tilespmem:v9+s3+$0x0], $0xffff  }
0x331: {  	[tilespmem:s4+$0xFFFFFF50] =	vst v5;
	v1 =	vld.idx.msk [tilespmem:v10+s3+$0x0], $0xffff  }
0x332: {  	[tilespmem:s4+$0xFFFFFF60] =	vst v6;
	v2 =	vld.idx.msk [tilespmem:v11+s3+$0x0], $0xffff  }
0x333: {  	[tilespmem:s4+$0xFFFFFF70] =	vst v7;
	v3 =	vld.idx.msk [tilespmem:v12+s3+$0x0], $0xffff  }
0x334: {  	[tilespmem:s4+$0xFFFFFF00] =	vst v15;
	v4 =	vld.idx.msk [tilespmem:v13+s3+$0x0], $0xffff  }
0x335: {  	s24 =	simm.s32 $0x0;
	s30 =	simm.s32 $0x198F0;
	[tilespmem:s4+$0x0] =	vst v8;
	v5 =	vld.idx.msk [tilespmem:v14+s3+$0x0], $0xffff  }
.LBB2_38:
0x336: {  	v6 =	vld [tilespmem:s30+$0x0];
	s24 =	sadd.s32 $0x10, s24;
	[tilespmem:s4+$0x10] =	vst v0  }
0x337: {  	v0 =	vld [tilespmem:s30+$0xFFFFFF20];
	p1 =	slt.u32 s24, $0xF0;
	[tilespmem:s4+$0x20] =	vst v1  }
0x338: {  	v1 =	vld [tilespmem:s30+$0xFFFFFF30];
	[tilespmem:s4+$0x30] =	vst v2  }
0x339: {  	v2 =	vld [tilespmem:s30+$0xFFFFFF40];
	[tilespmem:s4+$0x40] =	vst v3  }
0x33a: {  	v3 =	vld [tilespmem:s30+$0xFFFFFF50];
	[tilespmem:s4+$0x50] =	vst v4  }
0x33b: {  	v4 =	vld [tilespmem:s30+$0xFFFFFF60];
	[tilespmem:s4+$0x60] =	vst v5  }
0x33c: {  	v5 =	vld [tilespmem:s30+$0xFFFFFF70]  }
0x33d: {  	v7 =	vld [tilespmem:s30+$0xFFFFFF80]  }
0x33e: {  	v6 =	vld.idx.msk [tilespmem:v6+s3+$0x0], $0xffff  }
0x33f: {  	v8 =	vld [tilespmem:s30+$0xFFFFFF90]  }
0x340: {  	v9 =	vld [tilespmem:s30+$0xFFFFFFA0]  }
0x341: {  	v10 =	vld [tilespmem:s30+$0xFFFFFFB0]  }
0x342: {  	v11 =	vld [tilespmem:s30+$0xFFFFFFC0]  }
0x343: {  	s4 =	sadd.s32 $0x200, s4;
	v12 =	vld [tilespmem:s30+$0xFFFFFFD0]  }
0x344: {  	v13 =	vld [tilespmem:s30+$0xFFFFFFE0];
	[tilespmem:s4+$0x70] =	vst v6  }
0x345: {  	v6 =	vld [tilespmem:s30+$0xFFFFFFF0]  }
0x346: {  	v14 =	vld [tilespmem:s30+$0xFFFFFF10]  }
0x347: {  	v0 =	vld.idx.msk [tilespmem:v0+s3+$0x0], $0xffff  }
0x348: {  	v1 =	vld.idx.msk [tilespmem:v1+s3+$0x0], $0xffff  }
0x349: {  	v2 =	vld.idx.msk [tilespmem:v2+s3+$0x0], $0xffff  }
0x34a: {  	v3 =	vld.idx.msk [tilespmem:v3+s3+$0x0], $0xffff  }
0x34b: {  	v4 =	vld.idx.msk [tilespmem:v4+s3+$0x0], $0xffff  }
0x34c: {  	v5 =	vld.idx.msk [tilespmem:v5+s3+$0x0], $0xffff  }
0x34d: {  	[tilespmem:s4+$0xFFFFFF10] =	vst v0;
	v7 =	vld.idx.msk [tilespmem:v7+s3+$0x0], $0xffff  }
0x34e: {  	v14 =	vld.idx.msk [tilespmem:v14+s3+$0x0], $0xffff;
	[tilespmem:s4+$0xFFFFFF20] =	vst v1  }
0x34f: {  	[tilespmem:s4+$0xFFFFFF30] =	vst v2;
	v8 =	vld.idx.msk [tilespmem:v8+s3+$0x0], $0xffff  }
0x350: {  	[tilespmem:s4+$0xFFFFFF40] =	vst v3;
	v0 =	vld.idx.msk [tilespmem:v9+s3+$0x0], $0xffff  }
.Ltmp20:
0x351: {  	[tilespmem:s4+$0xFFFFFF50] =	vst v4;
	v1 =	vld.idx.msk [tilespmem:v10+s3+$0x0], $0xffff;
	(pc) =	sbr.rel @p1 .LBB2_38-.Ltmp20, $4  }
0x352: {  	[tilespmem:s4+$0xFFFFFF60] =	vst v5;
	v2 =	vld.idx.msk [tilespmem:v11+s3+$0x0], $0xffff  }
0x353: {  	[tilespmem:s4+$0xFFFFFF70] =	vst v7;
	v3 =	vld.idx.msk [tilespmem:v12+s3+$0x0], $0xffff  }
0x354: {  	[tilespmem:s4+$0xFFFFFF00] =	vst v14;
	v4 =	vld.idx.msk [tilespmem:v13+s3+$0x0], $0xffff  }
0x355: {  	s30 =	sadd.s32 $0x100, s30;
	[tilespmem:s4+$0x0] =	vst v8;
	v5 =	vld.idx.msk [tilespmem:v6+s3+$0x0], $0xffff  }
0x356: {  	[tilespmem:s4+$0x10] =	vst v0  }
0x357: {  	[tilespmem:s4+$0x20] =	vst v1  }
0x358: {  	[tilespmem:s4+$0x30] =	vst v2  }
0x359: {  	[tilespmem:s4+$0x40] =	vst v3  }
0x35a: {  	s24 =	simm.s32 $0x1C780;
	[tilespmem:s4+$0x50] =	vst v4  }
0x35b: {  	s5 =	sadd.s32 $0x0, s16;
	s30 =	simm.s32 $0x1C880;
	[tilespmem:s4+$0x60] =	vst v5;
	s4 =	simm.s32 $0x80  }
.LBB2_40:
0x35c: {  	[hbm4b:s5+s3] =	stream.linear.scatter [tilespmem:s24], [sflag:$0x2], $0x80, $0x38;
	[tilespmem:$0x1E700] =	vst v63  }
0x35d: {  	s5 =	smov.u32 s4;
	s24 =	smov.u32 s30;
	p1 =	sne.s32 s4, $0xF80  }
.Ltmp21:
0x35e: {  	s4 =	sadd.s32 $0x80, s4;
	(pc) =	sbr.rel @p1 .LBB2_40-.Ltmp21, $2  }
0x35f: {  	_ =	sdelay $0x2  }
0x360: {  	s30 =	sadd.s32 $0x100, s30;
	s5 =	sadd.s32 s5, s16  }
0x361: {  	[hbm4b:s5+s3] =	stream.linear.scatter [tilespmem:s24], [sflag:$0x2], $0x80, $0x38;
	[tilespmem:$0x1E700] =	vst v63  }
0x362: {  	s4 =	simm.s32 $0x1  }
0x363: {  	_ =	swait.ge [sflag:s4], $0x1000  }
0x364: {  	[sflag:s4] =	ssyncset.done $0x0  }
0x365: {  	s24 =	simm.s32 $0x1A7F0;
	[sflag:s4] =	ssyncadd.s32 $0xFFFFF000  }
0x366: {  	v0 =	vld [tilespmem:s24+$0x0]  }
0x367: {  	v1 =	vld [tilespmem:s24+$0xFFFFFF20]  }
0x368: {  	v2 =	vld [tilespmem:s24+$0xFFFFFF30]  }
0x369: {  	v3 =	vld [tilespmem:s24+$0xFFFFFF40]  }
0x36a: {  	v4 =	vld [tilespmem:s24+$0xFFFFFF50]  }
0x36b: {  	v5 =	vld [tilespmem:s24+$0xFFFFFF60]  }
0x36c: {  	v6 =	vld [tilespmem:s24+$0xFFFFFF70]  }
0x36d: {  	v7 =	vld [tilespmem:s24+$0xFFFFFF80]  }
0x36e: {  	v8 =	vld [tilespmem:s24+$0xFFFFFF90]  }
0x36f: {  	v9 =	vld [tilespmem:s24+$0xFFFFFFA0]  }
0x370: {  	v10 =	vld [tilespmem:s24+$0xFFFFFFB0]  }
0x371: {  	v11 =	vld [tilespmem:s24+$0xFFFFFFC0]  }
0x372: {  	v12 =	vld [tilespmem:s24+$0xFFFFFFD0]  }
0x373: {  	v13 =	vld [tilespmem:s24+$0xFFFFFFE0]  }
0x374: {  	v14 =	vld [tilespmem:s24+$0xFFFFFFF0]  }
0x375: {  	v15 =	vld [tilespmem:s24+$0xFFFFFF10]  }
0x376: {  	v0 =	vld.idx.msk [tilespmem:v0+s3+$0x0], $0xffff  }
0x377: {  	v1 =	vld.idx.msk [tilespmem:v1+s3+$0x0], $0xffff  }
0x378: {  	v2 =	vld.idx.msk [tilespmem:v2+s3+$0x0], $0xffff  }
0x379: {  	v3 =	vld.idx.msk [tilespmem:v3+s3+$0x0], $0xffff  }
0x37a: {  	v4 =	vld.idx.msk [tilespmem:v4+s3+$0x0], $0xffff  }
0x37b: {  	s4 =	simm.s32 $0x1C800;
	v5 =	vld.idx.msk [tilespmem:v5+s3+$0x0], $0xffff  }
0x37c: {  	v6 =	vld.idx.msk [tilespmem:v6+s3+$0x0], $0xffff;
	[tilespmem:s4+$0x70] =	vst v0  }
0x37d: {  	v7 =	vld.idx.msk [tilespmem:v7+s3+$0x0], $0xffff;
	[tilespmem:s4+$0xFFFFFF10] =	vst v1  }
0x37e: {  	v15 =	vld.idx.msk [tilespmem:v15+s3+$0x0], $0xffff;
	[tilespmem:s4+$0xFFFFFF20] =	vst v2  }
0x37f: {  	v8 =	vld.idx.msk [tilespmem:v8+s3+$0x0], $0xffff;
	[tilespmem:s4+$0xFFFFFF30] =	vst v3  }
0x380: {  	[tilespmem:s4+$0xFFFFFF40] =	vst v4;
	v0 =	vld.idx.msk [tilespmem:v9+s3+$0x0], $0xffff  }
0x381: {  	[tilespmem:s4+$0xFFFFFF50] =	vst v5;
	v1 =	vld.idx.msk [tilespmem:v10+s3+$0x0], $0xffff  }
0x382: {  	[tilespmem:s4+$0xFFFFFF60] =	vst v6;
	v2 =	vld.idx.msk [tilespmem:v11+s3+$0x0], $0xffff  }
0x383: {  	[tilespmem:s4+$0xFFFFFF70] =	vst v7;
	v3 =	vld.idx.msk [tilespmem:v12+s3+$0x0], $0xffff  }
0x384: {  	[tilespmem:s4+$0xFFFFFF00] =	vst v15;
	v4 =	vld.idx.msk [tilespmem:v13+s3+$0x0], $0xffff  }
0x385: {  	s30 =	simm.s32 $0x1A8F0;
	s24 =	simm.s32 $0x0;
	[tilespmem:s4+$0x0] =	vst v8;
	v5 =	vld.idx.msk [tilespmem:v14+s3+$0x0], $0xffff  }
.LBB2_42:
0x386: {  	v6 =	vld [tilespmem:s30+$0x0];
	s24 =	sadd.s32 $0x10, s24;
	[tilespmem:s4+$0x10] =	vst v0  }
0x387: {  	v0 =	vld [tilespmem:s30+$0xFFFFFF20];
	p1 =	slt.u32 s24, $0xF0;
	[tilespmem:s4+$0x20] =	vst v1  }
0x388: {  	v1 =	vld [tilespmem:s30+$0xFFFFFF30];
	[tilespmem:s4+$0x30] =	vst v2  }
0x389: {  	v2 =	vld [tilespmem:s30+$0xFFFFFF40];
	[tilespmem:s4+$0x40] =	vst v3  }
0x38a: {  	v3 =	vld [tilespmem:s30+$0xFFFFFF50];
	[tilespmem:s4+$0x50] =	vst v4  }
0x38b: {  	v4 =	vld [tilespmem:s30+$0xFFFFFF60];
	[tilespmem:s4+$0x60] =	vst v5  }
0x38c: {  	v5 =	vld [tilespmem:s30+$0xFFFFFF70]  }
0x38d: {  	v7 =	vld [tilespmem:s30+$0xFFFFFF80]  }
0x38e: {  	v6 =	vld.idx.msk [tilespmem:v6+s3+$0x0], $0xffff  }
0x38f: {  	v8 =	vld [tilespmem:s30+$0xFFFFFF90]  }
0x390: {  	v9 =	vld [tilespmem:s30+$0xFFFFFFA0]  }
0x391: {  	v10 =	vld [tilespmem:s30+$0xFFFFFFB0]  }
0x392: {  	v11 =	vld [tilespmem:s30+$0xFFFFFFC0]  }
0x393: {  	s4 =	sadd.s32 $0x200, s4;
	v12 =	vld [tilespmem:s30+$0xFFFFFFD0]  }
0x394: {  	v13 =	vld [tilespmem:s30+$0xFFFFFFE0];
	[tilespmem:s4+$0x70] =	vst v6  }
0x395: {  	v6 =	vld [tilespmem:s30+$0xFFFFFFF0]  }
0x396: {  	v14 =	vld [tilespmem:s30+$0xFFFFFF10]  }
0x397: {  	v0 =	vld.idx.msk [tilespmem:v0+s3+$0x0], $0xffff  }
0x398: {  	v1 =	vld.idx.msk [tilespmem:v1+s3+$0x0], $0xffff  }
0x399: {  	v2 =	vld.idx.msk [tilespmem:v2+s3+$0x0], $0xffff  }
0x39a: {  	v3 =	vld.idx.msk [tilespmem:v3+s3+$0x0], $0xffff  }
0x39b: {  	v4 =	vld.idx.msk [tilespmem:v4+s3+$0x0], $0xffff  }
0x39c: {  	v5 =	vld.idx.msk [tilespmem:v5+s3+$0x0], $0xffff  }
0x39d: {  	[tilespmem:s4+$0xFFFFFF10] =	vst v0;
	v7 =	vld.idx.msk [tilespmem:v7+s3+$0x0], $0xffff  }
0x39e: {  	v14 =	vld.idx.msk [tilespmem:v14+s3+$0x0], $0xffff;
	[tilespmem:s4+$0xFFFFFF20] =	vst v1  }
0x39f: {  	[tilespmem:s4+$0xFFFFFF30] =	vst v2;
	v8 =	vld.idx.msk [tilespmem:v8+s3+$0x0], $0xffff  }
0x3a0: {  	[tilespmem:s4+$0xFFFFFF40] =	vst v3;
	v0 =	vld.idx.msk [tilespmem:v9+s3+$0x0], $0xffff  }
.Ltmp22:
0x3a1: {  	[tilespmem:s4+$0xFFFFFF50] =	vst v4;
	v1 =	vld.idx.msk [tilespmem:v10+s3+$0x0], $0xffff;
	(pc) =	sbr.rel @p1 .LBB2_42-.Ltmp22, $4  }
0x3a2: {  	[tilespmem:s4+$0xFFFFFF60] =	vst v5;
	v2 =	vld.idx.msk [tilespmem:v11+s3+$0x0], $0xffff  }
0x3a3: {  	[tilespmem:s4+$0xFFFFFF70] =	vst v7;
	v3 =	vld.idx.msk [tilespmem:v12+s3+$0x0], $0xffff  }
0x3a4: {  	[tilespmem:s4+$0xFFFFFF00] =	vst v14;
	v4 =	vld.idx.msk [tilespmem:v13+s3+$0x0], $0xffff  }
0x3a5: {  	s30 =	sadd.s32 $0x100, s30;
	[tilespmem:s4+$0x0] =	vst v8;
	v5 =	vld.idx.msk [tilespmem:v6+s3+$0x0], $0xffff  }
0x3a6: {  	[tilespmem:s4+$0x10] =	vst v0  }
0x3a7: {  	[tilespmem:s4+$0x20] =	vst v1  }
0x3a8: {  	[tilespmem:s4+$0x30] =	vst v2  }
0x3a9: {  	[tilespmem:s4+$0x40] =	vst v3  }
0x3aa: {  	s24 =	simm.s32 $0x1C700;
	[tilespmem:s4+$0x50] =	vst v4  }
0x3ab: {  	s5 =	sadd.s32 $0x0, s17;
	s30 =	simm.s32 $0x1C800;
	[tilespmem:s4+$0x60] =	vst v5;
	s4 =	simm.s32 $0x80  }
.LBB2_44:
0x3ac: {  	[hbm4b:s5+s3] =	stream.linear.scatter [tilespmem:s24], [sflag:$0x1], $0x80, $0x38;
	[tilespmem:$0x1E700] =	vst v63  }
0x3ad: {  	s5 =	smov.u32 s4;
	s24 =	smov.u32 s30;
	p1 =	sne.s32 s4, $0xF80  }
.Ltmp23:
0x3ae: {  	s4 =	sadd.s32 $0x80, s4;
	(pc) =	sbr.rel @p1 .LBB2_44-.Ltmp23, $2  }
0x3af: {  	_ =	sdelay $0x2  }
0x3b0: {  	s30 =	sadd.s32 $0x100, s30;
	s5 =	sadd.s32 s5, s17  }
0x3b1: {  	[hbm4b:s5+s3] =	stream.linear.scatter [tilespmem:s24], [sflag:$0x1], $0x80, $0x38;
	[tilespmem:$0x1E700] =	vst v63  }
0x3b2: {  	s4 =	simm.s32 $0x2  }
0x3b3: {  	_ =	swait.ge [sflag:s4], $0x1000  }
0x3b4: {  	[sflag:s4] =	ssyncset.done $0x0  }
0x3b5: {  	s24 =	simm.s32 $0x1B7F0;
	[sflag:s4] =	ssyncadd.s32 $0xFFFFF000  }
0x3b6: {  	v0 =	vld [tilespmem:s24+$0x0]  }
0x3b7: {  	v1 =	vld [tilespmem:s24+$0xFFFFFF20]  }
0x3b8: {  	v2 =	vld [tilespmem:s24+$0xFFFFFF30]  }
0x3b9: {  	v3 =	vld [tilespmem:s24+$0xFFFFFF40]  }
0x3ba: {  	v4 =	vld [tilespmem:s24+$0xFFFFFF50]  }
0x3bb: {  	v5 =	vld [tilespmem:s24+$0xFFFFFF60]  }
0x3bc: {  	v6 =	vld [tilespmem:s24+$0xFFFFFF70]  }
0x3bd: {  	v7 =	vld [tilespmem:s24+$0xFFFFFF80]  }
0x3be: {  	v8 =	vld [tilespmem:s24+$0xFFFFFF90]  }
0x3bf: {  	v9 =	vld [tilespmem:s24+$0xFFFFFFA0]  }
0x3c0: {  	v10 =	vld [tilespmem:s24+$0xFFFFFFB0]  }
0x3c1: {  	v11 =	vld [tilespmem:s24+$0xFFFFFFC0]  }
0x3c2: {  	v12 =	vld [tilespmem:s24+$0xFFFFFFD0]  }
0x3c3: {  	v13 =	vld [tilespmem:s24+$0xFFFFFFE0]  }
0x3c4: {  	v14 =	vld [tilespmem:s24+$0xFFFFFFF0]  }
0x3c5: {  	v15 =	vld [tilespmem:s24+$0xFFFFFF10]  }
0x3c6: {  	v0 =	vld.idx.msk [tilespmem:v0+s3+$0x0], $0xffff  }
0x3c7: {  	v1 =	vld.idx.msk [tilespmem:v1+s3+$0x0], $0xffff  }
0x3c8: {  	v2 =	vld.idx.msk [tilespmem:v2+s3+$0x0], $0xffff  }
0x3c9: {  	v3 =	vld.idx.msk [tilespmem:v3+s3+$0x0], $0xffff  }
0x3ca: {  	v4 =	vld.idx.msk [tilespmem:v4+s3+$0x0], $0xffff  }
0x3cb: {  	s4 =	simm.s32 $0x1C880;
	v5 =	vld.idx.msk [tilespmem:v5+s3+$0x0], $0xffff  }
0x3cc: {  	v6 =	vld.idx.msk [tilespmem:v6+s3+$0x0], $0xffff;
	[tilespmem:s4+$0x70] =	vst v0  }
0x3cd: {  	v7 =	vld.idx.msk [tilespmem:v7+s3+$0x0], $0xffff;
	[tilespmem:s4+$0xFFFFFF10] =	vst v1  }
0x3ce: {  	v15 =	vld.idx.msk [tilespmem:v15+s3+$0x0], $0xffff;
	[tilespmem:s4+$0xFFFFFF20] =	vst v2  }
0x3cf: {  	v8 =	vld.idx.msk [tilespmem:v8+s3+$0x0], $0xffff;
	[tilespmem:s4+$0xFFFFFF30] =	vst v3  }
0x3d0: {  	[tilespmem:s4+$0xFFFFFF40] =	vst v4;
	v0 =	vld.idx.msk [tilespmem:v9+s3+$0x0], $0xffff  }
0x3d1: {  	[tilespmem:s4+$0xFFFFFF50] =	vst v5;
	v1 =	vld.idx.msk [tilespmem:v10+s3+$0x0], $0xffff  }
0x3d2: {  	[tilespmem:s4+$0xFFFFFF60] =	vst v6;
	v2 =	vld.idx.msk [tilespmem:v11+s3+$0x0], $0xffff  }
0x3d3: {  	[tilespmem:s4+$0xFFFFFF70] =	vst v7;
	v3 =	vld.idx.msk [tilespmem:v12+s3+$0x0], $0xffff  }
0x3d4: {  	[tilespmem:s4+$0xFFFFFF00] =	vst v15;
	v4 =	vld.idx.msk [tilespmem:v13+s3+$0x0], $0xffff  }
0x3d5: {  	s30 =	simm.s32 $0x1B8F0;
	s24 =	simm.s32 $0x0;
	[tilespmem:s4+$0x0] =	vst v8;
	v5 =	vld.idx.msk [tilespmem:v14+s3+$0x0], $0xffff  }
.LBB2_46:
0x3d6: {  	v6 =	vld [tilespmem:s30+$0x0];
	s24 =	sadd.s32 $0x10, s24;
	[tilespmem:s4+$0x10] =	vst v0  }
0x3d7: {  	v0 =	vld [tilespmem:s30+$0xFFFFFF20];
	p1 =	slt.u32 s24, $0xF0;
	[tilespmem:s4+$0x20] =	vst v1  }
0x3d8: {  	v1 =	vld [tilespmem:s30+$0xFFFFFF30];
	[tilespmem:s4+$0x30] =	vst v2  }
0x3d9: {  	v2 =	vld [tilespmem:s30+$0xFFFFFF40];
	[tilespmem:s4+$0x40] =	vst v3  }
0x3da: {  	v3 =	vld [tilespmem:s30+$0xFFFFFF50];
	[tilespmem:s4+$0x50] =	vst v4  }
0x3db: {  	v4 =	vld [tilespmem:s30+$0xFFFFFF60];
	[tilespmem:s4+$0x60] =	vst v5  }
0x3dc: {  	v5 =	vld [tilespmem:s30+$0xFFFFFF70]  }
0x3dd: {  	v7 =	vld [tilespmem:s30+$0xFFFFFF80]  }
0x3de: {  	v6 =	vld.idx.msk [tilespmem:v6+s3+$0x0], $0xffff  }
0x3df: {  	v8 =	vld [tilespmem:s30+$0xFFFFFF90]  }
0x3e0: {  	v9 =	vld [tilespmem:s30+$0xFFFFFFA0]  }
0x3e1: {  	v10 =	vld [tilespmem:s30+$0xFFFFFFB0]  }
0x3e2: {  	v11 =	vld [tilespmem:s30+$0xFFFFFFC0]  }
0x3e3: {  	s4 =	sadd.s32 $0x200, s4;
	v12 =	vld [tilespmem:s30+$0xFFFFFFD0]  }
0x3e4: {  	v13 =	vld [tilespmem:s30+$0xFFFFFFE0];
	[tilespmem:s4+$0x70] =	vst v6  }
0x3e5: {  	v6 =	vld [tilespmem:s30+$0xFFFFFFF0]  }
0x3e6: {  	v14 =	vld [tilespmem:s30+$0xFFFFFF10]  }
0x3e7: {  	v0 =	vld.idx.msk [tilespmem:v0+s3+$0x0], $0xffff  }
0x3e8: {  	v1 =	vld.idx.msk [tilespmem:v1+s3+$0x0], $0xffff  }
0x3e9: {  	v2 =	vld.idx.msk [tilespmem:v2+s3+$0x0], $0xffff  }
0x3ea: {  	v3 =	vld.idx.msk [tilespmem:v3+s3+$0x0], $0xffff  }
0x3eb: {  	v4 =	vld.idx.msk [tilespmem:v4+s3+$0x0], $0xffff  }
0x3ec: {  	v5 =	vld.idx.msk [tilespmem:v5+s3+$0x0], $0xffff  }
0x3ed: {  	[tilespmem:s4+$0xFFFFFF10] =	vst v0;
	v7 =	vld.idx.msk [tilespmem:v7+s3+$0x0], $0xffff  }
0x3ee: {  	v14 =	vld.idx.msk [tilespmem:v14+s3+$0x0], $0xffff;
	[tilespmem:s4+$0xFFFFFF20] =	vst v1  }
0x3ef: {  	[tilespmem:s4+$0xFFFFFF30] =	vst v2;
	v8 =	vld.idx.msk [tilespmem:v8+s3+$0x0], $0xffff  }
0x3f0: {  	[tilespmem:s4+$0xFFFFFF40] =	vst v3;
	v0 =	vld.idx.msk [tilespmem:v9+s3+$0x0], $0xffff  }
.Ltmp24:
0x3f1: {  	[tilespmem:s4+$0xFFFFFF50] =	vst v4;
	v1 =	vld.idx.msk [tilespmem:v10+s3+$0x0], $0xffff;
	(pc) =	sbr.rel @p1 .LBB2_46-.Ltmp24, $4  }
0x3f2: {  	[tilespmem:s4+$0xFFFFFF60] =	vst v5;
	v2 =	vld.idx.msk [tilespmem:v11+s3+$0x0], $0xffff  }
0x3f3: {  	[tilespmem:s4+$0xFFFFFF70] =	vst v7;
	v3 =	vld.idx.msk [tilespmem:v12+s3+$0x0], $0xffff  }
0x3f4: {  	[tilespmem:s4+$0xFFFFFF00] =	vst v14;
	v4 =	vld.idx.msk [tilespmem:v13+s3+$0x0], $0xffff  }
0x3f5: {  	s30 =	sadd.s32 $0x100, s30;
	[tilespmem:s4+$0x0] =	vst v8;
	v5 =	vld.idx.msk [tilespmem:v6+s3+$0x0], $0xffff  }
0x3f6: {  	[tilespmem:s4+$0x10] =	vst v0  }
0x3f7: {  	[tilespmem:s4+$0x20] =	vst v1  }
0x3f8: {  	[tilespmem:s4+$0x30] =	vst v2  }
0x3f9: {  	[tilespmem:s4+$0x40] =	vst v3  }
0x3fa: {  	s24 =	simm.s32 $0x1C780;
	[tilespmem:s4+$0x50] =	vst v4  }
0x3fb: {  	s5 =	sadd.s32 $0x0, s18;
	s30 =	simm.s32 $0x1C880;
	[tilespmem:s4+$0x60] =	vst v5;
	s4 =	simm.s32 $0x80  }
.LBB2_48:
0x3fc: {  	[hbm4b:s5+s3] =	stream.linear.scatter [tilespmem:s24], [sflag:$0x2], $0x80, $0x38;
	[tilespmem:$0x1E700] =	vst v63  }
0x3fd: {  	s5 =	smov.u32 s4;
	s24 =	smov.u32 s30;
	p1 =	sne.s32 s4, $0xF80  }
.Ltmp25:
0x3fe: {  	s4 =	sadd.s32 $0x80, s4;
	(pc) =	sbr.rel @p1 .LBB2_48-.Ltmp25, $2  }
0x3ff: {  	_ =	sdelay $0x2  }
0x400: {  	s30 =	sadd.s32 $0x100, s30;
	s5 =	sadd.s32 s5, s18  }
0x401: {  	[hbm4b:s5+s3] =	stream.linear.scatter [tilespmem:s24], [sflag:$0x2], $0x80, $0x38;
	[tilespmem:$0x1E700] =	vst v63  }
0x402: {  	s4 =	simm.s32 $0x1  }
0x403: {  	_ =	swait.ge [sflag:s4], $0x1000  }
0x404: {  	[sflag:s4] =	ssyncset.done $0x0  }
0x405: {  	s24 =	simm.s32 $0x2;
	[sflag:s4] =	ssyncadd.s32 $0xFFFFF000  }
0x406: {  	_ =	swait.ge [sflag:s24], $0x1000  }
0x407: {  	s5 =	simm.s32 $0x80;
	[sflag:s24] =	ssyncset.done $0x0  }
0x408: {  	s4 =	rddreg [dreg:$0x8];
	[sflag:s24] =	ssyncadd.s32 $0xFFFFF000;
	s24 =	simm.s32 $0x400  }
0x409: {  	[tilespmem:s3], [sflag:$0x3] =	stream.strided.gather [hbm4b:s4+s5], $0x18700, s24, s5, $0x38;
	[tilespmem:$0x1E700] =	vst v63  }
0x40a: {  	s5 =	simm.s32 $0x3  }
0x40b: {  	_ =	swait.ge [sflag:s5], $0x18700  }
0x40c: {  	[sflag:s5] =	ssyncset.done $0x0  }
0x40d: {  	s24 =	simm.s32 $0x18780;
	[sflag:s5] =	ssyncadd.s32 $0xFFFE7900  }
0x40e: {  	v0 =	vld [tilespmem:s24+$0x70]  }
0x40f: {  	v1 =	vld [tilespmem:s24+$0xFFFFFF90]  }
0x410: {  	v2 =	vld [tilespmem:s24+$0xFFFFFFA0]  }
0x411: {  	v3 =	vld [tilespmem:s24+$0xFFFFFFB0]  }
0x412: {  	v4 =	vld [tilespmem:s24+$0xFFFFFFC0]  }
0x413: {  	v5 =	vld [tilespmem:s24+$0xFFFFFFD0]  }
0x414: {  	v6 =	vld [tilespmem:s24+$0xFFFFFFE0]  }
0x415: {  	v7 =	vld [tilespmem:s24+$0xFFFFFFF0]  }
0x416: {  	v8 =	vld [tilespmem:s24+$0x0]  }
0x417: {  	v9 =	vld [tilespmem:s24+$0x10]  }
0x418: {  	v10 =	vld [tilespmem:s24+$0x20]  }
0x419: {  	v11 =	vld [tilespmem:s24+$0x30]  }
0x41a: {  	v12 =	vld [tilespmem:s24+$0x40]  }
0x41b: {  	v13 =	vld [tilespmem:s24+$0x50]  }
0x41c: {  	v14 =	vld [tilespmem:s24+$0x60]  }
0x41d: {  	v15 =	vld [tilespmem:s24+$0xFFFFFF80]  }
0x41e: {  	v0 =	vld.idx.msk [tilespmem:v0+s3+$0x0], $0xffff  }
0x41f: {  	v1 =	vld.idx.msk [tilespmem:v1+s3+$0x0], $0xffff  }
0x420: {  	v2 =	vld.idx.msk [tilespmem:v2+s3+$0x0], $0xffff  }
0x421: {  	v3 =	vld.idx.msk [tilespmem:v3+s3+$0x0], $0xffff  }
0x422: {  	v4 =	vld.idx.msk [tilespmem:v4+s3+$0x0], $0xffff  }
0x423: {  	s4 =	simm.s32 $0x1C800;
	v5 =	vld.idx.msk [tilespmem:v5+s3+$0x0], $0xffff  }
0x424: {  	v6 =	vld.idx.msk [tilespmem:v6+s3+$0x0], $0xffff;
	[tilespmem:s4+$0x70] =	vst v0  }
0x425: {  	v7 =	vld.idx.msk [tilespmem:v7+s3+$0x0], $0xffff;
	[tilespmem:s4+$0xFFFFFF10] =	vst v1  }
0x426: {  	v15 =	vld.idx.msk [tilespmem:v15+s3+$0x0], $0xffff;
	[tilespmem:s4+$0xFFFFFF20] =	vst v2  }
0x427: {  	v8 =	vld.idx.msk [tilespmem:v8+s3+$0x0], $0xffff;
	[tilespmem:s4+$0xFFFFFF30] =	vst v3  }
0x428: {  	[tilespmem:s4+$0xFFFFFF40] =	vst v4;
	v0 =	vld.idx.msk [tilespmem:v9+s3+$0x0], $0xffff  }
0x429: {  	[tilespmem:s4+$0xFFFFFF50] =	vst v5;
	v1 =	vld.idx.msk [tilespmem:v10+s3+$0x0], $0xffff  }
0x42a: {  	[tilespmem:s4+$0xFFFFFF60] =	vst v6;
	v2 =	vld.idx.msk [tilespmem:v11+s3+$0x0], $0xffff  }
0x42b: {  	[tilespmem:s4+$0xFFFFFF70] =	vst v7;
	v3 =	vld.idx.msk [tilespmem:v12+s3+$0x0], $0xffff  }
0x42c: {  	[tilespmem:s4+$0xFFFFFF00] =	vst v15;
	v4 =	vld.idx.msk [tilespmem:v13+s3+$0x0], $0xffff  }
0x42d: {  	s30 =	simm.s32 $0x18880;
	s24 =	simm.s32 $0x0;
	[tilespmem:s4+$0x0] =	vst v8;
	v5 =	vld.idx.msk [tilespmem:v14+s3+$0x0], $0xffff  }
.LBB2_50:
0x42e: {  	v6 =	vld [tilespmem:s30+$0x70];
	s24 =	sadd.s32 $0x10, s24;
	[tilespmem:s4+$0x10] =	vst v0  }
0x42f: {  	v0 =	vld [tilespmem:s30+$0xFFFFFF90];
	p1 =	slt.u32 s24, $0xF0;
	[tilespmem:s4+$0x20] =	vst v1  }
0x430: {  	v1 =	vld [tilespmem:s30+$0xFFFFFFA0];
	[tilespmem:s4+$0x30] =	vst v2  }
0x431: {  	v2 =	vld [tilespmem:s30+$0xFFFFFFB0];
	[tilespmem:s4+$0x40] =	vst v3  }
0x432: {  	v3 =	vld [tilespmem:s30+$0xFFFFFFC0];
	[tilespmem:s4+$0x50] =	vst v4  }
0x433: {  	v4 =	vld [tilespmem:s30+$0xFFFFFFD0];
	[tilespmem:s4+$0x60] =	vst v5  }
0x434: {  	v5 =	vld [tilespmem:s30+$0xFFFFFFE0]  }
0x435: {  	v7 =	vld [tilespmem:s30+$0xFFFFFFF0]  }
0x436: {  	v6 =	vld.idx.msk [tilespmem:v6+s3+$0x0], $0xffff  }
0x437: {  	v8 =	vld [tilespmem:s30+$0x0]  }
0x438: {  	v9 =	vld [tilespmem:s30+$0x10]  }
0x439: {  	v10 =	vld [tilespmem:s30+$0x20]  }
0x43a: {  	v11 =	vld [tilespmem:s30+$0x30]  }
0x43b: {  	s4 =	sadd.s32 $0x200, s4;
	v12 =	vld [tilespmem:s30+$0x40]  }
0x43c: {  	v13 =	vld [tilespmem:s30+$0x50];
	[tilespmem:s4+$0x70] =	vst v6  }
0x43d: {  	v6 =	vld [tilespmem:s30+$0x60]  }
0x43e: {  	v14 =	vld [tilespmem:s30+$0xFFFFFF80]  }
0x43f: {  	v0 =	vld.idx.msk [tilespmem:v0+s3+$0x0], $0xffff  }
0x440: {  	v1 =	vld.idx.msk [tilespmem:v1+s3+$0x0], $0xffff  }
0x441: {  	v2 =	vld.idx.msk [tilespmem:v2+s3+$0x0], $0xffff  }
0x442: {  	v3 =	vld.idx.msk [tilespmem:v3+s3+$0x0], $0xffff  }
0x443: {  	v4 =	vld.idx.msk [tilespmem:v4+s3+$0x0], $0xffff  }
0x444: {  	v5 =	vld.idx.msk [tilespmem:v5+s3+$0x0], $0xffff  }
0x445: {  	[tilespmem:s4+$0xFFFFFF10] =	vst v0;
	v7 =	vld.idx.msk [tilespmem:v7+s3+$0x0], $0xffff  }
0x446: {  	v14 =	vld.idx.msk [tilespmem:v14+s3+$0x0], $0xffff;
	[tilespmem:s4+$0xFFFFFF20] =	vst v1  }
0x447: {  	[tilespmem:s4+$0xFFFFFF30] =	vst v2;
	v8 =	vld.idx.msk [tilespmem:v8+s3+$0x0], $0xffff  }
0x448: {  	[tilespmem:s4+$0xFFFFFF40] =	vst v3;
	v0 =	vld.idx.msk [tilespmem:v9+s3+$0x0], $0xffff  }
.Ltmp26:
0x449: {  	[tilespmem:s4+$0xFFFFFF50] =	vst v4;
	v1 =	vld.idx.msk [tilespmem:v10+s3+$0x0], $0xffff;
	(pc) =	sbr.rel @p1 .LBB2_50-.Ltmp26, $4  }
0x44a: {  	[tilespmem:s4+$0xFFFFFF60] =	vst v5;
	v2 =	vld.idx.msk [tilespmem:v11+s3+$0x0], $0xffff  }
0x44b: {  	[tilespmem:s4+$0xFFFFFF70] =	vst v7;
	v3 =	vld.idx.msk [tilespmem:v12+s3+$0x0], $0xffff  }
0x44c: {  	[tilespmem:s4+$0xFFFFFF00] =	vst v14;
	v4 =	vld.idx.msk [tilespmem:v13+s3+$0x0], $0xffff  }
0x44d: {  	s30 =	sadd.s32 $0x100, s30;
	[tilespmem:s4+$0x0] =	vst v8;
	v5 =	vld.idx.msk [tilespmem:v6+s3+$0x0], $0xffff  }
0x44e: {  	[tilespmem:s4+$0x10] =	vst v0  }
0x44f: {  	[tilespmem:s4+$0x20] =	vst v1  }
0x450: {  	[tilespmem:s4+$0x30] =	vst v2  }
0x451: {  	[tilespmem:s4+$0x40] =	vst v3  }
0x452: {  	[tilespmem:s4+$0x50] =	vst v4  }
0x453: {  	s5 =	simm.s32 $0x1C700;
	[tilespmem:s4+$0x60] =	vst v5;
	s4 =	simm.s32 $0x0  }
.LBB2_52:
0x454: {  	p1 =	sne.s32 s4, $0xF80  }
.Ltmp27:
0x455: {  	_ = 	snop;
	(pc) =	sbr.rel @p1 .LBB2_52-.Ltmp27, $4  }
0x456: {  	_ = 	snop  }
0x457: {  	s24 =	sadd.s32 s4, s20  }
0x458: {  	[hbm4b:s24+s3] =	stream.linear.scatter [tilespmem:s5], [sflag:$0x1], $0x80, $0x38;
	[tilespmem:$0x1E700] =	vst v63  }
0x459: {  	s4 =	sadd.s32 $0x80, s4;
	s5 =	sadd.s32 $0x100, s5  }
0x45a: {  	s4 =	simm.s32 $0x197F0  }
0x45b: {  	v0 =	vld [tilespmem:s4+$0x0]  }
0x45c: {  	v1 =	vld [tilespmem:s4+$0xFFFFFF20]  }
0x45d: {  	v2 =	vld [tilespmem:s4+$0xFFFFFF30]  }
0x45e: {  	v3 =	vld [tilespmem:s4+$0xFFFFFF40]  }
0x45f: {  	v4 =	vld [tilespmem:s4+$0xFFFFFF50]  }
0x460: {  	v5 =	vld [tilespmem:s4+$0xFFFFFF60]  }
0x461: {  	v6 =	vld [tilespmem:s4+$0xFFFFFF70]  }
0x462: {  	v7 =	vld [tilespmem:s4+$0xFFFFFF80]  }
0x463: {  	v8 =	vld [tilespmem:s4+$0xFFFFFF90]  }
0x464: {  	v9 =	vld [tilespmem:s4+$0xFFFFFFA0]  }
0x465: {  	v10 =	vld [tilespmem:s4+$0xFFFFFFB0]  }
0x466: {  	v11 =	vld [tilespmem:s4+$0xFFFFFFC0]  }
0x467: {  	v12 =	vld [tilespmem:s4+$0xFFFFFFD0]  }
0x468: {  	v13 =	vld [tilespmem:s4+$0xFFFFFFE0]  }
0x469: {  	v14 =	vld [tilespmem:s4+$0xFFFFFFF0]  }
0x46a: {  	v15 =	vld [tilespmem:s4+$0xFFFFFF10]  }
0x46b: {  	v0 =	vld.idx.msk [tilespmem:v0+s3+$0x0], $0xffff  }
0x46c: {  	v1 =	vld.idx.msk [tilespmem:v1+s3+$0x0], $0xffff  }
0x46d: {  	v2 =	vld.idx.msk [tilespmem:v2+s3+$0x0], $0xffff  }
0x46e: {  	v3 =	vld.idx.msk [tilespmem:v3+s3+$0x0], $0xffff  }
0x46f: {  	v4 =	vld.idx.msk [tilespmem:v4+s3+$0x0], $0xffff  }
0x470: {  	s4 =	simm.s32 $0x1C880;
	v5 =	vld.idx.msk [tilespmem:v5+s3+$0x0], $0xffff  }
0x471: {  	v6 =	vld.idx.msk [tilespmem:v6+s3+$0x0], $0xffff;
	[tilespmem:s4+$0x70] =	vst v0  }
0x472: {  	v7 =	vld.idx.msk [tilespmem:v7+s3+$0x0], $0xffff;
	[tilespmem:s4+$0xFFFFFF10] =	vst v1  }
0x473: {  	v15 =	vld.idx.msk [tilespmem:v15+s3+$0x0], $0xffff;
	[tilespmem:s4+$0xFFFFFF20] =	vst v2  }
0x474: {  	v8 =	vld.idx.msk [tilespmem:v8+s3+$0x0], $0xffff;
	[tilespmem:s4+$0xFFFFFF30] =	vst v3  }
0x475: {  	[tilespmem:s4+$0xFFFFFF40] =	vst v4;
	v0 =	vld.idx.msk [tilespmem:v9+s3+$0x0], $0xffff  }
0x476: {  	[tilespmem:s4+$0xFFFFFF50] =	vst v5;
	v1 =	vld.idx.msk [tilespmem:v10+s3+$0x0], $0xffff  }
0x477: {  	[tilespmem:s4+$0xFFFFFF60] =	vst v6;
	v2 =	vld.idx.msk [tilespmem:v11+s3+$0x0], $0xffff  }
0x478: {  	[tilespmem:s4+$0xFFFFFF70] =	vst v7;
	v3 =	vld.idx.msk [tilespmem:v12+s3+$0x0], $0xffff  }
0x479: {  	[tilespmem:s4+$0xFFFFFF00] =	vst v15;
	v4 =	vld.idx.msk [tilespmem:v13+s3+$0x0], $0xffff  }
0x47a: {  	s24 =	simm.s32 $0x0;
	s30 =	simm.s32 $0x198F0;
	[tilespmem:s4+$0x0] =	vst v8;
	v5 =	vld.idx.msk [tilespmem:v14+s3+$0x0], $0xffff  }
.LBB2_54:
0x47b: {  	v6 =	vld [tilespmem:s30+$0x0];
	s24 =	sadd.s32 $0x10, s24;
	[tilespmem:s4+$0x10] =	vst v0  }
0x47c: {  	v0 =	vld [tilespmem:s30+$0xFFFFFF20];
	p1 =	slt.u32 s24, $0xF0;
	[tilespmem:s4+$0x20] =	vst v1  }
0x47d: {  	v1 =	vld [tilespmem:s30+$0xFFFFFF30];
	[tilespmem:s4+$0x30] =	vst v2  }
0x47e: {  	v2 =	vld [tilespmem:s30+$0xFFFFFF40];
	[tilespmem:s4+$0x40] =	vst v3  }
0x47f: {  	v3 =	vld [tilespmem:s30+$0xFFFFFF50];
	[tilespmem:s4+$0x50] =	vst v4  }
0x480: {  	v4 =	vld [tilespmem:s30+$0xFFFFFF60];
	[tilespmem:s4+$0x60] =	vst v5  }
0x481: {  	v5 =	vld [tilespmem:s30+$0xFFFFFF70]  }
0x482: {  	v7 =	vld [tilespmem:s30+$0xFFFFFF80]  }
0x483: {  	v6 =	vld.idx.msk [tilespmem:v6+s3+$0x0], $0xffff  }
0x484: {  	v8 =	vld [tilespmem:s30+$0xFFFFFF90]  }
0x485: {  	v9 =	vld [tilespmem:s30+$0xFFFFFFA0]  }
0x486: {  	v10 =	vld [tilespmem:s30+$0xFFFFFFB0]  }
0x487: {  	v11 =	vld [tilespmem:s30+$0xFFFFFFC0]  }
0x488: {  	s4 =	sadd.s32 $0x200, s4;
	v12 =	vld [tilespmem:s30+$0xFFFFFFD0]  }
0x489: {  	v13 =	vld [tilespmem:s30+$0xFFFFFFE0];
	[tilespmem:s4+$0x70] =	vst v6  }
0x48a: {  	v6 =	vld [tilespmem:s30+$0xFFFFFFF0]  }
0x48b: {  	v14 =	vld [tilespmem:s30+$0xFFFFFF10]  }
0x48c: {  	v0 =	vld.idx.msk [tilespmem:v0+s3+$0x0], $0xffff  }
0x48d: {  	v1 =	vld.idx.msk [tilespmem:v1+s3+$0x0], $0xffff  }
0x48e: {  	v2 =	vld.idx.msk [tilespmem:v2+s3+$0x0], $0xffff  }
0x48f: {  	v3 =	vld.idx.msk [tilespmem:v3+s3+$0x0], $0xffff  }
0x490: {  	v4 =	vld.idx.msk [tilespmem:v4+s3+$0x0], $0xffff  }
0x491: {  	v5 =	vld.idx.msk [tilespmem:v5+s3+$0x0], $0xffff  }
0x492: {  	[tilespmem:s4+$0xFFFFFF10] =	vst v0;
	v7 =	vld.idx.msk [tilespmem:v7+s3+$0x0], $0xffff  }
0x493: {  	v14 =	vld.idx.msk [tilespmem:v14+s3+$0x0], $0xffff;
	[tilespmem:s4+$0xFFFFFF20] =	vst v1  }
0x494: {  	[tilespmem:s4+$0xFFFFFF30] =	vst v2;
	v8 =	vld.idx.msk [tilespmem:v8+s3+$0x0], $0xffff  }
0x495: {  	[tilespmem:s4+$0xFFFFFF40] =	vst v3;
	v0 =	vld.idx.msk [tilespmem:v9+s3+$0x0], $0xffff  }
.Ltmp28:
0x496: {  	[tilespmem:s4+$0xFFFFFF50] =	vst v4;
	v1 =	vld.idx.msk [tilespmem:v10+s3+$0x0], $0xffff;
	(pc) =	sbr.rel @p1 .LBB2_54-.Ltmp28, $4  }
0x497: {  	[tilespmem:s4+$0xFFFFFF60] =	vst v5;
	v2 =	vld.idx.msk [tilespmem:v11+s3+$0x0], $0xffff  }
0x498: {  	[tilespmem:s4+$0xFFFFFF70] =	vst v7;
	v3 =	vld.idx.msk [tilespmem:v12+s3+$0x0], $0xffff  }
0x499: {  	[tilespmem:s4+$0xFFFFFF00] =	vst v14;
	v4 =	vld.idx.msk [tilespmem:v13+s3+$0x0], $0xffff  }
0x49a: {  	s30 =	sadd.s32 $0x100, s30;
	[tilespmem:s4+$0x0] =	vst v8;
	v5 =	vld.idx.msk [tilespmem:v6+s3+$0x0], $0xffff  }
0x49b: {  	[tilespmem:s4+$0x10] =	vst v0  }
0x49c: {  	[tilespmem:s4+$0x20] =	vst v1  }
0x49d: {  	[tilespmem:s4+$0x30] =	vst v2  }
0x49e: {  	[tilespmem:s4+$0x40] =	vst v3  }
0x49f: {  	s24 =	simm.s32 $0x1C780;
	[tilespmem:s4+$0x50] =	vst v4  }
0x4a0: {  	s5 =	sadd.s32 $0x0, s21;
	s30 =	simm.s32 $0x1C880;
	[tilespmem:s4+$0x60] =	vst v5;
	s4 =	simm.s32 $0x80  }
.LBB2_56:
0x4a1: {  	[hbm4b:s5+s3] =	stream.linear.scatter [tilespmem:s24], [sflag:$0x2], $0x80, $0x38;
	[tilespmem:$0x1E700] =	vst v63  }
0x4a2: {  	s5 =	smov.u32 s4;
	s24 =	smov.u32 s30;
	p1 =	sne.s32 s4, $0xF80  }
.Ltmp29:
0x4a3: {  	s4 =	sadd.s32 $0x80, s4;
	(pc) =	sbr.rel @p1 .LBB2_56-.Ltmp29, $2  }
0x4a4: {  	_ =	sdelay $0x2  }
0x4a5: {  	s30 =	sadd.s32 $0x100, s30;
	s5 =	sadd.s32 s5, s21  }
0x4a6: {  	[hbm4b:s5+s3] =	stream.linear.scatter [tilespmem:s24], [sflag:$0x2], $0x80, $0x38;
	[tilespmem:$0x1E700] =	vst v63  }
0x4a7: {  	s4 =	simm.s32 $0x1  }
0x4a8: {  	_ =	swait.ge [sflag:s4], $0x1000  }
0x4a9: {  	[sflag:s4] =	ssyncset.done $0x0  }
0x4aa: {  	s24 =	simm.s32 $0x1A7F0;
	[sflag:s4] =	ssyncadd.s32 $0xFFFFF000  }
0x4ab: {  	v0 =	vld [tilespmem:s24+$0x0]  }
0x4ac: {  	v1 =	vld [tilespmem:s24+$0xFFFFFF20]  }
0x4ad: {  	v2 =	vld [tilespmem:s24+$0xFFFFFF30]  }
0x4ae: {  	v3 =	vld [tilespmem:s24+$0xFFFFFF40]  }
0x4af: {  	v4 =	vld [tilespmem:s24+$0xFFFFFF50]  }
0x4b0: {  	v5 =	vld [tilespmem:s24+$0xFFFFFF60]  }
0x4b1: {  	v6 =	vld [tilespmem:s24+$0xFFFFFF70]  }
0x4b2: {  	v7 =	vld [tilespmem:s24+$0xFFFFFF80]  }
0x4b3: {  	v8 =	vld [tilespmem:s24+$0xFFFFFF90]  }
0x4b4: {  	v9 =	vld [tilespmem:s24+$0xFFFFFFA0]  }
0x4b5: {  	v10 =	vld [tilespmem:s24+$0xFFFFFFB0]  }
0x4b6: {  	v11 =	vld [tilespmem:s24+$0xFFFFFFC0]  }
0x4b7: {  	v12 =	vld [tilespmem:s24+$0xFFFFFFD0]  }
0x4b8: {  	v13 =	vld [tilespmem:s24+$0xFFFFFFE0]  }
0x4b9: {  	v14 =	vld [tilespmem:s24+$0xFFFFFFF0]  }
0x4ba: {  	v15 =	vld [tilespmem:s24+$0xFFFFFF10]  }
0x4bb: {  	v0 =	vld.idx.msk [tilespmem:v0+s3+$0x0], $0xffff  }
0x4bc: {  	v1 =	vld.idx.msk [tilespmem:v1+s3+$0x0], $0xffff  }
0x4bd: {  	v2 =	vld.idx.msk [tilespmem:v2+s3+$0x0], $0xffff  }
0x4be: {  	v3 =	vld.idx.msk [tilespmem:v3+s3+$0x0], $0xffff  }
0x4bf: {  	v4 =	vld.idx.msk [tilespmem:v4+s3+$0x0], $0xffff  }
0x4c0: {  	s4 =	simm.s32 $0x1C800;
	v5 =	vld.idx.msk [tilespmem:v5+s3+$0x0], $0xffff  }
0x4c1: {  	v6 =	vld.idx.msk [tilespmem:v6+s3+$0x0], $0xffff;
	[tilespmem:s4+$0x70] =	vst v0  }
0x4c2: {  	v7 =	vld.idx.msk [tilespmem:v7+s3+$0x0], $0xffff;
	[tilespmem:s4+$0xFFFFFF10] =	vst v1  }
0x4c3: {  	v15 =	vld.idx.msk [tilespmem:v15+s3+$0x0], $0xffff;
	[tilespmem:s4+$0xFFFFFF20] =	vst v2  }
0x4c4: {  	v8 =	vld.idx.msk [tilespmem:v8+s3+$0x0], $0xffff;
	[tilespmem:s4+$0xFFFFFF30] =	vst v3  }
0x4c5: {  	[tilespmem:s4+$0xFFFFFF40] =	vst v4;
	v0 =	vld.idx.msk [tilespmem:v9+s3+$0x0], $0xffff  }
0x4c6: {  	[tilespmem:s4+$0xFFFFFF50] =	vst v5;
	v1 =	vld.idx.msk [tilespmem:v10+s3+$0x0], $0xffff  }
0x4c7: {  	[tilespmem:s4+$0xFFFFFF60] =	vst v6;
	v2 =	vld.idx.msk [tilespmem:v11+s3+$0x0], $0xffff  }
0x4c8: {  	[tilespmem:s4+$0xFFFFFF70] =	vst v7;
	v3 =	vld.idx.msk [tilespmem:v12+s3+$0x0], $0xffff  }
0x4c9: {  	[tilespmem:s4+$0xFFFFFF00] =	vst v15;
	v4 =	vld.idx.msk [tilespmem:v13+s3+$0x0], $0xffff  }
0x4ca: {  	s30 =	simm.s32 $0x1A8F0;
	s24 =	simm.s32 $0x0;
	[tilespmem:s4+$0x0] =	vst v8;
	v5 =	vld.idx.msk [tilespmem:v14+s3+$0x0], $0xffff  }
.LBB2_58:
0x4cb: {  	v6 =	vld [tilespmem:s30+$0x0];
	s24 =	sadd.s32 $0x10, s24;
	[tilespmem:s4+$0x10] =	vst v0  }
0x4cc: {  	v0 =	vld [tilespmem:s30+$0xFFFFFF20];
	p1 =	slt.u32 s24, $0xF0;
	[tilespmem:s4+$0x20] =	vst v1  }
0x4cd: {  	v1 =	vld [tilespmem:s30+$0xFFFFFF30];
	[tilespmem:s4+$0x30] =	vst v2  }
0x4ce: {  	v2 =	vld [tilespmem:s30+$0xFFFFFF40];
	[tilespmem:s4+$0x40] =	vst v3  }
0x4cf: {  	v3 =	vld [tilespmem:s30+$0xFFFFFF50];
	[tilespmem:s4+$0x50] =	vst v4  }
0x4d0: {  	v4 =	vld [tilespmem:s30+$0xFFFFFF60];
	[tilespmem:s4+$0x60] =	vst v5  }
0x4d1: {  	v5 =	vld [tilespmem:s30+$0xFFFFFF70]  }
0x4d2: {  	v7 =	vld [tilespmem:s30+$0xFFFFFF80]  }
0x4d3: {  	v6 =	vld.idx.msk [tilespmem:v6+s3+$0x0], $0xffff  }
0x4d4: {  	v8 =	vld [tilespmem:s30+$0xFFFFFF90]  }
0x4d5: {  	v9 =	vld [tilespmem:s30+$0xFFFFFFA0]  }
0x4d6: {  	v10 =	vld [tilespmem:s30+$0xFFFFFFB0]  }
0x4d7: {  	v11 =	vld [tilespmem:s30+$0xFFFFFFC0]  }
0x4d8: {  	s4 =	sadd.s32 $0x200, s4;
	v12 =	vld [tilespmem:s30+$0xFFFFFFD0]  }
0x4d9: {  	v13 =	vld [tilespmem:s30+$0xFFFFFFE0];
	[tilespmem:s4+$0x70] =	vst v6  }
0x4da: {  	v6 =	vld [tilespmem:s30+$0xFFFFFFF0]  }
0x4db: {  	v14 =	vld [tilespmem:s30+$0xFFFFFF10]  }
0x4dc: {  	v0 =	vld.idx.msk [tilespmem:v0+s3+$0x0], $0xffff  }
0x4dd: {  	v1 =	vld.idx.msk [tilespmem:v1+s3+$0x0], $0xffff  }
0x4de: {  	v2 =	vld.idx.msk [tilespmem:v2+s3+$0x0], $0xffff  }
0x4df: {  	v3 =	vld.idx.msk [tilespmem:v3+s3+$0x0], $0xffff  }
0x4e0: {  	v4 =	vld.idx.msk [tilespmem:v4+s3+$0x0], $0xffff  }
0x4e1: {  	v5 =	vld.idx.msk [tilespmem:v5+s3+$0x0], $0xffff  }
0x4e2: {  	[tilespmem:s4+$0xFFFFFF10] =	vst v0;
	v7 =	vld.idx.msk [tilespmem:v7+s3+$0x0], $0xffff  }
0x4e3: {  	v14 =	vld.idx.msk [tilespmem:v14+s3+$0x0], $0xffff;
	[tilespmem:s4+$0xFFFFFF20] =	vst v1  }
0x4e4: {  	[tilespmem:s4+$0xFFFFFF30] =	vst v2;
	v8 =	vld.idx.msk [tilespmem:v8+s3+$0x0], $0xffff  }
0x4e5: {  	[tilespmem:s4+$0xFFFFFF40] =	vst v3;
	v0 =	vld.idx.msk [tilespmem:v9+s3+$0x0], $0xffff  }
.Ltmp30:
0x4e6: {  	[tilespmem:s4+$0xFFFFFF50] =	vst v4;
	v1 =	vld.idx.msk [tilespmem:v10+s3+$0x0], $0xffff;
	(pc) =	sbr.rel @p1 .LBB2_58-.Ltmp30, $4  }
0x4e7: {  	[tilespmem:s4+$0xFFFFFF60] =	vst v5;
	v2 =	vld.idx.msk [tilespmem:v11+s3+$0x0], $0xffff  }
0x4e8: {  	[tilespmem:s4+$0xFFFFFF70] =	vst v7;
	v3 =	vld.idx.msk [tilespmem:v12+s3+$0x0], $0xffff  }
0x4e9: {  	[tilespmem:s4+$0xFFFFFF00] =	vst v14;
	v4 =	vld.idx.msk [tilespmem:v13+s3+$0x0], $0xffff  }
0x4ea: {  	s30 =	sadd.s32 $0x100, s30;
	[tilespmem:s4+$0x0] =	vst v8;
	v5 =	vld.idx.msk [tilespmem:v6+s3+$0x0], $0xffff  }
0x4eb: {  	[tilespmem:s4+$0x10] =	vst v0  }
0x4ec: {  	[tilespmem:s4+$0x20] =	vst v1  }
0x4ed: {  	[tilespmem:s4+$0x30] =	vst v2  }
0x4ee: {  	[tilespmem:s4+$0x40] =	vst v3  }
0x4ef: {  	s24 =	simm.s32 $0x1C700;
	[tilespmem:s4+$0x50] =	vst v4  }
0x4f0: {  	s5 =	sadd.s32 $0x0, s22;
	s30 =	simm.s32 $0x1C800;
	[tilespmem:s4+$0x60] =	vst v5;
	s4 =	simm.s32 $0x80  }
.LBB2_60:
0x4f1: {  	[hbm4b:s5+s3] =	stream.linear.scatter [tilespmem:s24], [sflag:$0x1], $0x80, $0x38;
	[tilespmem:$0x1E700] =	vst v63  }
0x4f2: {  	s5 =	smov.u32 s4;
	s24 =	smov.u32 s30;
	p1 =	sne.s32 s4, $0xF80  }
.Ltmp31:
0x4f3: {  	s4 =	sadd.s32 $0x80, s4;
	(pc) =	sbr.rel @p1 .LBB2_60-.Ltmp31, $2  }
0x4f4: {  	_ =	sdelay $0x2  }
0x4f5: {  	s30 =	sadd.s32 $0x100, s30;
	s5 =	sadd.s32 s5, s22  }
0x4f6: {  	[hbm4b:s5+s3] =	stream.linear.scatter [tilespmem:s24], [sflag:$0x1], $0x80, $0x38;
	[tilespmem:$0x1E700] =	vst v63  }
0x4f7: {  	s4 =	simm.s32 $0x2  }
0x4f8: {  	_ =	swait.ge [sflag:s4], $0x1000  }
0x4f9: {  	[sflag:s4] =	ssyncset.done $0x0  }
0x4fa: {  	s24 =	simm.s32 $0x1B7F0;
	[sflag:s4] =	ssyncadd.s32 $0xFFFFF000  }
0x4fb: {  	v0 =	vld [tilespmem:s24+$0x0]  }
0x4fc: {  	v1 =	vld [tilespmem:s24+$0xFFFFFF20]  }
0x4fd: {  	v2 =	vld [tilespmem:s24+$0xFFFFFF30]  }
0x4fe: {  	v3 =	vld [tilespmem:s24+$0xFFFFFF40]  }
0x4ff: {  	v4 =	vld [tilespmem:s24+$0xFFFFFF50]  }
0x500: {  	v5 =	vld [tilespmem:s24+$0xFFFFFF60]  }
0x501: {  	v6 =	vld [tilespmem:s24+$0xFFFFFF70]  }
0x502: {  	v7 =	vld [tilespmem:s24+$0xFFFFFF80]  }
0x503: {  	v8 =	vld [tilespmem:s24+$0xFFFFFF90]  }
0x504: {  	v9 =	vld [tilespmem:s24+$0xFFFFFFA0]  }
0x505: {  	v10 =	vld [tilespmem:s24+$0xFFFFFFB0]  }
0x506: {  	v11 =	vld [tilespmem:s24+$0xFFFFFFC0]  }
0x507: {  	v12 =	vld [tilespmem:s24+$0xFFFFFFD0]  }
0x508: {  	v13 =	vld [tilespmem:s24+$0xFFFFFFE0]  }
0x509: {  	v14 =	vld [tilespmem:s24+$0xFFFFFFF0]  }
0x50a: {  	v15 =	vld [tilespmem:s24+$0xFFFFFF10]  }
0x50b: {  	v0 =	vld.idx.msk [tilespmem:v0+s3+$0x0], $0xffff  }
0x50c: {  	v1 =	vld.idx.msk [tilespmem:v1+s3+$0x0], $0xffff  }
0x50d: {  	v2 =	vld.idx.msk [tilespmem:v2+s3+$0x0], $0xffff  }
0x50e: {  	v3 =	vld.idx.msk [tilespmem:v3+s3+$0x0], $0xffff  }
0x50f: {  	v4 =	vld.idx.msk [tilespmem:v4+s3+$0x0], $0xffff  }
0x510: {  	s4 =	simm.s32 $0x1C880;
	v5 =	vld.idx.msk [tilespmem:v5+s3+$0x0], $0xffff  }
0x511: {  	v6 =	vld.idx.msk [tilespmem:v6+s3+$0x0], $0xffff;
	[tilespmem:s4+$0x70] =	vst v0  }
0x512: {  	v7 =	vld.idx.msk [tilespmem:v7+s3+$0x0], $0xffff;
	[tilespmem:s4+$0xFFFFFF10] =	vst v1  }
0x513: {  	v15 =	vld.idx.msk [tilespmem:v15+s3+$0x0], $0xffff;
	[tilespmem:s4+$0xFFFFFF20] =	vst v2  }
0x514: {  	v8 =	vld.idx.msk [tilespmem:v8+s3+$0x0], $0xffff;
	[tilespmem:s4+$0xFFFFFF30] =	vst v3  }
0x515: {  	[tilespmem:s4+$0xFFFFFF40] =	vst v4;
	v0 =	vld.idx.msk [tilespmem:v9+s3+$0x0], $0xffff  }
0x516: {  	[tilespmem:s4+$0xFFFFFF50] =	vst v5;
	v1 =	vld.idx.msk [tilespmem:v10+s3+$0x0], $0xffff  }
0x517: {  	[tilespmem:s4+$0xFFFFFF60] =	vst v6;
	v2 =	vld.idx.msk [tilespmem:v11+s3+$0x0], $0xffff  }
0x518: {  	[tilespmem:s4+$0xFFFFFF70] =	vst v7;
	v3 =	vld.idx.msk [tilespmem:v12+s3+$0x0], $0xffff  }
0x519: {  	[tilespmem:s4+$0xFFFFFF00] =	vst v15;
	v4 =	vld.idx.msk [tilespmem:v13+s3+$0x0], $0xffff  }
0x51a: {  	s30 =	simm.s32 $0x1B8F0;
	s24 =	simm.s32 $0x0;
	[tilespmem:s4+$0x0] =	vst v8;
	v5 =	vld.idx.msk [tilespmem:v14+s3+$0x0], $0xffff  }
.LBB2_62:
0x51b: {  	v6 =	vld [tilespmem:s30+$0x0];
	s24 =	sadd.s32 $0x10, s24;
	[tilespmem:s4+$0x10] =	vst v0  }
0x51c: {  	v0 =	vld [tilespmem:s30+$0xFFFFFF20];
	p1 =	slt.u32 s24, $0xF0;
	[tilespmem:s4+$0x20] =	vst v1  }
0x51d: {  	v1 =	vld [tilespmem:s30+$0xFFFFFF30];
	[tilespmem:s4+$0x30] =	vst v2  }
0x51e: {  	v2 =	vld [tilespmem:s30+$0xFFFFFF40];
	[tilespmem:s4+$0x40] =	vst v3  }
0x51f: {  	v3 =	vld [tilespmem:s30+$0xFFFFFF50];
	[tilespmem:s4+$0x50] =	vst v4  }
0x520: {  	v4 =	vld [tilespmem:s30+$0xFFFFFF60];
	[tilespmem:s4+$0x60] =	vst v5  }
0x521: {  	v5 =	vld [tilespmem:s30+$0xFFFFFF70]  }
0x522: {  	v7 =	vld [tilespmem:s30+$0xFFFFFF80]  }
0x523: {  	v6 =	vld.idx.msk [tilespmem:v6+s3+$0x0], $0xffff  }
0x524: {  	v8 =	vld [tilespmem:s30+$0xFFFFFF90]  }
0x525: {  	v9 =	vld [tilespmem:s30+$0xFFFFFFA0]  }
0x526: {  	v10 =	vld [tilespmem:s30+$0xFFFFFFB0]  }
0x527: {  	v11 =	vld [tilespmem:s30+$0xFFFFFFC0]  }
0x528: {  	s4 =	sadd.s32 $0x200, s4;
	v12 =	vld [tilespmem:s30+$0xFFFFFFD0]  }
0x529: {  	v13 =	vld [tilespmem:s30+$0xFFFFFFE0];
	[tilespmem:s4+$0x70] =	vst v6  }
0x52a: {  	v6 =	vld [tilespmem:s30+$0xFFFFFFF0]  }
0x52b: {  	v14 =	vld [tilespmem:s30+$0xFFFFFF10]  }
0x52c: {  	v0 =	vld.idx.msk [tilespmem:v0+s3+$0x0], $0xffff  }
0x52d: {  	v1 =	vld.idx.msk [tilespmem:v1+s3+$0x0], $0xffff  }
0x52e: {  	v2 =	vld.idx.msk [tilespmem:v2+s3+$0x0], $0xffff  }
0x52f: {  	v3 =	vld.idx.msk [tilespmem:v3+s3+$0x0], $0xffff  }
0x530: {  	v4 =	vld.idx.msk [tilespmem:v4+s3+$0x0], $0xffff  }
0x531: {  	v5 =	vld.idx.msk [tilespmem:v5+s3+$0x0], $0xffff  }
0x532: {  	[tilespmem:s4+$0xFFFFFF10] =	vst v0;
	v7 =	vld.idx.msk [tilespmem:v7+s3+$0x0], $0xffff  }
0x533: {  	v14 =	vld.idx.msk [tilespmem:v14+s3+$0x0], $0xffff;
	[tilespmem:s4+$0xFFFFFF20] =	vst v1  }
0x534: {  	[tilespmem:s4+$0xFFFFFF30] =	vst v2;
	v8 =	vld.idx.msk [tilespmem:v8+s3+$0x0], $0xffff  }
0x535: {  	[tilespmem:s4+$0xFFFFFF40] =	vst v3;
	v0 =	vld.idx.msk [tilespmem:v9+s3+$0x0], $0xffff  }
.Ltmp32:
0x536: {  	[tilespmem:s4+$0xFFFFFF50] =	vst v4;
	v1 =	vld.idx.msk [tilespmem:v10+s3+$0x0], $0xffff;
	(pc) =	sbr.rel @p1 .LBB2_62-.Ltmp32, $4  }
0x537: {  	[tilespmem:s4+$0xFFFFFF60] =	vst v5;
	v2 =	vld.idx.msk [tilespmem:v11+s3+$0x0], $0xffff  }
0x538: {  	[tilespmem:s4+$0xFFFFFF70] =	vst v7;
	v3 =	vld.idx.msk [tilespmem:v12+s3+$0x0], $0xffff  }
0x539: {  	[tilespmem:s4+$0xFFFFFF00] =	vst v14;
	v4 =	vld.idx.msk [tilespmem:v13+s3+$0x0], $0xffff  }
0x53a: {  	s30 =	sadd.s32 $0x100, s30;
	[tilespmem:s4+$0x0] =	vst v8;
	v5 =	vld.idx.msk [tilespmem:v6+s3+$0x0], $0xffff  }
0x53b: {  	[tilespmem:s4+$0x10] =	vst v0  }
0x53c: {  	[tilespmem:s4+$0x20] =	vst v1  }
0x53d: {  	[tilespmem:s4+$0x30] =	vst v2  }
0x53e: {  	[tilespmem:s4+$0x40] =	vst v3  }
0x53f: {  	s24 =	simm.s32 $0x1C780;
	[tilespmem:s4+$0x50] =	vst v4  }
0x540: {  	s5 =	sadd.s32 $0x0, s23;
	s30 =	simm.s32 $0x1C880;
	[tilespmem:s4+$0x60] =	vst v5;
	s4 =	simm.s32 $0x80  }
.LBB2_64:
0x541: {  	[hbm4b:s5+s3] =	stream.linear.scatter [tilespmem:s24], [sflag:$0x2], $0x80, $0x38;
	[tilespmem:$0x1E700] =	vst v63  }
0x542: {  	s5 =	smov.u32 s4;
	s24 =	smov.u32 s30;
	p1 =	sne.s32 s4, $0xF80  }
.Ltmp33:
0x543: {  	s4 =	sadd.s32 $0x80, s4;
	(pc) =	sbr.rel @p1 .LBB2_64-.Ltmp33, $2  }
0x544: {  	_ =	sdelay $0x2  }
0x545: {  	s30 =	sadd.s32 $0x100, s30;
	s5 =	sadd.s32 s5, s23  }
0x546: {  	[hbm4b:s5+s3] =	stream.linear.scatter [tilespmem:s24], [sflag:$0x2], $0x80, $0x38;
	[tilespmem:$0x1E700] =	vst v63  }
0x547: {  	s4 =	simm.s32 $0x1  }
0x548: {  	_ =	swait.ge [sflag:s4], $0x1000  }
0x549: {  	[sflag:s4] =	ssyncset.done $0x0  }
0x54a: {  	s24 =	simm.s32 $0x2;
	[sflag:s4] =	ssyncadd.s32 $0xFFFFF000  }
0x54b: {  	_ =	swait.ge [sflag:s24], $0x1000  }
0x54c: {  	s5 =	simm.s32 $0x80;
	[sflag:s24] =	ssyncset.done $0x0  }
0x54d: {  	s4 =	rddreg [dreg:$0x9];
	[sflag:s24] =	ssyncadd.s32 $0xFFFFF000;
	s24 =	simm.s32 $0x400  }
0x54e: {  	[tilespmem:s3], [sflag:$0x3] =	stream.strided.gather [hbm4b:s4+s5], $0x18700, s24, s5, $0x38;
	[tilespmem:$0x1E700] =	vst v63  }
0x54f: {  	s5 =	simm.s32 $0x3  }
0x550: {  	_ =	swait.ge [sflag:s5], $0x18700  }
0x551: {  	[sflag:s5] =	ssyncset.done $0x0  }
0x552: {  	s24 =	simm.s32 $0x18780;
	[sflag:s5] =	ssyncadd.s32 $0xFFFE7900  }
0x553: {  	v0 =	vld [tilespmem:s24+$0x70]  }
0x554: {  	v1 =	vld [tilespmem:s24+$0xFFFFFF90]  }
0x555: {  	v2 =	vld [tilespmem:s24+$0xFFFFFFA0]  }
0x556: {  	v3 =	vld [tilespmem:s24+$0xFFFFFFB0]  }
0x557: {  	v4 =	vld [tilespmem:s24+$0xFFFFFFC0]  }
0x558: {  	v5 =	vld [tilespmem:s24+$0xFFFFFFD0]  }
0x559: {  	v6 =	vld [tilespmem:s24+$0xFFFFFFE0]  }
0x55a: {  	v7 =	vld [tilespmem:s24+$0xFFFFFFF0]  }
0x55b: {  	v8 =	vld [tilespmem:s24+$0x0]  }
0x55c: {  	v9 =	vld [tilespmem:s24+$0x10]  }
0x55d: {  	v10 =	vld [tilespmem:s24+$0x20]  }
0x55e: {  	v11 =	vld [tilespmem:s24+$0x30]  }
0x55f: {  	v12 =	vld [tilespmem:s24+$0x40]  }
0x560: {  	v13 =	vld [tilespmem:s24+$0x50]  }
0x561: {  	v14 =	vld [tilespmem:s24+$0x60]  }
0x562: {  	v15 =	vld [tilespmem:s24+$0xFFFFFF80]  }
0x563: {  	v0 =	vld.idx.msk [tilespmem:v0+s3+$0x0], $0xffff  }
0x564: {  	v1 =	vld.idx.msk [tilespmem:v1+s3+$0x0], $0xffff  }
0x565: {  	v2 =	vld.idx.msk [tilespmem:v2+s3+$0x0], $0xffff  }
0x566: {  	v3 =	vld.idx.msk [tilespmem:v3+s3+$0x0], $0xffff  }
0x567: {  	v4 =	vld.idx.msk [tilespmem:v4+s3+$0x0], $0xffff  }
0x568: {  	s4 =	simm.s32 $0x1C800;
	v5 =	vld.idx.msk [tilespmem:v5+s3+$0x0], $0xffff  }
0x569: {  	v6 =	vld.idx.msk [tilespmem:v6+s3+$0x0], $0xffff;
	[tilespmem:s4+$0x70] =	vst v0  }
0x56a: {  	v7 =	vld.idx.msk [tilespmem:v7+s3+$0x0], $0xffff;
	[tilespmem:s4+$0xFFFFFF10] =	vst v1  }
0x56b: {  	v15 =	vld.idx.msk [tilespmem:v15+s3+$0x0], $0xffff;
	[tilespmem:s4+$0xFFFFFF20] =	vst v2  }
0x56c: {  	v8 =	vld.idx.msk [tilespmem:v8+s3+$0x0], $0xffff;
	[tilespmem:s4+$0xFFFFFF30] =	vst v3  }
0x56d: {  	[tilespmem:s4+$0xFFFFFF40] =	vst v4;
	v0 =	vld.idx.msk [tilespmem:v9+s3+$0x0], $0xffff  }
0x56e: {  	[tilespmem:s4+$0xFFFFFF50] =	vst v5;
	v1 =	vld.idx.msk [tilespmem:v10+s3+$0x0], $0xffff  }
0x56f: {  	[tilespmem:s4+$0xFFFFFF60] =	vst v6;
	v2 =	vld.idx.msk [tilespmem:v11+s3+$0x0], $0xffff  }
0x570: {  	[tilespmem:s4+$0xFFFFFF70] =	vst v7;
	v3 =	vld.idx.msk [tilespmem:v12+s3+$0x0], $0xffff  }
0x571: {  	[tilespmem:s4+$0xFFFFFF00] =	vst v15;
	v4 =	vld.idx.msk [tilespmem:v13+s3+$0x0], $0xffff  }
0x572: {  	s30 =	simm.s32 $0x18880;
	s24 =	simm.s32 $0x0;
	[tilespmem:s4+$0x0] =	vst v8;
	v5 =	vld.idx.msk [tilespmem:v14+s3+$0x0], $0xffff  }
.LBB2_66:
0x573: {  	v6 =	vld [tilespmem:s30+$0x70];
	s24 =	sadd.s32 $0x10, s24;
	[tilespmem:s4+$0x10] =	vst v0  }
0x574: {  	v0 =	vld [tilespmem:s30+$0xFFFFFF90];
	p1 =	slt.u32 s24, $0xF0;
	[tilespmem:s4+$0x20] =	vst v1  }
0x575: {  	v1 =	vld [tilespmem:s30+$0xFFFFFFA0];
	[tilespmem:s4+$0x30] =	vst v2  }
0x576: {  	v2 =	vld [tilespmem:s30+$0xFFFFFFB0];
	[tilespmem:s4+$0x40] =	vst v3  }
0x577: {  	v3 =	vld [tilespmem:s30+$0xFFFFFFC0];
	[tilespmem:s4+$0x50] =	vst v4  }
0x578: {  	v4 =	vld [tilespmem:s30+$0xFFFFFFD0];
	[tilespmem:s4+$0x60] =	vst v5  }
0x579: {  	v5 =	vld [tilespmem:s30+$0xFFFFFFE0]  }
0x57a: {  	v7 =	vld [tilespmem:s30+$0xFFFFFFF0]  }
0x57b: {  	v6 =	vld.idx.msk [tilespmem:v6+s3+$0x0], $0xffff  }
0x57c: {  	v8 =	vld [tilespmem:s30+$0x0]  }
0x57d: {  	v9 =	vld [tilespmem:s30+$0x10]  }
0x57e: {  	v10 =	vld [tilespmem:s30+$0x20]  }
0x57f: {  	v11 =	vld [tilespmem:s30+$0x30]  }
0x580: {  	s4 =	sadd.s32 $0x200, s4;
	v12 =	vld [tilespmem:s30+$0x40]  }
0x581: {  	v13 =	vld [tilespmem:s30+$0x50];
	[tilespmem:s4+$0x70] =	vst v6  }
0x582: {  	v6 =	vld [tilespmem:s30+$0x60]  }
0x583: {  	v14 =	vld [tilespmem:s30+$0xFFFFFF80]  }
0x584: {  	v0 =	vld.idx.msk [tilespmem:v0+s3+$0x0], $0xffff  }
0x585: {  	v1 =	vld.idx.msk [tilespmem:v1+s3+$0x0], $0xffff  }
0x586: {  	v2 =	vld.idx.msk [tilespmem:v2+s3+$0x0], $0xffff  }
0x587: {  	v3 =	vld.idx.msk [tilespmem:v3+s3+$0x0], $0xffff  }
0x588: {  	v4 =	vld.idx.msk [tilespmem:v4+s3+$0x0], $0xffff  }
0x589: {  	v5 =	vld.idx.msk [tilespmem:v5+s3+$0x0], $0xffff  }
0x58a: {  	[tilespmem:s4+$0xFFFFFF10] =	vst v0;
	v7 =	vld.idx.msk [tilespmem:v7+s3+$0x0], $0xffff  }
0x58b: {  	v14 =	vld.idx.msk [tilespmem:v14+s3+$0x0], $0xffff;
	[tilespmem:s4+$0xFFFFFF20] =	vst v1  }
0x58c: {  	[tilespmem:s4+$0xFFFFFF30] =	vst v2;
	v8 =	vld.idx.msk [tilespmem:v8+s3+$0x0], $0xffff  }
0x58d: {  	[tilespmem:s4+$0xFFFFFF40] =	vst v3;
	v0 =	vld.idx.msk [tilespmem:v9+s3+$0x0], $0xffff  }
.Ltmp34:
0x58e: {  	[tilespmem:s4+$0xFFFFFF50] =	vst v4;
	v1 =	vld.idx.msk [tilespmem:v10+s3+$0x0], $0xffff;
	(pc) =	sbr.rel @p1 .LBB2_66-.Ltmp34, $4  }
0x58f: {  	[tilespmem:s4+$0xFFFFFF60] =	vst v5;
	v2 =	vld.idx.msk [tilespmem:v11+s3+$0x0], $0xffff  }
0x590: {  	[tilespmem:s4+$0xFFFFFF70] =	vst v7;
	v3 =	vld.idx.msk [tilespmem:v12+s3+$0x0], $0xffff  }
0x591: {  	[tilespmem:s4+$0xFFFFFF00] =	vst v14;
	v4 =	vld.idx.msk [tilespmem:v13+s3+$0x0], $0xffff  }
0x592: {  	s30 =	sadd.s32 $0x100, s30;
	[tilespmem:s4+$0x0] =	vst v8;
	v5 =	vld.idx.msk [tilespmem:v6+s3+$0x0], $0xffff  }
0x593: {  	[tilespmem:s4+$0x10] =	vst v0  }
0x594: {  	[tilespmem:s4+$0x20] =	vst v1  }
0x595: {  	[tilespmem:s4+$0x30] =	vst v2  }
0x596: {  	[tilespmem:s4+$0x40] =	vst v3  }
0x597: {  	[tilespmem:s4+$0x50] =	vst v4  }
0x598: {  	s5 =	simm.s32 $0x1C700;
	[tilespmem:s4+$0x60] =	vst v5;
	s4 =	simm.s32 $0x0  }
.LBB2_68:
0x599: {  	p1 =	sne.s32 s4, $0xF80  }
.Ltmp35:
0x59a: {  	_ = 	snop;
	(pc) =	sbr.rel @p1 .LBB2_68-.Ltmp35, $4  }
0x59b: {  	_ = 	snop  }
0x59c: {  	s24 =	sadd.s32 s4, s25  }
0x59d: {  	[hbm4b:s24+s3] =	stream.linear.scatter [tilespmem:s5], [sflag:$0x1], $0x80, $0x38;
	[tilespmem:$0x1E700] =	vst v63  }
0x59e: {  	s4 =	sadd.s32 $0x80, s4;
	s5 =	sadd.s32 $0x100, s5  }
0x59f: {  	s4 =	simm.s32 $0x197F0  }
0x5a0: {  	v0 =	vld [tilespmem:s4+$0x0]  }
0x5a1: {  	v1 =	vld [tilespmem:s4+$0xFFFFFF20]  }
0x5a2: {  	v2 =	vld [tilespmem:s4+$0xFFFFFF30]  }
0x5a3: {  	v3 =	vld [tilespmem:s4+$0xFFFFFF40]  }
0x5a4: {  	v4 =	vld [tilespmem:s4+$0xFFFFFF50]  }
0x5a5: {  	v5 =	vld [tilespmem:s4+$0xFFFFFF60]  }
0x5a6: {  	v6 =	vld [tilespmem:s4+$0xFFFFFF70]  }
0x5a7: {  	v7 =	vld [tilespmem:s4+$0xFFFFFF80]  }
0x5a8: {  	v8 =	vld [tilespmem:s4+$0xFFFFFF90]  }
0x5a9: {  	v9 =	vld [tilespmem:s4+$0xFFFFFFA0]  }
0x5aa: {  	v10 =	vld [tilespmem:s4+$0xFFFFFFB0]  }
0x5ab: {  	v11 =	vld [tilespmem:s4+$0xFFFFFFC0]  }
0x5ac: {  	v12 =	vld [tilespmem:s4+$0xFFFFFFD0]  }
0x5ad: {  	v13 =	vld [tilespmem:s4+$0xFFFFFFE0]  }
0x5ae: {  	v14 =	vld [tilespmem:s4+$0xFFFFFFF0]  }
0x5af: {  	v15 =	vld [tilespmem:s4+$0xFFFFFF10]  }
0x5b0: {  	v0 =	vld.idx.msk [tilespmem:v0+s3+$0x0], $0xffff  }
0x5b1: {  	v1 =	vld.idx.msk [tilespmem:v1+s3+$0x0], $0xffff  }
0x5b2: {  	v2 =	vld.idx.msk [tilespmem:v2+s3+$0x0], $0xffff  }
0x5b3: {  	v3 =	vld.idx.msk [tilespmem:v3+s3+$0x0], $0xffff  }
0x5b4: {  	v4 =	vld.idx.msk [tilespmem:v4+s3+$0x0], $0xffff  }
0x5b5: {  	s4 =	simm.s32 $0x1C880;
	v5 =	vld.idx.msk [tilespmem:v5+s3+$0x0], $0xffff  }
0x5b6: {  	v6 =	vld.idx.msk [tilespmem:v6+s3+$0x0], $0xffff;
	[tilespmem:s4+$0x70] =	vst v0  }
0x5b7: {  	v7 =	vld.idx.msk [tilespmem:v7+s3+$0x0], $0xffff;
	[tilespmem:s4+$0xFFFFFF10] =	vst v1  }
0x5b8: {  	v15 =	vld.idx.msk [tilespmem:v15+s3+$0x0], $0xffff;
	[tilespmem:s4+$0xFFFFFF20] =	vst v2  }
0x5b9: {  	v8 =	vld.idx.msk [tilespmem:v8+s3+$0x0], $0xffff;
	[tilespmem:s4+$0xFFFFFF30] =	vst v3  }
0x5ba: {  	[tilespmem:s4+$0xFFFFFF40] =	vst v4;
	v0 =	vld.idx.msk [tilespmem:v9+s3+$0x0], $0xffff  }
0x5bb: {  	[tilespmem:s4+$0xFFFFFF50] =	vst v5;
	v1 =	vld.idx.msk [tilespmem:v10+s3+$0x0], $0xffff  }
0x5bc: {  	[tilespmem:s4+$0xFFFFFF60] =	vst v6;
	v2 =	vld.idx.msk [tilespmem:v11+s3+$0x0], $0xffff  }
0x5bd: {  	[tilespmem:s4+$0xFFFFFF70] =	vst v7;
	v3 =	vld.idx.msk [tilespmem:v12+s3+$0x0], $0xffff  }
0x5be: {  	[tilespmem:s4+$0xFFFFFF00] =	vst v15;
	v4 =	vld.idx.msk [tilespmem:v13+s3+$0x0], $0xffff  }
0x5bf: {  	s24 =	simm.s32 $0x0;
	s30 =	simm.s32 $0x198F0;
	[tilespmem:s4+$0x0] =	vst v8;
	v5 =	vld.idx.msk [tilespmem:v14+s3+$0x0], $0xffff  }
.LBB2_70:
0x5c0: {  	v6 =	vld [tilespmem:s30+$0x0];
	s24 =	sadd.s32 $0x10, s24;
	[tilespmem:s4+$0x10] =	vst v0  }
0x5c1: {  	v0 =	vld [tilespmem:s30+$0xFFFFFF20];
	p1 =	slt.u32 s24, $0xF0;
	[tilespmem:s4+$0x20] =	vst v1  }
0x5c2: {  	v1 =	vld [tilespmem:s30+$0xFFFFFF30];
	[tilespmem:s4+$0x30] =	vst v2  }
0x5c3: {  	v2 =	vld [tilespmem:s30+$0xFFFFFF40];
	[tilespmem:s4+$0x40] =	vst v3  }
0x5c4: {  	v3 =	vld [tilespmem:s30+$0xFFFFFF50];
	[tilespmem:s4+$0x50] =	vst v4  }
0x5c5: {  	v4 =	vld [tilespmem:s30+$0xFFFFFF60];
	[tilespmem:s4+$0x60] =	vst v5  }
0x5c6: {  	v5 =	vld [tilespmem:s30+$0xFFFFFF70]  }
0x5c7: {  	v7 =	vld [tilespmem:s30+$0xFFFFFF80]  }
0x5c8: {  	v6 =	vld.idx.msk [tilespmem:v6+s3+$0x0], $0xffff  }
0x5c9: {  	v8 =	vld [tilespmem:s30+$0xFFFFFF90]  }
0x5ca: {  	v9 =	vld [tilespmem:s30+$0xFFFFFFA0]  }
0x5cb: {  	v10 =	vld [tilespmem:s30+$0xFFFFFFB0]  }
0x5cc: {  	v11 =	vld [tilespmem:s30+$0xFFFFFFC0]  }
0x5cd: {  	s4 =	sadd.s32 $0x200, s4;
	v12 =	vld [tilespmem:s30+$0xFFFFFFD0]  }
0x5ce: {  	v13 =	vld [tilespmem:s30+$0xFFFFFFE0];
	[tilespmem:s4+$0x70] =	vst v6  }
0x5cf: {  	v6 =	vld [tilespmem:s30+$0xFFFFFFF0]  }
0x5d0: {  	v14 =	vld [tilespmem:s30+$0xFFFFFF10]  }
0x5d1: {  	v0 =	vld.idx.msk [tilespmem:v0+s3+$0x0], $0xffff  }
0x5d2: {  	v1 =	vld.idx.msk [tilespmem:v1+s3+$0x0], $0xffff  }
0x5d3: {  	v2 =	vld.idx.msk [tilespmem:v2+s3+$0x0], $0xffff  }
0x5d4: {  	v3 =	vld.idx.msk [tilespmem:v3+s3+$0x0], $0xffff  }
0x5d5: {  	v4 =	vld.idx.msk [tilespmem:v4+s3+$0x0], $0xffff  }
0x5d6: {  	v5 =	vld.idx.msk [tilespmem:v5+s3+$0x0], $0xffff  }
0x5d7: {  	[tilespmem:s4+$0xFFFFFF10] =	vst v0;
	v7 =	vld.idx.msk [tilespmem:v7+s3+$0x0], $0xffff  }
0x5d8: {  	v14 =	vld.idx.msk [tilespmem:v14+s3+$0x0], $0xffff;
	[tilespmem:s4+$0xFFFFFF20] =	vst v1  }
0x5d9: {  	[tilespmem:s4+$0xFFFFFF30] =	vst v2;
	v8 =	vld.idx.msk [tilespmem:v8+s3+$0x0], $0xffff  }
0x5da: {  	[tilespmem:s4+$0xFFFFFF40] =	vst v3;
	v0 =	vld.idx.msk [tilespmem:v9+s3+$0x0], $0xffff  }
.Ltmp36:
0x5db: {  	[tilespmem:s4+$0xFFFFFF50] =	vst v4;
	v1 =	vld.idx.msk [tilespmem:v10+s3+$0x0], $0xffff;
	(pc) =	sbr.rel @p1 .LBB2_70-.Ltmp36, $4  }
0x5dc: {  	[tilespmem:s4+$0xFFFFFF60] =	vst v5;
	v2 =	vld.idx.msk [tilespmem:v11+s3+$0x0], $0xffff  }
0x5dd: {  	[tilespmem:s4+$0xFFFFFF70] =	vst v7;
	v3 =	vld.idx.msk [tilespmem:v12+s3+$0x0], $0xffff  }
0x5de: {  	[tilespmem:s4+$0xFFFFFF00] =	vst v14;
	v4 =	vld.idx.msk [tilespmem:v13+s3+$0x0], $0xffff  }
0x5df: {  	s30 =	sadd.s32 $0x100, s30;
	[tilespmem:s4+$0x0] =	vst v8;
	v5 =	vld.idx.msk [tilespmem:v6+s3+$0x0], $0xffff  }
0x5e0: {  	[tilespmem:s4+$0x10] =	vst v0  }
0x5e1: {  	[tilespmem:s4+$0x20] =	vst v1  }
0x5e2: {  	[tilespmem:s4+$0x30] =	vst v2  }
0x5e3: {  	[tilespmem:s4+$0x40] =	vst v3  }
0x5e4: {  	s24 =	simm.s32 $0x1C780;
	[tilespmem:s4+$0x50] =	vst v4  }
0x5e5: {  	s5 =	sadd.s32 $0x0, s26;
	s30 =	simm.s32 $0x1C880;
	[tilespmem:s4+$0x60] =	vst v5;
	s4 =	simm.s32 $0x80  }
.LBB2_72:
0x5e6: {  	[hbm4b:s5+s3] =	stream.linear.scatter [tilespmem:s24], [sflag:$0x2], $0x80, $0x38;
	[tilespmem:$0x1E700] =	vst v63  }
0x5e7: {  	s5 =	smov.u32 s4;
	s24 =	smov.u32 s30;
	p1 =	sne.s32 s4, $0xF80  }
.Ltmp37:
0x5e8: {  	s4 =	sadd.s32 $0x80, s4;
	(pc) =	sbr.rel @p1 .LBB2_72-.Ltmp37, $2  }
0x5e9: {  	_ =	sdelay $0x2  }
0x5ea: {  	s30 =	sadd.s32 $0x100, s30;
	s5 =	sadd.s32 s5, s26  }
0x5eb: {  	[hbm4b:s5+s3] =	stream.linear.scatter [tilespmem:s24], [sflag:$0x2], $0x80, $0x38;
	[tilespmem:$0x1E700] =	vst v63  }
0x5ec: {  	s4 =	simm.s32 $0x1  }
0x5ed: {  	_ =	swait.ge [sflag:s4], $0x1000  }
0x5ee: {  	[sflag:s4] =	ssyncset.done $0x0  }
0x5ef: {  	s24 =	simm.s32 $0x1A7F0;
	[sflag:s4] =	ssyncadd.s32 $0xFFFFF000  }
0x5f0: {  	v0 =	vld [tilespmem:s24+$0x0]  }
0x5f1: {  	v1 =	vld [tilespmem:s24+$0xFFFFFF20]  }
0x5f2: {  	v2 =	vld [tilespmem:s24+$0xFFFFFF30]  }
0x5f3: {  	v3 =	vld [tilespmem:s24+$0xFFFFFF40]  }
0x5f4: {  	v4 =	vld [tilespmem:s24+$0xFFFFFF50]  }
0x5f5: {  	v5 =	vld [tilespmem:s24+$0xFFFFFF60]  }
0x5f6: {  	v6 =	vld [tilespmem:s24+$0xFFFFFF70]  }
0x5f7: {  	v7 =	vld [tilespmem:s24+$0xFFFFFF80]  }
0x5f8: {  	v8 =	vld [tilespmem:s24+$0xFFFFFF90]  }
0x5f9: {  	v9 =	vld [tilespmem:s24+$0xFFFFFFA0]  }
0x5fa: {  	v10 =	vld [tilespmem:s24+$0xFFFFFFB0]  }
0x5fb: {  	v11 =	vld [tilespmem:s24+$0xFFFFFFC0]  }
0x5fc: {  	v12 =	vld [tilespmem:s24+$0xFFFFFFD0]  }
0x5fd: {  	v13 =	vld [tilespmem:s24+$0xFFFFFFE0]  }
0x5fe: {  	v14 =	vld [tilespmem:s24+$0xFFFFFFF0]  }
0x5ff: {  	v15 =	vld [tilespmem:s24+$0xFFFFFF10]  }
0x600: {  	v0 =	vld.idx.msk [tilespmem:v0+s3+$0x0], $0xffff  }
0x601: {  	v1 =	vld.idx.msk [tilespmem:v1+s3+$0x0], $0xffff  }
0x602: {  	v2 =	vld.idx.msk [tilespmem:v2+s3+$0x0], $0xffff  }
0x603: {  	v3 =	vld.idx.msk [tilespmem:v3+s3+$0x0], $0xffff  }
0x604: {  	v4 =	vld.idx.msk [tilespmem:v4+s3+$0x0], $0xffff  }
0x605: {  	s4 =	simm.s32 $0x1C800;
	v5 =	vld.idx.msk [tilespmem:v5+s3+$0x0], $0xffff  }
0x606: {  	v6 =	vld.idx.msk [tilespmem:v6+s3+$0x0], $0xffff;
	[tilespmem:s4+$0x70] =	vst v0  }
0x607: {  	v7 =	vld.idx.msk [tilespmem:v7+s3+$0x0], $0xffff;
	[tilespmem:s4+$0xFFFFFF10] =	vst v1  }
0x608: {  	v15 =	vld.idx.msk [tilespmem:v15+s3+$0x0], $0xffff;
	[tilespmem:s4+$0xFFFFFF20] =	vst v2  }
0x609: {  	v8 =	vld.idx.msk [tilespmem:v8+s3+$0x0], $0xffff;
	[tilespmem:s4+$0xFFFFFF30] =	vst v3  }
0x60a: {  	[tilespmem:s4+$0xFFFFFF40] =	vst v4;
	v0 =	vld.idx.msk [tilespmem:v9+s3+$0x0], $0xffff  }
0x60b: {  	[tilespmem:s4+$0xFFFFFF50] =	vst v5;
	v1 =	vld.idx.msk [tilespmem:v10+s3+$0x0], $0xffff  }
0x60c: {  	[tilespmem:s4+$0xFFFFFF60] =	vst v6;
	v2 =	vld.idx.msk [tilespmem:v11+s3+$0x0], $0xffff  }
0x60d: {  	[tilespmem:s4+$0xFFFFFF70] =	vst v7;
	v3 =	vld.idx.msk [tilespmem:v12+s3+$0x0], $0xffff  }
0x60e: {  	[tilespmem:s4+$0xFFFFFF00] =	vst v15;
	v4 =	vld.idx.msk [tilespmem:v13+s3+$0x0], $0xffff  }
0x60f: {  	s30 =	simm.s32 $0x1A8F0;
	s24 =	simm.s32 $0x0;
	[tilespmem:s4+$0x0] =	vst v8;
	v5 =	vld.idx.msk [tilespmem:v14+s3+$0x0], $0xffff  }
.LBB2_74:
0x610: {  	v6 =	vld [tilespmem:s30+$0x0];
	s24 =	sadd.s32 $0x10, s24;
	[tilespmem:s4+$0x10] =	vst v0  }
0x611: {  	v0 =	vld [tilespmem:s30+$0xFFFFFF20];
	p1 =	slt.u32 s24, $0xF0;
	[tilespmem:s4+$0x20] =	vst v1  }
0x612: {  	v1 =	vld [tilespmem:s30+$0xFFFFFF30];
	[tilespmem:s4+$0x30] =	vst v2  }
0x613: {  	v2 =	vld [tilespmem:s30+$0xFFFFFF40];
	[tilespmem:s4+$0x40] =	vst v3  }
0x614: {  	v3 =	vld [tilespmem:s30+$0xFFFFFF50];
	[tilespmem:s4+$0x50] =	vst v4  }
0x615: {  	v4 =	vld [tilespmem:s30+$0xFFFFFF60];
	[tilespmem:s4+$0x60] =	vst v5  }
0x616: {  	v5 =	vld [tilespmem:s30+$0xFFFFFF70]  }
0x617: {  	v7 =	vld [tilespmem:s30+$0xFFFFFF80]  }
0x618: {  	v6 =	vld.idx.msk [tilespmem:v6+s3+$0x0], $0xffff  }
0x619: {  	v8 =	vld [tilespmem:s30+$0xFFFFFF90]  }
0x61a: {  	v9 =	vld [tilespmem:s30+$0xFFFFFFA0]  }
0x61b: {  	v10 =	vld [tilespmem:s30+$0xFFFFFFB0]  }
0x61c: {  	v11 =	vld [tilespmem:s30+$0xFFFFFFC0]  }
0x61d: {  	s4 =	sadd.s32 $0x200, s4;
	v12 =	vld [tilespmem:s30+$0xFFFFFFD0]  }
0x61e: {  	v13 =	vld [tilespmem:s30+$0xFFFFFFE0];
	[tilespmem:s4+$0x70] =	vst v6  }
0x61f: {  	v6 =	vld [tilespmem:s30+$0xFFFFFFF0]  }
0x620: {  	v14 =	vld [tilespmem:s30+$0xFFFFFF10]  }
0x621: {  	v0 =	vld.idx.msk [tilespmem:v0+s3+$0x0], $0xffff  }
0x622: {  	v1 =	vld.idx.msk [tilespmem:v1+s3+$0x0], $0xffff  }
0x623: {  	v2 =	vld.idx.msk [tilespmem:v2+s3+$0x0], $0xffff  }
0x624: {  	v3 =	vld.idx.msk [tilespmem:v3+s3+$0x0], $0xffff  }
0x625: {  	v4 =	vld.idx.msk [tilespmem:v4+s3+$0x0], $0xffff  }
0x626: {  	v5 =	vld.idx.msk [tilespmem:v5+s3+$0x0], $0xffff  }
0x627: {  	[tilespmem:s4+$0xFFFFFF10] =	vst v0;
	v7 =	vld.idx.msk [tilespmem:v7+s3+$0x0], $0xffff  }
0x628: {  	v14 =	vld.idx.msk [tilespmem:v14+s3+$0x0], $0xffff;
	[tilespmem:s4+$0xFFFFFF20] =	vst v1  }
0x629: {  	[tilespmem:s4+$0xFFFFFF30] =	vst v2;
	v8 =	vld.idx.msk [tilespmem:v8+s3+$0x0], $0xffff  }
0x62a: {  	[tilespmem:s4+$0xFFFFFF40] =	vst v3;
	v0 =	vld.idx.msk [tilespmem:v9+s3+$0x0], $0xffff  }
.Ltmp38:
0x62b: {  	[tilespmem:s4+$0xFFFFFF50] =	vst v4;
	v1 =	vld.idx.msk [tilespmem:v10+s3+$0x0], $0xffff;
	(pc) =	sbr.rel @p1 .LBB2_74-.Ltmp38, $4  }
0x62c: {  	[tilespmem:s4+$0xFFFFFF60] =	vst v5;
	v2 =	vld.idx.msk [tilespmem:v11+s3+$0x0], $0xffff  }
0x62d: {  	[tilespmem:s4+$0xFFFFFF70] =	vst v7;
	v3 =	vld.idx.msk [tilespmem:v12+s3+$0x0], $0xffff  }
0x62e: {  	[tilespmem:s4+$0xFFFFFF00] =	vst v14;
	v4 =	vld.idx.msk [tilespmem:v13+s3+$0x0], $0xffff  }
0x62f: {  	s30 =	sadd.s32 $0x100, s30;
	[tilespmem:s4+$0x0] =	vst v8;
	v5 =	vld.idx.msk [tilespmem:v6+s3+$0x0], $0xffff  }
0x630: {  	[tilespmem:s4+$0x10] =	vst v0  }
0x631: {  	[tilespmem:s4+$0x20] =	vst v1  }
0x632: {  	[tilespmem:s4+$0x30] =	vst v2  }
0x633: {  	[tilespmem:s4+$0x40] =	vst v3  }
0x634: {  	s24 =	simm.s32 $0x1C700;
	[tilespmem:s4+$0x50] =	vst v4  }
0x635: {  	s5 =	sadd.s32 $0x0, s28;
	s30 =	simm.s32 $0x1C800;
	[tilespmem:s4+$0x60] =	vst v5;
	s4 =	simm.s32 $0x80  }
.LBB2_76:
0x636: {  	[hbm4b:s5+s3] =	stream.linear.scatter [tilespmem:s24], [sflag:$0x1], $0x80, $0x38;
	[tilespmem:$0x1E700] =	vst v63  }
0x637: {  	s5 =	smov.u32 s4;
	s24 =	smov.u32 s30;
	p1 =	sne.s32 s4, $0xF80  }
.Ltmp39:
0x638: {  	s4 =	sadd.s32 $0x80, s4;
	(pc) =	sbr.rel @p1 .LBB2_76-.Ltmp39, $2  }
0x639: {  	_ =	sdelay $0x2  }
0x63a: {  	s30 =	sadd.s32 $0x100, s30;
	s5 =	sadd.s32 s5, s28  }
0x63b: {  	[hbm4b:s5+s3] =	stream.linear.scatter [tilespmem:s24], [sflag:$0x1], $0x80, $0x38;
	[tilespmem:$0x1E700] =	vst v63  }
0x63c: {  	s4 =	simm.s32 $0x2  }
0x63d: {  	_ =	swait.ge [sflag:s4], $0x1000  }
0x63e: {  	[sflag:s4] =	ssyncset.done $0x0  }
0x63f: {  	s24 =	simm.s32 $0x1B7F0;
	[sflag:s4] =	ssyncadd.s32 $0xFFFFF000  }
0x640: {  	v0 =	vld [tilespmem:s24+$0x0]  }
0x641: {  	v1 =	vld [tilespmem:s24+$0xFFFFFF20]  }
0x642: {  	v2 =	vld [tilespmem:s24+$0xFFFFFF30]  }
0x643: {  	v3 =	vld [tilespmem:s24+$0xFFFFFF40]  }
0x644: {  	v4 =	vld [tilespmem:s24+$0xFFFFFF50]  }
0x645: {  	v5 =	vld [tilespmem:s24+$0xFFFFFF60]  }
0x646: {  	v6 =	vld [tilespmem:s24+$0xFFFFFF70]  }
0x647: {  	v7 =	vld [tilespmem:s24+$0xFFFFFF80]  }
0x648: {  	v8 =	vld [tilespmem:s24+$0xFFFFFF90]  }
0x649: {  	v9 =	vld [tilespmem:s24+$0xFFFFFFA0]  }
0x64a: {  	v10 =	vld [tilespmem:s24+$0xFFFFFFB0]  }
0x64b: {  	v11 =	vld [tilespmem:s24+$0xFFFFFFC0]  }
0x64c: {  	v12 =	vld [tilespmem:s24+$0xFFFFFFD0]  }
0x64d: {  	v13 =	vld [tilespmem:s24+$0xFFFFFFE0]  }
0x64e: {  	v14 =	vld [tilespmem:s24+$0xFFFFFFF0]  }
0x64f: {  	v15 =	vld [tilespmem:s24+$0xFFFFFF10]  }
0x650: {  	v0 =	vld.idx.msk [tilespmem:v0+s3+$0x0], $0xffff  }
0x651: {  	v1 =	vld.idx.msk [tilespmem:v1+s3+$0x0], $0xffff  }
0x652: {  	v2 =	vld.idx.msk [tilespmem:v2+s3+$0x0], $0xffff  }
0x653: {  	v3 =	vld.idx.msk [tilespmem:v3+s3+$0x0], $0xffff  }
0x654: {  	v4 =	vld.idx.msk [tilespmem:v4+s3+$0x0], $0xffff  }
0x655: {  	s4 =	simm.s32 $0x1C880;
	v5 =	vld.idx.msk [tilespmem:v5+s3+$0x0], $0xffff  }
0x656: {  	v6 =	vld.idx.msk [tilespmem:v6+s3+$0x0], $0xffff;
	[tilespmem:s4+$0x70] =	vst v0  }
0x657: {  	v7 =	vld.idx.msk [tilespmem:v7+s3+$0x0], $0xffff;
	[tilespmem:s4+$0xFFFFFF10] =	vst v1  }
0x658: {  	v15 =	vld.idx.msk [tilespmem:v15+s3+$0x0], $0xffff;
	[tilespmem:s4+$0xFFFFFF20] =	vst v2  }
0x659: {  	v8 =	vld.idx.msk [tilespmem:v8+s3+$0x0], $0xffff;
	[tilespmem:s4+$0xFFFFFF30] =	vst v3  }
0x65a: {  	[tilespmem:s4+$0xFFFFFF40] =	vst v4;
	v0 =	vld.idx.msk [tilespmem:v9+s3+$0x0], $0xffff  }
0x65b: {  	[tilespmem:s4+$0xFFFFFF50] =	vst v5;
	v1 =	vld.idx.msk [tilespmem:v10+s3+$0x0], $0xffff  }
0x65c: {  	[tilespmem:s4+$0xFFFFFF60] =	vst v6;
	v2 =	vld.idx.msk [tilespmem:v11+s3+$0x0], $0xffff  }
0x65d: {  	[tilespmem:s4+$0xFFFFFF70] =	vst v7;
	v3 =	vld.idx.msk [tilespmem:v12+s3+$0x0], $0xffff  }
0x65e: {  	[tilespmem:s4+$0xFFFFFF00] =	vst v15;
	v4 =	vld.idx.msk [tilespmem:v13+s3+$0x0], $0xffff  }
0x65f: {  	s30 =	simm.s32 $0x1B8F0;
	s24 =	simm.s32 $0x0;
	[tilespmem:s4+$0x0] =	vst v8;
	v5 =	vld.idx.msk [tilespmem:v14+s3+$0x0], $0xffff  }
.LBB2_78:
0x660: {  	v6 =	vld [tilespmem:s30+$0x0];
	s24 =	sadd.s32 $0x10, s24;
	[tilespmem:s4+$0x10] =	vst v0  }
0x661: {  	v0 =	vld [tilespmem:s30+$0xFFFFFF20];
	p1 =	slt.u32 s24, $0xF0;
	[tilespmem:s4+$0x20] =	vst v1  }
0x662: {  	v1 =	vld [tilespmem:s30+$0xFFFFFF30];
	[tilespmem:s4+$0x30] =	vst v2  }
0x663: {  	v2 =	vld [tilespmem:s30+$0xFFFFFF40];
	[tilespmem:s4+$0x40] =	vst v3  }
0x664: {  	v3 =	vld [tilespmem:s30+$0xFFFFFF50];
	[tilespmem:s4+$0x50] =	vst v4  }
0x665: {  	v4 =	vld [tilespmem:s30+$0xFFFFFF60];
	[tilespmem:s4+$0x60] =	vst v5  }
0x666: {  	v5 =	vld [tilespmem:s30+$0xFFFFFF70]  }
0x667: {  	v7 =	vld [tilespmem:s30+$0xFFFFFF80]  }
0x668: {  	v6 =	vld.idx.msk [tilespmem:v6+s3+$0x0], $0xffff  }
0x669: {  	v8 =	vld [tilespmem:s30+$0xFFFFFF90]  }
0x66a: {  	v9 =	vld [tilespmem:s30+$0xFFFFFFA0]  }
0x66b: {  	v10 =	vld [tilespmem:s30+$0xFFFFFFB0]  }
0x66c: {  	v11 =	vld [tilespmem:s30+$0xFFFFFFC0]  }
0x66d: {  	s4 =	sadd.s32 $0x200, s4;
	v12 =	vld [tilespmem:s30+$0xFFFFFFD0]  }
0x66e: {  	v13 =	vld [tilespmem:s30+$0xFFFFFFE0];
	[tilespmem:s4+$0x70] =	vst v6  }
0x66f: {  	v6 =	vld [tilespmem:s30+$0xFFFFFFF0]  }
0x670: {  	v14 =	vld [tilespmem:s30+$0xFFFFFF10]  }
0x671: {  	v0 =	vld.idx.msk [tilespmem:v0+s3+$0x0], $0xffff  }
0x672: {  	v1 =	vld.idx.msk [tilespmem:v1+s3+$0x0], $0xffff  }
0x673: {  	v2 =	vld.idx.msk [tilespmem:v2+s3+$0x0], $0xffff  }
0x674: {  	v3 =	vld.idx.msk [tilespmem:v3+s3+$0x0], $0xffff  }
0x675: {  	v4 =	vld.idx.msk [tilespmem:v4+s3+$0x0], $0xffff  }
0x676: {  	v5 =	vld.idx.msk [tilespmem:v5+s3+$0x0], $0xffff  }
0x677: {  	[tilespmem:s4+$0xFFFFFF10] =	vst v0;
	v7 =	vld.idx.msk [tilespmem:v7+s3+$0x0], $0xffff  }
0x678: {  	v14 =	vld.idx.msk [tilespmem:v14+s3+$0x0], $0xffff;
	[tilespmem:s4+$0xFFFFFF20] =	vst v1  }
0x679: {  	[tilespmem:s4+$0xFFFFFF30] =	vst v2;
	v8 =	vld.idx.msk [tilespmem:v8+s3+$0x0], $0xffff  }
0x67a: {  	[tilespmem:s4+$0xFFFFFF40] =	vst v3;
	v0 =	vld.idx.msk [tilespmem:v9+s3+$0x0], $0xffff  }
.Ltmp40:
0x67b: {  	[tilespmem:s4+$0xFFFFFF50] =	vst v4;
	v1 =	vld.idx.msk [tilespmem:v10+s3+$0x0], $0xffff;
	(pc) =	sbr.rel @p1 .LBB2_78-.Ltmp40, $4  }
0x67c: {  	[tilespmem:s4+$0xFFFFFF60] =	vst v5;
	v2 =	vld.idx.msk [tilespmem:v11+s3+$0x0], $0xffff  }
0x67d: {  	[tilespmem:s4+$0xFFFFFF70] =	vst v7;
	v3 =	vld.idx.msk [tilespmem:v12+s3+$0x0], $0xffff  }
0x67e: {  	[tilespmem:s4+$0xFFFFFF00] =	vst v14;
	v4 =	vld.idx.msk [tilespmem:v13+s3+$0x0], $0xffff  }
0x67f: {  	s30 =	sadd.s32 $0x100, s30;
	[tilespmem:s4+$0x0] =	vst v8;
	v5 =	vld.idx.msk [tilespmem:v6+s3+$0x0], $0xffff  }
0x680: {  	[tilespmem:s4+$0x10] =	vst v0  }
0x681: {  	[tilespmem:s4+$0x20] =	vst v1  }
0x682: {  	[tilespmem:s4+$0x30] =	vst v2  }
0x683: {  	[tilespmem:s4+$0x40] =	vst v3  }
0x684: {  	s24 =	simm.s32 $0x1C780;
	[tilespmem:s4+$0x50] =	vst v4  }
0x685: {  	s5 =	sadd.s32 $0x0, s29;
	s30 =	simm.s32 $0x1C880;
	[tilespmem:s4+$0x60] =	vst v5;
	s4 =	simm.s32 $0x80  }
.LBB2_80:
0x686: {  	[hbm4b:s5+s3] =	stream.linear.scatter [tilespmem:s24], [sflag:$0x2], $0x80, $0x38;
	[tilespmem:$0x1E700] =	vst v63  }
0x687: {  	s5 =	smov.u32 s4;
	s24 =	smov.u32 s30;
	p1 =	sne.s32 s4, $0xF80  }
.Ltmp41:
0x688: {  	s4 =	sadd.s32 $0x80, s4;
	(pc) =	sbr.rel @p1 .LBB2_80-.Ltmp41, $2  }
0x689: {  	_ =	sdelay $0x2  }
0x68a: {  	s30 =	sadd.s32 $0x100, s30;
	s5 =	sadd.s32 s5, s29  }
0x68b: {  	[hbm4b:s5+s3] =	stream.linear.scatter [tilespmem:s24], [sflag:$0x2], $0x80, $0x38;
	[tilespmem:$0x1E700] =	vst v63  }
0x68c: {  	s4 =	simm.s32 $0x1  }
0x68d: {  	_ =	swait.ge [sflag:s4], $0x1000  }
0x68e: {  	[sflag:s4] =	ssyncset.done $0x0  }
0x68f: {  	s24 =	simm.s32 $0x2;
	[sflag:s4] =	ssyncadd.s32 $0xFFFFF000  }
0x690: {  	_ =	swait.ge [sflag:s24], $0x1000  }
0x691: {  	s5 =	simm.s32 $0x80;
	[sflag:s24] =	ssyncset.done $0x0  }
0x692: {  	s4 =	rddreg [dreg:$0xa];
	[sflag:s24] =	ssyncadd.s32 $0xFFFFF000;
	s24 =	simm.s32 $0x400  }
0x693: {  	[tilespmem:s3], [sflag:$0x3] =	stream.strided.gather [hbm4b:s4+s5], $0x18700, s24, s5, $0x38;
	[tilespmem:$0x1E700] =	vst v63  }
0x694: {  	s5 =	simm.s32 $0x3  }
0x695: {  	_ =	swait.ge [sflag:s5], $0x18700  }
0x696: {  	[sflag:s5] =	ssyncset.done $0x0  }
0x697: {  	s24 =	simm.s32 $0x18780;
	[sflag:s5] =	ssyncadd.s32 $0xFFFE7900  }
0x698: {  	v0 =	vld [tilespmem:s24+$0x70]  }
0x699: {  	v1 =	vld [tilespmem:s24+$0xFFFFFF90]  }
0x69a: {  	v2 =	vld [tilespmem:s24+$0xFFFFFFA0]  }
0x69b: {  	v3 =	vld [tilespmem:s24+$0xFFFFFFB0]  }
0x69c: {  	v4 =	vld [tilespmem:s24+$0xFFFFFFC0]  }
0x69d: {  	v5 =	vld [tilespmem:s24+$0xFFFFFFD0]  }
0x69e: {  	v6 =	vld [tilespmem:s24+$0xFFFFFFE0]  }
0x69f: {  	v7 =	vld [tilespmem:s24+$0xFFFFFFF0]  }
0x6a0: {  	v8 =	vld [tilespmem:s24+$0x0]  }
0x6a1: {  	v9 =	vld [tilespmem:s24+$0x10]  }
0x6a2: {  	v10 =	vld [tilespmem:s24+$0x20]  }
0x6a3: {  	v11 =	vld [tilespmem:s24+$0x30]  }
0x6a4: {  	v12 =	vld [tilespmem:s24+$0x40]  }
0x6a5: {  	v13 =	vld [tilespmem:s24+$0x50]  }
0x6a6: {  	v14 =	vld [tilespmem:s24+$0x60]  }
0x6a7: {  	v15 =	vld [tilespmem:s24+$0xFFFFFF80]  }
0x6a8: {  	v0 =	vld.idx.msk [tilespmem:v0+s3+$0x0], $0xffff  }
0x6a9: {  	v1 =	vld.idx.msk [tilespmem:v1+s3+$0x0], $0xffff  }
0x6aa: {  	v2 =	vld.idx.msk [tilespmem:v2+s3+$0x0], $0xffff  }
0x6ab: {  	v3 =	vld.idx.msk [tilespmem:v3+s3+$0x0], $0xffff  }
0x6ac: {  	v4 =	vld.idx.msk [tilespmem:v4+s3+$0x0], $0xffff  }
0x6ad: {  	s4 =	simm.s32 $0x1C800;
	v5 =	vld.idx.msk [tilespmem:v5+s3+$0x0], $0xffff  }
0x6ae: {  	v6 =	vld.idx.msk [tilespmem:v6+s3+$0x0], $0xffff;
	[tilespmem:s4+$0x70] =	vst v0  }
0x6af: {  	v7 =	vld.idx.msk [tilespmem:v7+s3+$0x0], $0xffff;
	[tilespmem:s4+$0xFFFFFF10] =	vst v1  }
0x6b0: {  	v15 =	vld.idx.msk [tilespmem:v15+s3+$0x0], $0xffff;
	[tilespmem:s4+$0xFFFFFF20] =	vst v2  }
0x6b1: {  	v8 =	vld.idx.msk [tilespmem:v8+s3+$0x0], $0xffff;
	[tilespmem:s4+$0xFFFFFF30] =	vst v3  }
0x6b2: {  	[tilespmem:s4+$0xFFFFFF40] =	vst v4;
	v0 =	vld.idx.msk [tilespmem:v9+s3+$0x0], $0xffff  }
0x6b3: {  	[tilespmem:s4+$0xFFFFFF50] =	vst v5;
	v1 =	vld.idx.msk [tilespmem:v10+s3+$0x0], $0xffff  }
0x6b4: {  	[tilespmem:s4+$0xFFFFFF60] =	vst v6;
	v2 =	vld.idx.msk [tilespmem:v11+s3+$0x0], $0xffff  }
0x6b5: {  	[tilespmem:s4+$0xFFFFFF70] =	vst v7;
	v3 =	vld.idx.msk [tilespmem:v12+s3+$0x0], $0xffff  }
0x6b6: {  	[tilespmem:s4+$0xFFFFFF00] =	vst v15;
	v4 =	vld.idx.msk [tilespmem:v13+s3+$0x0], $0xffff  }
0x6b7: {  	s30 =	simm.s32 $0x18880;
	s24 =	simm.s32 $0x0;
	[tilespmem:s4+$0x0] =	vst v8;
	v5 =	vld.idx.msk [tilespmem:v14+s3+$0x0], $0xffff  }
.LBB2_82:
0x6b8: {  	v6 =	vld [tilespmem:s30+$0x70];
	s24 =	sadd.s32 $0x10, s24;
	[tilespmem:s4+$0x10] =	vst v0  }
0x6b9: {  	v0 =	vld [tilespmem:s30+$0xFFFFFF90];
	p1 =	slt.u32 s24, $0xF0;
	[tilespmem:s4+$0x20] =	vst v1  }
0x6ba: {  	v1 =	vld [tilespmem:s30+$0xFFFFFFA0];
	[tilespmem:s4+$0x30] =	vst v2  }
0x6bb: {  	v2 =	vld [tilespmem:s30+$0xFFFFFFB0];
	[tilespmem:s4+$0x40] =	vst v3  }
0x6bc: {  	v3 =	vld [tilespmem:s30+$0xFFFFFFC0];
	[tilespmem:s4+$0x50] =	vst v4  }
0x6bd: {  	v4 =	vld [tilespmem:s30+$0xFFFFFFD0];
	[tilespmem:s4+$0x60] =	vst v5  }
0x6be: {  	v5 =	vld [tilespmem:s30+$0xFFFFFFE0]  }
0x6bf: {  	v7 =	vld [tilespmem:s30+$0xFFFFFFF0]  }
0x6c0: {  	v6 =	vld.idx.msk [tilespmem:v6+s3+$0x0], $0xffff  }
0x6c1: {  	v8 =	vld [tilespmem:s30+$0x0]  }
0x6c2: {  	v9 =	vld [tilespmem:s30+$0x10]  }
0x6c3: {  	v10 =	vld [tilespmem:s30+$0x20]  }
0x6c4: {  	v11 =	vld [tilespmem:s30+$0x30]  }
0x6c5: {  	s4 =	sadd.s32 $0x200, s4;
	v12 =	vld [tilespmem:s30+$0x40]  }
0x6c6: {  	v13 =	vld [tilespmem:s30+$0x50];
	[tilespmem:s4+$0x70] =	vst v6  }
0x6c7: {  	v6 =	vld [tilespmem:s30+$0x60]  }
0x6c8: {  	v14 =	vld [tilespmem:s30+$0xFFFFFF80]  }
0x6c9: {  	v0 =	vld.idx.msk [tilespmem:v0+s3+$0x0], $0xffff  }
0x6ca: {  	v1 =	vld.idx.msk [tilespmem:v1+s3+$0x0], $0xffff  }
0x6cb: {  	v2 =	vld.idx.msk [tilespmem:v2+s3+$0x0], $0xffff  }
0x6cc: {  	v3 =	vld.idx.msk [tilespmem:v3+s3+$0x0], $0xffff  }
0x6cd: {  	v4 =	vld.idx.msk [tilespmem:v4+s3+$0x0], $0xffff  }
0x6ce: {  	v5 =	vld.idx.msk [tilespmem:v5+s3+$0x0], $0xffff  }
0x6cf: {  	[tilespmem:s4+$0xFFFFFF10] =	vst v0;
	v7 =	vld.idx.msk [tilespmem:v7+s3+$0x0], $0xffff  }
0x6d0: {  	v14 =	vld.idx.msk [tilespmem:v14+s3+$0x0], $0xffff;
	[tilespmem:s4+$0xFFFFFF20] =	vst v1  }
0x6d1: {  	[tilespmem:s4+$0xFFFFFF30] =	vst v2;
	v8 =	vld.idx.msk [tilespmem:v8+s3+$0x0], $0xffff  }
0x6d2: {  	[tilespmem:s4+$0xFFFFFF40] =	vst v3;
	v0 =	vld.idx.msk [tilespmem:v9+s3+$0x0], $0xffff  }
.Ltmp42:
0x6d3: {  	[tilespmem:s4+$0xFFFFFF50] =	vst v4;
	v1 =	vld.idx.msk [tilespmem:v10+s3+$0x0], $0xffff;
	(pc) =	sbr.rel @p1 .LBB2_82-.Ltmp42, $4  }
0x6d4: {  	[tilespmem:s4+$0xFFFFFF60] =	vst v5;
	v2 =	vld.idx.msk [tilespmem:v11+s3+$0x0], $0xffff  }
0x6d5: {  	[tilespmem:s4+$0xFFFFFF70] =	vst v7;
	v3 =	vld.idx.msk [tilespmem:v12+s3+$0x0], $0xffff  }
0x6d6: {  	[tilespmem:s4+$0xFFFFFF00] =	vst v14;
	v4 =	vld.idx.msk [tilespmem:v13+s3+$0x0], $0xffff  }
0x6d7: {  	s30 =	sadd.s32 $0x100, s30;
	[tilespmem:s4+$0x0] =	vst v8;
	v5 =	vld.idx.msk [tilespmem:v6+s3+$0x0], $0xffff  }
0x6d8: {  	[tilespmem:s4+$0x10] =	vst v0  }
0x6d9: {  	[tilespmem:s4+$0x20] =	vst v1  }
0x6da: {  	[tilespmem:s4+$0x30] =	vst v2  }
0x6db: {  	[tilespmem:s4+$0x40] =	vst v3  }
0x6dc: {  	[tilespmem:s4+$0x50] =	vst v4  }
0x6dd: {  	s5 =	simm.s32 $0x1C700;
	[tilespmem:s4+$0x60] =	vst v5;
	s4 =	simm.s32 $0x0  }
.LBB2_84:
0x6de: {  	p1 =	sne.s32 s4, $0xF80  }
.Ltmp43:
0x6df: {  	_ = 	snop;
	(pc) =	sbr.rel @p1 .LBB2_84-.Ltmp43, $4  }
0x6e0: {  	_ = 	snop  }
0x6e1: {  	s24 =	sadd.s32 s4, s31  }
0x6e2: {  	[hbm4b:s24+s3] =	stream.linear.scatter [tilespmem:s5], [sflag:$0x1], $0x80, $0x38;
	[tilespmem:$0x1E700] =	vst v63  }
0x6e3: {  	s4 =	sadd.s32 $0x80, s4;
	s5 =	sadd.s32 $0x100, s5  }
0x6e4: {  	s4 =	simm.s32 $0x197F0  }
0x6e5: {  	v0 =	vld [tilespmem:s4+$0x0]  }
0x6e6: {  	v1 =	vld [tilespmem:s4+$0xFFFFFF20]  }
0x6e7: {  	v2 =	vld [tilespmem:s4+$0xFFFFFF30]  }
0x6e8: {  	v3 =	vld [tilespmem:s4+$0xFFFFFF40]  }
0x6e9: {  	v4 =	vld [tilespmem:s4+$0xFFFFFF50]  }
0x6ea: {  	v5 =	vld [tilespmem:s4+$0xFFFFFF60]  }
0x6eb: {  	v6 =	vld [tilespmem:s4+$0xFFFFFF70]  }
0x6ec: {  	v7 =	vld [tilespmem:s4+$0xFFFFFF80]  }
0x6ed: {  	v8 =	vld [tilespmem:s4+$0xFFFFFF90]  }
0x6ee: {  	v9 =	vld [tilespmem:s4+$0xFFFFFFA0]  }
0x6ef: {  	v10 =	vld [tilespmem:s4+$0xFFFFFFB0]  }
0x6f0: {  	v11 =	vld [tilespmem:s4+$0xFFFFFFC0]  }
0x6f1: {  	v12 =	vld [tilespmem:s4+$0xFFFFFFD0]  }
0x6f2: {  	v13 =	vld [tilespmem:s4+$0xFFFFFFE0]  }
0x6f3: {  	v14 =	vld [tilespmem:s4+$0xFFFFFFF0]  }
0x6f4: {  	v15 =	vld [tilespmem:s4+$0xFFFFFF10]  }
0x6f5: {  	v0 =	vld.idx.msk [tilespmem:v0+s3+$0x0], $0xffff  }
0x6f6: {  	v1 =	vld.idx.msk [tilespmem:v1+s3+$0x0], $0xffff  }
0x6f7: {  	v2 =	vld.idx.msk [tilespmem:v2+s3+$0x0], $0xffff  }
0x6f8: {  	v3 =	vld.idx.msk [tilespmem:v3+s3+$0x0], $0xffff  }
0x6f9: {  	v4 =	vld.idx.msk [tilespmem:v4+s3+$0x0], $0xffff  }
0x6fa: {  	s4 =	simm.s32 $0x1C880;
	v5 =	vld.idx.msk [tilespmem:v5+s3+$0x0], $0xffff  }
0x6fb: {  	v6 =	vld.idx.msk [tilespmem:v6+s3+$0x0], $0xffff;
	[tilespmem:s4+$0x70] =	vst v0  }
0x6fc: {  	v7 =	vld.idx.msk [tilespmem:v7+s3+$0x0], $0xffff;
	[tilespmem:s4+$0xFFFFFF10] =	vst v1  }
0x6fd: {  	v15 =	vld.idx.msk [tilespmem:v15+s3+$0x0], $0xffff;
	[tilespmem:s4+$0xFFFFFF20] =	vst v2  }
0x6fe: {  	v8 =	vld.idx.msk [tilespmem:v8+s3+$0x0], $0xffff;
	[tilespmem:s4+$0xFFFFFF30] =	vst v3  }
0x6ff: {  	[tilespmem:s4+$0xFFFFFF40] =	vst v4;
	v0 =	vld.idx.msk [tilespmem:v9+s3+$0x0], $0xffff  }
0x700: {  	[tilespmem:s4+$0xFFFFFF50] =	vst v5;
	v1 =	vld.idx.msk [tilespmem:v10+s3+$0x0], $0xffff  }
0x701: {  	[tilespmem:s4+$0xFFFFFF60] =	vst v6;
	v2 =	vld.idx.msk [tilespmem:v11+s3+$0x0], $0xffff  }
0x702: {  	[tilespmem:s4+$0xFFFFFF70] =	vst v7;
	v3 =	vld.idx.msk [tilespmem:v12+s3+$0x0], $0xffff  }
0x703: {  	[tilespmem:s4+$0xFFFFFF00] =	vst v15;
	v4 =	vld.idx.msk [tilespmem:v13+s3+$0x0], $0xffff  }
0x704: {  	s24 =	simm.s32 $0x0;
	s30 =	simm.s32 $0x198F0;
	[tilespmem:s4+$0x0] =	vst v8;
	v5 =	vld.idx.msk [tilespmem:v14+s3+$0x0], $0xffff  }
.LBB2_86:
0x705: {  	v6 =	vld [tilespmem:s30+$0x0];
	s24 =	sadd.s32 $0x10, s24;
	[tilespmem:s4+$0x10] =	vst v0  }
0x706: {  	v0 =	vld [tilespmem:s30+$0xFFFFFF20];
	p1 =	slt.u32 s24, $0xF0;
	[tilespmem:s4+$0x20] =	vst v1  }
0x707: {  	v1 =	vld [tilespmem:s30+$0xFFFFFF30];
	[tilespmem:s4+$0x30] =	vst v2  }
0x708: {  	v2 =	vld [tilespmem:s30+$0xFFFFFF40];
	[tilespmem:s4+$0x40] =	vst v3  }
0x709: {  	v3 =	vld [tilespmem:s30+$0xFFFFFF50];
	[tilespmem:s4+$0x50] =	vst v4  }
0x70a: {  	v4 =	vld [tilespmem:s30+$0xFFFFFF60];
	[tilespmem:s4+$0x60] =	vst v5  }
0x70b: {  	v5 =	vld [tilespmem:s30+$0xFFFFFF70]  }
0x70c: {  	v7 =	vld [tilespmem:s30+$0xFFFFFF80]  }
0x70d: {  	v6 =	vld.idx.msk [tilespmem:v6+s3+$0x0], $0xffff  }
0x70e: {  	v8 =	vld [tilespmem:s30+$0xFFFFFF90]  }
0x70f: {  	v9 =	vld [tilespmem:s30+$0xFFFFFFA0]  }
0x710: {  	v10 =	vld [tilespmem:s30+$0xFFFFFFB0]  }
0x711: {  	v11 =	vld [tilespmem:s30+$0xFFFFFFC0]  }
0x712: {  	s4 =	sadd.s32 $0x200, s4;
	v12 =	vld [tilespmem:s30+$0xFFFFFFD0]  }
0x713: {  	v13 =	vld [tilespmem:s30+$0xFFFFFFE0];
	[tilespmem:s4+$0x70] =	vst v6  }
0x714: {  	v6 =	vld [tilespmem:s30+$0xFFFFFFF0]  }
0x715: {  	v14 =	vld [tilespmem:s30+$0xFFFFFF10]  }
0x716: {  	v0 =	vld.idx.msk [tilespmem:v0+s3+$0x0], $0xffff  }
0x717: {  	v1 =	vld.idx.msk [tilespmem:v1+s3+$0x0], $0xffff  }
0x718: {  	v2 =	vld.idx.msk [tilespmem:v2+s3+$0x0], $0xffff  }
0x719: {  	v3 =	vld.idx.msk [tilespmem:v3+s3+$0x0], $0xffff  }
0x71a: {  	v4 =	vld.idx.msk [tilespmem:v4+s3+$0x0], $0xffff  }
0x71b: {  	v5 =	vld.idx.msk [tilespmem:v5+s3+$0x0], $0xffff  }
0x71c: {  	[tilespmem:s4+$0xFFFFFF10] =	vst v0;
	v7 =	vld.idx.msk [tilespmem:v7+s3+$0x0], $0xffff  }
0x71d: {  	v14 =	vld.idx.msk [tilespmem:v14+s3+$0x0], $0xffff;
	[tilespmem:s4+$0xFFFFFF20] =	vst v1  }
0x71e: {  	[tilespmem:s4+$0xFFFFFF30] =	vst v2;
	v8 =	vld.idx.msk [tilespmem:v8+s3+$0x0], $0xffff  }
0x71f: {  	[tilespmem:s4+$0xFFFFFF40] =	vst v3;
	v0 =	vld.idx.msk [tilespmem:v9+s3+$0x0], $0xffff  }
.Ltmp44:
0x720: {  	[tilespmem:s4+$0xFFFFFF50] =	vst v4;
	v1 =	vld.idx.msk [tilespmem:v10+s3+$0x0], $0xffff;
	(pc) =	sbr.rel @p1 .LBB2_86-.Ltmp44, $4  }
0x721: {  	[tilespmem:s4+$0xFFFFFF60] =	vst v5;
	v2 =	vld.idx.msk [tilespmem:v11+s3+$0x0], $0xffff  }
0x722: {  	[tilespmem:s4+$0xFFFFFF70] =	vst v7;
	v3 =	vld.idx.msk [tilespmem:v12+s3+$0x0], $0xffff  }
0x723: {  	[tilespmem:s4+$0xFFFFFF00] =	vst v14;
	v4 =	vld.idx.msk [tilespmem:v13+s3+$0x0], $0xffff  }
0x724: {  	s30 =	sadd.s32 $0x100, s30;
	[tilespmem:s4+$0x0] =	vst v8;
	v5 =	vld.idx.msk [tilespmem:v6+s3+$0x0], $0xffff  }
0x725: {  	[tilespmem:s4+$0x10] =	vst v0  }
0x726: {  	[tilespmem:s4+$0x20] =	vst v1  }
0x727: {  	[tilespmem:s4+$0x30] =	vst v2  }
0x728: {  	[tilespmem:s4+$0x40] =	vst v3  }
0x729: {  	s24 =	simm.s32 $0x1C780;
	[tilespmem:s4+$0x50] =	vst v4  }
0x72a: {  	s5 =	sadd.s32 $0x0, s0;
	s30 =	simm.s32 $0x1C880;
	[tilespmem:s4+$0x60] =	vst v5;
	s4 =	simm.s32 $0x80  }
.LBB2_88:
0x72b: {  	[hbm4b:s5+s3] =	stream.linear.scatter [tilespmem:s24], [sflag:$0x2], $0x80, $0x38;
	[tilespmem:$0x1E700] =	vst v63  }
0x72c: {  	s5 =	smov.u32 s4;
	s24 =	smov.u32 s30;
	p1 =	sne.s32 s4, $0xF80  }
.Ltmp45:
0x72d: {  	s4 =	sadd.s32 $0x80, s4;
	(pc) =	sbr.rel @p1 .LBB2_88-.Ltmp45, $2  }
0x72e: {  	_ =	sdelay $0x2  }
0x72f: {  	s30 =	sadd.s32 $0x100, s30;
	s5 =	sadd.s32 s5, s0  }
0x730: {  	[hbm4b:s5+s3] =	stream.linear.scatter [tilespmem:s24], [sflag:$0x2], $0x80, $0x38;
	[tilespmem:$0x1E700] =	vst v63  }
0x731: {  	s4 =	simm.s32 $0x1  }
0x732: {  	_ =	swait.ge [sflag:s4], $0x1000  }
0x733: {  	[sflag:s4] =	ssyncset.done $0x0  }
0x734: {  	s24 =	simm.s32 $0x1A7F0;
	[sflag:s4] =	ssyncadd.s32 $0xFFFFF000  }
0x735: {  	v0 =	vld [tilespmem:s24+$0x0]  }
0x736: {  	v1 =	vld [tilespmem:s24+$0xFFFFFF20]  }
0x737: {  	v2 =	vld [tilespmem:s24+$0xFFFFFF30]  }
0x738: {  	v3 =	vld [tilespmem:s24+$0xFFFFFF40]  }
0x739: {  	v4 =	vld [tilespmem:s24+$0xFFFFFF50]  }
0x73a: {  	v5 =	vld [tilespmem:s24+$0xFFFFFF60]  }
0x73b: {  	v6 =	vld [tilespmem:s24+$0xFFFFFF70]  }
0x73c: {  	v7 =	vld [tilespmem:s24+$0xFFFFFF80]  }
0x73d: {  	v8 =	vld [tilespmem:s24+$0xFFFFFF90]  }
0x73e: {  	v9 =	vld [tilespmem:s24+$0xFFFFFFA0]  }
0x73f: {  	v10 =	vld [tilespmem:s24+$0xFFFFFFB0]  }
0x740: {  	v11 =	vld [tilespmem:s24+$0xFFFFFFC0]  }
0x741: {  	v12 =	vld [tilespmem:s24+$0xFFFFFFD0]  }
0x742: {  	v13 =	vld [tilespmem:s24+$0xFFFFFFE0]  }
0x743: {  	v14 =	vld [tilespmem:s24+$0xFFFFFFF0]  }
0x744: {  	v15 =	vld [tilespmem:s24+$0xFFFFFF10]  }
0x745: {  	v0 =	vld.idx.msk [tilespmem:v0+s3+$0x0], $0xffff  }
0x746: {  	v1 =	vld.idx.msk [tilespmem:v1+s3+$0x0], $0xffff  }
0x747: {  	v2 =	vld.idx.msk [tilespmem:v2+s3+$0x0], $0xffff  }
0x748: {  	v3 =	vld.idx.msk [tilespmem:v3+s3+$0x0], $0xffff  }
0x749: {  	v4 =	vld.idx.msk [tilespmem:v4+s3+$0x0], $0xffff  }
0x74a: {  	s4 =	simm.s32 $0x1C800;
	v5 =	vld.idx.msk [tilespmem:v5+s3+$0x0], $0xffff  }
0x74b: {  	v6 =	vld.idx.msk [tilespmem:v6+s3+$0x0], $0xffff;
	[tilespmem:s4+$0x70] =	vst v0  }
0x74c: {  	v7 =	vld.idx.msk [tilespmem:v7+s3+$0x0], $0xffff;
	[tilespmem:s4+$0xFFFFFF10] =	vst v1  }
0x74d: {  	v15 =	vld.idx.msk [tilespmem:v15+s3+$0x0], $0xffff;
	[tilespmem:s4+$0xFFFFFF20] =	vst v2  }
0x74e: {  	v8 =	vld.idx.msk [tilespmem:v8+s3+$0x0], $0xffff;
	[tilespmem:s4+$0xFFFFFF30] =	vst v3  }
0x74f: {  	[tilespmem:s4+$0xFFFFFF40] =	vst v4;
	v0 =	vld.idx.msk [tilespmem:v9+s3+$0x0], $0xffff  }
0x750: {  	[tilespmem:s4+$0xFFFFFF50] =	vst v5;
	v1 =	vld.idx.msk [tilespmem:v10+s3+$0x0], $0xffff  }
0x751: {  	[tilespmem:s4+$0xFFFFFF60] =	vst v6;
	v2 =	vld.idx.msk [tilespmem:v11+s3+$0x0], $0xffff  }
0x752: {  	[tilespmem:s4+$0xFFFFFF70] =	vst v7;
	v3 =	vld.idx.msk [tilespmem:v12+s3+$0x0], $0xffff  }
0x753: {  	[tilespmem:s4+$0xFFFFFF00] =	vst v15;
	v4 =	vld.idx.msk [tilespmem:v13+s3+$0x0], $0xffff  }
0x754: {  	s30 =	simm.s32 $0x1A8F0;
	s24 =	simm.s32 $0x0;
	[tilespmem:s4+$0x0] =	vst v8;
	v5 =	vld.idx.msk [tilespmem:v14+s3+$0x0], $0xffff  }
.LBB2_90:
0x755: {  	v6 =	vld [tilespmem:s30+$0x0];
	s24 =	sadd.s32 $0x10, s24;
	[tilespmem:s4+$0x10] =	vst v0  }
0x756: {  	v0 =	vld [tilespmem:s30+$0xFFFFFF20];
	p1 =	slt.u32 s24, $0xF0;
	[tilespmem:s4+$0x20] =	vst v1  }
0x757: {  	v1 =	vld [tilespmem:s30+$0xFFFFFF30];
	[tilespmem:s4+$0x30] =	vst v2  }
0x758: {  	v2 =	vld [tilespmem:s30+$0xFFFFFF40];
	[tilespmem:s4+$0x40] =	vst v3  }
0x759: {  	v3 =	vld [tilespmem:s30+$0xFFFFFF50];
	[tilespmem:s4+$0x50] =	vst v4  }
0x75a: {  	v4 =	vld [tilespmem:s30+$0xFFFFFF60];
	[tilespmem:s4+$0x60] =	vst v5  }
0x75b: {  	v5 =	vld [tilespmem:s30+$0xFFFFFF70]  }
0x75c: {  	v7 =	vld [tilespmem:s30+$0xFFFFFF80]  }
0x75d: {  	v6 =	vld.idx.msk [tilespmem:v6+s3+$0x0], $0xffff  }
0x75e: {  	v8 =	vld [tilespmem:s30+$0xFFFFFF90]  }
0x75f: {  	v9 =	vld [tilespmem:s30+$0xFFFFFFA0]  }
0x760: {  	v10 =	vld [tilespmem:s30+$0xFFFFFFB0]  }
0x761: {  	v11 =	vld [tilespmem:s30+$0xFFFFFFC0]  }
0x762: {  	s4 =	sadd.s32 $0x200, s4;
	v12 =	vld [tilespmem:s30+$0xFFFFFFD0]  }
0x763: {  	v13 =	vld [tilespmem:s30+$0xFFFFFFE0];
	[tilespmem:s4+$0x70] =	vst v6  }
0x764: {  	v6 =	vld [tilespmem:s30+$0xFFFFFFF0]  }
0x765: {  	v14 =	vld [tilespmem:s30+$0xFFFFFF10]  }
0x766: {  	v0 =	vld.idx.msk [tilespmem:v0+s3+$0x0], $0xffff  }
0x767: {  	v1 =	vld.idx.msk [tilespmem:v1+s3+$0x0], $0xffff  }
0x768: {  	v2 =	vld.idx.msk [tilespmem:v2+s3+$0x0], $0xffff  }
0x769: {  	v3 =	vld.idx.msk [tilespmem:v3+s3+$0x0], $0xffff  }
0x76a: {  	v4 =	vld.idx.msk [tilespmem:v4+s3+$0x0], $0xffff  }
0x76b: {  	v5 =	vld.idx.msk [tilespmem:v5+s3+$0x0], $0xffff  }
0x76c: {  	[tilespmem:s4+$0xFFFFFF10] =	vst v0;
	v7 =	vld.idx.msk [tilespmem:v7+s3+$0x0], $0xffff  }
0x76d: {  	v14 =	vld.idx.msk [tilespmem:v14+s3+$0x0], $0xffff;
	[tilespmem:s4+$0xFFFFFF20] =	vst v1  }
0x76e: {  	[tilespmem:s4+$0xFFFFFF30] =	vst v2;
	v8 =	vld.idx.msk [tilespmem:v8+s3+$0x0], $0xffff  }
0x76f: {  	[tilespmem:s4+$0xFFFFFF40] =	vst v3;
	v0 =	vld.idx.msk [tilespmem:v9+s3+$0x0], $0xffff  }
.Ltmp46:
0x770: {  	[tilespmem:s4+$0xFFFFFF50] =	vst v4;
	v1 =	vld.idx.msk [tilespmem:v10+s3+$0x0], $0xffff;
	(pc) =	sbr.rel @p1 .LBB2_90-.Ltmp46, $4  }
0x771: {  	[tilespmem:s4+$0xFFFFFF60] =	vst v5;
	v2 =	vld.idx.msk [tilespmem:v11+s3+$0x0], $0xffff  }
0x772: {  	[tilespmem:s4+$0xFFFFFF70] =	vst v7;
	v3 =	vld.idx.msk [tilespmem:v12+s3+$0x0], $0xffff  }
0x773: {  	[tilespmem:s4+$0xFFFFFF00] =	vst v14;
	v4 =	vld.idx.msk [tilespmem:v13+s3+$0x0], $0xffff  }
0x774: {  	s30 =	sadd.s32 $0x100, s30;
	[tilespmem:s4+$0x0] =	vst v8;
	v5 =	vld.idx.msk [tilespmem:v6+s3+$0x0], $0xffff  }
0x775: {  	[tilespmem:s4+$0x10] =	vst v0  }
0x776: {  	[tilespmem:s4+$0x20] =	vst v1  }
0x777: {  	[tilespmem:s4+$0x30] =	vst v2  }
0x778: {  	[tilespmem:s4+$0x40] =	vst v3  }
0x779: {  	s24 =	simm.s32 $0x1C700;
	[tilespmem:s4+$0x50] =	vst v4  }
0x77a: {  	s5 =	sadd.s32 $0x0, s2;
	s30 =	simm.s32 $0x1C800;
	[tilespmem:s4+$0x60] =	vst v5;
	s4 =	simm.s32 $0x80  }
.LBB2_92:
0x77b: {  	[hbm4b:s5+s3] =	stream.linear.scatter [tilespmem:s24], [sflag:$0x1], $0x80, $0x38;
	[tilespmem:$0x1E700] =	vst v63  }
0x77c: {  	s5 =	smov.u32 s4;
	s24 =	smov.u32 s30;
	p1 =	sne.s32 s4, $0xF80  }
.Ltmp47:
0x77d: {  	s4 =	sadd.s32 $0x80, s4;
	(pc) =	sbr.rel @p1 .LBB2_92-.Ltmp47, $2  }
0x77e: {  	_ =	sdelay $0x2  }
0x77f: {  	s30 =	sadd.s32 $0x100, s30;
	s5 =	sadd.s32 s5, s2  }
0x780: {  	[hbm4b:s5+s3] =	stream.linear.scatter [tilespmem:s24], [sflag:$0x1], $0x80, $0x38;
	[tilespmem:$0x1E700] =	vst v63  }
0x781: {  	s4 =	simm.s32 $0x2  }
0x782: {  	_ =	swait.ge [sflag:s4], $0x1000  }
0x783: {  	[sflag:s4] =	ssyncset.done $0x0  }
0x784: {  	s24 =	simm.s32 $0x1B7F0;
	[sflag:s4] =	ssyncadd.s32 $0xFFFFF000  }
0x785: {  	v0 =	vld [tilespmem:s24+$0x0]  }
0x786: {  	v1 =	vld [tilespmem:s24+$0xFFFFFF20]  }
0x787: {  	v2 =	vld [tilespmem:s24+$0xFFFFFF30]  }
0x788: {  	v3 =	vld [tilespmem:s24+$0xFFFFFF40]  }
0x789: {  	v4 =	vld [tilespmem:s24+$0xFFFFFF50]  }
0x78a: {  	v5 =	vld [tilespmem:s24+$0xFFFFFF60]  }
0x78b: {  	v6 =	vld [tilespmem:s24+$0xFFFFFF70]  }
0x78c: {  	v7 =	vld [tilespmem:s24+$0xFFFFFF80]  }
0x78d: {  	v8 =	vld [tilespmem:s24+$0xFFFFFF90]  }
0x78e: {  	v9 =	vld [tilespmem:s24+$0xFFFFFFA0]  }
0x78f: {  	v10 =	vld [tilespmem:s24+$0xFFFFFFB0]  }
0x790: {  	v11 =	vld [tilespmem:s24+$0xFFFFFFC0]  }
0x791: {  	v12 =	vld [tilespmem:s24+$0xFFFFFFD0]  }
0x792: {  	v13 =	vld [tilespmem:s24+$0xFFFFFFE0]  }
0x793: {  	v14 =	vld [tilespmem:s24+$0xFFFFFFF0]  }
0x794: {  	v15 =	vld [tilespmem:s24+$0xFFFFFF10]  }
0x795: {  	v0 =	vld.idx.msk [tilespmem:v0+s3+$0x0], $0xffff  }
0x796: {  	v1 =	vld.idx.msk [tilespmem:v1+s3+$0x0], $0xffff  }
0x797: {  	v2 =	vld.idx.msk [tilespmem:v2+s3+$0x0], $0xffff  }
0x798: {  	v3 =	vld.idx.msk [tilespmem:v3+s3+$0x0], $0xffff  }
0x799: {  	v4 =	vld.idx.msk [tilespmem:v4+s3+$0x0], $0xffff  }
0x79a: {  	s4 =	simm.s32 $0x1C880;
	v5 =	vld.idx.msk [tilespmem:v5+s3+$0x0], $0xffff  }
0x79b: {  	v6 =	vld.idx.msk [tilespmem:v6+s3+$0x0], $0xffff;
	[tilespmem:s4+$0x70] =	vst v0  }
0x79c: {  	v7 =	vld.idx.msk [tilespmem:v7+s3+$0x0], $0xffff;
	[tilespmem:s4+$0xFFFFFF10] =	vst v1  }
0x79d: {  	v15 =	vld.idx.msk [tilespmem:v15+s3+$0x0], $0xffff;
	[tilespmem:s4+$0xFFFFFF20] =	vst v2  }
0x79e: {  	v8 =	vld.idx.msk [tilespmem:v8+s3+$0x0], $0xffff;
	[tilespmem:s4+$0xFFFFFF30] =	vst v3  }
0x79f: {  	[tilespmem:s4+$0xFFFFFF40] =	vst v4;
	v0 =	vld.idx.msk [tilespmem:v9+s3+$0x0], $0xffff  }
0x7a0: {  	[tilespmem:s4+$0xFFFFFF50] =	vst v5;
	v1 =	vld.idx.msk [tilespmem:v10+s3+$0x0], $0xffff  }
0x7a1: {  	[tilespmem:s4+$0xFFFFFF60] =	vst v6;
	v2 =	vld.idx.msk [tilespmem:v11+s3+$0x0], $0xffff  }
0x7a2: {  	[tilespmem:s4+$0xFFFFFF70] =	vst v7;
	v3 =	vld.idx.msk [tilespmem:v12+s3+$0x0], $0xffff  }
0x7a3: {  	[tilespmem:s4+$0xFFFFFF00] =	vst v15;
	v4 =	vld.idx.msk [tilespmem:v13+s3+$0x0], $0xffff  }
0x7a4: {  	s30 =	simm.s32 $0x1B8F0;
	s24 =	simm.s32 $0x0;
	[tilespmem:s4+$0x0] =	vst v8;
	v5 =	vld.idx.msk [tilespmem:v14+s3+$0x0], $0xffff  }
.LBB2_94:
0x7a5: {  	v6 =	vld [tilespmem:s30+$0x0];
	s24 =	sadd.s32 $0x10, s24;
	[tilespmem:s4+$0x10] =	vst v0  }
0x7a6: {  	v0 =	vld [tilespmem:s30+$0xFFFFFF20];
	p1 =	slt.u32 s24, $0xF0;
	[tilespmem:s4+$0x20] =	vst v1  }
0x7a7: {  	v1 =	vld [tilespmem:s30+$0xFFFFFF30];
	[tilespmem:s4+$0x30] =	vst v2  }
0x7a8: {  	v2 =	vld [tilespmem:s30+$0xFFFFFF40];
	[tilespmem:s4+$0x40] =	vst v3  }
0x7a9: {  	v3 =	vld [tilespmem:s30+$0xFFFFFF50];
	[tilespmem:s4+$0x50] =	vst v4  }
0x7aa: {  	v4 =	vld [tilespmem:s30+$0xFFFFFF60];
	[tilespmem:s4+$0x60] =	vst v5  }
0x7ab: {  	v5 =	vld [tilespmem:s30+$0xFFFFFF70]  }
0x7ac: {  	v7 =	vld [tilespmem:s30+$0xFFFFFF80]  }
0x7ad: {  	v6 =	vld.idx.msk [tilespmem:v6+s3+$0x0], $0xffff  }
0x7ae: {  	v8 =	vld [tilespmem:s30+$0xFFFFFF90]  }
0x7af: {  	v9 =	vld [tilespmem:s30+$0xFFFFFFA0]  }
0x7b0: {  	v10 =	vld [tilespmem:s30+$0xFFFFFFB0]  }
0x7b1: {  	v11 =	vld [tilespmem:s30+$0xFFFFFFC0]  }
0x7b2: {  	s4 =	sadd.s32 $0x200, s4;
	v12 =	vld [tilespmem:s30+$0xFFFFFFD0]  }
0x7b3: {  	v13 =	vld [tilespmem:s30+$0xFFFFFFE0];
	[tilespmem:s4+$0x70] =	vst v6  }
0x7b4: {  	v6 =	vld [tilespmem:s30+$0xFFFFFFF0]  }
0x7b5: {  	v14 =	vld [tilespmem:s30+$0xFFFFFF10]  }
0x7b6: {  	v0 =	vld.idx.msk [tilespmem:v0+s3+$0x0], $0xffff  }
0x7b7: {  	v1 =	vld.idx.msk [tilespmem:v1+s3+$0x0], $0xffff  }
0x7b8: {  	v2 =	vld.idx.msk [tilespmem:v2+s3+$0x0], $0xffff  }
0x7b9: {  	v3 =	vld.idx.msk [tilespmem:v3+s3+$0x0], $0xffff  }
0x7ba: {  	v4 =	vld.idx.msk [tilespmem:v4+s3+$0x0], $0xffff  }
0x7bb: {  	v5 =	vld.idx.msk [tilespmem:v5+s3+$0x0], $0xffff  }
0x7bc: {  	[tilespmem:s4+$0xFFFFFF10] =	vst v0;
	v7 =	vld.idx.msk [tilespmem:v7+s3+$0x0], $0xffff  }
0x7bd: {  	v14 =	vld.idx.msk [tilespmem:v14+s3+$0x0], $0xffff;
	[tilespmem:s4+$0xFFFFFF20] =	vst v1  }
0x7be: {  	[tilespmem:s4+$0xFFFFFF30] =	vst v2;
	v8 =	vld.idx.msk [tilespmem:v8+s3+$0x0], $0xffff  }
0x7bf: {  	[tilespmem:s4+$0xFFFFFF40] =	vst v3;
	v0 =	vld.idx.msk [tilespmem:v9+s3+$0x0], $0xffff  }
.Ltmp48:
0x7c0: {  	[tilespmem:s4+$0xFFFFFF50] =	vst v4;
	v1 =	vld.idx.msk [tilespmem:v10+s3+$0x0], $0xffff;
	(pc) =	sbr.rel @p1 .LBB2_94-.Ltmp48, $4  }
0x7c1: {  	[tilespmem:s4+$0xFFFFFF60] =	vst v5;
	v2 =	vld.idx.msk [tilespmem:v11+s3+$0x0], $0xffff  }
0x7c2: {  	[tilespmem:s4+$0xFFFFFF70] =	vst v7;
	v3 =	vld.idx.msk [tilespmem:v12+s3+$0x0], $0xffff  }
0x7c3: {  	[tilespmem:s4+$0xFFFFFF00] =	vst v14;
	v4 =	vld.idx.msk [tilespmem:v13+s3+$0x0], $0xffff  }
0x7c4: {  	s30 =	sadd.s32 $0x100, s30;
	[tilespmem:s4+$0x0] =	vst v8;
	v5 =	vld.idx.msk [tilespmem:v6+s3+$0x0], $0xffff  }
0x7c5: {  	[tilespmem:s4+$0x10] =	vst v0  }
0x7c6: {  	[tilespmem:s4+$0x20] =	vst v1  }
0x7c7: {  	[tilespmem:s4+$0x30] =	vst v2  }
0x7c8: {  	[tilespmem:s4+$0x40] =	vst v3  }
0x7c9: {  	s24 =	simm.s32 $0x1C780;
	[tilespmem:s4+$0x50] =	vst v4  }
0x7ca: {  	s5 =	sadd.s32 $0x0, s1;
	s30 =	simm.s32 $0x1C880;
	[tilespmem:s4+$0x60] =	vst v5;
	s4 =	simm.s32 $0x80  }
.LBB2_96:
0x7cb: {  	[hbm4b:s5+s3] =	stream.linear.scatter [tilespmem:s24], [sflag:$0x2], $0x80, $0x38;
	[tilespmem:$0x1E700] =	vst v63  }
0x7cc: {  	s5 =	smov.u32 s4;
	s24 =	smov.u32 s30;
	p1 =	sne.s32 s4, $0xF80  }
.Ltmp49:
0x7cd: {  	s4 =	sadd.s32 $0x80, s4;
	(pc) =	sbr.rel @p1 .LBB2_96-.Ltmp49, $2  }
0x7ce: {  	_ =	sdelay $0x2  }
0x7cf: {  	s30 =	sadd.s32 $0x100, s30;
	s5 =	sadd.s32 s5, s1  }
0x7d0: {  	[hbm4b:s5+s3] =	stream.linear.scatter [tilespmem:s24], [sflag:$0x2], $0x80, $0x38;
	[tilespmem:$0x1E700] =	vst v63  }
0x7d1: {  	s4 =	simm.s32 $0x1  }
0x7d2: {  	_ =	swait.ge [sflag:s4], $0x1000  }
.Ltmp50:
0x7d3: {  	[sflag:s4] =	ssyncset.done $0x0;
	(pc) =	sbr.rel @p0 .LBB2_115-.Ltmp50, $4  }
0x7d4: {  	s30 =	simm.s32 $0x2;
	[sflag:s4] =	ssyncadd.s32 $0xFFFFF000  }
0x7d5: {  	_ =	swait.ge [sflag:s30], $0x1000  }
0x7d6: {  	[sflag:s30] =	ssyncset.done $0x0  }
0x7d7: {  	s5 =	rddreg [dreg:$0xe];
	[sflag:s30] =	ssyncadd.s32 $0xFFFFF000  }
0x7d8: {  	s4 =	rddreg [dreg:$0xb];
	s5 =	simm.s32 $0x80;
	s24 =	simm.s32 $0x400  }
0x7d9: {  	[tilespmem:s3], [sflag:$0x3] =	stream.strided.gather [hbm4b:s4+s5], $0x18700, s24, s5, $0x38;
	[tilespmem:$0x1E700] =	vst v63  }
0x7da: {  	s5 =	simm.s32 $0x3  }
0x7db: {  	_ =	swait.ge [sflag:s5], $0x18700  }
0x7dc: {  	[sflag:s5] =	ssyncset.done $0x0  }
0x7dd: {  	s24 =	simm.s32 $0x18780;
	[sflag:s5] =	ssyncadd.s32 $0xFFFE7900  }
0x7de: {  	v0 =	vld [tilespmem:s24+$0x70]  }
0x7df: {  	v1 =	vld [tilespmem:s24+$0xFFFFFF90]  }
0x7e0: {  	v2 =	vld [tilespmem:s24+$0xFFFFFFA0]  }
0x7e1: {  	v3 =	vld [tilespmem:s24+$0xFFFFFFB0]  }
0x7e2: {  	v4 =	vld [tilespmem:s24+$0xFFFFFFC0]  }
0x7e3: {  	v5 =	vld [tilespmem:s24+$0xFFFFFFD0]  }
0x7e4: {  	v6 =	vld [tilespmem:s24+$0xFFFFFFE0]  }
0x7e5: {  	v7 =	vld [tilespmem:s24+$0xFFFFFFF0]  }
0x7e6: {  	v8 =	vld [tilespmem:s24+$0x0]  }
0x7e7: {  	v9 =	vld [tilespmem:s24+$0x10]  }
0x7e8: {  	v10 =	vld [tilespmem:s24+$0x20]  }
0x7e9: {  	v11 =	vld [tilespmem:s24+$0x30]  }
0x7ea: {  	v12 =	vld [tilespmem:s24+$0x40]  }
0x7eb: {  	v13 =	vld [tilespmem:s24+$0x50]  }
0x7ec: {  	v14 =	vld [tilespmem:s24+$0x60]  }
0x7ed: {  	v15 =	vld [tilespmem:s24+$0xFFFFFF80]  }
0x7ee: {  	v0 =	vld.idx.msk [tilespmem:v0+s3+$0x0], $0xffff  }
0x7ef: {  	v1 =	vld.idx.msk [tilespmem:v1+s3+$0x0], $0xffff  }
0x7f0: {  	v2 =	vld.idx.msk [tilespmem:v2+s3+$0x0], $0xffff  }
0x7f1: {  	v3 =	vld.idx.msk [tilespmem:v3+s3+$0x0], $0xffff  }
0x7f2: {  	v4 =	vld.idx.msk [tilespmem:v4+s3+$0x0], $0xffff  }
0x7f3: {  	s4 =	simm.s32 $0x1C800;
	v5 =	vld.idx.msk [tilespmem:v5+s3+$0x0], $0xffff  }
0x7f4: {  	v6 =	vld.idx.msk [tilespmem:v6+s3+$0x0], $0xffff;
	[tilespmem:s4+$0x70] =	vst v0  }
0x7f5: {  	v7 =	vld.idx.msk [tilespmem:v7+s3+$0x0], $0xffff;
	[tilespmem:s4+$0xFFFFFF10] =	vst v1  }
0x7f6: {  	v15 =	vld.idx.msk [tilespmem:v15+s3+$0x0], $0xffff;
	[tilespmem:s4+$0xFFFFFF20] =	vst v2  }
0x7f7: {  	v8 =	vld.idx.msk [tilespmem:v8+s3+$0x0], $0xffff;
	[tilespmem:s4+$0xFFFFFF30] =	vst v3  }
0x7f8: {  	[tilespmem:s4+$0xFFFFFF40] =	vst v4;
	v0 =	vld.idx.msk [tilespmem:v9+s3+$0x0], $0xffff  }
0x7f9: {  	[tilespmem:s4+$0xFFFFFF50] =	vst v5;
	v1 =	vld.idx.msk [tilespmem:v10+s3+$0x0], $0xffff  }
0x7fa: {  	[tilespmem:s4+$0xFFFFFF60] =	vst v6;
	v2 =	vld.idx.msk [tilespmem:v11+s3+$0x0], $0xffff  }
0x7fb: {  	[tilespmem:s4+$0xFFFFFF70] =	vst v7;
	v3 =	vld.idx.msk [tilespmem:v12+s3+$0x0], $0xffff  }
0x7fc: {  	[tilespmem:s4+$0xFFFFFF00] =	vst v15;
	v4 =	vld.idx.msk [tilespmem:v13+s3+$0x0], $0xffff  }
0x7fd: {  	s30 =	simm.s32 $0x18880;
	s24 =	simm.s32 $0x0;
	[tilespmem:s4+$0x0] =	vst v8;
	v5 =	vld.idx.msk [tilespmem:v14+s3+$0x0], $0xffff  }
.LBB2_99:
0x7fe: {  	v6 =	vld [tilespmem:s30+$0x70];
	s24 =	sadd.s32 $0x10, s24;
	[tilespmem:s4+$0x10] =	vst v0  }
0x7ff: {  	v0 =	vld [tilespmem:s30+$0xFFFFFF90];
	p1 =	slt.u32 s24, $0xF0;
	[tilespmem:s4+$0x20] =	vst v1  }
0x800: {  	v1 =	vld [tilespmem:s30+$0xFFFFFFA0];
	[tilespmem:s4+$0x30] =	vst v2  }
0x801: {  	v2 =	vld [tilespmem:s30+$0xFFFFFFB0];
	[tilespmem:s4+$0x40] =	vst v3  }
0x802: {  	v3 =	vld [tilespmem:s30+$0xFFFFFFC0];
	[tilespmem:s4+$0x50] =	vst v4  }
0x803: {  	v4 =	vld [tilespmem:s30+$0xFFFFFFD0];
	[tilespmem:s4+$0x60] =	vst v5  }
0x804: {  	v5 =	vld [tilespmem:s30+$0xFFFFFFE0]  }
0x805: {  	v7 =	vld [tilespmem:s30+$0xFFFFFFF0]  }
0x806: {  	v6 =	vld.idx.msk [tilespmem:v6+s3+$0x0], $0xffff  }
0x807: {  	v8 =	vld [tilespmem:s30+$0x0]  }
0x808: {  	v9 =	vld [tilespmem:s30+$0x10]  }
0x809: {  	v10 =	vld [tilespmem:s30+$0x20]  }
0x80a: {  	v11 =	vld [tilespmem:s30+$0x30]  }
0x80b: {  	s4 =	sadd.s32 $0x200, s4;
	v12 =	vld [tilespmem:s30+$0x40]  }
0x80c: {  	v13 =	vld [tilespmem:s30+$0x50];
	[tilespmem:s4+$0x70] =	vst v6  }
0x80d: {  	v6 =	vld [tilespmem:s30+$0x60]  }
0x80e: {  	v14 =	vld [tilespmem:s30+$0xFFFFFF80]  }
0x80f: {  	v0 =	vld.idx.msk [tilespmem:v0+s3+$0x0], $0xffff  }
0x810: {  	v1 =	vld.idx.msk [tilespmem:v1+s3+$0x0], $0xffff  }
0x811: {  	v2 =	vld.idx.msk [tilespmem:v2+s3+$0x0], $0xffff  }
0x812: {  	v3 =	vld.idx.msk [tilespmem:v3+s3+$0x0], $0xffff  }
0x813: {  	v4 =	vld.idx.msk [tilespmem:v4+s3+$0x0], $0xffff  }
0x814: {  	v5 =	vld.idx.msk [tilespmem:v5+s3+$0x0], $0xffff  }
0x815: {  	[tilespmem:s4+$0xFFFFFF10] =	vst v0;
	v7 =	vld.idx.msk [tilespmem:v7+s3+$0x0], $0xffff  }
0x816: {  	v14 =	vld.idx.msk [tilespmem:v14+s3+$0x0], $0xffff;
	[tilespmem:s4+$0xFFFFFF20] =	vst v1  }
0x817: {  	[tilespmem:s4+$0xFFFFFF30] =	vst v2;
	v8 =	vld.idx.msk [tilespmem:v8+s3+$0x0], $0xffff  }
0x818: {  	[tilespmem:s4+$0xFFFFFF40] =	vst v3;
	v0 =	vld.idx.msk [tilespmem:v9+s3+$0x0], $0xffff  }
.Ltmp51:
0x819: {  	[tilespmem:s4+$0xFFFFFF50] =	vst v4;
	v1 =	vld.idx.msk [tilespmem:v10+s3+$0x0], $0xffff;
	(pc) =	sbr.rel @p1 .LBB2_99-.Ltmp51, $4  }
0x81a: {  	[tilespmem:s4+$0xFFFFFF60] =	vst v5;
	v2 =	vld.idx.msk [tilespmem:v11+s3+$0x0], $0xffff  }
0x81b: {  	[tilespmem:s4+$0xFFFFFF70] =	vst v7;
	v3 =	vld.idx.msk [tilespmem:v12+s3+$0x0], $0xffff  }
0x81c: {  	[tilespmem:s4+$0xFFFFFF00] =	vst v14;
	v4 =	vld.idx.msk [tilespmem:v13+s3+$0x0], $0xffff  }
0x81d: {  	s30 =	sadd.s32 $0x100, s30;
	[tilespmem:s4+$0x0] =	vst v8;
	v5 =	vld.idx.msk [tilespmem:v6+s3+$0x0], $0xffff  }
0x81e: {  	[tilespmem:s4+$0x10] =	vst v0  }
0x81f: {  	[tilespmem:s4+$0x20] =	vst v1  }
0x820: {  	[tilespmem:s4+$0x30] =	vst v2  }
0x821: {  	[tilespmem:s4+$0x40] =	vst v3  }
0x822: {  	[tilespmem:s4+$0x50] =	vst v4  }
0x823: {  	[tilespmem:s4+$0x60] =	vst v5  }
0x824: {  	s5 =	simm.s32 $0x1C700;
	s4 =	simm.s32 $0x0;
	s30 =	rddreg [dreg:$0xc]  }
.LBB2_101:
0x825: {  	p1 =	sne.s32 s4, $0xF80  }
.Ltmp52:
0x826: {  	_ = 	snop;
	(pc) =	sbr.rel @p1 .LBB2_101-.Ltmp52, $4  }
0x827: {  	_ = 	snop  }
0x828: {  	s24 =	sadd.s32 s4, s30  }
0x829: {  	[hbm4b:s24+s3] =	stream.linear.scatter [tilespmem:s5], [sflag:$0x1], $0x80, $0x38;
	[tilespmem:$0x1E700] =	vst v63  }
0x82a: {  	s4 =	sadd.s32 $0x80, s4;
	s5 =	sadd.s32 $0x100, s5  }
0x82b: {  	s4 =	simm.s32 $0x197F0  }
0x82c: {  	v0 =	vld [tilespmem:s4+$0x0]  }
0x82d: {  	v1 =	vld [tilespmem:s4+$0xFFFFFF20]  }
0x82e: {  	v2 =	vld [tilespmem:s4+$0xFFFFFF30]  }
0x82f: {  	v3 =	vld [tilespmem:s4+$0xFFFFFF40]  }
0x830: {  	v4 =	vld [tilespmem:s4+$0xFFFFFF50]  }
0x831: {  	v5 =	vld [tilespmem:s4+$0xFFFFFF60]  }
0x832: {  	v6 =	vld [tilespmem:s4+$0xFFFFFF70]  }
0x833: {  	v7 =	vld [tilespmem:s4+$0xFFFFFF80]  }
0x834: {  	v8 =	vld [tilespmem:s4+$0xFFFFFF90]  }
0x835: {  	v9 =	vld [tilespmem:s4+$0xFFFFFFA0]  }
0x836: {  	v10 =	vld [tilespmem:s4+$0xFFFFFFB0]  }
0x837: {  	v11 =	vld [tilespmem:s4+$0xFFFFFFC0]  }
0x838: {  	v12 =	vld [tilespmem:s4+$0xFFFFFFD0]  }
0x839: {  	v13 =	vld [tilespmem:s4+$0xFFFFFFE0]  }
0x83a: {  	v14 =	vld [tilespmem:s4+$0xFFFFFFF0]  }
0x83b: {  	v15 =	vld [tilespmem:s4+$0xFFFFFF10]  }
0x83c: {  	v0 =	vld.idx.msk [tilespmem:v0+s3+$0x0], $0xffff  }
0x83d: {  	v1 =	vld.idx.msk [tilespmem:v1+s3+$0x0], $0xffff  }
0x83e: {  	v2 =	vld.idx.msk [tilespmem:v2+s3+$0x0], $0xffff  }
0x83f: {  	v3 =	vld.idx.msk [tilespmem:v3+s3+$0x0], $0xffff  }
0x840: {  	v4 =	vld.idx.msk [tilespmem:v4+s3+$0x0], $0xffff  }
0x841: {  	s4 =	simm.s32 $0x1C880;
	v5 =	vld.idx.msk [tilespmem:v5+s3+$0x0], $0xffff  }
0x842: {  	v6 =	vld.idx.msk [tilespmem:v6+s3+$0x0], $0xffff;
	[tilespmem:s4+$0x70] =	vst v0  }
0x843: {  	v7 =	vld.idx.msk [tilespmem:v7+s3+$0x0], $0xffff;
	[tilespmem:s4+$0xFFFFFF10] =	vst v1  }
0x844: {  	v15 =	vld.idx.msk [tilespmem:v15+s3+$0x0], $0xffff;
	[tilespmem:s4+$0xFFFFFF20] =	vst v2  }
0x845: {  	v8 =	vld.idx.msk [tilespmem:v8+s3+$0x0], $0xffff;
	[tilespmem:s4+$0xFFFFFF30] =	vst v3  }
0x846: {  	[tilespmem:s4+$0xFFFFFF40] =	vst v4;
	v0 =	vld.idx.msk [tilespmem:v9+s3+$0x0], $0xffff  }
0x847: {  	[tilespmem:s4+$0xFFFFFF50] =	vst v5;
	v1 =	vld.idx.msk [tilespmem:v10+s3+$0x0], $0xffff  }
0x848: {  	[tilespmem:s4+$0xFFFFFF60] =	vst v6;
	v2 =	vld.idx.msk [tilespmem:v11+s3+$0x0], $0xffff  }
0x849: {  	[tilespmem:s4+$0xFFFFFF70] =	vst v7;
	v3 =	vld.idx.msk [tilespmem:v12+s3+$0x0], $0xffff  }
0x84a: {  	[tilespmem:s4+$0xFFFFFF00] =	vst v15;
	v4 =	vld.idx.msk [tilespmem:v13+s3+$0x0], $0xffff  }
0x84b: {  	s24 =	simm.s32 $0x0;
	s30 =	simm.s32 $0x198F0;
	[tilespmem:s4+$0x0] =	vst v8;
	v5 =	vld.idx.msk [tilespmem:v14+s3+$0x0], $0xffff  }
.LBB2_103:
0x84c: {  	v6 =	vld [tilespmem:s30+$0x0];
	s24 =	sadd.s32 $0x10, s24;
	[tilespmem:s4+$0x10] =	vst v0  }
0x84d: {  	v0 =	vld [tilespmem:s30+$0xFFFFFF20];
	p1 =	slt.u32 s24, $0xF0;
	[tilespmem:s4+$0x20] =	vst v1  }
0x84e: {  	v1 =	vld [tilespmem:s30+$0xFFFFFF30];
	[tilespmem:s4+$0x30] =	vst v2  }
0x84f: {  	v2 =	vld [tilespmem:s30+$0xFFFFFF40];
	[tilespmem:s4+$0x40] =	vst v3  }
0x850: {  	v3 =	vld [tilespmem:s30+$0xFFFFFF50];
	[tilespmem:s4+$0x50] =	vst v4  }
0x851: {  	v4 =	vld [tilespmem:s30+$0xFFFFFF60];
	[tilespmem:s4+$0x60] =	vst v5  }
0x852: {  	v5 =	vld [tilespmem:s30+$0xFFFFFF70]  }
0x853: {  	v7 =	vld [tilespmem:s30+$0xFFFFFF80]  }
0x854: {  	v6 =	vld.idx.msk [tilespmem:v6+s3+$0x0], $0xffff  }
0x855: {  	v8 =	vld [tilespmem:s30+$0xFFFFFF90]  }
0x856: {  	v9 =	vld [tilespmem:s30+$0xFFFFFFA0]  }
0x857: {  	v10 =	vld [tilespmem:s30+$0xFFFFFFB0]  }
0x858: {  	v11 =	vld [tilespmem:s30+$0xFFFFFFC0]  }
0x859: {  	s4 =	sadd.s32 $0x200, s4;
	v12 =	vld [tilespmem:s30+$0xFFFFFFD0]  }
0x85a: {  	v13 =	vld [tilespmem:s30+$0xFFFFFFE0];
	[tilespmem:s4+$0x70] =	vst v6  }
0x85b: {  	v6 =	vld [tilespmem:s30+$0xFFFFFFF0]  }
0x85c: {  	v14 =	vld [tilespmem:s30+$0xFFFFFF10]  }
0x85d: {  	v0 =	vld.idx.msk [tilespmem:v0+s3+$0x0], $0xffff  }
0x85e: {  	v1 =	vld.idx.msk [tilespmem:v1+s3+$0x0], $0xffff  }
0x85f: {  	v2 =	vld.idx.msk [tilespmem:v2+s3+$0x0], $0xffff  }
0x860: {  	v3 =	vld.idx.msk [tilespmem:v3+s3+$0x0], $0xffff  }
0x861: {  	v4 =	vld.idx.msk [tilespmem:v4+s3+$0x0], $0xffff  }
0x862: {  	v5 =	vld.idx.msk [tilespmem:v5+s3+$0x0], $0xffff  }
0x863: {  	[tilespmem:s4+$0xFFFFFF10] =	vst v0;
	v7 =	vld.idx.msk [tilespmem:v7+s3+$0x0], $0xffff  }
0x864: {  	v14 =	vld.idx.msk [tilespmem:v14+s3+$0x0], $0xffff;
	[tilespmem:s4+$0xFFFFFF20] =	vst v1  }
0x865: {  	[tilespmem:s4+$0xFFFFFF30] =	vst v2;
	v8 =	vld.idx.msk [tilespmem:v8+s3+$0x0], $0xffff  }
0x866: {  	[tilespmem:s4+$0xFFFFFF40] =	vst v3;
	v0 =	vld.idx.msk [tilespmem:v9+s3+$0x0], $0xffff  }
.Ltmp53:
0x867: {  	[tilespmem:s4+$0xFFFFFF50] =	vst v4;
	v1 =	vld.idx.msk [tilespmem:v10+s3+$0x0], $0xffff;
	(pc) =	sbr.rel @p1 .LBB2_103-.Ltmp53, $4  }
0x868: {  	[tilespmem:s4+$0xFFFFFF60] =	vst v5;
	v2 =	vld.idx.msk [tilespmem:v11+s3+$0x0], $0xffff  }
0x869: {  	[tilespmem:s4+$0xFFFFFF70] =	vst v7;
	v3 =	vld.idx.msk [tilespmem:v12+s3+$0x0], $0xffff  }
0x86a: {  	[tilespmem:s4+$0xFFFFFF00] =	vst v14;
	v4 =	vld.idx.msk [tilespmem:v13+s3+$0x0], $0xffff  }
0x86b: {  	s30 =	sadd.s32 $0x100, s30;
	[tilespmem:s4+$0x0] =	vst v8;
	v5 =	vld.idx.msk [tilespmem:v6+s3+$0x0], $0xffff  }
0x86c: {  	[tilespmem:s4+$0x10] =	vst v0  }
0x86d: {  	[tilespmem:s4+$0x20] =	vst v1  }
0x86e: {  	[tilespmem:s4+$0x30] =	vst v2  }
0x86f: {  	[tilespmem:s4+$0x40] =	vst v3  }
0x870: {  	s24 =	simm.s32 $0x1C780;
	[tilespmem:s4+$0x50] =	vst v4  }
0x871: {  	s5 =	sadd.s32 $0x0, s9;
	s30 =	simm.s32 $0x1C880;
	[tilespmem:s4+$0x60] =	vst v5;
	s4 =	simm.s32 $0x80  }
.LBB2_105:
0x872: {  	[hbm4b:s5+s3] =	stream.linear.scatter [tilespmem:s24], [sflag:$0x2], $0x80, $0x38;
	[tilespmem:$0x1E700] =	vst v63  }
0x873: {  	s5 =	smov.u32 s4;
	s24 =	smov.u32 s30;
	p1 =	sne.s32 s4, $0xF80  }
.Ltmp54:
0x874: {  	s4 =	sadd.s32 $0x80, s4;
	(pc) =	sbr.rel @p1 .LBB2_105-.Ltmp54, $2  }
0x875: {  	_ =	sdelay $0x2  }
0x876: {  	s30 =	sadd.s32 $0x100, s30;
	s5 =	sadd.s32 s5, s9  }
0x877: {  	[hbm4b:s5+s3] =	stream.linear.scatter [tilespmem:s24], [sflag:$0x2], $0x80, $0x38;
	[tilespmem:$0x1E700] =	vst v63  }
0x878: {  	s4 =	simm.s32 $0x1  }
0x879: {  	_ =	swait.ge [sflag:s4], $0x1000  }
0x87a: {  	[sflag:s4] =	ssyncset.done $0x0  }
0x87b: {  	s24 =	simm.s32 $0x1A7F0;
	[sflag:s4] =	ssyncadd.s32 $0xFFFFF000  }
0x87c: {  	v0 =	vld [tilespmem:s24+$0x0]  }
0x87d: {  	v1 =	vld [tilespmem:s24+$0xFFFFFF20]  }
0x87e: {  	v2 =	vld [tilespmem:s24+$0xFFFFFF30]  }
0x87f: {  	v3 =	vld [tilespmem:s24+$0xFFFFFF40]  }
0x880: {  	v4 =	vld [tilespmem:s24+$0xFFFFFF50]  }
0x881: {  	v5 =	vld [tilespmem:s24+$0xFFFFFF60]  }
0x882: {  	v6 =	vld [tilespmem:s24+$0xFFFFFF70]  }
0x883: {  	v7 =	vld [tilespmem:s24+$0xFFFFFF80]  }
0x884: {  	v8 =	vld [tilespmem:s24+$0xFFFFFF90]  }
0x885: {  	v9 =	vld [tilespmem:s24+$0xFFFFFFA0]  }
0x886: {  	v10 =	vld [tilespmem:s24+$0xFFFFFFB0]  }
0x887: {  	v11 =	vld [tilespmem:s24+$0xFFFFFFC0]  }
0x888: {  	v12 =	vld [tilespmem:s24+$0xFFFFFFD0]  }
0x889: {  	v13 =	vld [tilespmem:s24+$0xFFFFFFE0]  }
0x88a: {  	v14 =	vld [tilespmem:s24+$0xFFFFFFF0]  }
0x88b: {  	v15 =	vld [tilespmem:s24+$0xFFFFFF10]  }
0x88c: {  	v0 =	vld.idx.msk [tilespmem:v0+s3+$0x0], $0xffff  }
0x88d: {  	v1 =	vld.idx.msk [tilespmem:v1+s3+$0x0], $0xffff  }
0x88e: {  	v2 =	vld.idx.msk [tilespmem:v2+s3+$0x0], $0xffff  }
0x88f: {  	v3 =	vld.idx.msk [tilespmem:v3+s3+$0x0], $0xffff  }
0x890: {  	v4 =	vld.idx.msk [tilespmem:v4+s3+$0x0], $0xffff  }
0x891: {  	s4 =	simm.s32 $0x1C800;
	v5 =	vld.idx.msk [tilespmem:v5+s3+$0x0], $0xffff  }
0x892: {  	v6 =	vld.idx.msk [tilespmem:v6+s3+$0x0], $0xffff;
	[tilespmem:s4+$0x70] =	vst v0  }
0x893: {  	v7 =	vld.idx.msk [tilespmem:v7+s3+$0x0], $0xffff;
	[tilespmem:s4+$0xFFFFFF10] =	vst v1  }
0x894: {  	v15 =	vld.idx.msk [tilespmem:v15+s3+$0x0], $0xffff;
	[tilespmem:s4+$0xFFFFFF20] =	vst v2  }
0x895: {  	v8 =	vld.idx.msk [tilespmem:v8+s3+$0x0], $0xffff;
	[tilespmem:s4+$0xFFFFFF30] =	vst v3  }
0x896: {  	[tilespmem:s4+$0xFFFFFF40] =	vst v4;
	v0 =	vld.idx.msk [tilespmem:v9+s3+$0x0], $0xffff  }
0x897: {  	[tilespmem:s4+$0xFFFFFF50] =	vst v5;
	v1 =	vld.idx.msk [tilespmem:v10+s3+$0x0], $0xffff  }
0x898: {  	[tilespmem:s4+$0xFFFFFF60] =	vst v6;
	v2 =	vld.idx.msk [tilespmem:v11+s3+$0x0], $0xffff  }
0x899: {  	[tilespmem:s4+$0xFFFFFF70] =	vst v7;
	v3 =	vld.idx.msk [tilespmem:v12+s3+$0x0], $0xffff  }
0x89a: {  	[tilespmem:s4+$0xFFFFFF00] =	vst v15;
	v4 =	vld.idx.msk [tilespmem:v13+s3+$0x0], $0xffff  }
0x89b: {  	s30 =	simm.s32 $0x1A8F0;
	s24 =	simm.s32 $0x0;
	[tilespmem:s4+$0x0] =	vst v8;
	v5 =	vld.idx.msk [tilespmem:v14+s3+$0x0], $0xffff  }
.LBB2_107:
0x89c: {  	v6 =	vld [tilespmem:s30+$0x0];
	s24 =	sadd.s32 $0x10, s24;
	[tilespmem:s4+$0x10] =	vst v0  }
0x89d: {  	v0 =	vld [tilespmem:s30+$0xFFFFFF20];
	p1 =	slt.u32 s24, $0xF0;
	[tilespmem:s4+$0x20] =	vst v1  }
0x89e: {  	v1 =	vld [tilespmem:s30+$0xFFFFFF30];
	[tilespmem:s4+$0x30] =	vst v2  }
0x89f: {  	v2 =	vld [tilespmem:s30+$0xFFFFFF40];
	[tilespmem:s4+$0x40] =	vst v3  }
0x8a0: {  	v3 =	vld [tilespmem:s30+$0xFFFFFF50];
	[tilespmem:s4+$0x50] =	vst v4  }
0x8a1: {  	v4 =	vld [tilespmem:s30+$0xFFFFFF60];
	[tilespmem:s4+$0x60] =	vst v5  }
0x8a2: {  	v5 =	vld [tilespmem:s30+$0xFFFFFF70]  }
0x8a3: {  	v7 =	vld [tilespmem:s30+$0xFFFFFF80]  }
0x8a4: {  	v6 =	vld.idx.msk [tilespmem:v6+s3+$0x0], $0xffff  }
0x8a5: {  	v8 =	vld [tilespmem:s30+$0xFFFFFF90]  }
0x8a6: {  	v9 =	vld [tilespmem:s30+$0xFFFFFFA0]  }
0x8a7: {  	v10 =	vld [tilespmem:s30+$0xFFFFFFB0]  }
0x8a8: {  	v11 =	vld [tilespmem:s30+$0xFFFFFFC0]  }
0x8a9: {  	s4 =	sadd.s32 $0x200, s4;
	v12 =	vld [tilespmem:s30+$0xFFFFFFD0]  }
0x8aa: {  	v13 =	vld [tilespmem:s30+$0xFFFFFFE0];
	[tilespmem:s4+$0x70] =	vst v6  }
0x8ab: {  	v6 =	vld [tilespmem:s30+$0xFFFFFFF0]  }
0x8ac: {  	v14 =	vld [tilespmem:s30+$0xFFFFFF10]  }
0x8ad: {  	v0 =	vld.idx.msk [tilespmem:v0+s3+$0x0], $0xffff  }
0x8ae: {  	v1 =	vld.idx.msk [tilespmem:v1+s3+$0x0], $0xffff  }
0x8af: {  	v2 =	vld.idx.msk [tilespmem:v2+s3+$0x0], $0xffff  }
0x8b0: {  	v3 =	vld.idx.msk [tilespmem:v3+s3+$0x0], $0xffff  }
0x8b1: {  	v4 =	vld.idx.msk [tilespmem:v4+s3+$0x0], $0xffff  }
0x8b2: {  	v5 =	vld.idx.msk [tilespmem:v5+s3+$0x0], $0xffff  }
0x8b3: {  	[tilespmem:s4+$0xFFFFFF10] =	vst v0;
	v7 =	vld.idx.msk [tilespmem:v7+s3+$0x0], $0xffff  }
0x8b4: {  	v14 =	vld.idx.msk [tilespmem:v14+s3+$0x0], $0xffff;
	[tilespmem:s4+$0xFFFFFF20] =	vst v1  }
0x8b5: {  	[tilespmem:s4+$0xFFFFFF30] =	vst v2;
	v8 =	vld.idx.msk [tilespmem:v8+s3+$0x0], $0xffff  }
0x8b6: {  	[tilespmem:s4+$0xFFFFFF40] =	vst v3;
	v0 =	vld.idx.msk [tilespmem:v9+s3+$0x0], $0xffff  }
.Ltmp55:
0x8b7: {  	[tilespmem:s4+$0xFFFFFF50] =	vst v4;
	v1 =	vld.idx.msk [tilespmem:v10+s3+$0x0], $0xffff;
	(pc) =	sbr.rel @p1 .LBB2_107-.Ltmp55, $4  }
0x8b8: {  	[tilespmem:s4+$0xFFFFFF60] =	vst v5;
	v2 =	vld.idx.msk [tilespmem:v11+s3+$0x0], $0xffff  }
0x8b9: {  	[tilespmem:s4+$0xFFFFFF70] =	vst v7;
	v3 =	vld.idx.msk [tilespmem:v12+s3+$0x0], $0xffff  }
0x8ba: {  	[tilespmem:s4+$0xFFFFFF00] =	vst v14;
	v4 =	vld.idx.msk [tilespmem:v13+s3+$0x0], $0xffff  }
0x8bb: {  	s30 =	sadd.s32 $0x100, s30;
	[tilespmem:s4+$0x0] =	vst v8;
	v5 =	vld.idx.msk [tilespmem:v6+s3+$0x0], $0xffff  }
0x8bc: {  	[tilespmem:s4+$0x10] =	vst v0  }
0x8bd: {  	[tilespmem:s4+$0x20] =	vst v1  }
0x8be: {  	[tilespmem:s4+$0x30] =	vst v2  }
0x8bf: {  	[tilespmem:s4+$0x40] =	vst v3  }
0x8c0: {  	s24 =	simm.s32 $0x1C700;
	[tilespmem:s4+$0x50] =	vst v4  }
0x8c1: {  	s5 =	sadd.s32 $0x0, s14;
	s30 =	simm.s32 $0x1C800;
	[tilespmem:s4+$0x60] =	vst v5;
	s4 =	simm.s32 $0x80  }
.LBB2_109:
0x8c2: {  	[hbm4b:s5+s3] =	stream.linear.scatter [tilespmem:s24], [sflag:$0x1], $0x80, $0x38;
	[tilespmem:$0x1E700] =	vst v63  }
0x8c3: {  	s5 =	smov.u32 s4;
	s24 =	smov.u32 s30;
	p1 =	sne.s32 s4, $0xF80  }
.Ltmp56:
0x8c4: {  	s4 =	sadd.s32 $0x80, s4;
	(pc) =	sbr.rel @p1 .LBB2_109-.Ltmp56, $2  }
0x8c5: {  	_ =	sdelay $0x2  }
0x8c6: {  	s30 =	sadd.s32 $0x100, s30;
	s5 =	sadd.s32 s5, s14  }
0x8c7: {  	[hbm4b:s5+s3] =	stream.linear.scatter [tilespmem:s24], [sflag:$0x1], $0x80, $0x38;
	[tilespmem:$0x1E700] =	vst v63  }
0x8c8: {  	s4 =	simm.s32 $0x2  }
0x8c9: {  	_ =	swait.ge [sflag:s4], $0x1000  }
0x8ca: {  	[sflag:s4] =	ssyncset.done $0x0  }
0x8cb: {  	s24 =	simm.s32 $0x1B7F0;
	[sflag:s4] =	ssyncadd.s32 $0xFFFFF000  }
0x8cc: {  	v0 =	vld [tilespmem:s24+$0x0]  }
0x8cd: {  	v1 =	vld [tilespmem:s24+$0xFFFFFF20]  }
0x8ce: {  	v2 =	vld [tilespmem:s24+$0xFFFFFF30]  }
0x8cf: {  	v3 =	vld [tilespmem:s24+$0xFFFFFF40]  }
0x8d0: {  	v4 =	vld [tilespmem:s24+$0xFFFFFF50]  }
0x8d1: {  	v5 =	vld [tilespmem:s24+$0xFFFFFF60]  }
0x8d2: {  	v6 =	vld [tilespmem:s24+$0xFFFFFF70]  }
0x8d3: {  	v7 =	vld [tilespmem:s24+$0xFFFFFF80]  }
0x8d4: {  	v8 =	vld [tilespmem:s24+$0xFFFFFF90]  }
0x8d5: {  	v9 =	vld [tilespmem:s24+$0xFFFFFFA0]  }
0x8d6: {  	v10 =	vld [tilespmem:s24+$0xFFFFFFB0]  }
0x8d7: {  	v11 =	vld [tilespmem:s24+$0xFFFFFFC0]  }
0x8d8: {  	v12 =	vld [tilespmem:s24+$0xFFFFFFD0]  }
0x8d9: {  	v13 =	vld [tilespmem:s24+$0xFFFFFFE0]  }
0x8da: {  	v14 =	vld [tilespmem:s24+$0xFFFFFFF0]  }
0x8db: {  	v15 =	vld [tilespmem:s24+$0xFFFFFF10]  }
0x8dc: {  	v0 =	vld.idx.msk [tilespmem:v0+s3+$0x0], $0xffff  }
0x8dd: {  	v1 =	vld.idx.msk [tilespmem:v1+s3+$0x0], $0xffff  }
0x8de: {  	v2 =	vld.idx.msk [tilespmem:v2+s3+$0x0], $0xffff  }
0x8df: {  	v3 =	vld.idx.msk [tilespmem:v3+s3+$0x0], $0xffff  }
0x8e0: {  	v4 =	vld.idx.msk [tilespmem:v4+s3+$0x0], $0xffff  }
0x8e1: {  	s4 =	simm.s32 $0x1C880;
	v5 =	vld.idx.msk [tilespmem:v5+s3+$0x0], $0xffff  }
0x8e2: {  	v6 =	vld.idx.msk [tilespmem:v6+s3+$0x0], $0xffff;
	[tilespmem:s4+$0x70] =	vst v0  }
0x8e3: {  	v7 =	vld.idx.msk [tilespmem:v7+s3+$0x0], $0xffff;
	[tilespmem:s4+$0xFFFFFF10] =	vst v1  }
0x8e4: {  	v15 =	vld.idx.msk [tilespmem:v15+s3+$0x0], $0xffff;
	[tilespmem:s4+$0xFFFFFF20] =	vst v2  }
0x8e5: {  	v8 =	vld.idx.msk [tilespmem:v8+s3+$0x0], $0xffff;
	[tilespmem:s4+$0xFFFFFF30] =	vst v3  }
0x8e6: {  	[tilespmem:s4+$0xFFFFFF40] =	vst v4;
	v0 =	vld.idx.msk [tilespmem:v9+s3+$0x0], $0xffff  }
0x8e7: {  	[tilespmem:s4+$0xFFFFFF50] =	vst v5;
	v1 =	vld.idx.msk [tilespmem:v10+s3+$0x0], $0xffff  }
0x8e8: {  	[tilespmem:s4+$0xFFFFFF60] =	vst v6;
	v2 =	vld.idx.msk [tilespmem:v11+s3+$0x0], $0xffff  }
0x8e9: {  	[tilespmem:s4+$0xFFFFFF70] =	vst v7;
	v3 =	vld.idx.msk [tilespmem:v12+s3+$0x0], $0xffff  }
0x8ea: {  	[tilespmem:s4+$0xFFFFFF00] =	vst v15;
	v4 =	vld.idx.msk [tilespmem:v13+s3+$0x0], $0xffff  }
0x8eb: {  	s30 =	simm.s32 $0x1B8F0;
	s24 =	simm.s32 $0x0;
	[tilespmem:s4+$0x0] =	vst v8;
	v5 =	vld.idx.msk [tilespmem:v14+s3+$0x0], $0xffff  }
.LBB2_111:
0x8ec: {  	v6 =	vld [tilespmem:s30+$0x0];
	s24 =	sadd.s32 $0x10, s24;
	[tilespmem:s4+$0x10] =	vst v0  }
0x8ed: {  	v0 =	vld [tilespmem:s30+$0xFFFFFF20];
	p1 =	slt.u32 s24, $0xF0;
	[tilespmem:s4+$0x20] =	vst v1  }
0x8ee: {  	v1 =	vld [tilespmem:s30+$0xFFFFFF30];
	[tilespmem:s4+$0x30] =	vst v2  }
0x8ef: {  	v2 =	vld [tilespmem:s30+$0xFFFFFF40];
	[tilespmem:s4+$0x40] =	vst v3  }
0x8f0: {  	v3 =	vld [tilespmem:s30+$0xFFFFFF50];
	[tilespmem:s4+$0x50] =	vst v4  }
0x8f1: {  	v4 =	vld [tilespmem:s30+$0xFFFFFF60];
	[tilespmem:s4+$0x60] =	vst v5  }
0x8f2: {  	v5 =	vld [tilespmem:s30+$0xFFFFFF70]  }
0x8f3: {  	v7 =	vld [tilespmem:s30+$0xFFFFFF80]  }
0x8f4: {  	v6 =	vld.idx.msk [tilespmem:v6+s3+$0x0], $0xffff  }
0x8f5: {  	v8 =	vld [tilespmem:s30+$0xFFFFFF90]  }
0x8f6: {  	v9 =	vld [tilespmem:s30+$0xFFFFFFA0]  }
0x8f7: {  	v10 =	vld [tilespmem:s30+$0xFFFFFFB0]  }
0x8f8: {  	v11 =	vld [tilespmem:s30+$0xFFFFFFC0]  }
0x8f9: {  	s4 =	sadd.s32 $0x200, s4;
	v12 =	vld [tilespmem:s30+$0xFFFFFFD0]  }
0x8fa: {  	v13 =	vld [tilespmem:s30+$0xFFFFFFE0];
	[tilespmem:s4+$0x70] =	vst v6  }
0x8fb: {  	v6 =	vld [tilespmem:s30+$0xFFFFFFF0]  }
0x8fc: {  	v14 =	vld [tilespmem:s30+$0xFFFFFF10]  }
0x8fd: {  	v0 =	vld.idx.msk [tilespmem:v0+s3+$0x0], $0xffff  }
0x8fe: {  	v1 =	vld.idx.msk [tilespmem:v1+s3+$0x0], $0xffff  }
0x8ff: {  	v2 =	vld.idx.msk [tilespmem:v2+s3+$0x0], $0xffff  }
0x900: {  	v3 =	vld.idx.msk [tilespmem:v3+s3+$0x0], $0xffff  }
0x901: {  	v4 =	vld.idx.msk [tilespmem:v4+s3+$0x0], $0xffff  }
0x902: {  	v5 =	vld.idx.msk [tilespmem:v5+s3+$0x0], $0xffff  }
0x903: {  	[tilespmem:s4+$0xFFFFFF10] =	vst v0;
	v7 =	vld.idx.msk [tilespmem:v7+s3+$0x0], $0xffff  }
0x904: {  	v14 =	vld.idx.msk [tilespmem:v14+s3+$0x0], $0xffff;
	[tilespmem:s4+$0xFFFFFF20] =	vst v1  }
0x905: {  	[tilespmem:s4+$0xFFFFFF30] =	vst v2;
	v8 =	vld.idx.msk [tilespmem:v8+s3+$0x0], $0xffff  }
0x906: {  	[tilespmem:s4+$0xFFFFFF40] =	vst v3;
	v0 =	vld.idx.msk [tilespmem:v9+s3+$0x0], $0xffff  }
.Ltmp57:
0x907: {  	[tilespmem:s4+$0xFFFFFF50] =	vst v4;
	v1 =	vld.idx.msk [tilespmem:v10+s3+$0x0], $0xffff;
	(pc) =	sbr.rel @p1 .LBB2_111-.Ltmp57, $4  }
0x908: {  	[tilespmem:s4+$0xFFFFFF60] =	vst v5;
	v2 =	vld.idx.msk [tilespmem:v11+s3+$0x0], $0xffff  }
0x909: {  	[tilespmem:s4+$0xFFFFFF70] =	vst v7;
	v3 =	vld.idx.msk [tilespmem:v12+s3+$0x0], $0xffff  }
0x90a: {  	[tilespmem:s4+$0xFFFFFF00] =	vst v14;
	v4 =	vld.idx.msk [tilespmem:v13+s3+$0x0], $0xffff  }
0x90b: {  	s30 =	sadd.s32 $0x100, s30;
	[tilespmem:s4+$0x0] =	vst v8;
	v5 =	vld.idx.msk [tilespmem:v6+s3+$0x0], $0xffff  }
0x90c: {  	[tilespmem:s4+$0x10] =	vst v0  }
0x90d: {  	[tilespmem:s4+$0x20] =	vst v1  }
0x90e: {  	[tilespmem:s4+$0x30] =	vst v2  }
0x90f: {  	[tilespmem:s4+$0x40] =	vst v3  }
0x910: {  	s24 =	simm.s32 $0x1C780;
	[tilespmem:s4+$0x50] =	vst v4  }
0x911: {  	s5 =	sadd.s32 $0x0, s19;
	s30 =	simm.s32 $0x1C880;
	[tilespmem:s4+$0x60] =	vst v5;
	s4 =	simm.s32 $0x80  }
.LBB2_113:
0x912: {  	[hbm4b:s5+s3] =	stream.linear.scatter [tilespmem:s24], [sflag:$0x2], $0x80, $0x38;
	[tilespmem:$0x1E700] =	vst v63  }
0x913: {  	s5 =	smov.u32 s4;
	s24 =	smov.u32 s30;
	p1 =	sne.s32 s4, $0xF80  }
.Ltmp58:
0x914: {  	s4 =	sadd.s32 $0x80, s4;
	(pc) =	sbr.rel @p1 .LBB2_113-.Ltmp58, $2  }
0x915: {  	_ =	sdelay $0x2  }
0x916: {  	s30 =	sadd.s32 $0x100, s30;
	s5 =	sadd.s32 s5, s19  }
.Ltmp59:
0x917: {  	_ = 	snop;
	(pc) =	sbr.rel .LBB2_114-.Ltmp59, $1  }
0x918: {  	_ =	sdelay $0x3  }
.LBB2_116:
0x919: {  	_ =	sfence.sel $0x180000  }
0x91a: {  	[bflag:$0x0] =	sbarrier.arrive $0xFFFF  }
0x91b: {  	_ =	strace $0x90000047  }
0x91c: {  	s0 =	stileid.u32;
	[bflag:$0x2] =	sbarrier.arrive $0xFFFF  }
0x91d: {  	p0 =	sne.s32 s0, $0x0;
	s0 =	rddreg [dreg:$0x3]  }
0x91e: {  	s0 =	sadd.s32 @!p0 $0x100000, s0  }
0x91f: {  	[sflag:s0] =	ssyncadd.tile.s32 @!p0 $0x1;
	_ =	shalt  }
.Lfunc_end2:
_tile_overlayer_lowered:
.L_overlay_start_2:
0x920: {  	(tag) =	ssettag $0x2  }
0x921: {  	s0 =	rddreg [dreg:$0x0];
	s2 =	stileid.u32  }
0x922: {  	s1 =	rddreg [dreg:$0x1];
	p0 =	sne.s32 s2, $0x0  }
0x923: {  	s3 =	rddreg [dreg:$0x2];
	[bflag:$0x3] =	sbarrier.arrive $0xFFFF;
	s2 =	simm.s32 @!p0 $0x1C03  }
0x924: {  	[timem:s3], [sflag:s2] =	dma.local @!p0 [hbm:s0], s1  }
0x925: {  	s0 =	simm.s32 @!p0 $0x3  }
0x926: {  	_ =	swait.ge @!p0 [sflag:s0], s1  }
0x927: {  	s1 =	ssub.s32 @!p0 $0x0, s1;
	[sflag:s0] =	ssyncset.done @!p0 $0x0  }
0x928: {  	[sflag:s0] =	ssyncadd.s32 @!p0 s1  }
0x929: {  	[bflag:$0x3] =	sbarrier.arrive $0xFFFF  }
0x92a: {  	_ =	shalt  }

</sc_bundles>
